<compile_context>
chip_gen: v7x
topology: tpu7x:2x2x1
jax: 0.10.2.dev20260603
libtpu: 0.0.44.dev20260713+nightly
codegen_flags: <defaults>
</compile_context>

<pallas_src>
import functools

import jax
import jax.numpy as jnp
from jax import lax
from jax.experimental import pallas as pl
from jax.experimental.pallas import tpu as pltpu
from jax.experimental.pallas import tpu_sc as plsc

N = 10000
E = 320000
D = 128
H = 128
C = 64

NC = 2
NS = 16
NW = NC * NS
EW = E // NW
K = 40
NCHUNK = EW // K
NBUF = 7
GL = 4
NP = 10240
RPW = NP // NS
RCH = K
NRCH = RPW // RCH

BN = 2048
GRID = (NP + BN - 1) // BN

_mesh = plsc.VectorSubcoreMesh(
    core_axis_name="c", subcore_axis_name="s", num_cores=NC, num_subcores=NS)

_HIGH = jax.lax.Precision.HIGHEST

_SC_PARAMS = pltpu.CompilerParams(needs_layout_passes=False)


@functools.partial(
    pl.kernel,
    out_type=jax.ShapeDtypeStruct((NW, N), jnp.float32),
    mesh=_mesh,
    compiler_params=_SC_PARAMS,
    scratch_types=[
        pltpu.VMEM((EW,), jnp.int32),
        pltpu.VMEM((N,), jnp.float32),
    ],
)
def _sc_degree(dst_hbm, zeros_hbm, out_hbm, dst_v, hist_v):
    c = lax.axis_index("c")
    s = lax.axis_index("s")
    wid = c * NS + s
    pltpu.sync_copy(dst_hbm.at[wid], dst_v)
    pltpu.sync_copy(zeros_hbm, hist_v)
    ones = jnp.full((16,), 1.0, jnp.float32)

    def body(i, _):
        idx = dst_v[pl.ds(i * 16, 16)]
        plsc.addupdate_scatter(hist_v, [idx], ones)
        return _

    lax.fori_loop(0, EW // 16, body, 0, unroll=4)
    pltpu.sync_copy(hist_v, out_hbm.at[wid])


@functools.partial(
    pl.kernel,
    out_type=jax.ShapeDtypeStruct((NC, NP, H), jnp.float32),
    mesh=_mesh,
    compiler_params=_SC_PARAMS,
    scratch_types=(
        [pltpu.VMEM((K,), jnp.int32)] * NBUF +
        [pltpu.VMEM((K,), jnp.int32)] * NBUF +
        [pltpu.VMEM((K, H), jnp.float32)] * NBUF +
        [pltpu.VMEM_SHARED((NP, H), jnp.float32)] +
        [pltpu.SemaphoreType.DMA] * (4 * NBUF)
    ),
)
def _sc_scatter(xs_hbm, src_hbm, dst_hbm, zrows_hbm, out_hbm, *scr):
    c = lax.axis_index("c")
    s = lax.axis_index("s")
    wid = c * NS + s
    sidx = scr[0:NBUF]
    didx = scr[NBUF:2 * NBUF]
    rows = scr[2 * NBUF:3 * NBUF]
    acc_sh = scr[3 * NBUF]
    sems = scr[3 * NBUF + 1:]
    gsem = sems[0:NBUF]
    dsem = sems[NBUF:2 * NBUF]
    sisem = sems[2 * NBUF:3 * NBUF]
    ssem = sems[3 * NBUF:4 * NBUF]
    r0, r1 = rows[0], rows[1]

    pltpu.sync_copy(zrows_hbm, r0)
    for z in range(NRCH):
        pltpu.async_copy(
            r0, acc_sh.at[pl.ds(s * RPW + z * RCH, RCH)], gsem[0])
    for z in range(NRCH):
        pltpu.make_async_copy(
            r0, acc_sh.at[pl.ds(s * RPW, RCH)], gsem[0]).wait()
    plsc.subcore_barrier()

    for jj in range(NBUF):
        pltpu.async_copy(src_hbm.at[wid, jj], sidx[jj], sisem[jj])
    for jj in range(GL):
        pltpu.async_copy(dst_hbm.at[wid, jj], didx[jj], dsem[jj])
        pltpu.make_async_copy(src_hbm.at[wid, jj], sidx[jj], sisem[jj]).wait()
        pltpu.async_copy(xs_hbm.at[sidx[jj]], rows[jj], gsem[jj])

    def step(j, p):
        pg = (p + GL) % NBUF
        pltpu.make_async_copy(xs_hbm.at[sidx[p]], rows[p], gsem[p]).wait()

        @pl.when(j >= NBUF - GL)
        def _():
            pltpu.make_async_copy(
                rows[pg], acc_sh.at[didx[pg]], ssem[pg]).wait()

        pltpu.make_async_copy(dst_hbm.at[wid, j], didx[p], dsem[p]).wait()
        pltpu.async_copy(rows[p], acc_sh.at[didx[p]], ssem[p], add=True)

        @pl.when(j + NBUF < NCHUNK)
        def _():
            pltpu.async_copy(src_hbm.at[wid, j + NBUF], sidx[p], sisem[p])

        @pl.when(j + GL < NCHUNK)
        def _():
            pltpu.async_copy(dst_hbm.at[wid, j + GL], didx[pg], dsem[pg])
            pltpu.make_async_copy(
                src_hbm.at[wid, j + GL], sidx[pg], sisem[pg]).wait()
            pltpu.async_copy(xs_hbm.at[sidx[pg]], rows[pg], gsem[pg])

    def body(j, carry):
        for pp in range(NBUF):
            @pl.when(j % NBUF == pp)
            def _(pp=pp):
                step(j, pp)

        return carry

    lax.fori_loop(0, NCHUNK, body, 0)
    for jj in range(NCHUNK - (NBUF - GL), NCHUNK):
        pltpu.make_async_copy(
            rows[jj % NBUF], acc_sh.at[didx[jj % NBUF]], ssem[jj % NBUF]).wait()
    plsc.subcore_barrier()

    for z in range(NRCH):
        p = z & 1
        base = s * RPW + z * RCH
        if z >= 2:
            pltpu.make_async_copy(
                rows[p], out_hbm.at[c, pl.ds(base, RCH)], gsem[p]).wait()
        pltpu.sync_copy(acc_sh.at[pl.ds(base, RCH)], rows[p])
        pltpu.async_copy(rows[p], out_hbm.at[c, pl.ds(base, RCH)], gsem[p])
    pltpu.make_async_copy(
        r0, out_hbm.at[c, pl.ds(s * RPW, RCH)], gsem[0]).wait()
    pltpu.make_async_copy(
        r1, out_hbm.at[c, pl.ds(s * RPW, RCH)], gsem[1]).wait()


def _tc_pre_body(deg_ref, x_ref, w_ref, xs_ref, dis_ref):
    deg = jnp.sum(deg_ref[...], axis=0) + 1.0
    dis = lax.rsqrt(deg)
    xw = jnp.dot(x_ref[...], w_ref[...],
                 preferred_element_type=jnp.float32, precision=_HIGH)
    xs_ref[...] = xw * dis[:, None]
    dis_ref[...] = dis


def _tc_mid_body(p_ref, xs_ref, dis_ref, b_ref, w_ref, o_ref):
    dis = dis_ref[...]
    h = (p_ref[0] + p_ref[1] + xs_ref[...]) * dis[:, None] + b_ref[...]
    h = jnp.maximum(h, 0.0)
    o_ref[...] = jnp.dot(h, w_ref[...],
                         preferred_element_type=jnp.float32,
                         precision=_HIGH) * dis[:, None]


def _tc_head_body(p_ref, xs_ref, dis_ref, b_ref, w1_ref, b1_ref, w2_ref,
                  b2_ref, o_ref):
    dis = dis_ref[...]
    h = (p_ref[0] + p_ref[1] + xs_ref[...]) * dis[:, None] + b_ref[...]
    h = jnp.maximum(h, 0.0)
    h = jnp.dot(h, w1_ref[...], preferred_element_type=jnp.float32,
                precision=_HIGH) + b1_ref[...]
    h = jnp.maximum(h, 0.0)
    lg = jnp.dot(h, w2_ref[...], preferred_element_type=jnp.float32,
                 precision=_HIGH) + b2_ref[...]
    m = jnp.max(lg, axis=-1, keepdims=True)
    lg = lg - m
    o_ref[...] = lg - jnp.log(jnp.sum(jnp.exp(lg), axis=-1, keepdims=True))


def _rows(i):
    return (i, 0)


def _full2(i):
    return (0, 0)


def _full1(i):
    return (0,)


_tc_pre = pl.pallas_call(
    _tc_pre_body,
    grid=(GRID,),
    in_specs=[
        pl.BlockSpec((NW, BN), lambda i: (0, i)),
        pl.BlockSpec((BN, D), _rows),
        pl.BlockSpec((D, H), _full2),
    ],
    out_specs=[
        pl.BlockSpec((BN, H), _rows),
        pl.BlockSpec((BN,), lambda i: (i,)),
    ],
    out_shape=[
        jax.ShapeDtypeStruct((N, H), jnp.float32),
        jax.ShapeDtypeStruct((N,), jnp.float32),
    ],
)

_tc_mid = pl.pallas_call(
    _tc_mid_body,
    grid=(GRID,),
    in_specs=[
        pl.BlockSpec((NC, BN, H), lambda i: (0, i, 0)),
        pl.BlockSpec((BN, H), _rows),
        pl.BlockSpec((BN,), lambda i: (i,)),
        pl.BlockSpec((H,), _full1),
        pl.BlockSpec((H, H), _full2),
    ],
    out_specs=pl.BlockSpec((BN, H), _rows),
    out_shape=jax.ShapeDtypeStruct((N, H), jnp.float32),
)

_tc_head = pl.pallas_call(
    _tc_head_body,
    grid=(GRID,),
    in_specs=[
        pl.BlockSpec((NC, BN, H), lambda i: (0, i, 0)),
        pl.BlockSpec((BN, H), _rows),
        pl.BlockSpec((BN,), lambda i: (i,)),
        pl.BlockSpec((H,), _full1),
        pl.BlockSpec((H, H), _full2),
        pl.BlockSpec((H,), _full1),
        pl.BlockSpec((H, C), _full2),
        pl.BlockSpec((C,), _full1),
    ],
    out_specs=pl.BlockSpec((BN, C), _rows),
    out_shape=jax.ShapeDtypeStruct((N, C), jnp.float32),
)


def kernel(x, edge_index, W1, b1, W2, b2, Wl1, bl1, Wl2, bl2):
    src_r = edge_index[0].reshape(NW, NCHUNK, K)
    dst_r = edge_index[1].reshape(NW, NCHUNK, K)
    dst_f = edge_index[1].reshape(NW, EW)
    zeros_n = jnp.zeros((N,), jnp.float32)
    zeros_rows = jnp.zeros((RCH, H), jnp.float32)

    deg_part = _sc_degree(dst_f, zeros_n)
    xs1, dis = _tc_pre(deg_part, x, W1)
    part1 = _sc_scatter(xs1, src_r, dst_r, zeros_rows)
    xs2 = _tc_mid(part1, xs1, dis, b1, W2)
    part2 = _sc_scatter(xs2, src_r, dst_r, zeros_rows)
    return _tc_head(part2, xs2, dis, b2, Wl1, bl1, Wl2, bl2)

# --- scband reference (transcript-rebuilt; emitter-appended) ---
"""Pipeline reference for scband-gcn-36155034698159 (READ-ONLY COPY).

The authoritative reference and input builder live on the scoring server;
editing this copy changes nothing except your own understanding.
"""

import jax, jax.numpy as jnp
import numpy as np

N = 10000
E = 320000
D = 128
H = 128
C = 64


def _glorot(k, shape):
    lim = np.sqrt(6.0 / (shape[0] + shape[1]))
    return jax.random.uniform(k, shape, jnp.float32, -lim, lim)


def setup_inputs(seed: int = 0) -> dict:
    key = jax.random.key(seed)
    ks = jax.random.split(key, 8)
    x = jax.random.normal(ks[0], (N, D), dtype=jnp.float32)
    edge_index = jax.random.randint(ks[1], (2, E), 0, N, dtype=jnp.int32)
    W1 = _glorot(ks[2], (D, H)); b1 = jnp.zeros((H,), jnp.float32)
    W2 = _glorot(ks[3], (H, H)); b2 = jnp.zeros((H,), jnp.float32)
    Wl1 = _glorot(ks[4], (H, H)); bl1 = jnp.zeros((H,), jnp.float32)
    Wl2 = _glorot(ks[5], (H, C)); bl2 = jnp.zeros((C,), jnp.float32)
    return dict(x=x, edge_index=edge_index, W1=W1, b1=b1, W2=W2, b2=b2,
                Wl1=Wl1, bl1=bl1, Wl2=Wl2, bl2=bl2)


def _gcn_conv(x, edge_index, W, b):
    # GCNConv: x @ W, add self-loops, symmetric deg^{-1/2} normalization, scatter-add
    n = x.shape[0]
    xw = x @ W
    loop = jnp.arange(n, dtype=edge_index.dtype)
    src = jnp.concatenate([edge_index[0], loop])
    dst = jnp.concatenate([edge_index[1], loop])
    deg = jnp.zeros((n,), jnp.float32).at[dst].add(1.0)
    dis = jnp.where(deg > 0, jax.lax.rsqrt(jnp.maximum(deg, 1e-12)), 0.0)
    norm = dis[src] * dis[dst]
    msg = xw[src] * norm[:, None]
    out = jnp.zeros((n, xw.shape[1]), jnp.float32).at[dst].add(msg)
    return out + b


def reference(x, edge_index, W1, b1, W2, b2, Wl1, bl1, Wl2, bl2):
    h = jax.nn.relu(_gcn_conv(x, edge_index, W1, b1))
    h = jax.nn.relu(_gcn_conv(h, edge_index, W2, b2))
    h = jax.nn.relu(h @ Wl1 + bl1)
    # F.dropout(p=0.5) is identity in eval mode
    h = h @ Wl2 + bl2
    return jax.nn.log_softmax(h, axis=-1)

if __name__ == "__main__":
    import jax
    _d = setup_inputs()
    print(jax.jit(kernel)(*tuple(_d.values())))

</pallas_src>

<mosaic_0001>
#map = affine_map<(d0, d1) -> (0, 0)>
#map1 = affine_map<(d0, d1) -> (0, 0, 0)>
module attributes {stable_mosaic.version = 14 : i64} {
  func.func @_sc_scatter(%arg0: i32, %arg1: i32, %arg2: memref<10000x128xf32, #tpu.memory_space<hbm>>, %arg3: memref<32x250x40xi32, #tpu.memory_space<hbm>>, %arg4: memref<32x250x40xi32, #tpu.memory_space<hbm>>, %arg5: memref<40x128xf32, #tpu.memory_space<hbm>>, %arg6: memref<2x10240x128xf32, #tpu.memory_space<hbm>>, %arg7: memref<40xi32, #tpu.memory_space<vmem>>, %arg8: memref<40xi32, #tpu.memory_space<vmem>>, %arg9: memref<40xi32, #tpu.memory_space<vmem>>, %arg10: memref<40xi32, #tpu.memory_space<vmem>>, %arg11: memref<40xi32, #tpu.memory_space<vmem>>, %arg12: memref<40xi32, #tpu.memory_space<vmem>>, %arg13: memref<40xi32, #tpu.memory_space<vmem>>, %arg14: memref<40xi32, #tpu.memory_space<vmem>>, %arg15: memref<40xi32, #tpu.memory_space<vmem>>, %arg16: memref<40xi32, #tpu.memory_space<vmem>>, %arg17: memref<40xi32, #tpu.memory_space<vmem>>, %arg18: memref<40xi32, #tpu.memory_space<vmem>>, %arg19: memref<40xi32, #tpu.memory_space<vmem>>, %arg20: memref<40xi32, #tpu.memory_space<vmem>>, %arg21: memref<40x128xf32, #tpu.memory_space<vmem>>, %arg22: memref<40x128xf32, #tpu.memory_space<vmem>>, %arg23: memref<40x128xf32, #tpu.memory_space<vmem>>, %arg24: memref<40x128xf32, #tpu.memory_space<vmem>>, %arg25: memref<40x128xf32, #tpu.memory_space<vmem>>, %arg26: memref<40x128xf32, #tpu.memory_space<vmem>>, %arg27: memref<40x128xf32, #tpu.memory_space<vmem>>, %arg28: memref<10240x128xf32, #tpu.memory_space<vmem_shared>>, %arg29: memref<!tpu.dma_semaphore, #tpu.memory_space<semaphore_mem>>, %arg30: memref<!tpu.dma_semaphore, #tpu.memory_space<semaphore_mem>>, %arg31: memref<!tpu.dma_semaphore, #tpu.memory_space<semaphore_mem>>, %arg32: memref<!tpu.dma_semaphore, #tpu.memory_space<semaphore_mem>>, %arg33: memref<!tpu.dma_semaphore, #tpu.memory_space<semaphore_mem>>, %arg34: memref<!tpu.dma_semaphore, #tpu.memory_space<semaphore_mem>>, %arg35: memref<!tpu.dma_semaphore, #tpu.memory_space<semaphore_mem>>, %arg36: memref<!tpu.dma_semaphore, #tpu.memory_space<semaphore_mem>>, %arg37: memref<!tpu.dma_semaphore, #tpu.memory_space<semaphore_mem>>, %arg38: memref<!tpu.dma_semaphore, #tpu.memory_space<semaphore_mem>>, %arg39: memref<!tpu.dma_semaphore, #tpu.memory_space<semaphore_mem>>, %arg40: memref<!tpu.dma_semaphore, #tpu.memory_space<semaphore_mem>>, %arg41: memref<!tpu.dma_semaphore, #tpu.memory_space<semaphore_mem>>, %arg42: memref<!tpu.dma_semaphore, #tpu.memory_space<semaphore_mem>>, %arg43: memref<!tpu.dma_semaphore, #tpu.memory_space<semaphore_mem>>, %arg44: memref<!tpu.dma_semaphore, #tpu.memory_space<semaphore_mem>>, %arg45: memref<!tpu.dma_semaphore, #tpu.memory_space<semaphore_mem>>, %arg46: memref<!tpu.dma_semaphore, #tpu.memory_space<semaphore_mem>>, %arg47: memref<!tpu.dma_semaphore, #tpu.memory_space<semaphore_mem>>, %arg48: memref<!tpu.dma_semaphore, #tpu.memory_space<semaphore_mem>>, %arg49: memref<!tpu.dma_semaphore, #tpu.memory_space<semaphore_mem>>, %arg50: memref<!tpu.dma_semaphore, #tpu.memory_space<semaphore_mem>>, %arg51: memref<!tpu.dma_semaphore, #tpu.memory_space<semaphore_mem>>, %arg52: memref<!tpu.dma_semaphore, #tpu.memory_space<semaphore_mem>>, %arg53: memref<!tpu.dma_semaphore, #tpu.memory_space<semaphore_mem>>, %arg54: memref<!tpu.dma_semaphore, #tpu.memory_space<semaphore_mem>>, %arg55: memref<!tpu.dma_semaphore, #tpu.memory_space<semaphore_mem>>, %arg56: memref<!tpu.dma_semaphore, #tpu.memory_space<semaphore_mem>>) attributes {dimension_semantics = [#tpu.dimension_semantics<core_parallel>, #tpu.dimension_semantics<subcore_parallel>], iteration_bounds = array<i64: 2, 16>, scalar_prefetch = 0 : i64, scratch_operands = 50 : i64, tpu.core_type = #tpu.core_type<sc_vector_subcore>, window_params = [{transform_indices = #map}, {transform_indices = #map1}, {transform_indices = #map1}, {transform_indices = #map}, {transform_indices = #map1}]} {
    %mul3A = arith.constant 16 : i32
    %mul3A_0 = arith.muli %arg0, %mul3A : i32
    %add3A = arith.addi %mul3A_0, %arg1 : i32
    "tpu.region"() ({
      %run_scoped3A = tpu.sem_alloc : memref<!tpu.dma_semaphore, #tpu.memory_space<semaphore_mem>>
      tpu.enqueue_dma source(%arg5 : memref<40x128xf32, #tpu.memory_space<hbm>>) target(%arg21 : memref<40x128xf32, #tpu.memory_space<vmem>>) target_semaphore(%run_scoped3A : memref<!tpu.dma_semaphore, #tpu.memory_space<semaphore_mem>>)
      tpu.wait_dma2 semaphore(%run_scoped3A : memref<!tpu.dma_semaphore, #tpu.memory_space<semaphore_mem>>) src(%arg5 : memref<40x128xf32, #tpu.memory_space<hbm>>) dst(%arg21 : memref<40x128xf32, #tpu.memory_space<vmem>>)
      tpu.yield
    }) : () -> ()
    %mul3A_1 = arith.constant 640 : i32
    %mul3A_2 = arith.muli %arg1, %mul3A_1 : i32
    %add3A_3 = arith.constant 0 : i32
    %add3A_4 = arith.addi %mul3A_2, %add3A_3 : i32
    %dma_start3A = arith.constant 0 : i32
    %dma_start3A_5 = tpu.memref_slice %arg28[%add3A_4, %dma_start3A] : memref<10240x128xf32, #tpu.memory_space<vmem_shared>> -> memref<40x128xf32, #tpu.memory_space<vmem_shared>>
    %dma_start3A_6 = arith.constant 0 : i32
    %dma_start3A_7 = tpu.memref_slice %arg28[%add3A_4, %dma_start3A_6] : memref<10240x128xf32, #tpu.memory_space<vmem_shared>> -> memref<40x128xf32, #tpu.memory_space<vmem_shared>>
    tpu.enqueue_dma source(%arg21 : memref<40x128xf32, #tpu.memory_space<vmem>>) target(%dma_start3A_7 : memref<40x128xf32, #tpu.memory_space<vmem_shared>>) target_semaphore(%arg29 : memref<!tpu.dma_semaphore, #tpu.memory_space<semaphore_mem>>)
    %mul3A_8 = arith.constant 640 : i32
    %mul3A_9 = arith.muli %arg1, %mul3A_8 : i32
    %add3A_10 = arith.constant 40 : i32
    %add3A_11 = arith.addi %mul3A_9, %add3A_10 : i32
    %dma_start3A_12 = arith.constant 0 : i32
    %dma_start3A_13 = tpu.memref_slice %arg28[%add3A_11, %dma_start3A_12] : memref<10240x128xf32, #tpu.memory_space<vmem_shared>> -> memref<40x128xf32, #tpu.memory_space<vmem_shared>>
    %dma_start3A_14 = arith.constant 0 : i32
    %dma_start3A_15 = tpu.memref_slice %arg28[%add3A_11, %dma_start3A_14] : memref<10240x128xf32, #tpu.memory_space<vmem_shared>> -> memref<40x128xf32, #tpu.memory_space<vmem_shared>>
    tpu.enqueue_dma source(%arg21 : memref<40x128xf32, #tpu.memory_space<vmem>>) target(%dma_start3A_15 : memref<40x128xf32, #tpu.memory_space<vmem_shared>>) target_semaphore(%arg29 : memref<!tpu.dma_semaphore, #tpu.memory_space<semaphore_mem>>)
    %mul3A_16 = arith.constant 640 : i32
    %mul3A_17 = arith.muli %arg1, %mul3A_16 : i32
    %add3A_18 = arith.constant 80 : i32
    %add3A_19 = arith.addi %mul3A_17, %add3A_18 : i32
    %dma_start3A_20 = arith.constant 0 : i32
    %dma_start3A_21 = tpu.memref_slice %arg28[%add3A_19, %dma_start3A_20] : memref<10240x128xf32, #tpu.memory_space<vmem_shared>> -> memref<40x128xf32, #tpu.memory_space<vmem_shared>>
    %dma_start3A_22 = arith.constant 0 : i32
    %dma_start3A_23 = tpu.memref_slice %arg28[%add3A_19, %dma_start3A_22] : memref<10240x128xf32, #tpu.memory_space<vmem_shared>> -> memref<40x128xf32, #tpu.memory_space<vmem_shared>>
    tpu.enqueue_dma source(%arg21 : memref<40x128xf32, #tpu.memory_space<vmem>>) target(%dma_start3A_23 : memref<40x128xf32, #tpu.memory_space<vmem_shared>>) target_semaphore(%arg29 : memref<!tpu.dma_semaphore, #tpu.memory_space<semaphore_mem>>)
    %mul3A_24 = arith.constant 640 : i32
    %mul3A_25 = arith.muli %arg1, %mul3A_24 : i32
    %add3A_26 = arith.constant 120 : i32
    %add3A_27 = arith.addi %mul3A_25, %add3A_26 : i32
    %dma_start3A_28 = arith.constant 0 : i32
    %dma_start3A_29 = tpu.memref_slice %arg28[%add3A_27, %dma_start3A_28] : memref<10240x128xf32, #tpu.memory_space<vmem_shared>> -> memref<40x128xf32, #tpu.memory_space<vmem_shared>>
    %dma_start3A_30 = arith.constant 0 : i32
    %dma_start3A_31 = tpu.memref_slice %arg28[%add3A_27, %dma_start3A_30] : memref<10240x128xf32, #tpu.memory_space<vmem_shared>> -> memref<40x128xf32, #tpu.memory_space<vmem_shared>>
    tpu.enqueue_dma source(%arg21 : memref<40x128xf32, #tpu.memory_space<vmem>>) target(%dma_start3A_31 : memref<40x128xf32, #tpu.memory_space<vmem_shared>>) target_semaphore(%arg29 : memref<!tpu.dma_semaphore, #tpu.memory_space<semaphore_mem>>)
    %mul3A_32 = arith.constant 640 : i32
    %mul3A_33 = arith.muli %arg1, %mul3A_32 : i32
    %add3A_34 = arith.constant 160 : i32
    %add3A_35 = arith.addi %mul3A_33, %add3A_34 : i32
    %dma_start3A_36 = arith.constant 0 : i32
    %dma_start3A_37 = tpu.memref_slice %arg28[%add3A_35, %dma_start3A_36] : memref<10240x128xf32, #tpu.memory_space<vmem_shared>> -> memref<40x128xf32, #tpu.memory_space<vmem_shared>>
    %dma_start3A_38 = arith.constant 0 : i32
    %dma_start3A_39 = tpu.memref_slice %arg28[%add3A_35, %dma_start3A_38] : memref<10240x128xf32, #tpu.memory_space<vmem_shared>> -> memref<40x128xf32, #tpu.memory_space<vmem_shared>>
    tpu.enqueue_dma source(%arg21 : memref<40x128xf32, #tpu.memory_space<vmem>>) target(%dma_start3A_39 : memref<40x128xf32, #tpu.memory_space<vmem_shared>>) target_semaphore(%arg29 : memref<!tpu.dma_semaphore, #tpu.memory_space<semaphore_mem>>)
    %mul3A_40 = arith.constant 640 : i32
    %mul3A_41 = arith.muli %arg1, %mul3A_40 : i32
    %add3A_42 = arith.constant 200 : i32
    %add3A_43 = arith.addi %mul3A_41, %add3A_42 : i32
    %dma_start3A_44 = arith.constant 0 : i32
    %dma_start3A_45 = tpu.memref_slice %arg28[%add3A_43, %dma_start3A_44] : memref<10240x128xf32, #tpu.memory_space<vmem_shared>> -> memref<40x128xf32, #tpu.memory_space<vmem_shared>>
    %dma_start3A_46 = arith.constant 0 : i32
    %dma_start3A_47 = tpu.memref_slice %arg28[%add3A_43, %dma_start3A_46] : memref<10240x128xf32, #tpu.memory_space<vmem_shared>> -> memref<40x128xf32, #tpu.memory_space<vmem_shared>>
    tpu.enqueue_dma source(%arg21 : memref<40x128xf32, #tpu.memory_space<vmem>>) target(%dma_start3A_47 : memref<40x128xf32, #tpu.memory_space<vmem_shared>>) target_semaphore(%arg29 : memref<!tpu.dma_semaphore, #tpu.memory_space<semaphore_mem>>)
    %mul3A_48 = arith.constant 640 : i32
    %mul3A_49 = arith.muli %arg1, %mul3A_48 : i32
    %add3A_50 = arith.constant 240 : i32
    %add3A_51 = arith.addi %mul3A_49, %add3A_50 : i32
    %dma_start3A_52 = arith.constant 0 : i32
    %dma_start3A_53 = tpu.memref_slice %arg28[%add3A_51, %dma_start3A_52] : memref<10240x128xf32, #tpu.memory_space<vmem_shared>> -> memref<40x128xf32, #tpu.memory_space<vmem_shared>>
    %dma_start3A_54 = arith.constant 0 : i32
    %dma_start3A_55 = tpu.memref_slice %arg28[%add3A_51, %dma_start3A_54] : memref<10240x128xf32, #tpu.memory_space<vmem_shared>> -> memref<40x128xf32, #tpu.memory_space<vmem_shared>>
    tpu.enqueue_dma source(%arg21 : memref<40x128xf32, #tpu.memory_space<vmem>>) target(%dma_start3A_55 : memref<40x128xf32, #tpu.memory_space<vmem_shared>>) target_semaphore(%arg29 : memref<!tpu.dma_semaphore, #tpu.memory_space<semaphore_mem>>)
    %mul3A_56 = arith.constant 640 : i32
    %mul3A_57 = arith.muli %arg1, %mul3A_56 : i32
    %add3A_58 = arith.constant 280 : i32
    %add3A_59 = arith.addi %mul3A_57, %add3A_58 : i32
    %dma_start3A_60 = arith.constant 0 : i32
    %dma_start3A_61 = tpu.memref_slice %arg28[%add3A_59, %dma_start3A_60] : memref<10240x128xf32, #tpu.memory_space<vmem_shared>> -> memref<40x128xf32, #tpu.memory_space<vmem_shared>>
    %dma_start3A_62 = arith.constant 0 : i32
    %dma_start3A_63 = tpu.memref_slice %arg28[%add3A_59, %dma_start3A_62] : memref<10240x128xf32, #tpu.memory_space<vmem_shared>> -> memref<40x128xf32, #tpu.memory_space<vmem_shared>>
    tpu.enqueue_dma source(%arg21 : memref<40x128xf32, #tpu.memory_space<vmem>>) target(%dma_start3A_63 : memref<40x128xf32, #tpu.memory_space<vmem_shared>>) target_semaphore(%arg29 : memref<!tpu.dma_semaphore, #tpu.memory_space<semaphore_mem>>)
    %mul3A_64 = arith.constant 640 : i32
    %mul3A_65 = arith.muli %arg1, %mul3A_64 : i32
    %add3A_66 = arith.constant 320 : i32
    %add3A_67 = arith.addi %mul3A_65, %add3A_66 : i32
    %dma_start3A_68 = arith.constant 0 : i32
    %dma_start3A_69 = tpu.memref_slice %arg28[%add3A_67, %dma_start3A_68] : memref<10240x128xf32, #tpu.memory_space<vmem_shared>> -> memref<40x128xf32, #tpu.memory_space<vmem_shared>>
    %dma_start3A_70 = arith.constant 0 : i32
    %dma_start3A_71 = tpu.memref_slice %arg28[%add3A_67, %dma_start3A_70] : memref<10240x128xf32, #tpu.memory_space<vmem_shared>> -> memref<40x128xf32, #tpu.memory_space<vmem_shared>>
    tpu.enqueue_dma source(%arg21 : memref<40x128xf32, #tpu.memory_space<vmem>>) target(%dma_start3A_71 : memref<40x128xf32, #tpu.memory_space<vmem_shared>>) target_semaphore(%arg29 : memref<!tpu.dma_semaphore, #tpu.memory_space<semaphore_mem>>)
    %mul3A_72 = arith.constant 640 : i32
    %mul3A_73 = arith.muli %arg1, %mul3A_72 : i32
    %add3A_74 = arith.constant 360 : i32
    %add3A_75 = arith.addi %mul3A_73, %add3A_74 : i32
    %dma_start3A_76 = arith.constant 0 : i32
    %dma_start3A_77 = tpu.memref_slice %arg28[%add3A_75, %dma_start3A_76] : memref<10240x128xf32, #tpu.memory_space<vmem_shared>> -> memref<40x128xf32, #tpu.memory_space<vmem_shared>>
    %dma_start3A_78 = arith.constant 0 : i32
    %dma_start3A_79 = tpu.memref_slice %arg28[%add3A_75, %dma_start3A_78] : memref<10240x128xf32, #tpu.memory_space<vmem_shared>> -> memref<40x128xf32, #tpu.memory_space<vmem_shared>>
    tpu.enqueue_dma source(%arg21 : memref<40x128xf32, #tpu.memory_space<vmem>>) target(%dma_start3A_79 : memref<40x128xf32, #tpu.memory_space<vmem_shared>>) target_semaphore(%arg29 : memref<!tpu.dma_semaphore, #tpu.memory_space<semaphore_mem>>)
    %mul3A_80 = arith.constant 640 : i32
    %mul3A_81 = arith.muli %arg1, %mul3A_80 : i32
    %add3A_82 = arith.constant 400 : i32
    %add3A_83 = arith.addi %mul3A_81, %add3A_82 : i32
    %dma_start3A_84 = arith.constant 0 : i32
    %dma_start3A_85 = tpu.memref_slice %arg28[%add3A_83, %dma_start3A_84] : memref<10240x128xf32, #tpu.memory_space<vmem_shared>> -> memref<40x128xf32, #tpu.memory_space<vmem_shared>>
    %dma_start3A_86 = arith.constant 0 : i32
    %dma_start3A_87 = tpu.memref_slice %arg28[%add3A_83, %dma_start3A_86] : memref<10240x128xf32, #tpu.memory_space<vmem_shared>> -> memref<40x128xf32, #tpu.memory_space<vmem_shared>>
    tpu.enqueue_dma source(%arg21 : memref<40x128xf32, #tpu.memory_space<vmem>>) target(%dma_start3A_87 : memref<40x128xf32, #tpu.memory_space<vmem_shared>>) target_semaphore(%arg29 : memref<!tpu.dma_semaphore, #tpu.memory_space<semaphore_mem>>)
    %mul3A_88 = arith.constant 640 : i32
    %mul3A_89 = arith.muli %arg1, %mul3A_88 : i32
    %add3A_90 = arith.constant 440 : i32
    %add3A_91 = arith.addi %mul3A_89, %add3A_90 : i32
    %dma_start3A_92 = arith.constant 0 : i32
    %dma_start3A_93 = tpu.memref_slice %arg28[%add3A_91, %dma_start3A_92] : memref<10240x128xf32, #tpu.memory_space<vmem_shared>> -> memref<40x128xf32, #tpu.memory_space<vmem_shared>>
    %dma_start3A_94 = arith.constant 0 : i32
    %dma_start3A_95 = tpu.memref_slice %arg28[%add3A_91, %dma_start3A_94] : memref<10240x128xf32, #tpu.memory_space<vmem_shared>> -> memref<40x128xf32, #tpu.memory_space<vmem_shared>>
    tpu.enqueue_dma source(%arg21 : memref<40x128xf32, #tpu.memory_space<vmem>>) target(%dma_start3A_95 : memref<40x128xf32, #tpu.memory_space<vmem_shared>>) target_semaphore(%arg29 : memref<!tpu.dma_semaphore, #tpu.memory_space<semaphore_mem>>)
    %mul3A_96 = arith.constant 640 : i32
    %mul3A_97 = arith.muli %arg1, %mul3A_96 : i32
    %add3A_98 = arith.constant 480 : i32
    %add3A_99 = arith.addi %mul3A_97, %add3A_98 : i32
    %dma_start3A_100 = arith.constant 0 : i32
    %dma_start3A_101 = tpu.memref_slice %arg28[%add3A_99, %dma_start3A_100] : memref<10240x128xf32, #tpu.memory_space<vmem_shared>> -> memref<40x128xf32, #tpu.memory_space<vmem_shared>>
    %dma_start3A_102 = arith.constant 0 : i32
    %dma_start3A_103 = tpu.memref_slice %arg28[%add3A_99, %dma_start3A_102] : memref<10240x128xf32, #tpu.memory_space<vmem_shared>> -> memref<40x128xf32, #tpu.memory_space<vmem_shared>>
    tpu.enqueue_dma source(%arg21 : memref<40x128xf32, #tpu.memory_space<vmem>>) target(%dma_start3A_103 : memref<40x128xf32, #tpu.memory_space<vmem_shared>>) target_semaphore(%arg29 : memref<!tpu.dma_semaphore, #tpu.memory_space<semaphore_mem>>)
    %mul3A_104 = arith.constant 640 : i32
    %mul3A_105 = arith.muli %arg1, %mul3A_104 : i32
    %add3A_106 = arith.constant 520 : i32
    %add3A_107 = arith.addi %mul3A_105, %add3A_106 : i32
    %dma_start3A_108 = arith.constant 0 : i32
    %dma_start3A_109 = tpu.memref_slice %arg28[%add3A_107, %dma_start3A_108] : memref<10240x128xf32, #tpu.memory_space<vmem_shared>> -> memref<40x128xf32, #tpu.memory_space<vmem_shared>>
    %dma_start3A_110 = arith.constant 0 : i32
    %dma_start3A_111 = tpu.memref_slice %arg28[%add3A_107, %dma_start3A_110] : memref<10240x128xf32, #tpu.memory_space<vmem_shared>> -> memref<40x128xf32, #tpu.memory_space<vmem_shared>>
    tpu.enqueue_dma source(%arg21 : memref<40x128xf32, #tpu.memory_space<vmem>>) target(%dma_start3A_111 : memref<40x128xf32, #tpu.memory_space<vmem_shared>>) target_semaphore(%arg29 : memref<!tpu.dma_semaphore, #tpu.memory_space<semaphore_mem>>)
    %mul3A_112 = arith.constant 640 : i32
    %mul3A_113 = arith.muli %arg1, %mul3A_112 : i32
    %add3A_114 = arith.constant 560 : i32
    %add3A_115 = arith.addi %mul3A_113, %add3A_114 : i32
    %dma_start3A_116 = arith.constant 0 : i32
    %dma_start3A_117 = tpu.memref_slice %arg28[%add3A_115, %dma_start3A_116] : memref<10240x128xf32, #tpu.memory_space<vmem_shared>> -> memref<40x128xf32, #tpu.memory_space<vmem_shared>>
    %dma_start3A_118 = arith.constant 0 : i32
    %dma_start3A_119 = tpu.memref_slice %arg28[%add3A_115, %dma_start3A_118] : memref<10240x128xf32, #tpu.memory_space<vmem_shared>> -> memref<40x128xf32, #tpu.memory_space<vmem_shared>>
    tpu.enqueue_dma source(%arg21 : memref<40x128xf32, #tpu.memory_space<vmem>>) target(%dma_start3A_119 : memref<40x128xf32, #tpu.memory_space<vmem_shared>>) target_semaphore(%arg29 : memref<!tpu.dma_semaphore, #tpu.memory_space<semaphore_mem>>)
    %mul3A_120 = arith.constant 640 : i32
    %mul3A_121 = arith.muli %arg1, %mul3A_120 : i32
    %add3A_122 = arith.constant 600 : i32
    %add3A_123 = arith.addi %mul3A_121, %add3A_122 : i32
    %dma_start3A_124 = arith.constant 0 : i32
    %dma_start3A_125 = tpu.memref_slice %arg28[%add3A_123, %dma_start3A_124] : memref<10240x128xf32, #tpu.memory_space<vmem_shared>> -> memref<40x128xf32, #tpu.memory_space<vmem_shared>>
    %dma_start3A_126 = arith.constant 0 : i32
    %dma_start3A_127 = tpu.memref_slice %arg28[%add3A_123, %dma_start3A_126] : memref<10240x128xf32, #tpu.memory_space<vmem_shared>> -> memref<40x128xf32, #tpu.memory_space<vmem_shared>>
    tpu.enqueue_dma source(%arg21 : memref<40x128xf32, #tpu.memory_space<vmem>>) target(%dma_start3A_127 : memref<40x128xf32, #tpu.memory_space<vmem_shared>>) target_semaphore(%arg29 : memref<!tpu.dma_semaphore, #tpu.memory_space<semaphore_mem>>)
    %mul3A_128 = arith.constant 640 : i32
    %mul3A_129 = arith.muli %arg1, %mul3A_128 : i32
    %dma_wait3A = arith.constant 0 : i32
    %dma_wait3A_130 = tpu.memref_slice %arg28[%mul3A_129, %dma_wait3A] : memref<10240x128xf32, #tpu.memory_space<vmem_shared>> -> memref<40x128xf32, #tpu.memory_space<vmem_shared>>
    %dma_wait3A_131 = arith.constant 0 : i32
    %dma_wait3A_132 = tpu.memref_slice %arg28[%mul3A_129, %dma_wait3A_131] : memref<10240x128xf32, #tpu.memory_space<vmem_shared>> -> memref<40x128xf32, #tpu.memory_space<vmem_shared>>
    tpu.wait_dma2 semaphore(%arg29 : memref<!tpu.dma_semaphore, #tpu.memory_space<semaphore_mem>>) src(%arg21 : memref<40x128xf32, #tpu.memory_space<vmem>>) dst(%dma_wait3A_132 : memref<40x128xf32, #tpu.memory_space<vmem_shared>>)
    %mul3A_133 = arith.constant 640 : i32
    %mul3A_134 = arith.muli %arg1, %mul3A_133 : i32
    %dma_wait3A_135 = arith.constant 0 : i32
    %dma_wait3A_136 = tpu.memref_slice %arg28[%mul3A_134, %dma_wait3A_135] : memref<10240x128xf32, #tpu.memory_space<vmem_shared>> -> memref<40x128xf32, #tpu.memory_space<vmem_shared>>
    %dma_wait3A_137 = arith.constant 0 : i32
    %dma_wait3A_138 = tpu.memref_slice %arg28[%mul3A_134, %dma_wait3A_137] : memref<10240x128xf32, #tpu.memory_space<vmem_shared>> -> memref<40x128xf32, #tpu.memory_space<vmem_shared>>
    tpu.wait_dma2 semaphore(%arg29 : memref<!tpu.dma_semaphore, #tpu.memory_space<semaphore_mem>>) src(%arg21 : memref<40x128xf32, #tpu.memory_space<vmem>>) dst(%dma_wait3A_138 : memref<40x128xf32, #tpu.memory_space<vmem_shared>>)
    %mul3A_139 = arith.constant 640 : i32
    %mul3A_140 = arith.muli %arg1, %mul3A_139 : i32
    %dma_wait3A_141 = arith.constant 0 : i32
    %dma_wait3A_142 = tpu.memref_slice %arg28[%mul3A_140, %dma_wait3A_141] : memref<10240x128xf32, #tpu.memory_space<vmem_shared>> -> memref<40x128xf32, #tpu.memory_space<vmem_shared>>
    %dma_wait3A_143 = arith.constant 0 : i32
    %dma_wait3A_144 = tpu.memref_slice %arg28[%mul3A_140, %dma_wait3A_143] : memref<10240x128xf32, #tpu.memory_space<vmem_shared>> -> memref<40x128xf32, #tpu.memory_space<vmem_shared>>
    tpu.wait_dma2 semaphore(%arg29 : memref<!tpu.dma_semaphore, #tpu.memory_space<semaphore_mem>>) src(%arg21 : memref<40x128xf32, #tpu.memory_space<vmem>>) dst(%dma_wait3A_144 : memref<40x128xf32, #tpu.memory_space<vmem_shared>>)
    %mul3A_145 = arith.constant 640 : i32
    %mul3A_146 = arith.muli %arg1, %mul3A_145 : i32
    %dma_wait3A_147 = arith.constant 0 : i32
    %dma_wait3A_148 = tpu.memref_slice %arg28[%mul3A_146, %dma_wait3A_147] : memref<10240x128xf32, #tpu.memory_space<vmem_shared>> -> memref<40x128xf32, #tpu.memory_space<vmem_shared>>
    %dma_wait3A_149 = arith.constant 0 : i32
    %dma_wait3A_150 = tpu.memref_slice %arg28[%mul3A_146, %dma_wait3A_149] : memref<10240x128xf32, #tpu.memory_space<vmem_shared>> -> memref<40x128xf32, #tpu.memory_space<vmem_shared>>
    tpu.wait_dma2 semaphore(%arg29 : memref<!tpu.dma_semaphore, #tpu.memory_space<semaphore_mem>>) src(%arg21 : memref<40x128xf32, #tpu.memory_space<vmem>>) dst(%dma_wait3A_150 : memref<40x128xf32, #tpu.memory_space<vmem_shared>>)
    %mul3A_151 = arith.constant 640 : i32
    %mul3A_152 = arith.muli %arg1, %mul3A_151 : i32
    %dma_wait3A_153 = arith.constant 0 : i32
    %dma_wait3A_154 = tpu.memref_slice %arg28[%mul3A_152, %dma_wait3A_153] : memref<10240x128xf32, #tpu.memory_space<vmem_shared>> -> memref<40x128xf32, #tpu.memory_space<vmem_shared>>
    %dma_wait3A_155 = arith.constant 0 : i32
    %dma_wait3A_156 = tpu.memref_slice %arg28[%mul3A_152, %dma_wait3A_155] : memref<10240x128xf32, #tpu.memory_space<vmem_shared>> -> memref<40x128xf32, #tpu.memory_space<vmem_shared>>
    tpu.wait_dma2 semaphore(%arg29 : memref<!tpu.dma_semaphore, #tpu.memory_space<semaphore_mem>>) src(%arg21 : memref<40x128xf32, #tpu.memory_space<vmem>>) dst(%dma_wait3A_156 : memref<40x128xf32, #tpu.memory_space<vmem_shared>>)
    %mul3A_157 = arith.constant 640 : i32
    %mul3A_158 = arith.muli %arg1, %mul3A_157 : i32
    %dma_wait3A_159 = arith.constant 0 : i32
    %dma_wait3A_160 = tpu.memref_slice %arg28[%mul3A_158, %dma_wait3A_159] : memref<10240x128xf32, #tpu.memory_space<vmem_shared>> -> memref<40x128xf32, #tpu.memory_space<vmem_shared>>
    %dma_wait3A_161 = arith.constant 0 : i32
    %dma_wait3A_162 = tpu.memref_slice %arg28[%mul3A_158, %dma_wait3A_161] : memref<10240x128xf32, #tpu.memory_space<vmem_shared>> -> memref<40x128xf32, #tpu.memory_space<vmem_shared>>
    tpu.wait_dma2 semaphore(%arg29 : memref<!tpu.dma_semaphore, #tpu.memory_space<semaphore_mem>>) src(%arg21 : memref<40x128xf32, #tpu.memory_space<vmem>>) dst(%dma_wait3A_162 : memref<40x128xf32, #tpu.memory_space<vmem_shared>>)
    %mul3A_163 = arith.constant 640 : i32
    %mul3A_164 = arith.muli %arg1, %mul3A_163 : i32
    %dma_wait3A_165 = arith.constant 0 : i32
    %dma_wait3A_166 = tpu.memref_slice %arg28[%mul3A_164, %dma_wait3A_165] : memref<10240x128xf32, #tpu.memory_space<vmem_shared>> -> memref<40x128xf32, #tpu.memory_space<vmem_shared>>
    %dma_wait3A_167 = arith.constant 0 : i32
    %dma_wait3A_168 = tpu.memref_slice %arg28[%mul3A_164, %dma_wait3A_167] : memref<10240x128xf32, #tpu.memory_space<vmem_shared>> -> memref<40x128xf32, #tpu.memory_space<vmem_shared>>
    tpu.wait_dma2 semaphore(%arg29 : memref<!tpu.dma_semaphore, #tpu.memory_space<semaphore_mem>>) src(%arg21 : memref<40x128xf32, #tpu.memory_space<vmem>>) dst(%dma_wait3A_168 : memref<40x128xf32, #tpu.memory_space<vmem_shared>>)
    %mul3A_169 = arith.constant 640 : i32
    %mul3A_170 = arith.muli %arg1, %mul3A_169 : i32
    %dma_wait3A_171 = arith.constant 0 : i32
    %dma_wait3A_172 = tpu.memref_slice %arg28[%mul3A_170, %dma_wait3A_171] : memref<10240x128xf32, #tpu.memory_space<vmem_shared>> -> memref<40x128xf32, #tpu.memory_space<vmem_shared>>
    %dma_wait3A_173 = arith.constant 0 : i32
    %dma_wait3A_174 = tpu.memref_slice %arg28[%mul3A_170, %dma_wait3A_173] : memref<10240x128xf32, #tpu.memory_space<vmem_shared>> -> memref<40x128xf32, #tpu.memory_space<vmem_shared>>
    tpu.wait_dma2 semaphore(%arg29 : memref<!tpu.dma_semaphore, #tpu.memory_space<semaphore_mem>>) src(%arg21 : memref<40x128xf32, #tpu.memory_space<vmem>>) dst(%dma_wait3A_174 : memref<40x128xf32, #tpu.memory_space<vmem_shared>>)
    %mul3A_175 = arith.constant 640 : i32
    %mul3A_176 = arith.muli %arg1, %mul3A_175 : i32
    %dma_wait3A_177 = arith.constant 0 : i32
    %dma_wait3A_178 = tpu.memref_slice %arg28[%mul3A_176, %dma_wait3A_177] : memref<10240x128xf32, #tpu.memory_space<vmem_shared>> -> memref<40x128xf32, #tpu.memory_space<vmem_shared>>
    %dma_wait3A_179 = arith.constant 0 : i32
    %dma_wait3A_180 = tpu.memref_slice %arg28[%mul3A_176, %dma_wait3A_179] : memref<10240x128xf32, #tpu.memory_space<vmem_shared>> -> memref<40x128xf32, #tpu.memory_space<vmem_shared>>
    tpu.wait_dma2 semaphore(%arg29 : memref<!tpu.dma_semaphore, #tpu.memory_space<semaphore_mem>>) src(%arg21 : memref<40x128xf32, #tpu.memory_space<vmem>>) dst(%dma_wait3A_180 : memref<40x128xf32, #tpu.memory_space<vmem_shared>>)
    %mul3A_181 = arith.constant 640 : i32
    %mul3A_182 = arith.muli %arg1, %mul3A_181 : i32
    %dma_wait3A_183 = arith.constant 0 : i32
    %dma_wait3A_184 = tpu.memref_slice %arg28[%mul3A_182, %dma_wait3A_183] : memref<10240x128xf32, #tpu.memory_space<vmem_shared>> -> memref<40x128xf32, #tpu.memory_space<vmem_shared>>
    %dma_wait3A_185 = arith.constant 0 : i32
    %dma_wait3A_186 = tpu.memref_slice %arg28[%mul3A_182, %dma_wait3A_185] : memref<10240x128xf32, #tpu.memory_space<vmem_shared>> -> memref<40x128xf32, #tpu.memory_space<vmem_shared>>
    tpu.wait_dma2 semaphore(%arg29 : memref<!tpu.dma_semaphore, #tpu.memory_space<semaphore_mem>>) src(%arg21 : memref<40x128xf32, #tpu.memory_space<vmem>>) dst(%dma_wait3A_186 : memref<40x128xf32, #tpu.memory_space<vmem_shared>>)
    %mul3A_187 = arith.constant 640 : i32
    %mul3A_188 = arith.muli %arg1, %mul3A_187 : i32
    %dma_wait3A_189 = arith.constant 0 : i32
    %dma_wait3A_190 = tpu.memref_slice %arg28[%mul3A_188, %dma_wait3A_189] : memref<10240x128xf32, #tpu.memory_space<vmem_shared>> -> memref<40x128xf32, #tpu.memory_space<vmem_shared>>
    %dma_wait3A_191 = arith.constant 0 : i32
    %dma_wait3A_192 = tpu.memref_slice %arg28[%mul3A_188, %dma_wait3A_191] : memref<10240x128xf32, #tpu.memory_space<vmem_shared>> -> memref<40x128xf32, #tpu.memory_space<vmem_shared>>
    tpu.wait_dma2 semaphore(%arg29 : memref<!tpu.dma_semaphore, #tpu.memory_space<semaphore_mem>>) src(%arg21 : memref<40x128xf32, #tpu.memory_space<vmem>>) dst(%dma_wait3A_192 : memref<40x128xf32, #tpu.memory_space<vmem_shared>>)
    %mul3A_193 = arith.constant 640 : i32
    %mul3A_194 = arith.muli %arg1, %mul3A_193 : i32
    %dma_wait3A_195 = arith.constant 0 : i32
    %dma_wait3A_196 = tpu.memref_slice %arg28[%mul3A_194, %dma_wait3A_195] : memref<10240x128xf32, #tpu.memory_space<vmem_shared>> -> memref<40x128xf32, #tpu.memory_space<vmem_shared>>
    %dma_wait3A_197 = arith.constant 0 : i32
    %dma_wait3A_198 = tpu.memref_slice %arg28[%mul3A_194, %dma_wait3A_197] : memref<10240x128xf32, #tpu.memory_space<vmem_shared>> -> memref<40x128xf32, #tpu.memory_space<vmem_shared>>
    tpu.wait_dma2 semaphore(%arg29 : memref<!tpu.dma_semaphore, #tpu.memory_space<semaphore_mem>>) src(%arg21 : memref<40x128xf32, #tpu.memory_space<vmem>>) dst(%dma_wait3A_198 : memref<40x128xf32, #tpu.memory_space<vmem_shared>>)
    %mul3A_199 = arith.constant 640 : i32
    %mul3A_200 = arith.muli %arg1, %mul3A_199 : i32
    %dma_wait3A_201 = arith.constant 0 : i32
    %dma_wait3A_202 = tpu.memref_slice %arg28[%mul3A_200, %dma_wait3A_201] : memref<10240x128xf32, #tpu.memory_space<vmem_shared>> -> memref<40x128xf32, #tpu.memory_space<vmem_shared>>
    %dma_wait3A_203 = arith.constant 0 : i32
    %dma_wait3A_204 = tpu.memref_slice %arg28[%mul3A_200, %dma_wait3A_203] : memref<10240x128xf32, #tpu.memory_space<vmem_shared>> -> memref<40x128xf32, #tpu.memory_space<vmem_shared>>
    tpu.wait_dma2 semaphore(%arg29 : memref<!tpu.dma_semaphore, #tpu.memory_space<semaphore_mem>>) src(%arg21 : memref<40x128xf32, #tpu.memory_space<vmem>>) dst(%dma_wait3A_204 : memref<40x128xf32, #tpu.memory_space<vmem_shared>>)
    %mul3A_205 = arith.constant 640 : i32
    %mul3A_206 = arith.muli %arg1, %mul3A_205 : i32
    %dma_wait3A_207 = arith.constant 0 : i32
    %dma_wait3A_208 = tpu.memref_slice %arg28[%mul3A_206, %dma_wait3A_207] : memref<10240x128xf32, #tpu.memory_space<vmem_shared>> -> memref<40x128xf32, #tpu.memory_space<vmem_shared>>
    %dma_wait3A_209 = arith.constant 0 : i32
    %dma_wait3A_210 = tpu.memref_slice %arg28[%mul3A_206, %dma_wait3A_209] : memref<10240x128xf32, #tpu.memory_space<vmem_shared>> -> memref<40x128xf32, #tpu.memory_space<vmem_shared>>
    tpu.wait_dma2 semaphore(%arg29 : memref<!tpu.dma_semaphore, #tpu.memory_space<semaphore_mem>>) src(%arg21 : memref<40x128xf32, #tpu.memory_space<vmem>>) dst(%dma_wait3A_210 : memref<40x128xf32, #tpu.memory_space<vmem_shared>>)
    %mul3A_211 = arith.constant 640 : i32
    %mul3A_212 = arith.muli %arg1, %mul3A_211 : i32
    %dma_wait3A_213 = arith.constant 0 : i32
    %dma_wait3A_214 = tpu.memref_slice %arg28[%mul3A_212, %dma_wait3A_213] : memref<10240x128xf32, #tpu.memory_space<vmem_shared>> -> memref<40x128xf32, #tpu.memory_space<vmem_shared>>
    %dma_wait3A_215 = arith.constant 0 : i32
    %dma_wait3A_216 = tpu.memref_slice %arg28[%mul3A_212, %dma_wait3A_215] : memref<10240x128xf32, #tpu.memory_space<vmem_shared>> -> memref<40x128xf32, #tpu.memory_space<vmem_shared>>
    tpu.wait_dma2 semaphore(%arg29 : memref<!tpu.dma_semaphore, #tpu.memory_space<semaphore_mem>>) src(%arg21 : memref<40x128xf32, #tpu.memory_space<vmem>>) dst(%dma_wait3A_216 : memref<40x128xf32, #tpu.memory_space<vmem_shared>>)
    %mul3A_217 = arith.constant 640 : i32
    %mul3A_218 = arith.muli %arg1, %mul3A_217 : i32
    %dma_wait3A_219 = arith.constant 0 : i32
    %dma_wait3A_220 = tpu.memref_slice %arg28[%mul3A_218, %dma_wait3A_219] : memref<10240x128xf32, #tpu.memory_space<vmem_shared>> -> memref<40x128xf32, #tpu.memory_space<vmem_shared>>
    %dma_wait3A_221 = arith.constant 0 : i32
    %dma_wait3A_222 = tpu.memref_slice %arg28[%mul3A_218, %dma_wait3A_221] : memref<10240x128xf32, #tpu.memory_space<vmem_shared>> -> memref<40x128xf32, #tpu.memory_space<vmem_shared>>
    tpu.wait_dma2 semaphore(%arg29 : memref<!tpu.dma_semaphore, #tpu.memory_space<semaphore_mem>>) src(%arg21 : memref<40x128xf32, #tpu.memory_space<vmem>>) dst(%dma_wait3A_222 : memref<40x128xf32, #tpu.memory_space<vmem_shared>>)
    %barrier3A = arith.constant 0 : index
    tpu.barrier barrier_id(%barrier3A)
    %dma_start3A_223 = arith.constant 0 : i32
    %dma_start3A_224 = arith.constant 0 : i32
    %dma_start3A_225 = tpu.memref_slice %arg3[%add3A, %dma_start3A_223, %dma_start3A_224] : memref<32x250x40xi32, #tpu.memory_space<hbm>> -> memref<1x1x40xi32, #tpu.memory_space<hbm>>
    %dma_start3A_226 = tpu.memref_squeeze %dma_start3A_225 : memref<1x1x40xi32, #tpu.memory_space<hbm>> -> memref<40xi32, #tpu.memory_space<hbm>>
    %dma_start3A_227 = arith.constant 0 : i32
    %dma_start3A_228 = tpu.memref_slice %arg3[%add3A, %dma_start3A_223, %dma_start3A_227] : memref<32x250x40xi32, #tpu.memory_space<hbm>> -> memref<1x1x40xi32, #tpu.memory_space<hbm>>
    %dma_start3A_229 = tpu.memref_squeeze %dma_start3A_228 : memref<1x1x40xi32, #tpu.memory_space<hbm>> -> memref<40xi32, #tpu.memory_space<hbm>>
    tpu.enqueue_dma source(%dma_start3A_229 : memref<40xi32, #tpu.memory_space<hbm>>) target(%arg7 : memref<40xi32, #tpu.memory_space<vmem>>) target_semaphore(%arg43 : memref<!tpu.dma_semaphore, #tpu.memory_space<semaphore_mem>>)
    %dma_start3A_230 = arith.constant 1 : i32
    %dma_start3A_231 = arith.constant 0 : i32
    %dma_start3A_232 = tpu.memref_slice %arg3[%add3A, %dma_start3A_230, %dma_start3A_231] : memref<32x250x40xi32, #tpu.memory_space<hbm>> -> memref<1x1x40xi32, #tpu.memory_space<hbm>>
    %dma_start3A_233 = tpu.memref_squeeze %dma_start3A_232 : memref<1x1x40xi32, #tpu.memory_space<hbm>> -> memref<40xi32, #tpu.memory_space<hbm>>
    %dma_start3A_234 = arith.constant 0 : i32
    %dma_start3A_235 = tpu.memref_slice %arg3[%add3A, %dma_start3A_230, %dma_start3A_234] : memref<32x250x40xi32, #tpu.memory_space<hbm>> -> memref<1x1x40xi32, #tpu.memory_space<hbm>>
    %dma_start3A_236 = tpu.memref_squeeze %dma_start3A_235 : memref<1x1x40xi32, #tpu.memory_space<hbm>> -> memref<40xi32, #tpu.memory_space<hbm>>
    tpu.enqueue_dma source(%dma_start3A_236 : memref<40xi32, #tpu.memory_space<hbm>>) target(%arg8 : memref<40xi32, #tpu.memory_space<vmem>>) target_semaphore(%arg44 : memref<!tpu.dma_semaphore, #tpu.memory_space<semaphore_mem>>)
    %dma_start3A_237 = arith.constant 2 : i32
    %dma_start3A_238 = arith.constant 0 : i32
    %dma_start3A_239 = tpu.memref_slice %arg3[%add3A, %dma_start3A_237, %dma_start3A_238] : memref<32x250x40xi32, #tpu.memory_space<hbm>> -> memref<1x1x40xi32, #tpu.memory_space<hbm>>
    %dma_start3A_240 = tpu.memref_squeeze %dma_start3A_239 : memref<1x1x40xi32, #tpu.memory_space<hbm>> -> memref<40xi32, #tpu.memory_space<hbm>>
    %dma_start3A_241 = arith.constant 0 : i32
    %dma_start3A_242 = tpu.memref_slice %arg3[%add3A, %dma_start3A_237, %dma_start3A_241] : memref<32x250x40xi32, #tpu.memory_space<hbm>> -> memref<1x1x40xi32, #tpu.memory_space<hbm>>
    %dma_start3A_243 = tpu.memref_squeeze %dma_start3A_242 : memref<1x1x40xi32, #tpu.memory_space<hbm>> -> memref<40xi32, #tpu.memory_space<hbm>>
    tpu.enqueue_dma source(%dma_start3A_243 : memref<40xi32, #tpu.memory_space<hbm>>) target(%arg9 : memref<40xi32, #tpu.memory_space<vmem>>) target_semaphore(%arg45 : memref<!tpu.dma_semaphore, #tpu.memory_space<semaphore_mem>>)
    %dma_start3A_244 = arith.constant 3 : i32
    %dma_start3A_245 = arith.constant 0 : i32
    %dma_start3A_246 = tpu.memref_slice %arg3[%add3A, %dma_start3A_244, %dma_start3A_245] : memref<32x250x40xi32, #tpu.memory_space<hbm>> -> memref<1x1x40xi32, #tpu.memory_space<hbm>>
    %dma_start3A_247 = tpu.memref_squeeze %dma_start3A_246 : memref<1x1x40xi32, #tpu.memory_space<hbm>> -> memref<40xi32, #tpu.memory_space<hbm>>
    %dma_start3A_248 = arith.constant 0 : i32
    %dma_start3A_249 = tpu.memref_slice %arg3[%add3A, %dma_start3A_244, %dma_start3A_248] : memref<32x250x40xi32, #tpu.memory_space<hbm>> -> memref<1x1x40xi32, #tpu.memory_space<hbm>>
    %dma_start3A_250 = tpu.memref_squeeze %dma_start3A_249 : memref<1x1x40xi32, #tpu.memory_space<hbm>> -> memref<40xi32, #tpu.memory_space<hbm>>
    tpu.enqueue_dma source(%dma_start3A_250 : memref<40xi32, #tpu.memory_space<hbm>>) target(%arg10 : memref<40xi32, #tpu.memory_space<vmem>>) target_semaphore(%arg46 : memref<!tpu.dma_semaphore, #tpu.memory_space<semaphore_mem>>)
    %dma_start3A_251 = arith.constant 4 : i32
    %dma_start3A_252 = arith.constant 0 : i32
    %dma_start3A_253 = tpu.memref_slice %arg3[%add3A, %dma_start3A_251, %dma_start3A_252] : memref<32x250x40xi32, #tpu.memory_space<hbm>> -> memref<1x1x40xi32, #tpu.memory_space<hbm>>
    %dma_start3A_254 = tpu.memref_squeeze %dma_start3A_253 : memref<1x1x40xi32, #tpu.memory_space<hbm>> -> memref<40xi32, #tpu.memory_space<hbm>>
    %dma_start3A_255 = arith.constant 0 : i32
    %dma_start3A_256 = tpu.memref_slice %arg3[%add3A, %dma_start3A_251, %dma_start3A_255] : memref<32x250x40xi32, #tpu.memory_space<hbm>> -> memref<1x1x40xi32, #tpu.memory_space<hbm>>
    %dma_start3A_257 = tpu.memref_squeeze %dma_start3A_256 : memref<1x1x40xi32, #tpu.memory_space<hbm>> -> memref<40xi32, #tpu.memory_space<hbm>>
    tpu.enqueue_dma source(%dma_start3A_257 : memref<40xi32, #tpu.memory_space<hbm>>) target(%arg11 : memref<40xi32, #tpu.memory_space<vmem>>) target_semaphore(%arg47 : memref<!tpu.dma_semaphore, #tpu.memory_space<semaphore_mem>>)
    %dma_start3A_258 = arith.constant 5 : i32
    %dma_start3A_259 = arith.constant 0 : i32
    %dma_start3A_260 = tpu.memref_slice %arg3[%add3A, %dma_start3A_258, %dma_start3A_259] : memref<32x250x40xi32, #tpu.memory_space<hbm>> -> memref<1x1x40xi32, #tpu.memory_space<hbm>>
    %dma_start3A_261 = tpu.memref_squeeze %dma_start3A_260 : memref<1x1x40xi32, #tpu.memory_space<hbm>> -> memref<40xi32, #tpu.memory_space<hbm>>
    %dma_start3A_262 = arith.constant 0 : i32
    %dma_start3A_263 = tpu.memref_slice %arg3[%add3A, %dma_start3A_258, %dma_start3A_262] : memref<32x250x40xi32, #tpu.memory_space<hbm>> -> memref<1x1x40xi32, #tpu.memory_space<hbm>>
    %dma_start3A_264 = tpu.memref_squeeze %dma_start3A_263 : memref<1x1x40xi32, #tpu.memory_space<hbm>> -> memref<40xi32, #tpu.memory_space<hbm>>
    tpu.enqueue_dma source(%dma_start3A_264 : memref<40xi32, #tpu.memory_space<hbm>>) target(%arg12 : memref<40xi32, #tpu.memory_space<vmem>>) target_semaphore(%arg48 : memref<!tpu.dma_semaphore, #tpu.memory_space<semaphore_mem>>)
    %dma_start3A_265 = arith.constant 6 : i32
    %dma_start3A_266 = arith.constant 0 : i32
    %dma_start3A_267 = tpu.memref_slice %arg3[%add3A, %dma_start3A_265, %dma_start3A_266] : memref<32x250x40xi32, #tpu.memory_space<hbm>> -> memref<1x1x40xi32, #tpu.memory_space<hbm>>
    %dma_start3A_268 = tpu.memref_squeeze %dma_start3A_267 : memref<1x1x40xi32, #tpu.memory_space<hbm>> -> memref<40xi32, #tpu.memory_space<hbm>>
    %dma_start3A_269 = arith.constant 0 : i32
    %dma_start3A_270 = tpu.memref_slice %arg3[%add3A, %dma_start3A_265, %dma_start3A_269] : memref<32x250x40xi32, #tpu.memory_space<hbm>> -> memref<1x1x40xi32, #tpu.memory_space<hbm>>
    %dma_start3A_271 = tpu.memref_squeeze %dma_start3A_270 : memref<1x1x40xi32, #tpu.memory_space<hbm>> -> memref<40xi32, #tpu.memory_space<hbm>>
    tpu.enqueue_dma source(%dma_start3A_271 : memref<40xi32, #tpu.memory_space<hbm>>) target(%arg13 : memref<40xi32, #tpu.memory_space<vmem>>) target_semaphore(%arg49 : memref<!tpu.dma_semaphore, #tpu.memory_space<semaphore_mem>>)
    %dma_start3A_272 = arith.constant 0 : i32
    %dma_start3A_273 = arith.constant 0 : i32
    %dma_start3A_274 = tpu.memref_slice %arg4[%add3A, %dma_start3A_272, %dma_start3A_273] : memref<32x250x40xi32, #tpu.memory_space<hbm>> -> memref<1x1x40xi32, #tpu.memory_space<hbm>>
    %dma_start3A_275 = tpu.memref_squeeze %dma_start3A_274 : memref<1x1x40xi32, #tpu.memory_space<hbm>> -> memref<40xi32, #tpu.memory_space<hbm>>
    %dma_start3A_276 = arith.constant 0 : i32
    %dma_start3A_277 = tpu.memref_slice %arg4[%add3A, %dma_start3A_272, %dma_start3A_276] : memref<32x250x40xi32, #tpu.memory_space<hbm>> -> memref<1x1x40xi32, #tpu.memory_space<hbm>>
    %dma_start3A_278 = tpu.memref_squeeze %dma_start3A_277 : memref<1x1x40xi32, #tpu.memory_space<hbm>> -> memref<40xi32, #tpu.memory_space<hbm>>
    tpu.enqueue_dma source(%dma_start3A_278 : memref<40xi32, #tpu.memory_space<hbm>>) target(%arg14 : memref<40xi32, #tpu.memory_space<vmem>>) target_semaphore(%arg36 : memref<!tpu.dma_semaphore, #tpu.memory_space<semaphore_mem>>)
    %dma_wait3A_279 = arith.constant 0 : i32
    %dma_wait3A_280 = arith.constant 0 : i32
    %dma_wait3A_281 = tpu.memref_slice %arg3[%add3A, %dma_wait3A_279, %dma_wait3A_280] : memref<32x250x40xi32, #tpu.memory_space<hbm>> -> memref<1x1x40xi32, #tpu.memory_space<hbm>>
    %dma_wait3A_282 = tpu.memref_squeeze %dma_wait3A_281 : memref<1x1x40xi32, #tpu.memory_space<hbm>> -> memref<40xi32, #tpu.memory_space<hbm>>
    %dma_wait3A_283 = arith.constant 0 : i32
    %dma_wait3A_284 = tpu.memref_slice %arg3[%add3A, %dma_wait3A_279, %dma_wait3A_283] : memref<32x250x40xi32, #tpu.memory_space<hbm>> -> memref<1x1x40xi32, #tpu.memory_space<hbm>>
    %dma_wait3A_285 = tpu.memref_squeeze %dma_wait3A_284 : memref<1x1x40xi32, #tpu.memory_space<hbm>> -> memref<40xi32, #tpu.memory_space<hbm>>
    tpu.wait_dma2 semaphore(%arg43 : memref<!tpu.dma_semaphore, #tpu.memory_space<semaphore_mem>>) src(%dma_wait3A_285 : memref<40xi32, #tpu.memory_space<hbm>>) dst(%arg7 : memref<40xi32, #tpu.memory_space<vmem>>)
    %dma_start3A_286 = arith.constant 0 : i32
    %dma_start3A_287 = arith.constant 0 : i32
    %dma_start3A_288 = tpu.memref_slice %arg2[%dma_start3A_286, %dma_start3A_287] : memref<10000x128xf32, #tpu.memory_space<hbm>> -> memref<10000x128xf32, #tpu.memory_space<hbm>>
    tpu.enqueue_indirect_dma source(%dma_start3A_288 : memref<10000x128xf32, #tpu.memory_space<hbm>>) target(%arg21 : memref<40x128xf32, #tpu.memory_space<vmem>>) offsets(%arg7 : memref<40xi32, #tpu.memory_space<vmem>>) semaphore(%arg29 : memref<!tpu.dma_semaphore, #tpu.memory_space<semaphore_mem>>)
    %dma_start3A_289 = arith.constant 1 : i32
    %dma_start3A_290 = arith.constant 0 : i32
    %dma_start3A_291 = tpu.memref_slice %arg4[%add3A, %dma_start3A_289, %dma_start3A_290] : memref<32x250x40xi32, #tpu.memory_space<hbm>> -> memref<1x1x40xi32, #tpu.memory_space<hbm>>
    %dma_start3A_292 = tpu.memref_squeeze %dma_start3A_291 : memref<1x1x40xi32, #tpu.memory_space<hbm>> -> memref<40xi32, #tpu.memory_space<hbm>>
    %dma_start3A_293 = arith.constant 0 : i32
    %dma_start3A_294 = tpu.memref_slice %arg4[%add3A, %dma_start3A_289, %dma_start3A_293] : memref<32x250x40xi32, #tpu.memory_space<hbm>> -> memref<1x1x40xi32, #tpu.memory_space<hbm>>
    %dma_start3A_295 = tpu.memref_squeeze %dma_start3A_294 : memref<1x1x40xi32, #tpu.memory_space<hbm>> -> memref<40xi32, #tpu.memory_space<hbm>>
    tpu.enqueue_dma source(%dma_start3A_295 : memref<40xi32, #tpu.memory_space<hbm>>) target(%arg15 : memref<40xi32, #tpu.memory_space<vmem>>) target_semaphore(%arg37 : memref<!tpu.dma_semaphore, #tpu.memory_space<semaphore_mem>>)
    %dma_wait3A_296 = arith.constant 1 : i32
    %dma_wait3A_297 = arith.constant 0 : i32
    %dma_wait3A_298 = tpu.memref_slice %arg3[%add3A, %dma_wait3A_296, %dma_wait3A_297] : memref<32x250x40xi32, #tpu.memory_space<hbm>> -> memref<1x1x40xi32, #tpu.memory_space<hbm>>
    %dma_wait3A_299 = tpu.memref_squeeze %dma_wait3A_298 : memref<1x1x40xi32, #tpu.memory_space<hbm>> -> memref<40xi32, #tpu.memory_space<hbm>>
    %dma_wait3A_300 = arith.constant 0 : i32
    %dma_wait3A_301 = tpu.memref_slice %arg3[%add3A, %dma_wait3A_296, %dma_wait3A_300] : memref<32x250x40xi32, #tpu.memory_space<hbm>> -> memref<1x1x40xi32, #tpu.memory_space<hbm>>
    %dma_wait3A_302 = tpu.memref_squeeze %dma_wait3A_301 : memref<1x1x40xi32, #tpu.memory_space<hbm>> -> memref<40xi32, #tpu.memory_space<hbm>>
    tpu.wait_dma2 semaphore(%arg44 : memref<!tpu.dma_semaphore, #tpu.memory_space<semaphore_mem>>) src(%dma_wait3A_302 : memref<40xi32, #tpu.memory_space<hbm>>) dst(%arg8 : memref<40xi32, #tpu.memory_space<vmem>>)
    %dma_start3A_303 = arith.constant 0 : i32
    %dma_start3A_304 = arith.constant 0 : i32
    %dma_start3A_305 = tpu.memref_slice %arg2[%dma_start3A_303, %dma_start3A_304] : memref<10000x128xf32, #tpu.memory_space<hbm>> -> memref<10000x128xf32, #tpu.memory_space<hbm>>
    tpu.enqueue_indirect_dma source(%dma_start3A_305 : memref<10000x128xf32, #tpu.memory_space<hbm>>) target(%arg22 : memref<40x128xf32, #tpu.memory_space<vmem>>) offsets(%arg8 : memref<40xi32, #tpu.memory_space<vmem>>) semaphore(%arg30 : memref<!tpu.dma_semaphore, #tpu.memory_space<semaphore_mem>>)
    %dma_start3A_306 = arith.constant 2 : i32
    %dma_start3A_307 = arith.constant 0 : i32
    %dma_start3A_308 = tpu.memref_slice %arg4[%add3A, %dma_start3A_306, %dma_start3A_307] : memref<32x250x40xi32, #tpu.memory_space<hbm>> -> memref<1x1x40xi32, #tpu.memory_space<hbm>>
    %dma_start3A_309 = tpu.memref_squeeze %dma_start3A_308 : memref<1x1x40xi32, #tpu.memory_space<hbm>> -> memref<40xi32, #tpu.memory_space<hbm>>
    %dma_start3A_310 = arith.constant 0 : i32
    %dma_start3A_311 = tpu.memref_slice %arg4[%add3A, %dma_start3A_306, %dma_start3A_310] : memref<32x250x40xi32, #tpu.memory_space<hbm>> -> memref<1x1x40xi32, #tpu.memory_space<hbm>>
    %dma_start3A_312 = tpu.memref_squeeze %dma_start3A_311 : memref<1x1x40xi32, #tpu.memory_space<hbm>> -> memref<40xi32, #tpu.memory_space<hbm>>
    tpu.enqueue_dma source(%dma_start3A_312 : memref<40xi32, #tpu.memory_space<hbm>>) target(%arg16 : memref<40xi32, #tpu.memory_space<vmem>>) target_semaphore(%arg38 : memref<!tpu.dma_semaphore, #tpu.memory_space<semaphore_mem>>)
    %dma_wait3A_313 = arith.constant 2 : i32
    %dma_wait3A_314 = arith.constant 0 : i32
    %dma_wait3A_315 = tpu.memref_slice %arg3[%add3A, %dma_wait3A_313, %dma_wait3A_314] : memref<32x250x40xi32, #tpu.memory_space<hbm>> -> memref<1x1x40xi32, #tpu.memory_space<hbm>>
    %dma_wait3A_316 = tpu.memref_squeeze %dma_wait3A_315 : memref<1x1x40xi32, #tpu.memory_space<hbm>> -> memref<40xi32, #tpu.memory_space<hbm>>
    %dma_wait3A_317 = arith.constant 0 : i32
    %dma_wait3A_318 = tpu.memref_slice %arg3[%add3A, %dma_wait3A_313, %dma_wait3A_317] : memref<32x250x40xi32, #tpu.memory_space<hbm>> -> memref<1x1x40xi32, #tpu.memory_space<hbm>>
    %dma_wait3A_319 = tpu.memref_squeeze %dma_wait3A_318 : memref<1x1x40xi32, #tpu.memory_space<hbm>> -> memref<40xi32, #tpu.memory_space<hbm>>
    tpu.wait_dma2 semaphore(%arg45 : memref<!tpu.dma_semaphore, #tpu.memory_space<semaphore_mem>>) src(%dma_wait3A_319 : memref<40xi32, #tpu.memory_space<hbm>>) dst(%arg9 : memref<40xi32, #tpu.memory_space<vmem>>)
    %dma_start3A_320 = arith.constant 0 : i32
    %dma_start3A_321 = arith.constant 0 : i32
    %dma_start3A_322 = tpu.memref_slice %arg2[%dma_start3A_320, %dma_start3A_321] : memref<10000x128xf32, #tpu.memory_space<hbm>> -> memref<10000x128xf32, #tpu.memory_space<hbm>>
    tpu.enqueue_indirect_dma source(%dma_start3A_322 : memref<10000x128xf32, #tpu.memory_space<hbm>>) target(%arg23 : memref<40x128xf32, #tpu.memory_space<vmem>>) offsets(%arg9 : memref<40xi32, #tpu.memory_space<vmem>>) semaphore(%arg31 : memref<!tpu.dma_semaphore, #tpu.memory_space<semaphore_mem>>)
    %dma_start3A_323 = arith.constant 3 : i32
    %dma_start3A_324 = arith.constant 0 : i32
    %dma_start3A_325 = tpu.memref_slice %arg4[%add3A, %dma_start3A_323, %dma_start3A_324] : memref<32x250x40xi32, #tpu.memory_space<hbm>> -> memref<1x1x40xi32, #tpu.memory_space<hbm>>
    %dma_start3A_326 = tpu.memref_squeeze %dma_start3A_325 : memref<1x1x40xi32, #tpu.memory_space<hbm>> -> memref<40xi32, #tpu.memory_space<hbm>>
    %dma_start3A_327 = arith.constant 0 : i32
    %dma_start3A_328 = tpu.memref_slice %arg4[%add3A, %dma_start3A_323, %dma_start3A_327] : memref<32x250x40xi32, #tpu.memory_space<hbm>> -> memref<1x1x40xi32, #tpu.memory_space<hbm>>
    %dma_start3A_329 = tpu.memref_squeeze %dma_start3A_328 : memref<1x1x40xi32, #tpu.memory_space<hbm>> -> memref<40xi32, #tpu.memory_space<hbm>>
    tpu.enqueue_dma source(%dma_start3A_329 : memref<40xi32, #tpu.memory_space<hbm>>) target(%arg17 : memref<40xi32, #tpu.memory_space<vmem>>) target_semaphore(%arg39 : memref<!tpu.dma_semaphore, #tpu.memory_space<semaphore_mem>>)
    %dma_wait3A_330 = arith.constant 3 : i32
    %dma_wait3A_331 = arith.constant 0 : i32
    %dma_wait3A_332 = tpu.memref_slice %arg3[%add3A, %dma_wait3A_330, %dma_wait3A_331] : memref<32x250x40xi32, #tpu.memory_space<hbm>> -> memref<1x1x40xi32, #tpu.memory_space<hbm>>
    %dma_wait3A_333 = tpu.memref_squeeze %dma_wait3A_332 : memref<1x1x40xi32, #tpu.memory_space<hbm>> -> memref<40xi32, #tpu.memory_space<hbm>>
    %dma_wait3A_334 = arith.constant 0 : i32
    %dma_wait3A_335 = tpu.memref_slice %arg3[%add3A, %dma_wait3A_330, %dma_wait3A_334] : memref<32x250x40xi32, #tpu.memory_space<hbm>> -> memref<1x1x40xi32, #tpu.memory_space<hbm>>
    %dma_wait3A_336 = tpu.memref_squeeze %dma_wait3A_335 : memref<1x1x40xi32, #tpu.memory_space<hbm>> -> memref<40xi32, #tpu.memory_space<hbm>>
    tpu.wait_dma2 semaphore(%arg46 : memref<!tpu.dma_semaphore, #tpu.memory_space<semaphore_mem>>) src(%dma_wait3A_336 : memref<40xi32, #tpu.memory_space<hbm>>) dst(%arg10 : memref<40xi32, #tpu.memory_space<vmem>>)
    %dma_start3A_337 = arith.constant 0 : i32
    %dma_start3A_338 = arith.constant 0 : i32
    %dma_start3A_339 = tpu.memref_slice %arg2[%dma_start3A_337, %dma_start3A_338] : memref<10000x128xf32, #tpu.memory_space<hbm>> -> memref<10000x128xf32, #tpu.memory_space<hbm>>
    tpu.enqueue_indirect_dma source(%dma_start3A_339 : memref<10000x128xf32, #tpu.memory_space<hbm>>) target(%arg24 : memref<40x128xf32, #tpu.memory_space<vmem>>) offsets(%arg10 : memref<40xi32, #tpu.memory_space<vmem>>) semaphore(%arg32 : memref<!tpu.dma_semaphore, #tpu.memory_space<semaphore_mem>>)
    %scan3A = arith.constant 0 : i32
    %scan3A_340 = arith.constant 0 : i32
    %scan3A_341 = arith.constant 250 : i32
    %scan3A_342 = arith.addi %scan3A_340, %scan3A_341 : i32
    %scan3A_343 = arith.constant 1 : i32
    scf.for %scan3A_615 = %scan3A_340 to %scan3A_342 step %scan3A_343  : i32 {
      %jit3A = arith.constant 7 : i32
      %eq3A = arith.constant 0 : i32
      %eq3A_616 = arith.cmpi eq, %jit3A, %eq3A : i32
      %jit3A_617 = arith.constant 1 : i32
      %select_n3A = arith.select %eq3A_616, %jit3A_617, %jit3A : i32
      %rem3A = arith.remsi %scan3A_615, %select_n3A : i32
      %ne3A = arith.constant 0 : i32
      %ne3A_618 = arith.cmpi ne, %rem3A, %ne3A : i32
      %lt3A = arith.constant 0 : i32
      %lt3A_619 = arith.cmpi slt, %rem3A, %lt3A : i32
      %lt3A_620 = arith.constant 0 : i32
      %lt3A_621 = arith.cmpi slt, %select_n3A, %lt3A_620 : i32
      %ne3A_622 = arith.xori %lt3A_619, %lt3A_621 : i1
      %and3A = arith.andi %ne3A_622, %ne3A_618 : i1
      %add3A_623 = arith.addi %rem3A, %select_n3A : i32
      %select_n3A_624 = arith.select %and3A, %add3A_623, %rem3A : i32
      %eq3A_625 = arith.constant 0 : i32
      %eq3A_626 = arith.cmpi eq, %select_n3A_624, %eq3A_625 : i32
      %convert_element_type3A = arith.extui %eq3A_626 : i1 to i32
      %cond3A = arith.constant 0 : i32
      %cond3A_627 = arith.cmpi ne, %convert_element_type3A, %cond3A : i32
      scf.if %cond3A_627 {
        %dma_wait3A_754 = arith.constant 0 : i32
        %dma_wait3A_755 = arith.constant 0 : i32
        %dma_wait3A_756 = tpu.memref_slice %arg2[%dma_wait3A_754, %dma_wait3A_755] : memref<10000x128xf32, #tpu.memory_space<hbm>> -> memref<10000x128xf32, #tpu.memory_space<hbm>>
        tpu.wait_indirect_dma semaphore(%arg29 : memref<!tpu.dma_semaphore, #tpu.memory_space<semaphore_mem>>) src(%dma_wait3A_756 : memref<10000x128xf32, #tpu.memory_space<hbm>>) dst(%arg21 : memref<40x128xf32, #tpu.memory_space<vmem>>)
        %ge3A = arith.constant 3 : i32
        %ge3A_757 = arith.cmpi sge, %scan3A_615, %ge3A : i32
        %convert_element_type3A_758 = arith.extui %ge3A_757 : i1 to i32
        %cond3A_759 = arith.constant 0 : i32
        %cond3A_760 = arith.cmpi ne, %convert_element_type3A_758, %cond3A_759 : i32
        scf.if %cond3A_760 {
          %dma_wait3A_784 = arith.constant 0 : i32
          %dma_wait3A_785 = arith.constant 0 : i32
          %dma_wait3A_786 = tpu.memref_slice %arg28[%dma_wait3A_784, %dma_wait3A_785] : memref<10240x128xf32, #tpu.memory_space<vmem_shared>> -> memref<10240x128xf32, #tpu.memory_space<vmem_shared>>
          tpu.wait_indirect_dma semaphore(%arg54 : memref<!tpu.dma_semaphore, #tpu.memory_space<semaphore_mem>>) src(%arg25 : memref<40x128xf32, #tpu.memory_space<vmem>>) dst(%dma_wait3A_786 : memref<10240x128xf32, #tpu.memory_space<vmem_shared>>)
        } else {
        }
        %dma_wait3A_761 = arith.constant 0 : i32
        %dma_wait3A_762 = tpu.memref_slice %arg4[%add3A, %scan3A_615, %dma_wait3A_761] : memref<32x250x40xi32, #tpu.memory_space<hbm>> -> memref<1x1x40xi32, #tpu.memory_space<hbm>>
        %dma_wait3A_763 = tpu.memref_squeeze %dma_wait3A_762 : memref<1x1x40xi32, #tpu.memory_space<hbm>> -> memref<40xi32, #tpu.memory_space<hbm>>
        %dma_wait3A_764 = arith.constant 0 : i32
        %dma_wait3A_765 = tpu.memref_slice %arg4[%add3A, %scan3A_615, %dma_wait3A_764] : memref<32x250x40xi32, #tpu.memory_space<hbm>> -> memref<1x1x40xi32, #tpu.memory_space<hbm>>
        %dma_wait3A_766 = tpu.memref_squeeze %dma_wait3A_765 : memref<1x1x40xi32, #tpu.memory_space<hbm>> -> memref<40xi32, #tpu.memory_space<hbm>>
        tpu.wait_dma2 semaphore(%arg36 : memref<!tpu.dma_semaphore, #tpu.memory_space<semaphore_mem>>) src(%dma_wait3A_766 : memref<40xi32, #tpu.memory_space<hbm>>) dst(%arg14 : memref<40xi32, #tpu.memory_space<vmem>>)
        %dma_start3A_767 = arith.constant 0 : i32
        %dma_start3A_768 = arith.constant 0 : i32
        %dma_start3A_769 = tpu.memref_slice %arg28[%dma_start3A_767, %dma_start3A_768] : memref<10240x128xf32, #tpu.memory_space<vmem_shared>> -> memref<10240x128xf32, #tpu.memory_space<vmem_shared>>
        tpu.enqueue_indirect_dma source(%arg21 : memref<40x128xf32, #tpu.memory_space<vmem>>) target(%dma_start3A_769 : memref<10240x128xf32, #tpu.memory_space<vmem_shared>>) offsets(%arg14 : memref<40xi32, #tpu.memory_space<vmem>>) semaphore(%arg50 : memref<!tpu.dma_semaphore, #tpu.memory_space<semaphore_mem>>) {add = true}
        %add3A_770 = arith.constant 7 : i32
        %add3A_771 = arith.addi %scan3A_615, %add3A_770 : i32
        %lt3A_772 = arith.constant 250 : i32
        %lt3A_773 = arith.cmpi slt, %add3A_771, %lt3A_772 : i32
        %convert_element_type3A_774 = arith.extui %lt3A_773 : i1 to i32
        %cond3A_775 = arith.constant 0 : i32
        %cond3A_776 = arith.cmpi ne, %convert_element_type3A_774, %cond3A_775 : i32
        scf.if %cond3A_776 {
          %add3A_784 = arith.constant 7 : i32
          %add3A_785 = arith.addi %scan3A_615, %add3A_784 : i32
          %dma_start3A_786 = arith.constant 0 : i32
          %dma_start3A_787 = tpu.memref_slice %arg3[%add3A, %add3A_785, %dma_start3A_786] : memref<32x250x40xi32, #tpu.memory_space<hbm>> -> memref<1x1x40xi32, #tpu.memory_space<hbm>>
          %dma_start3A_788 = tpu.memref_squeeze %dma_start3A_787 : memref<1x1x40xi32, #tpu.memory_space<hbm>> -> memref<40xi32, #tpu.memory_space<hbm>>
          %dma_start3A_789 = arith.constant 0 : i32
          %dma_start3A_790 = tpu.memref_slice %arg3[%add3A, %add3A_785, %dma_start3A_789] : memref<32x250x40xi32, #tpu.memory_space<hbm>> -> memref<1x1x40xi32, #tpu.memory_space<hbm>>
          %dma_start3A_791 = tpu.memref_squeeze %dma_start3A_790 : memref<1x1x40xi32, #tpu.memory_space<hbm>> -> memref<40xi32, #tpu.memory_space<hbm>>
          tpu.enqueue_dma source(%dma_start3A_791 : memref<40xi32, #tpu.memory_space<hbm>>) target(%arg7 : memref<40xi32, #tpu.memory_space<vmem>>) target_semaphore(%arg43 : memref<!tpu.dma_semaphore, #tpu.memory_space<semaphore_mem>>)
        } else {
        }
        %add3A_777 = arith.constant 4 : i32
        %add3A_778 = arith.addi %scan3A_615, %add3A_777 : i32
        %lt3A_779 = arith.constant 250 : i32
        %lt3A_780 = arith.cmpi slt, %add3A_778, %lt3A_779 : i32
        %convert_element_type3A_781 = arith.extui %lt3A_780 : i1 to i32
        %cond3A_782 = arith.constant 0 : i32
        %cond3A_783 = arith.cmpi ne, %convert_element_type3A_781, %cond3A_782 : i32
        scf.if %cond3A_783 {
          %add3A_784 = arith.constant 4 : i32
          %add3A_785 = arith.addi %scan3A_615, %add3A_784 : i32
          %dma_start3A_786 = arith.constant 0 : i32
          %dma_start3A_787 = tpu.memref_slice %arg4[%add3A, %add3A_785, %dma_start3A_786] : memref<32x250x40xi32, #tpu.memory_space<hbm>> -> memref<1x1x40xi32, #tpu.memory_space<hbm>>
          %dma_start3A_788 = tpu.memref_squeeze %dma_start3A_787 : memref<1x1x40xi32, #tpu.memory_space<hbm>> -> memref<40xi32, #tpu.memory_space<hbm>>
          %dma_start3A_789 = arith.constant 0 : i32
          %dma_start3A_790 = tpu.memref_slice %arg4[%add3A, %add3A_785, %dma_start3A_789] : memref<32x250x40xi32, #tpu.memory_space<hbm>> -> memref<1x1x40xi32, #tpu.memory_space<hbm>>
          %dma_start3A_791 = tpu.memref_squeeze %dma_start3A_790 : memref<1x1x40xi32, #tpu.memory_space<hbm>> -> memref<40xi32, #tpu.memory_space<hbm>>
          tpu.enqueue_dma source(%dma_start3A_791 : memref<40xi32, #tpu.memory_space<hbm>>) target(%arg18 : memref<40xi32, #tpu.memory_space<vmem>>) target_semaphore(%arg40 : memref<!tpu.dma_semaphore, #tpu.memory_space<semaphore_mem>>)
          %add3A_792 = arith.constant 4 : i32
          %add3A_793 = arith.addi %scan3A_615, %add3A_792 : i32
          %dma_wait3A_794 = arith.constant 0 : i32
          %dma_wait3A_795 = tpu.memref_slice %arg3[%add3A, %add3A_793, %dma_wait3A_794] : memref<32x250x40xi32, #tpu.memory_space<hbm>> -> memref<1x1x40xi32, #tpu.memory_space<hbm>>
          %dma_wait3A_796 = tpu.memref_squeeze %dma_wait3A_795 : memref<1x1x40xi32, #tpu.memory_space<hbm>> -> memref<40xi32, #tpu.memory_space<hbm>>
          %dma_wait3A_797 = arith.constant 0 : i32
          %dma_wait3A_798 = tpu.memref_slice %arg3[%add3A, %add3A_793, %dma_wait3A_797] : memref<32x250x40xi32, #tpu.memory_space<hbm>> -> memref<1x1x40xi32, #tpu.memory_space<hbm>>
          %dma_wait3A_799 = tpu.memref_squeeze %dma_wait3A_798 : memref<1x1x40xi32, #tpu.memory_space<hbm>> -> memref<40xi32, #tpu.memory_space<hbm>>
          tpu.wait_dma2 semaphore(%arg47 : memref<!tpu.dma_semaphore, #tpu.memory_space<semaphore_mem>>) src(%dma_wait3A_799 : memref<40xi32, #tpu.memory_space<hbm>>) dst(%arg11 : memref<40xi32, #tpu.memory_space<vmem>>)
          %dma_start3A_800 = arith.constant 0 : i32
          %dma_start3A_801 = arith.constant 0 : i32
          %dma_start3A_802 = tpu.memref_slice %arg2[%dma_start3A_800, %dma_start3A_801] : memref<10000x128xf32, #tpu.memory_space<hbm>> -> memref<10000x128xf32, #tpu.memory_space<hbm>>
          tpu.enqueue_indirect_dma source(%dma_start3A_802 : memref<10000x128xf32, #tpu.memory_space<hbm>>) target(%arg25 : memref<40x128xf32, #tpu.memory_space<vmem>>) offsets(%arg11 : memref<40xi32, #tpu.memory_space<vmem>>) semaphore(%arg33 : memref<!tpu.dma_semaphore, #tpu.memory_space<semaphore_mem>>)
        } else {
        }
      } else {
      }
      %jit3A_628 = arith.constant 7 : i32
      %eq3A_629 = arith.constant 0 : i32
      %eq3A_630 = arith.cmpi eq, %jit3A_628, %eq3A_629 : i32
      %jit3A_631 = arith.constant 1 : i32
      %select_n3A_632 = arith.select %eq3A_630, %jit3A_631, %jit3A_628 : i32
      %rem3A_633 = arith.remsi %scan3A_615, %select_n3A_632 : i32
      %ne3A_634 = arith.constant 0 : i32
      %ne3A_635 = arith.cmpi ne, %rem3A_633, %ne3A_634 : i32
      %lt3A_636 = arith.constant 0 : i32
      %lt3A_637 = arith.cmpi slt, %rem3A_633, %lt3A_636 : i32
      %lt3A_638 = arith.constant 0 : i32
      %lt3A_639 = arith.cmpi slt, %select_n3A_632, %lt3A_638 : i32
      %ne3A_640 = arith.xori %lt3A_637, %lt3A_639 : i1
      %and3A_641 = arith.andi %ne3A_640, %ne3A_635 : i1
      %add3A_642 = arith.addi %rem3A_633, %select_n3A_632 : i32
      %select_n3A_643 = arith.select %and3A_641, %add3A_642, %rem3A_633 : i32
      %eq3A_644 = arith.constant 1 : i32
      %eq3A_645 = arith.cmpi eq, %select_n3A_643, %eq3A_644 : i32
      %convert_element_type3A_646 = arith.extui %eq3A_645 : i1 to i32
      %cond3A_647 = arith.constant 0 : i32
      %cond3A_648 = arith.cmpi ne, %convert_element_type3A_646, %cond3A_647 : i32
      scf.if %cond3A_648 {
        %dma_wait3A_754 = arith.constant 0 : i32
        %dma_wait3A_755 = arith.constant 0 : i32
        %dma_wait3A_756 = tpu.memref_slice %arg2[%dma_wait3A_754, %dma_wait3A_755] : memref<10000x128xf32, #tpu.memory_space<hbm>> -> memref<10000x128xf32, #tpu.memory_space<hbm>>
        tpu.wait_indirect_dma semaphore(%arg30 : memref<!tpu.dma_semaphore, #tpu.memory_space<semaphore_mem>>) src(%dma_wait3A_756 : memref<10000x128xf32, #tpu.memory_space<hbm>>) dst(%arg22 : memref<40x128xf32, #tpu.memory_space<vmem>>)
        %ge3A = arith.constant 3 : i32
        %ge3A_757 = arith.cmpi sge, %scan3A_615, %ge3A : i32
        %convert_element_type3A_758 = arith.extui %ge3A_757 : i1 to i32
        %cond3A_759 = arith.constant 0 : i32
        %cond3A_760 = arith.cmpi ne, %convert_element_type3A_758, %cond3A_759 : i32
        scf.if %cond3A_760 {
          %dma_wait3A_784 = arith.constant 0 : i32
          %dma_wait3A_785 = arith.constant 0 : i32
          %dma_wait3A_786 = tpu.memref_slice %arg28[%dma_wait3A_784, %dma_wait3A_785] : memref<10240x128xf32, #tpu.memory_space<vmem_shared>> -> memref<10240x128xf32, #tpu.memory_space<vmem_shared>>
          tpu.wait_indirect_dma semaphore(%arg55 : memref<!tpu.dma_semaphore, #tpu.memory_space<semaphore_mem>>) src(%arg26 : memref<40x128xf32, #tpu.memory_space<vmem>>) dst(%dma_wait3A_786 : memref<10240x128xf32, #tpu.memory_space<vmem_shared>>)
        } else {
        }
        %dma_wait3A_761 = arith.constant 0 : i32
        %dma_wait3A_762 = tpu.memref_slice %arg4[%add3A, %scan3A_615, %dma_wait3A_761] : memref<32x250x40xi32, #tpu.memory_space<hbm>> -> memref<1x1x40xi32, #tpu.memory_space<hbm>>
        %dma_wait3A_763 = tpu.memref_squeeze %dma_wait3A_762 : memref<1x1x40xi32, #tpu.memory_space<hbm>> -> memref<40xi32, #tpu.memory_space<hbm>>
        %dma_wait3A_764 = arith.constant 0 : i32
        %dma_wait3A_765 = tpu.memref_slice %arg4[%add3A, %scan3A_615, %dma_wait3A_764] : memref<32x250x40xi32, #tpu.memory_space<hbm>> -> memref<1x1x40xi32, #tpu.memory_space<hbm>>
        %dma_wait3A_766 = tpu.memref_squeeze %dma_wait3A_765 : memref<1x1x40xi32, #tpu.memory_space<hbm>> -> memref<40xi32, #tpu.memory_space<hbm>>
        tpu.wait_dma2 semaphore(%arg37 : memref<!tpu.dma_semaphore, #tpu.memory_space<semaphore_mem>>) src(%dma_wait3A_766 : memref<40xi32, #tpu.memory_space<hbm>>) dst(%arg15 : memref<40xi32, #tpu.memory_space<vmem>>)
        %dma_start3A_767 = arith.constant 0 : i32
        %dma_start3A_768 = arith.constant 0 : i32
        %dma_start3A_769 = tpu.memref_slice %arg28[%dma_start3A_767, %dma_start3A_768] : memref<10240x128xf32, #tpu.memory_space<vmem_shared>> -> memref<10240x128xf32, #tpu.memory_space<vmem_shared>>
        tpu.enqueue_indirect_dma source(%arg22 : memref<40x128xf32, #tpu.memory_space<vmem>>) target(%dma_start3A_769 : memref<10240x128xf32, #tpu.memory_space<vmem_shared>>) offsets(%arg15 : memref<40xi32, #tpu.memory_space<vmem>>) semaphore(%arg51 : memref<!tpu.dma_semaphore, #tpu.memory_space<semaphore_mem>>) {add = true}
        %add3A_770 = arith.constant 7 : i32
        %add3A_771 = arith.addi %scan3A_615, %add3A_770 : i32
        %lt3A_772 = arith.constant 250 : i32
        %lt3A_773 = arith.cmpi slt, %add3A_771, %lt3A_772 : i32
        %convert_element_type3A_774 = arith.extui %lt3A_773 : i1 to i32
        %cond3A_775 = arith.constant 0 : i32
        %cond3A_776 = arith.cmpi ne, %convert_element_type3A_774, %cond3A_775 : i32
        scf.if %cond3A_776 {
          %add3A_784 = arith.constant 7 : i32
          %add3A_785 = arith.addi %scan3A_615, %add3A_784 : i32
          %dma_start3A_786 = arith.constant 0 : i32
          %dma_start3A_787 = tpu.memref_slice %arg3[%add3A, %add3A_785, %dma_start3A_786] : memref<32x250x40xi32, #tpu.memory_space<hbm>> -> memref<1x1x40xi32, #tpu.memory_space<hbm>>
          %dma_start3A_788 = tpu.memref_squeeze %dma_start3A_787 : memref<1x1x40xi32, #tpu.memory_space<hbm>> -> memref<40xi32, #tpu.memory_space<hbm>>
          %dma_start3A_789 = arith.constant 0 : i32
          %dma_start3A_790 = tpu.memref_slice %arg3[%add3A, %add3A_785, %dma_start3A_789] : memref<32x250x40xi32, #tpu.memory_space<hbm>> -> memref<1x1x40xi32, #tpu.memory_space<hbm>>
          %dma_start3A_791 = tpu.memref_squeeze %dma_start3A_790 : memref<1x1x40xi32, #tpu.memory_space<hbm>> -> memref<40xi32, #tpu.memory_space<hbm>>
          tpu.enqueue_dma source(%dma_start3A_791 : memref<40xi32, #tpu.memory_space<hbm>>) target(%arg8 : memref<40xi32, #tpu.memory_space<vmem>>) target_semaphore(%arg44 : memref<!tpu.dma_semaphore, #tpu.memory_space<semaphore_mem>>)
        } else {
        }
        %add3A_777 = arith.constant 4 : i32
        %add3A_778 = arith.addi %scan3A_615, %add3A_777 : i32
        %lt3A_779 = arith.constant 250 : i32
        %lt3A_780 = arith.cmpi slt, %add3A_778, %lt3A_779 : i32
        %convert_element_type3A_781 = arith.extui %lt3A_780 : i1 to i32
        %cond3A_782 = arith.constant 0 : i32
        %cond3A_783 = arith.cmpi ne, %convert_element_type3A_781, %cond3A_782 : i32
        scf.if %cond3A_783 {
          %add3A_784 = arith.constant 4 : i32
          %add3A_785 = arith.addi %scan3A_615, %add3A_784 : i32
          %dma_start3A_786 = arith.constant 0 : i32
          %dma_start3A_787 = tpu.memref_slice %arg4[%add3A, %add3A_785, %dma_start3A_786] : memref<32x250x40xi32, #tpu.memory_space<hbm>> -> memref<1x1x40xi32, #tpu.memory_space<hbm>>
          %dma_start3A_788 = tpu.memref_squeeze %dma_start3A_787 : memref<1x1x40xi32, #tpu.memory_space<hbm>> -> memref<40xi32, #tpu.memory_space<hbm>>
          %dma_start3A_789 = arith.constant 0 : i32
          %dma_start3A_790 = tpu.memref_slice %arg4[%add3A, %add3A_785, %dma_start3A_789] : memref<32x250x40xi32, #tpu.memory_space<hbm>> -> memref<1x1x40xi32, #tpu.memory_space<hbm>>
          %dma_start3A_791 = tpu.memref_squeeze %dma_start3A_790 : memref<1x1x40xi32, #tpu.memory_space<hbm>> -> memref<40xi32, #tpu.memory_space<hbm>>
          tpu.enqueue_dma source(%dma_start3A_791 : memref<40xi32, #tpu.memory_space<hbm>>) target(%arg19 : memref<40xi32, #tpu.memory_space<vmem>>) target_semaphore(%arg41 : memref<!tpu.dma_semaphore, #tpu.memory_space<semaphore_mem>>)
          %add3A_792 = arith.constant 4 : i32
          %add3A_793 = arith.addi %scan3A_615, %add3A_792 : i32
          %dma_wait3A_794 = arith.constant 0 : i32
          %dma_wait3A_795 = tpu.memref_slice %arg3[%add3A, %add3A_793, %dma_wait3A_794] : memref<32x250x40xi32, #tpu.memory_space<hbm>> -> memref<1x1x40xi32, #tpu.memory_space<hbm>>
          %dma_wait3A_796 = tpu.memref_squeeze %dma_wait3A_795 : memref<1x1x40xi32, #tpu.memory_space<hbm>> -> memref<40xi32, #tpu.memory_space<hbm>>
          %dma_wait3A_797 = arith.constant 0 : i32
          %dma_wait3A_798 = tpu.memref_slice %arg3[%add3A, %add3A_793, %dma_wait3A_797] : memref<32x250x40xi32, #tpu.memory_space<hbm>> -> memref<1x1x40xi32, #tpu.memory_space<hbm>>
          %dma_wait3A_799 = tpu.memref_squeeze %dma_wait3A_798 : memref<1x1x40xi32, #tpu.memory_space<hbm>> -> memref<40xi32, #tpu.memory_space<hbm>>
          tpu.wait_dma2 semaphore(%arg48 : memref<!tpu.dma_semaphore, #tpu.memory_space<semaphore_mem>>) src(%dma_wait3A_799 : memref<40xi32, #tpu.memory_space<hbm>>) dst(%arg12 : memref<40xi32, #tpu.memory_space<vmem>>)
          %dma_start3A_800 = arith.constant 0 : i32
          %dma_start3A_801 = arith.constant 0 : i32
          %dma_start3A_802 = tpu.memref_slice %arg2[%dma_start3A_800, %dma_start3A_801] : memref<10000x128xf32, #tpu.memory_space<hbm>> -> memref<10000x128xf32, #tpu.memory_space<hbm>>
          tpu.enqueue_indirect_dma source(%dma_start3A_802 : memref<10000x128xf32, #tpu.memory_space<hbm>>) target(%arg26 : memref<40x128xf32, #tpu.memory_space<vmem>>) offsets(%arg12 : memref<40xi32, #tpu.memory_space<vmem>>) semaphore(%arg34 : memref<!tpu.dma_semaphore, #tpu.memory_space<semaphore_mem>>)
        } else {
        }
      } else {
      }
      %jit3A_649 = arith.constant 7 : i32
      %eq3A_650 = arith.constant 0 : i32
      %eq3A_651 = arith.cmpi eq, %jit3A_649, %eq3A_650 : i32
      %jit3A_652 = arith.constant 1 : i32
      %select_n3A_653 = arith.select %eq3A_651, %jit3A_652, %jit3A_649 : i32
      %rem3A_654 = arith.remsi %scan3A_615, %select_n3A_653 : i32
      %ne3A_655 = arith.constant 0 : i32
      %ne3A_656 = arith.cmpi ne, %rem3A_654, %ne3A_655 : i32
      %lt3A_657 = arith.constant 0 : i32
      %lt3A_658 = arith.cmpi slt, %rem3A_654, %lt3A_657 : i32
      %lt3A_659 = arith.constant 0 : i32
      %lt3A_660 = arith.cmpi slt, %select_n3A_653, %lt3A_659 : i32
      %ne3A_661 = arith.xori %lt3A_658, %lt3A_660 : i1
      %and3A_662 = arith.andi %ne3A_661, %ne3A_656 : i1
      %add3A_663 = arith.addi %rem3A_654, %select_n3A_653 : i32
      %select_n3A_664 = arith.select %and3A_662, %add3A_663, %rem3A_654 : i32
      %eq3A_665 = arith.constant 2 : i32
      %eq3A_666 = arith.cmpi eq, %select_n3A_664, %eq3A_665 : i32
      %convert_element_type3A_667 = arith.extui %eq3A_666 : i1 to i32
      %cond3A_668 = arith.constant 0 : i32
      %cond3A_669 = arith.cmpi ne, %convert_element_type3A_667, %cond3A_668 : i32
      scf.if %cond3A_669 {
        %dma_wait3A_754 = arith.constant 0 : i32
        %dma_wait3A_755 = arith.constant 0 : i32
        %dma_wait3A_756 = tpu.memref_slice %arg2[%dma_wait3A_754, %dma_wait3A_755] : memref<10000x128xf32, #tpu.memory_space<hbm>> -> memref<10000x128xf32, #tpu.memory_space<hbm>>
        tpu.wait_indirect_dma semaphore(%arg31 : memref<!tpu.dma_semaphore, #tpu.memory_space<semaphore_mem>>) src(%dma_wait3A_756 : memref<10000x128xf32, #tpu.memory_space<hbm>>) dst(%arg23 : memref<40x128xf32, #tpu.memory_space<vmem>>)
        %ge3A = arith.constant 3 : i32
        %ge3A_757 = arith.cmpi sge, %scan3A_615, %ge3A : i32
        %convert_element_type3A_758 = arith.extui %ge3A_757 : i1 to i32
        %cond3A_759 = arith.constant 0 : i32
        %cond3A_760 = arith.cmpi ne, %convert_element_type3A_758, %cond3A_759 : i32
        scf.if %cond3A_760 {
          %dma_wait3A_784 = arith.constant 0 : i32
          %dma_wait3A_785 = arith.constant 0 : i32
          %dma_wait3A_786 = tpu.memref_slice %arg28[%dma_wait3A_784, %dma_wait3A_785] : memref<10240x128xf32, #tpu.memory_space<vmem_shared>> -> memref<10240x128xf32, #tpu.memory_space<vmem_shared>>
          tpu.wait_indirect_dma semaphore(%arg56 : memref<!tpu.dma_semaphore, #tpu.memory_space<semaphore_mem>>) src(%arg27 : memref<40x128xf32, #tpu.memory_space<vmem>>) dst(%dma_wait3A_786 : memref<10240x128xf32, #tpu.memory_space<vmem_shared>>)
        } else {
        }
        %dma_wait3A_761 = arith.constant 0 : i32
        %dma_wait3A_762 = tpu.memref_slice %arg4[%add3A, %scan3A_615, %dma_wait3A_761] : memref<32x250x40xi32, #tpu.memory_space<hbm>> -> memref<1x1x40xi32, #tpu.memory_space<hbm>>
        %dma_wait3A_763 = tpu.memref_squeeze %dma_wait3A_762 : memref<1x1x40xi32, #tpu.memory_space<hbm>> -> memref<40xi32, #tpu.memory_space<hbm>>
        %dma_wait3A_764 = arith.constant 0 : i32
        %dma_wait3A_765 = tpu.memref_slice %arg4[%add3A, %scan3A_615, %dma_wait3A_764] : memref<32x250x40xi32, #tpu.memory_space<hbm>> -> memref<1x1x40xi32, #tpu.memory_space<hbm>>
        %dma_wait3A_766 = tpu.memref_squeeze %dma_wait3A_765 : memref<1x1x40xi32, #tpu.memory_space<hbm>> -> memref<40xi32, #tpu.memory_space<hbm>>
        tpu.wait_dma2 semaphore(%arg38 : memref<!tpu.dma_semaphore, #tpu.memory_space<semaphore_mem>>) src(%dma_wait3A_766 : memref<40xi32, #tpu.memory_space<hbm>>) dst(%arg16 : memref<40xi32, #tpu.memory_space<vmem>>)
        %dma_start3A_767 = arith.constant 0 : i32
        %dma_start3A_768 = arith.constant 0 : i32
        %dma_start3A_769 = tpu.memref_slice %arg28[%dma_start3A_767, %dma_start3A_768] : memref<10240x128xf32, #tpu.memory_space<vmem_shared>> -> memref<10240x128xf32, #tpu.memory_space<vmem_shared>>
        tpu.enqueue_indirect_dma source(%arg23 : memref<40x128xf32, #tpu.memory_space<vmem>>) target(%dma_start3A_769 : memref<10240x128xf32, #tpu.memory_space<vmem_shared>>) offsets(%arg16 : memref<40xi32, #tpu.memory_space<vmem>>) semaphore(%arg52 : memref<!tpu.dma_semaphore, #tpu.memory_space<semaphore_mem>>) {add = true}
        %add3A_770 = arith.constant 7 : i32
        %add3A_771 = arith.addi %scan3A_615, %add3A_770 : i32
        %lt3A_772 = arith.constant 250 : i32
        %lt3A_773 = arith.cmpi slt, %add3A_771, %lt3A_772 : i32
        %convert_element_type3A_774 = arith.extui %lt3A_773 : i1 to i32
        %cond3A_775 = arith.constant 0 : i32
        %cond3A_776 = arith.cmpi ne, %convert_element_type3A_774, %cond3A_775 : i32
        scf.if %cond3A_776 {
          %add3A_784 = arith.constant 7 : i32
          %add3A_785 = arith.addi %scan3A_615, %add3A_784 : i32
          %dma_start3A_786 = arith.constant 0 : i32
          %dma_start3A_787 = tpu.memref_slice %arg3[%add3A, %add3A_785, %dma_start3A_786] : memref<32x250x40xi32, #tpu.memory_space<hbm>> -> memref<1x1x40xi32, #tpu.memory_space<hbm>>
          %dma_start3A_788 = tpu.memref_squeeze %dma_start3A_787 : memref<1x1x40xi32, #tpu.memory_space<hbm>> -> memref<40xi32, #tpu.memory_space<hbm>>
          %dma_start3A_789 = arith.constant 0 : i32
          %dma_start3A_790 = tpu.memref_slice %arg3[%add3A, %add3A_785, %dma_start3A_789] : memref<32x250x40xi32, #tpu.memory_space<hbm>> -> memref<1x1x40xi32, #tpu.memory_space<hbm>>
          %dma_start3A_791 = tpu.memref_squeeze %dma_start3A_790 : memref<1x1x40xi32, #tpu.memory_space<hbm>> -> memref<40xi32, #tpu.memory_space<hbm>>
          tpu.enqueue_dma source(%dma_start3A_791 : memref<40xi32, #tpu.memory_space<hbm>>) target(%arg9 : memref<40xi32, #tpu.memory_space<vmem>>) target_semaphore(%arg45 : memref<!tpu.dma_semaphore, #tpu.memory_space<semaphore_mem>>)
        } else {
        }
        %add3A_777 = arith.constant 4 : i32
        %add3A_778 = arith.addi %scan3A_615, %add3A_777 : i32
        %lt3A_779 = arith.constant 250 : i32
        %lt3A_780 = arith.cmpi slt, %add3A_778, %lt3A_779 : i32
        %convert_element_type3A_781 = arith.extui %lt3A_780 : i1 to i32
        %cond3A_782 = arith.constant 0 : i32
        %cond3A_783 = arith.cmpi ne, %convert_element_type3A_781, %cond3A_782 : i32
        scf.if %cond3A_783 {
          %add3A_784 = arith.constant 4 : i32
          %add3A_785 = arith.addi %scan3A_615, %add3A_784 : i32
          %dma_start3A_786 = arith.constant 0 : i32
          %dma_start3A_787 = tpu.memref_slice %arg4[%add3A, %add3A_785, %dma_start3A_786] : memref<32x250x40xi32, #tpu.memory_space<hbm>> -> memref<1x1x40xi32, #tpu.memory_space<hbm>>
          %dma_start3A_788 = tpu.memref_squeeze %dma_start3A_787 : memref<1x1x40xi32, #tpu.memory_space<hbm>> -> memref<40xi32, #tpu.memory_space<hbm>>
          %dma_start3A_789 = arith.constant 0 : i32
          %dma_start3A_790 = tpu.memref_slice %arg4[%add3A, %add3A_785, %dma_start3A_789] : memref<32x250x40xi32, #tpu.memory_space<hbm>> -> memref<1x1x40xi32, #tpu.memory_space<hbm>>
          %dma_start3A_791 = tpu.memref_squeeze %dma_start3A_790 : memref<1x1x40xi32, #tpu.memory_space<hbm>> -> memref<40xi32, #tpu.memory_space<hbm>>
          tpu.enqueue_dma source(%dma_start3A_791 : memref<40xi32, #tpu.memory_space<hbm>>) target(%arg20 : memref<40xi32, #tpu.memory_space<vmem>>) target_semaphore(%arg42 : memref<!tpu.dma_semaphore, #tpu.memory_space<semaphore_mem>>)
          %add3A_792 = arith.constant 4 : i32
          %add3A_793 = arith.addi %scan3A_615, %add3A_792 : i32
          %dma_wait3A_794 = arith.constant 0 : i32
          %dma_wait3A_795 = tpu.memref_slice %arg3[%add3A, %add3A_793, %dma_wait3A_794] : memref<32x250x40xi32, #tpu.memory_space<hbm>> -> memref<1x1x40xi32, #tpu.memory_space<hbm>>
          %dma_wait3A_796 = tpu.memref_squeeze %dma_wait3A_795 : memref<1x1x40xi32, #tpu.memory_space<hbm>> -> memref<40xi32, #tpu.memory_space<hbm>>
          %dma_wait3A_797 = arith.constant 0 : i32
          %dma_wait3A_798 = tpu.memref_slice %arg3[%add3A, %add3A_793, %dma_wait3A_797] : memref<32x250x40xi32, #tpu.memory_space<hbm>> -> memref<1x1x40xi32, #tpu.memory_space<hbm>>
          %dma_wait3A_799 = tpu.memref_squeeze %dma_wait3A_798 : memref<1x1x40xi32, #tpu.memory_space<hbm>> -> memref<40xi32, #tpu.memory_space<hbm>>
          tpu.wait_dma2 semaphore(%arg49 : memref<!tpu.dma_semaphore, #tpu.memory_space<semaphore_mem>>) src(%dma_wait3A_799 : memref<40xi32, #tpu.memory_space<hbm>>) dst(%arg13 : memref<40xi32, #tpu.memory_space<vmem>>)
          %dma_start3A_800 = arith.constant 0 : i32
          %dma_start3A_801 = arith.constant 0 : i32
          %dma_start3A_802 = tpu.memref_slice %arg2[%dma_start3A_800, %dma_start3A_801] : memref<10000x128xf32, #tpu.memory_space<hbm>> -> memref<10000x128xf32, #tpu.memory_space<hbm>>
          tpu.enqueue_indirect_dma source(%dma_start3A_802 : memref<10000x128xf32, #tpu.memory_space<hbm>>) target(%arg27 : memref<40x128xf32, #tpu.memory_space<vmem>>) offsets(%arg13 : memref<40xi32, #tpu.memory_space<vmem>>) semaphore(%arg35 : memref<!tpu.dma_semaphore, #tpu.memory_space<semaphore_mem>>)
        } else {
        }
      } else {
      }
      %jit3A_670 = arith.constant 7 : i32
      %eq3A_671 = arith.constant 0 : i32
      %eq3A_672 = arith.cmpi eq, %jit3A_670, %eq3A_671 : i32
      %jit3A_673 = arith.constant 1 : i32
      %select_n3A_674 = arith.select %eq3A_672, %jit3A_673, %jit3A_670 : i32
      %rem3A_675 = arith.remsi %scan3A_615, %select_n3A_674 : i32
      %ne3A_676 = arith.constant 0 : i32
      %ne3A_677 = arith.cmpi ne, %rem3A_675, %ne3A_676 : i32
      %lt3A_678 = arith.constant 0 : i32
      %lt3A_679 = arith.cmpi slt, %rem3A_675, %lt3A_678 : i32
      %lt3A_680 = arith.constant 0 : i32
      %lt3A_681 = arith.cmpi slt, %select_n3A_674, %lt3A_680 : i32
      %ne3A_682 = arith.xori %lt3A_679, %lt3A_681 : i1
      %and3A_683 = arith.andi %ne3A_682, %ne3A_677 : i1
      %add3A_684 = arith.addi %rem3A_675, %select_n3A_674 : i32
      %select_n3A_685 = arith.select %and3A_683, %add3A_684, %rem3A_675 : i32
      %eq3A_686 = arith.constant 3 : i32
      %eq3A_687 = arith.cmpi eq, %select_n3A_685, %eq3A_686 : i32
      %convert_element_type3A_688 = arith.extui %eq3A_687 : i1 to i32
      %cond3A_689 = arith.constant 0 : i32
      %cond3A_690 = arith.cmpi ne, %convert_element_type3A_688, %cond3A_689 : i32
      scf.if %cond3A_690 {
        %dma_wait3A_754 = arith.constant 0 : i32
        %dma_wait3A_755 = arith.constant 0 : i32
        %dma_wait3A_756 = tpu.memref_slice %arg2[%dma_wait3A_754, %dma_wait3A_755] : memref<10000x128xf32, #tpu.memory_space<hbm>> -> memref<10000x128xf32, #tpu.memory_space<hbm>>
        tpu.wait_indirect_dma semaphore(%arg32 : memref<!tpu.dma_semaphore, #tpu.memory_space<semaphore_mem>>) src(%dma_wait3A_756 : memref<10000x128xf32, #tpu.memory_space<hbm>>) dst(%arg24 : memref<40x128xf32, #tpu.memory_space<vmem>>)
        %ge3A = arith.constant 3 : i32
        %ge3A_757 = arith.cmpi sge, %scan3A_615, %ge3A : i32
        %convert_element_type3A_758 = arith.extui %ge3A_757 : i1 to i32
        %cond3A_759 = arith.constant 0 : i32
        %cond3A_760 = arith.cmpi ne, %convert_element_type3A_758, %cond3A_759 : i32
        scf.if %cond3A_760 {
          %dma_wait3A_784 = arith.constant 0 : i32
          %dma_wait3A_785 = arith.constant 0 : i32
          %dma_wait3A_786 = tpu.memref_slice %arg28[%dma_wait3A_784, %dma_wait3A_785] : memref<10240x128xf32, #tpu.memory_space<vmem_shared>> -> memref<10240x128xf32, #tpu.memory_space<vmem_shared>>
          tpu.wait_indirect_dma semaphore(%arg50 : memref<!tpu.dma_semaphore, #tpu.memory_space<semaphore_mem>>) src(%arg21 : memref<40x128xf32, #tpu.memory_space<vmem>>) dst(%dma_wait3A_786 : memref<10240x128xf32, #tpu.memory_space<vmem_shared>>)
        } else {
        }
        %dma_wait3A_761 = arith.constant 0 : i32
        %dma_wait3A_762 = tpu.memref_slice %arg4[%add3A, %scan3A_615, %dma_wait3A_761] : memref<32x250x40xi32, #tpu.memory_space<hbm>> -> memref<1x1x40xi32, #tpu.memory_space<hbm>>
        %dma_wait3A_763 = tpu.memref_squeeze %dma_wait3A_762 : memref<1x1x40xi32, #tpu.memory_space<hbm>> -> memref<40xi32, #tpu.memory_space<hbm>>
        %dma_wait3A_764 = arith.constant 0 : i32
        %dma_wait3A_765 = tpu.memref_slice %arg4[%add3A, %scan3A_615, %dma_wait3A_764] : memref<32x250x40xi32, #tpu.memory_space<hbm>> -> memref<1x1x40xi32, #tpu.memory_space<hbm>>
        %dma_wait3A_766 = tpu.memref_squeeze %dma_wait3A_765 : memref<1x1x40xi32, #tpu.memory_space<hbm>> -> memref<40xi32, #tpu.memory_space<hbm>>
        tpu.wait_dma2 semaphore(%arg39 : memref<!tpu.dma_semaphore, #tpu.memory_space<semaphore_mem>>) src(%dma_wait3A_766 : memref<40xi32, #tpu.memory_space<hbm>>) dst(%arg17 : memref<40xi32, #tpu.memory_space<vmem>>)
        %dma_start3A_767 = arith.constant 0 : i32
        %dma_start3A_768 = arith.constant 0 : i32
        %dma_start3A_769 = tpu.memref_slice %arg28[%dma_start3A_767, %dma_start3A_768] : memref<10240x128xf32, #tpu.memory_space<vmem_shared>> -> memref<10240x128xf32, #tpu.memory_space<vmem_shared>>
        tpu.enqueue_indirect_dma source(%arg24 : memref<40x128xf32, #tpu.memory_space<vmem>>) target(%dma_start3A_769 : memref<10240x128xf32, #tpu.memory_space<vmem_shared>>) offsets(%arg17 : memref<40xi32, #tpu.memory_space<vmem>>) semaphore(%arg53 : memref<!tpu.dma_semaphore, #tpu.memory_space<semaphore_mem>>) {add = true}
        %add3A_770 = arith.constant 7 : i32
        %add3A_771 = arith.addi %scan3A_615, %add3A_770 : i32
        %lt3A_772 = arith.constant 250 : i32
        %lt3A_773 = arith.cmpi slt, %add3A_771, %lt3A_772 : i32
        %convert_element_type3A_774 = arith.extui %lt3A_773 : i1 to i32
        %cond3A_775 = arith.constant 0 : i32
        %cond3A_776 = arith.cmpi ne, %convert_element_type3A_774, %cond3A_775 : i32
        scf.if %cond3A_776 {
          %add3A_784 = arith.constant 7 : i32
          %add3A_785 = arith.addi %scan3A_615, %add3A_784 : i32
          %dma_start3A_786 = arith.constant 0 : i32
          %dma_start3A_787 = tpu.memref_slice %arg3[%add3A, %add3A_785, %dma_start3A_786] : memref<32x250x40xi32, #tpu.memory_space<hbm>> -> memref<1x1x40xi32, #tpu.memory_space<hbm>>
          %dma_start3A_788 = tpu.memref_squeeze %dma_start3A_787 : memref<1x1x40xi32, #tpu.memory_space<hbm>> -> memref<40xi32, #tpu.memory_space<hbm>>
          %dma_start3A_789 = arith.constant 0 : i32
          %dma_start3A_790 = tpu.memref_slice %arg3[%add3A, %add3A_785, %dma_start3A_789] : memref<32x250x40xi32, #tpu.memory_space<hbm>> -> memref<1x1x40xi32, #tpu.memory_space<hbm>>
          %dma_start3A_791 = tpu.memref_squeeze %dma_start3A_790 : memref<1x1x40xi32, #tpu.memory_space<hbm>> -> memref<40xi32, #tpu.memory_space<hbm>>
          tpu.enqueue_dma source(%dma_start3A_791 : memref<40xi32, #tpu.memory_space<hbm>>) target(%arg10 : memref<40xi32, #tpu.memory_space<vmem>>) target_semaphore(%arg46 : memref<!tpu.dma_semaphore, #tpu.memory_space<semaphore_mem>>)
        } else {
        }
        %add3A_777 = arith.constant 4 : i32
        %add3A_778 = arith.addi %scan3A_615, %add3A_777 : i32
        %lt3A_779 = arith.constant 250 : i32
        %lt3A_780 = arith.cmpi slt, %add3A_778, %lt3A_779 : i32
        %convert_element_type3A_781 = arith.extui %lt3A_780 : i1 to i32
        %cond3A_782 = arith.constant 0 : i32
        %cond3A_783 = arith.cmpi ne, %convert_element_type3A_781, %cond3A_782 : i32
        scf.if %cond3A_783 {
          %add3A_784 = arith.constant 4 : i32
          %add3A_785 = arith.addi %scan3A_615, %add3A_784 : i32
          %dma_start3A_786 = arith.constant 0 : i32
          %dma_start3A_787 = tpu.memref_slice %arg4[%add3A, %add3A_785, %dma_start3A_786] : memref<32x250x40xi32, #tpu.memory_space<hbm>> -> memref<1x1x40xi32, #tpu.memory_space<hbm>>
          %dma_start3A_788 = tpu.memref_squeeze %dma_start3A_787 : memref<1x1x40xi32, #tpu.memory_space<hbm>> -> memref<40xi32, #tpu.memory_space<hbm>>
          %dma_start3A_789 = arith.constant 0 : i32
          %dma_start3A_790 = tpu.memref_slice %arg4[%add3A, %add3A_785, %dma_start3A_789] : memref<32x250x40xi32, #tpu.memory_space<hbm>> -> memref<1x1x40xi32, #tpu.memory_space<hbm>>
          %dma_start3A_791 = tpu.memref_squeeze %dma_start3A_790 : memref<1x1x40xi32, #tpu.memory_space<hbm>> -> memref<40xi32, #tpu.memory_space<hbm>>
          tpu.enqueue_dma source(%dma_start3A_791 : memref<40xi32, #tpu.memory_space<hbm>>) target(%arg14 : memref<40xi32, #tpu.memory_space<vmem>>) target_semaphore(%arg36 : memref<!tpu.dma_semaphore, #tpu.memory_space<semaphore_mem>>)
          %add3A_792 = arith.constant 4 : i32
          %add3A_793 = arith.addi %scan3A_615, %add3A_792 : i32
          %dma_wait3A_794 = arith.constant 0 : i32
          %dma_wait3A_795 = tpu.memref_slice %arg3[%add3A, %add3A_793, %dma_wait3A_794] : memref<32x250x40xi32, #tpu.memory_space<hbm>> -> memref<1x1x40xi32, #tpu.memory_space<hbm>>
          %dma_wait3A_796 = tpu.memref_squeeze %dma_wait3A_795 : memref<1x1x40xi32, #tpu.memory_space<hbm>> -> memref<40xi32, #tpu.memory_space<hbm>>
          %dma_wait3A_797 = arith.constant 0 : i32
          %dma_wait3A_798 = tpu.memref_slice %arg3[%add3A, %add3A_793, %dma_wait3A_797] : memref<32x250x40xi32, #tpu.memory_space<hbm>> -> memref<1x1x40xi32, #tpu.memory_space<hbm>>
          %dma_wait3A_799 = tpu.memref_squeeze %dma_wait3A_798 : memref<1x1x40xi32, #tpu.memory_space<hbm>> -> memref<40xi32, #tpu.memory_space<hbm>>
          tpu.wait_dma2 semaphore(%arg43 : memref<!tpu.dma_semaphore, #tpu.memory_space<semaphore_mem>>) src(%dma_wait3A_799 : memref<40xi32, #tpu.memory_space<hbm>>) dst(%arg7 : memref<40xi32, #tpu.memory_space<vmem>>)
          %dma_start3A_800 = arith.constant 0 : i32
          %dma_start3A_801 = arith.constant 0 : i32
          %dma_start3A_802 = tpu.memref_slice %arg2[%dma_start3A_800, %dma_start3A_801] : memref<10000x128xf32, #tpu.memory_space<hbm>> -> memref<10000x128xf32, #tpu.memory_space<hbm>>
          tpu.enqueue_indirect_dma source(%dma_start3A_802 : memref<10000x128xf32, #tpu.memory_space<hbm>>) target(%arg21 : memref<40x128xf32, #tpu.memory_space<vmem>>) offsets(%arg7 : memref<40xi32, #tpu.memory_space<vmem>>) semaphore(%arg29 : memref<!tpu.dma_semaphore, #tpu.memory_space<semaphore_mem>>)
        } else {
        }
      } else {
      }
      %jit3A_691 = arith.constant 7 : i32
      %eq3A_692 = arith.constant 0 : i32
      %eq3A_693 = arith.cmpi eq, %jit3A_691, %eq3A_692 : i32
      %jit3A_694 = arith.constant 1 : i32
      %select_n3A_695 = arith.select %eq3A_693, %jit3A_694, %jit3A_691 : i32
      %rem3A_696 = arith.remsi %scan3A_615, %select_n3A_695 : i32
      %ne3A_697 = arith.constant 0 : i32
      %ne3A_698 = arith.cmpi ne, %rem3A_696, %ne3A_697 : i32
      %lt3A_699 = arith.constant 0 : i32
      %lt3A_700 = arith.cmpi slt, %rem3A_696, %lt3A_699 : i32
      %lt3A_701 = arith.constant 0 : i32
      %lt3A_702 = arith.cmpi slt, %select_n3A_695, %lt3A_701 : i32
      %ne3A_703 = arith.xori %lt3A_700, %lt3A_702 : i1
      %and3A_704 = arith.andi %ne3A_703, %ne3A_698 : i1
      %add3A_705 = arith.addi %rem3A_696, %select_n3A_695 : i32
      %select_n3A_706 = arith.select %and3A_704, %add3A_705, %rem3A_696 : i32
      %eq3A_707 = arith.constant 4 : i32
      %eq3A_708 = arith.cmpi eq, %select_n3A_706, %eq3A_707 : i32
      %convert_element_type3A_709 = arith.extui %eq3A_708 : i1 to i32
      %cond3A_710 = arith.constant 0 : i32
      %cond3A_711 = arith.cmpi ne, %convert_element_type3A_709, %cond3A_710 : i32
      scf.if %cond3A_711 {
        %dma_wait3A_754 = arith.constant 0 : i32
        %dma_wait3A_755 = arith.constant 0 : i32
        %dma_wait3A_756 = tpu.memref_slice %arg2[%dma_wait3A_754, %dma_wait3A_755] : memref<10000x128xf32, #tpu.memory_space<hbm>> -> memref<10000x128xf32, #tpu.memory_space<hbm>>
        tpu.wait_indirect_dma semaphore(%arg33 : memref<!tpu.dma_semaphore, #tpu.memory_space<semaphore_mem>>) src(%dma_wait3A_756 : memref<10000x128xf32, #tpu.memory_space<hbm>>) dst(%arg25 : memref<40x128xf32, #tpu.memory_space<vmem>>)
        %ge3A = arith.constant 3 : i32
        %ge3A_757 = arith.cmpi sge, %scan3A_615, %ge3A : i32
        %convert_element_type3A_758 = arith.extui %ge3A_757 : i1 to i32
        %cond3A_759 = arith.constant 0 : i32
        %cond3A_760 = arith.cmpi ne, %convert_element_type3A_758, %cond3A_759 : i32
        scf.if %cond3A_760 {
          %dma_wait3A_784 = arith.constant 0 : i32
          %dma_wait3A_785 = arith.constant 0 : i32
          %dma_wait3A_786 = tpu.memref_slice %arg28[%dma_wait3A_784, %dma_wait3A_785] : memref<10240x128xf32, #tpu.memory_space<vmem_shared>> -> memref<10240x128xf32, #tpu.memory_space<vmem_shared>>
          tpu.wait_indirect_dma semaphore(%arg51 : memref<!tpu.dma_semaphore, #tpu.memory_space<semaphore_mem>>) src(%arg22 : memref<40x128xf32, #tpu.memory_space<vmem>>) dst(%dma_wait3A_786 : memref<10240x128xf32, #tpu.memory_space<vmem_shared>>)
        } else {
        }
        %dma_wait3A_761 = arith.constant 0 : i32
        %dma_wait3A_762 = tpu.memref_slice %arg4[%add3A, %scan3A_615, %dma_wait3A_761] : memref<32x250x40xi32, #tpu.memory_space<hbm>> -> memref<1x1x40xi32, #tpu.memory_space<hbm>>
        %dma_wait3A_763 = tpu.memref_squeeze %dma_wait3A_762 : memref<1x1x40xi32, #tpu.memory_space<hbm>> -> memref<40xi32, #tpu.memory_space<hbm>>
        %dma_wait3A_764 = arith.constant 0 : i32
        %dma_wait3A_765 = tpu.memref_slice %arg4[%add3A, %scan3A_615, %dma_wait3A_764] : memref<32x250x40xi32, #tpu.memory_space<hbm>> -> memref<1x1x40xi32, #tpu.memory_space<hbm>>
        %dma_wait3A_766 = tpu.memref_squeeze %dma_wait3A_765 : memref<1x1x40xi32, #tpu.memory_space<hbm>> -> memref<40xi32, #tpu.memory_space<hbm>>
        tpu.wait_dma2 semaphore(%arg40 : memref<!tpu.dma_semaphore, #tpu.memory_space<semaphore_mem>>) src(%dma_wait3A_766 : memref<40xi32, #tpu.memory_space<hbm>>) dst(%arg18 : memref<40xi32, #tpu.memory_space<vmem>>)
        %dma_start3A_767 = arith.constant 0 : i32
        %dma_start3A_768 = arith.constant 0 : i32
        %dma_start3A_769 = tpu.memref_slice %arg28[%dma_start3A_767, %dma_start3A_768] : memref<10240x128xf32, #tpu.memory_space<vmem_shared>> -> memref<10240x128xf32, #tpu.memory_space<vmem_shared>>
        tpu.enqueue_indirect_dma source(%arg25 : memref<40x128xf32, #tpu.memory_space<vmem>>) target(%dma_start3A_769 : memref<10240x128xf32, #tpu.memory_space<vmem_shared>>) offsets(%arg18 : memref<40xi32, #tpu.memory_space<vmem>>) semaphore(%arg54 : memref<!tpu.dma_semaphore, #tpu.memory_space<semaphore_mem>>) {add = true}
        %add3A_770 = arith.constant 7 : i32
        %add3A_771 = arith.addi %scan3A_615, %add3A_770 : i32
        %lt3A_772 = arith.constant 250 : i32
        %lt3A_773 = arith.cmpi slt, %add3A_771, %lt3A_772 : i32
        %convert_element_type3A_774 = arith.extui %lt3A_773 : i1 to i32
        %cond3A_775 = arith.constant 0 : i32
        %cond3A_776 = arith.cmpi ne, %convert_element_type3A_774, %cond3A_775 : i32
        scf.if %cond3A_776 {
          %add3A_784 = arith.constant 7 : i32
          %add3A_785 = arith.addi %scan3A_615, %add3A_784 : i32
          %dma_start3A_786 = arith.constant 0 : i32
          %dma_start3A_787 = tpu.memref_slice %arg3[%add3A, %add3A_785, %dma_start3A_786] : memref<32x250x40xi32, #tpu.memory_space<hbm>> -> memref<1x1x40xi32, #tpu.memory_space<hbm>>
          %dma_start3A_788 = tpu.memref_squeeze %dma_start3A_787 : memref<1x1x40xi32, #tpu.memory_space<hbm>> -> memref<40xi32, #tpu.memory_space<hbm>>
          %dma_start3A_789 = arith.constant 0 : i32
          %dma_start3A_790 = tpu.memref_slice %arg3[%add3A, %add3A_785, %dma_start3A_789] : memref<32x250x40xi32, #tpu.memory_space<hbm>> -> memref<1x1x40xi32, #tpu.memory_space<hbm>>
          %dma_start3A_791 = tpu.memref_squeeze %dma_start3A_790 : memref<1x1x40xi32, #tpu.memory_space<hbm>> -> memref<40xi32, #tpu.memory_space<hbm>>
          tpu.enqueue_dma source(%dma_start3A_791 : memref<40xi32, #tpu.memory_space<hbm>>) target(%arg11 : memref<40xi32, #tpu.memory_space<vmem>>) target_semaphore(%arg47 : memref<!tpu.dma_semaphore, #tpu.memory_space<semaphore_mem>>)
        } else {
        }
        %add3A_777 = arith.constant 4 : i32
        %add3A_778 = arith.addi %scan3A_615, %add3A_777 : i32
        %lt3A_779 = arith.constant 250 : i32
        %lt3A_780 = arith.cmpi slt, %add3A_778, %lt3A_779 : i32
        %convert_element_type3A_781 = arith.extui %lt3A_780 : i1 to i32
        %cond3A_782 = arith.constant 0 : i32
        %cond3A_783 = arith.cmpi ne, %convert_element_type3A_781, %cond3A_782 : i32
        scf.if %cond3A_783 {
          %add3A_784 = arith.constant 4 : i32
          %add3A_785 = arith.addi %scan3A_615, %add3A_784 : i32
          %dma_start3A_786 = arith.constant 0 : i32
          %dma_start3A_787 = tpu.memref_slice %arg4[%add3A, %add3A_785, %dma_start3A_786] : memref<32x250x40xi32, #tpu.memory_space<hbm>> -> memref<1x1x40xi32, #tpu.memory_space<hbm>>
          %dma_start3A_788 = tpu.memref_squeeze %dma_start3A_787 : memref<1x1x40xi32, #tpu.memory_space<hbm>> -> memref<40xi32, #tpu.memory_space<hbm>>
          %dma_start3A_789 = arith.constant 0 : i32
          %dma_start3A_790 = tpu.memref_slice %arg4[%add3A, %add3A_785, %dma_start3A_789] : memref<32x250x40xi32, #tpu.memory_space<hbm>> -> memref<1x1x40xi32, #tpu.memory_space<hbm>>
          %dma_start3A_791 = tpu.memref_squeeze %dma_start3A_790 : memref<1x1x40xi32, #tpu.memory_space<hbm>> -> memref<40xi32, #tpu.memory_space<hbm>>
          tpu.enqueue_dma source(%dma_start3A_791 : memref<40xi32, #tpu.memory_space<hbm>>) target(%arg15 : memref<40xi32, #tpu.memory_space<vmem>>) target_semaphore(%arg37 : memref<!tpu.dma_semaphore, #tpu.memory_space<semaphore_mem>>)
          %add3A_792 = arith.constant 4 : i32
          %add3A_793 = arith.addi %scan3A_615, %add3A_792 : i32
          %dma_wait3A_794 = arith.constant 0 : i32
          %dma_wait3A_795 = tpu.memref_slice %arg3[%add3A, %add3A_793, %dma_wait3A_794] : memref<32x250x40xi32, #tpu.memory_space<hbm>> -> memref<1x1x40xi32, #tpu.memory_space<hbm>>
          %dma_wait3A_796 = tpu.memref_squeeze %dma_wait3A_795 : memref<1x1x40xi32, #tpu.memory_space<hbm>> -> memref<40xi32, #tpu.memory_space<hbm>>
          %dma_wait3A_797 = arith.constant 0 : i32
          %dma_wait3A_798 = tpu.memref_slice %arg3[%add3A, %add3A_793, %dma_wait3A_797] : memref<32x250x40xi32, #tpu.memory_space<hbm>> -> memref<1x1x40xi32, #tpu.memory_space<hbm>>
          %dma_wait3A_799 = tpu.memref_squeeze %dma_wait3A_798 : memref<1x1x40xi32, #tpu.memory_space<hbm>> -> memref<40xi32, #tpu.memory_space<hbm>>
          tpu.wait_dma2 semaphore(%arg44 : memref<!tpu.dma_semaphore, #tpu.memory_space<semaphore_mem>>) src(%dma_wait3A_799 : memref<40xi32, #tpu.memory_space<hbm>>) dst(%arg8 : memref<40xi32, #tpu.memory_space<vmem>>)
          %dma_start3A_800 = arith.constant 0 : i32
          %dma_start3A_801 = arith.constant 0 : i32
          %dma_start3A_802 = tpu.memref_slice %arg2[%dma_start3A_800, %dma_start3A_801] : memref<10000x128xf32, #tpu.memory_space<hbm>> -> memref<10000x128xf32, #tpu.memory_space<hbm>>
          tpu.enqueue_indirect_dma source(%dma_start3A_802 : memref<10000x128xf32, #tpu.memory_space<hbm>>) target(%arg22 : memref<40x128xf32, #tpu.memory_space<vmem>>) offsets(%arg8 : memref<40xi32, #tpu.memory_space<vmem>>) semaphore(%arg30 : memref<!tpu.dma_semaphore, #tpu.memory_space<semaphore_mem>>)
        } else {
        }
      } else {
      }
      %jit3A_712 = arith.constant 7 : i32
      %eq3A_713 = arith.constant 0 : i32
      %eq3A_714 = arith.cmpi eq, %jit3A_712, %eq3A_713 : i32
      %jit3A_715 = arith.constant 1 : i32
      %select_n3A_716 = arith.select %eq3A_714, %jit3A_715, %jit3A_712 : i32
      %rem3A_717 = arith.remsi %scan3A_615, %select_n3A_716 : i32
      %ne3A_718 = arith.constant 0 : i32
      %ne3A_719 = arith.cmpi ne, %rem3A_717, %ne3A_718 : i32
      %lt3A_720 = arith.constant 0 : i32
      %lt3A_721 = arith.cmpi slt, %rem3A_717, %lt3A_720 : i32
      %lt3A_722 = arith.constant 0 : i32
      %lt3A_723 = arith.cmpi slt, %select_n3A_716, %lt3A_722 : i32
      %ne3A_724 = arith.xori %lt3A_721, %lt3A_723 : i1
      %and3A_725 = arith.andi %ne3A_724, %ne3A_719 : i1
      %add3A_726 = arith.addi %rem3A_717, %select_n3A_716 : i32
      %select_n3A_727 = arith.select %and3A_725, %add3A_726, %rem3A_717 : i32
      %eq3A_728 = arith.constant 5 : i32
      %eq3A_729 = arith.cmpi eq, %select_n3A_727, %eq3A_728 : i32
      %convert_element_type3A_730 = arith.extui %eq3A_729 : i1 to i32
      %cond3A_731 = arith.constant 0 : i32
      %cond3A_732 = arith.cmpi ne, %convert_element_type3A_730, %cond3A_731 : i32
      scf.if %cond3A_732 {
        %dma_wait3A_754 = arith.constant 0 : i32
        %dma_wait3A_755 = arith.constant 0 : i32
        %dma_wait3A_756 = tpu.memref_slice %arg2[%dma_wait3A_754, %dma_wait3A_755] : memref<10000x128xf32, #tpu.memory_space<hbm>> -> memref<10000x128xf32, #tpu.memory_space<hbm>>
        tpu.wait_indirect_dma semaphore(%arg34 : memref<!tpu.dma_semaphore, #tpu.memory_space<semaphore_mem>>) src(%dma_wait3A_756 : memref<10000x128xf32, #tpu.memory_space<hbm>>) dst(%arg26 : memref<40x128xf32, #tpu.memory_space<vmem>>)
        %ge3A = arith.constant 3 : i32
        %ge3A_757 = arith.cmpi sge, %scan3A_615, %ge3A : i32
        %convert_element_type3A_758 = arith.extui %ge3A_757 : i1 to i32
        %cond3A_759 = arith.constant 0 : i32
        %cond3A_760 = arith.cmpi ne, %convert_element_type3A_758, %cond3A_759 : i32
        scf.if %cond3A_760 {
          %dma_wait3A_784 = arith.constant 0 : i32
          %dma_wait3A_785 = arith.constant 0 : i32
          %dma_wait3A_786 = tpu.memref_slice %arg28[%dma_wait3A_784, %dma_wait3A_785] : memref<10240x128xf32, #tpu.memory_space<vmem_shared>> -> memref<10240x128xf32, #tpu.memory_space<vmem_shared>>
          tpu.wait_indirect_dma semaphore(%arg52 : memref<!tpu.dma_semaphore, #tpu.memory_space<semaphore_mem>>) src(%arg23 : memref<40x128xf32, #tpu.memory_space<vmem>>) dst(%dma_wait3A_786 : memref<10240x128xf32, #tpu.memory_space<vmem_shared>>)
        } else {
        }
        %dma_wait3A_761 = arith.constant 0 : i32
        %dma_wait3A_762 = tpu.memref_slice %arg4[%add3A, %scan3A_615, %dma_wait3A_761] : memref<32x250x40xi32, #tpu.memory_space<hbm>> -> memref<1x1x40xi32, #tpu.memory_space<hbm>>
        %dma_wait3A_763 = tpu.memref_squeeze %dma_wait3A_762 : memref<1x1x40xi32, #tpu.memory_space<hbm>> -> memref<40xi32, #tpu.memory_space<hbm>>
        %dma_wait3A_764 = arith.constant 0 : i32
        %dma_wait3A_765 = tpu.memref_slice %arg4[%add3A, %scan3A_615, %dma_wait3A_764] : memref<32x250x40xi32, #tpu.memory_space<hbm>> -> memref<1x1x40xi32, #tpu.memory_space<hbm>>
        %dma_wait3A_766 = tpu.memref_squeeze %dma_wait3A_765 : memref<1x1x40xi32, #tpu.memory_space<hbm>> -> memref<40xi32, #tpu.memory_space<hbm>>
        tpu.wait_dma2 semaphore(%arg41 : memref<!tpu.dma_semaphore, #tpu.memory_space<semaphore_mem>>) src(%dma_wait3A_766 : memref<40xi32, #tpu.memory_space<hbm>>) dst(%arg19 : memref<40xi32, #tpu.memory_space<vmem>>)
        %dma_start3A_767 = arith.constant 0 : i32
        %dma_start3A_768 = arith.constant 0 : i32
        %dma_start3A_769 = tpu.memref_slice %arg28[%dma_start3A_767, %dma_start3A_768] : memref<10240x128xf32, #tpu.memory_space<vmem_shared>> -> memref<10240x128xf32, #tpu.memory_space<vmem_shared>>
        tpu.enqueue_indirect_dma source(%arg26 : memref<40x128xf32, #tpu.memory_space<vmem>>) target(%dma_start3A_769 : memref<10240x128xf32, #tpu.memory_space<vmem_shared>>) offsets(%arg19 : memref<40xi32, #tpu.memory_space<vmem>>) semaphore(%arg55 : memref<!tpu.dma_semaphore, #tpu.memory_space<semaphore_mem>>) {add = true}
        %add3A_770 = arith.constant 7 : i32
        %add3A_771 = arith.addi %scan3A_615, %add3A_770 : i32
        %lt3A_772 = arith.constant 250 : i32
        %lt3A_773 = arith.cmpi slt, %add3A_771, %lt3A_772 : i32
        %convert_element_type3A_774 = arith.extui %lt3A_773 : i1 to i32
        %cond3A_775 = arith.constant 0 : i32
        %cond3A_776 = arith.cmpi ne, %convert_element_type3A_774, %cond3A_775 : i32
        scf.if %cond3A_776 {
          %add3A_784 = arith.constant 7 : i32
          %add3A_785 = arith.addi %scan3A_615, %add3A_784 : i32
          %dma_start3A_786 = arith.constant 0 : i32
          %dma_start3A_787 = tpu.memref_slice %arg3[%add3A, %add3A_785, %dma_start3A_786] : memref<32x250x40xi32, #tpu.memory_space<hbm>> -> memref<1x1x40xi32, #tpu.memory_space<hbm>>
          %dma_start3A_788 = tpu.memref_squeeze %dma_start3A_787 : memref<1x1x40xi32, #tpu.memory_space<hbm>> -> memref<40xi32, #tpu.memory_space<hbm>>
          %dma_start3A_789 = arith.constant 0 : i32
          %dma_start3A_790 = tpu.memref_slice %arg3[%add3A, %add3A_785, %dma_start3A_789] : memref<32x250x40xi32, #tpu.memory_space<hbm>> -> memref<1x1x40xi32, #tpu.memory_space<hbm>>
          %dma_start3A_791 = tpu.memref_squeeze %dma_start3A_790 : memref<1x1x40xi32, #tpu.memory_space<hbm>> -> memref<40xi32, #tpu.memory_space<hbm>>
          tpu.enqueue_dma source(%dma_start3A_791 : memref<40xi32, #tpu.memory_space<hbm>>) target(%arg12 : memref<40xi32, #tpu.memory_space<vmem>>) target_semaphore(%arg48 : memref<!tpu.dma_semaphore, #tpu.memory_space<semaphore_mem>>)
        } else {
        }
        %add3A_777 = arith.constant 4 : i32
        %add3A_778 = arith.addi %scan3A_615, %add3A_777 : i32
        %lt3A_779 = arith.constant 250 : i32
        %lt3A_780 = arith.cmpi slt, %add3A_778, %lt3A_779 : i32
        %convert_element_type3A_781 = arith.extui %lt3A_780 : i1 to i32
        %cond3A_782 = arith.constant 0 : i32
        %cond3A_783 = arith.cmpi ne, %convert_element_type3A_781, %cond3A_782 : i32
        scf.if %cond3A_783 {
          %add3A_784 = arith.constant 4 : i32
          %add3A_785 = arith.addi %scan3A_615, %add3A_784 : i32
          %dma_start3A_786 = arith.constant 0 : i32
          %dma_start3A_787 = tpu.memref_slice %arg4[%add3A, %add3A_785, %dma_start3A_786] : memref<32x250x40xi32, #tpu.memory_space<hbm>> -> memref<1x1x40xi32, #tpu.memory_space<hbm>>
          %dma_start3A_788 = tpu.memref_squeeze %dma_start3A_787 : memref<1x1x40xi32, #tpu.memory_space<hbm>> -> memref<40xi32, #tpu.memory_space<hbm>>
          %dma_start3A_789 = arith.constant 0 : i32
          %dma_start3A_790 = tpu.memref_slice %arg4[%add3A, %add3A_785, %dma_start3A_789] : memref<32x250x40xi32, #tpu.memory_space<hbm>> -> memref<1x1x40xi32, #tpu.memory_space<hbm>>
          %dma_start3A_791 = tpu.memref_squeeze %dma_start3A_790 : memref<1x1x40xi32, #tpu.memory_space<hbm>> -> memref<40xi32, #tpu.memory_space<hbm>>
          tpu.enqueue_dma source(%dma_start3A_791 : memref<40xi32, #tpu.memory_space<hbm>>) target(%arg16 : memref<40xi32, #tpu.memory_space<vmem>>) target_semaphore(%arg38 : memref<!tpu.dma_semaphore, #tpu.memory_space<semaphore_mem>>)
          %add3A_792 = arith.constant 4 : i32
          %add3A_793 = arith.addi %scan3A_615, %add3A_792 : i32
          %dma_wait3A_794 = arith.constant 0 : i32
          %dma_wait3A_795 = tpu.memref_slice %arg3[%add3A, %add3A_793, %dma_wait3A_794] : memref<32x250x40xi32, #tpu.memory_space<hbm>> -> memref<1x1x40xi32, #tpu.memory_space<hbm>>
          %dma_wait3A_796 = tpu.memref_squeeze %dma_wait3A_795 : memref<1x1x40xi32, #tpu.memory_space<hbm>> -> memref<40xi32, #tpu.memory_space<hbm>>
          %dma_wait3A_797 = arith.constant 0 : i32
          %dma_wait3A_798 = tpu.memref_slice %arg3[%add3A, %add3A_793, %dma_wait3A_797] : memref<32x250x40xi32, #tpu.memory_space<hbm>> -> memref<1x1x40xi32, #tpu.memory_space<hbm>>
          %dma_wait3A_799 = tpu.memref_squeeze %dma_wait3A_798 : memref<1x1x40xi32, #tpu.memory_space<hbm>> -> memref<40xi32, #tpu.memory_space<hbm>>
          tpu.wait_dma2 semaphore(%arg45 : memref<!tpu.dma_semaphore, #tpu.memory_space<semaphore_mem>>) src(%dma_wait3A_799 : memref<40xi32, #tpu.memory_space<hbm>>) dst(%arg9 : memref<40xi32, #tpu.memory_space<vmem>>)
          %dma_start3A_800 = arith.constant 0 : i32
          %dma_start3A_801 = arith.constant 0 : i32
          %dma_start3A_802 = tpu.memref_slice %arg2[%dma_start3A_800, %dma_start3A_801] : memref<10000x128xf32, #tpu.memory_space<hbm>> -> memref<10000x128xf32, #tpu.memory_space<hbm>>
          tpu.enqueue_indirect_dma source(%dma_start3A_802 : memref<10000x128xf32, #tpu.memory_space<hbm>>) target(%arg23 : memref<40x128xf32, #tpu.memory_space<vmem>>) offsets(%arg9 : memref<40xi32, #tpu.memory_space<vmem>>) semaphore(%arg31 : memref<!tpu.dma_semaphore, #tpu.memory_space<semaphore_mem>>)
        } else {
        }
      } else {
      }
      %jit3A_733 = arith.constant 7 : i32
      %eq3A_734 = arith.constant 0 : i32
      %eq3A_735 = arith.cmpi eq, %jit3A_733, %eq3A_734 : i32
      %jit3A_736 = arith.constant 1 : i32
      %select_n3A_737 = arith.select %eq3A_735, %jit3A_736, %jit3A_733 : i32
      %rem3A_738 = arith.remsi %scan3A_615, %select_n3A_737 : i32
      %ne3A_739 = arith.constant 0 : i32
      %ne3A_740 = arith.cmpi ne, %rem3A_738, %ne3A_739 : i32
      %lt3A_741 = arith.constant 0 : i32
      %lt3A_742 = arith.cmpi slt, %rem3A_738, %lt3A_741 : i32
      %lt3A_743 = arith.constant 0 : i32
      %lt3A_744 = arith.cmpi slt, %select_n3A_737, %lt3A_743 : i32
      %ne3A_745 = arith.xori %lt3A_742, %lt3A_744 : i1
      %and3A_746 = arith.andi %ne3A_745, %ne3A_740 : i1
      %add3A_747 = arith.addi %rem3A_738, %select_n3A_737 : i32
      %select_n3A_748 = arith.select %and3A_746, %add3A_747, %rem3A_738 : i32
      %eq3A_749 = arith.constant 6 : i32
      %eq3A_750 = arith.cmpi eq, %select_n3A_748, %eq3A_749 : i32
      %convert_element_type3A_751 = arith.extui %eq3A_750 : i1 to i32
      %cond3A_752 = arith.constant 0 : i32
      %cond3A_753 = arith.cmpi ne, %convert_element_type3A_751, %cond3A_752 : i32
      scf.if %cond3A_753 {
        %dma_wait3A_754 = arith.constant 0 : i32
        %dma_wait3A_755 = arith.constant 0 : i32
        %dma_wait3A_756 = tpu.memref_slice %arg2[%dma_wait3A_754, %dma_wait3A_755] : memref<10000x128xf32, #tpu.memory_space<hbm>> -> memref<10000x128xf32, #tpu.memory_space<hbm>>
        tpu.wait_indirect_dma semaphore(%arg35 : memref<!tpu.dma_semaphore, #tpu.memory_space<semaphore_mem>>) src(%dma_wait3A_756 : memref<10000x128xf32, #tpu.memory_space<hbm>>) dst(%arg27 : memref<40x128xf32, #tpu.memory_space<vmem>>)
        %ge3A = arith.constant 3 : i32
        %ge3A_757 = arith.cmpi sge, %scan3A_615, %ge3A : i32
        %convert_element_type3A_758 = arith.extui %ge3A_757 : i1 to i32
        %cond3A_759 = arith.constant 0 : i32
        %cond3A_760 = arith.cmpi ne, %convert_element_type3A_758, %cond3A_759 : i32
        scf.if %cond3A_760 {
          %dma_wait3A_784 = arith.constant 0 : i32
          %dma_wait3A_785 = arith.constant 0 : i32
          %dma_wait3A_786 = tpu.memref_slice %arg28[%dma_wait3A_784, %dma_wait3A_785] : memref<10240x128xf32, #tpu.memory_space<vmem_shared>> -> memref<10240x128xf32, #tpu.memory_space<vmem_shared>>
          tpu.wait_indirect_dma semaphore(%arg53 : memref<!tpu.dma_semaphore, #tpu.memory_space<semaphore_mem>>) src(%arg24 : memref<40x128xf32, #tpu.memory_space<vmem>>) dst(%dma_wait3A_786 : memref<10240x128xf32, #tpu.memory_space<vmem_shared>>)
        } else {
        }
        %dma_wait3A_761 = arith.constant 0 : i32
        %dma_wait3A_762 = tpu.memref_slice %arg4[%add3A, %scan3A_615, %dma_wait3A_761] : memref<32x250x40xi32, #tpu.memory_space<hbm>> -> memref<1x1x40xi32, #tpu.memory_space<hbm>>
        %dma_wait3A_763 = tpu.memref_squeeze %dma_wait3A_762 : memref<1x1x40xi32, #tpu.memory_space<hbm>> -> memref<40xi32, #tpu.memory_space<hbm>>
        %dma_wait3A_764 = arith.constant 0 : i32
        %dma_wait3A_765 = tpu.memref_slice %arg4[%add3A, %scan3A_615, %dma_wait3A_764] : memref<32x250x40xi32, #tpu.memory_space<hbm>> -> memref<1x1x40xi32, #tpu.memory_space<hbm>>
        %dma_wait3A_766 = tpu.memref_squeeze %dma_wait3A_765 : memref<1x1x40xi32, #tpu.memory_space<hbm>> -> memref<40xi32, #tpu.memory_space<hbm>>
        tpu.wait_dma2 semaphore(%arg42 : memref<!tpu.dma_semaphore, #tpu.memory_space<semaphore_mem>>) src(%dma_wait3A_766 : memref<40xi32, #tpu.memory_space<hbm>>) dst(%arg20 : memref<40xi32, #tpu.memory_space<vmem>>)
        %dma_start3A_767 = arith.constant 0 : i32
        %dma_start3A_768 = arith.constant 0 : i32
        %dma_start3A_769 = tpu.memref_slice %arg28[%dma_start3A_767, %dma_start3A_768] : memref<10240x128xf32, #tpu.memory_space<vmem_shared>> -> memref<10240x128xf32, #tpu.memory_space<vmem_shared>>
        tpu.enqueue_indirect_dma source(%arg27 : memref<40x128xf32, #tpu.memory_space<vmem>>) target(%dma_start3A_769 : memref<10240x128xf32, #tpu.memory_space<vmem_shared>>) offsets(%arg20 : memref<40xi32, #tpu.memory_space<vmem>>) semaphore(%arg56 : memref<!tpu.dma_semaphore, #tpu.memory_space<semaphore_mem>>) {add = true}
        %add3A_770 = arith.constant 7 : i32
        %add3A_771 = arith.addi %scan3A_615, %add3A_770 : i32
        %lt3A_772 = arith.constant 250 : i32
        %lt3A_773 = arith.cmpi slt, %add3A_771, %lt3A_772 : i32
        %convert_element_type3A_774 = arith.extui %lt3A_773 : i1 to i32
        %cond3A_775 = arith.constant 0 : i32
        %cond3A_776 = arith.cmpi ne, %convert_element_type3A_774, %cond3A_775 : i32
        scf.if %cond3A_776 {
          %add3A_784 = arith.constant 7 : i32
          %add3A_785 = arith.addi %scan3A_615, %add3A_784 : i32
          %dma_start3A_786 = arith.constant 0 : i32
          %dma_start3A_787 = tpu.memref_slice %arg3[%add3A, %add3A_785, %dma_start3A_786] : memref<32x250x40xi32, #tpu.memory_space<hbm>> -> memref<1x1x40xi32, #tpu.memory_space<hbm>>
          %dma_start3A_788 = tpu.memref_squeeze %dma_start3A_787 : memref<1x1x40xi32, #tpu.memory_space<hbm>> -> memref<40xi32, #tpu.memory_space<hbm>>
          %dma_start3A_789 = arith.constant 0 : i32
          %dma_start3A_790 = tpu.memref_slice %arg3[%add3A, %add3A_785, %dma_start3A_789] : memref<32x250x40xi32, #tpu.memory_space<hbm>> -> memref<1x1x40xi32, #tpu.memory_space<hbm>>
          %dma_start3A_791 = tpu.memref_squeeze %dma_start3A_790 : memref<1x1x40xi32, #tpu.memory_space<hbm>> -> memref<40xi32, #tpu.memory_space<hbm>>
          tpu.enqueue_dma source(%dma_start3A_791 : memref<40xi32, #tpu.memory_space<hbm>>) target(%arg13 : memref<40xi32, #tpu.memory_space<vmem>>) target_semaphore(%arg49 : memref<!tpu.dma_semaphore, #tpu.memory_space<semaphore_mem>>)
        } else {
        }
        %add3A_777 = arith.constant 4 : i32
        %add3A_778 = arith.addi %scan3A_615, %add3A_777 : i32
        %lt3A_779 = arith.constant 250 : i32
        %lt3A_780 = arith.cmpi slt, %add3A_778, %lt3A_779 : i32
        %convert_element_type3A_781 = arith.extui %lt3A_780 : i1 to i32
        %cond3A_782 = arith.constant 0 : i32
        %cond3A_783 = arith.cmpi ne, %convert_element_type3A_781, %cond3A_782 : i32
        scf.if %cond3A_783 {
          %add3A_784 = arith.constant 4 : i32
          %add3A_785 = arith.addi %scan3A_615, %add3A_784 : i32
          %dma_start3A_786 = arith.constant 0 : i32
          %dma_start3A_787 = tpu.memref_slice %arg4[%add3A, %add3A_785, %dma_start3A_786] : memref<32x250x40xi32, #tpu.memory_space<hbm>> -> memref<1x1x40xi32, #tpu.memory_space<hbm>>
          %dma_start3A_788 = tpu.memref_squeeze %dma_start3A_787 : memref<1x1x40xi32, #tpu.memory_space<hbm>> -> memref<40xi32, #tpu.memory_space<hbm>>
          %dma_start3A_789 = arith.constant 0 : i32
          %dma_start3A_790 = tpu.memref_slice %arg4[%add3A, %add3A_785, %dma_start3A_789] : memref<32x250x40xi32, #tpu.memory_space<hbm>> -> memref<1x1x40xi32, #tpu.memory_space<hbm>>
          %dma_start3A_791 = tpu.memref_squeeze %dma_start3A_790 : memref<1x1x40xi32, #tpu.memory_space<hbm>> -> memref<40xi32, #tpu.memory_space<hbm>>
          tpu.enqueue_dma source(%dma_start3A_791 : memref<40xi32, #tpu.memory_space<hbm>>) target(%arg17 : memref<40xi32, #tpu.memory_space<vmem>>) target_semaphore(%arg39 : memref<!tpu.dma_semaphore, #tpu.memory_space<semaphore_mem>>)
          %add3A_792 = arith.constant 4 : i32
          %add3A_793 = arith.addi %scan3A_615, %add3A_792 : i32
          %dma_wait3A_794 = arith.constant 0 : i32
          %dma_wait3A_795 = tpu.memref_slice %arg3[%add3A, %add3A_793, %dma_wait3A_794] : memref<32x250x40xi32, #tpu.memory_space<hbm>> -> memref<1x1x40xi32, #tpu.memory_space<hbm>>
          %dma_wait3A_796 = tpu.memref_squeeze %dma_wait3A_795 : memref<1x1x40xi32, #tpu.memory_space<hbm>> -> memref<40xi32, #tpu.memory_space<hbm>>
          %dma_wait3A_797 = arith.constant 0 : i32
          %dma_wait3A_798 = tpu.memref_slice %arg3[%add3A, %add3A_793, %dma_wait3A_797] : memref<32x250x40xi32, #tpu.memory_space<hbm>> -> memref<1x1x40xi32, #tpu.memory_space<hbm>>
          %dma_wait3A_799 = tpu.memref_squeeze %dma_wait3A_798 : memref<1x1x40xi32, #tpu.memory_space<hbm>> -> memref<40xi32, #tpu.memory_space<hbm>>
          tpu.wait_dma2 semaphore(%arg46 : memref<!tpu.dma_semaphore, #tpu.memory_space<semaphore_mem>>) src(%dma_wait3A_799 : memref<40xi32, #tpu.memory_space<hbm>>) dst(%arg10 : memref<40xi32, #tpu.memory_space<vmem>>)
          %dma_start3A_800 = arith.constant 0 : i32
          %dma_start3A_801 = arith.constant 0 : i32
          %dma_start3A_802 = tpu.memref_slice %arg2[%dma_start3A_800, %dma_start3A_801] : memref<10000x128xf32, #tpu.memory_space<hbm>> -> memref<10000x128xf32, #tpu.memory_space<hbm>>
          tpu.enqueue_indirect_dma source(%dma_start3A_802 : memref<10000x128xf32, #tpu.memory_space<hbm>>) target(%arg24 : memref<40x128xf32, #tpu.memory_space<vmem>>) offsets(%arg10 : memref<40xi32, #tpu.memory_space<vmem>>) semaphore(%arg32 : memref<!tpu.dma_semaphore, #tpu.memory_space<semaphore_mem>>)
        } else {
        }
      } else {
      }
    }
    %scan3A_344 = arith.constant 250 : i32
    %dma_wait3A_345 = arith.constant 0 : i32
    %dma_wait3A_346 = arith.constant 0 : i32
    %dma_wait3A_347 = tpu.memref_slice %arg28[%dma_wait3A_345, %dma_wait3A_346] : memref<10240x128xf32, #tpu.memory_space<vmem_shared>> -> memref<10240x128xf32, #tpu.memory_space<vmem_shared>>
    tpu.wait_indirect_dma semaphore(%arg52 : memref<!tpu.dma_semaphore, #tpu.memory_space<semaphore_mem>>) src(%arg23 : memref<40x128xf32, #tpu.memory_space<vmem>>) dst(%dma_wait3A_347 : memref<10240x128xf32, #tpu.memory_space<vmem_shared>>)
    %dma_wait3A_348 = arith.constant 0 : i32
    %dma_wait3A_349 = arith.constant 0 : i32
    %dma_wait3A_350 = tpu.memref_slice %arg28[%dma_wait3A_348, %dma_wait3A_349] : memref<10240x128xf32, #tpu.memory_space<vmem_shared>> -> memref<10240x128xf32, #tpu.memory_space<vmem_shared>>
    tpu.wait_indirect_dma semaphore(%arg53 : memref<!tpu.dma_semaphore, #tpu.memory_space<semaphore_mem>>) src(%arg24 : memref<40x128xf32, #tpu.memory_space<vmem>>) dst(%dma_wait3A_350 : memref<10240x128xf32, #tpu.memory_space<vmem_shared>>)
    %dma_wait3A_351 = arith.constant 0 : i32
    %dma_wait3A_352 = arith.constant 0 : i32
    %dma_wait3A_353 = tpu.memref_slice %arg28[%dma_wait3A_351, %dma_wait3A_352] : memref<10240x128xf32, #tpu.memory_space<vmem_shared>> -> memref<10240x128xf32, #tpu.memory_space<vmem_shared>>
    tpu.wait_indirect_dma semaphore(%arg54 : memref<!tpu.dma_semaphore, #tpu.memory_space<semaphore_mem>>) src(%arg25 : memref<40x128xf32, #tpu.memory_space<vmem>>) dst(%dma_wait3A_353 : memref<10240x128xf32, #tpu.memory_space<vmem_shared>>)
    %barrier3A_354 = arith.constant 0 : index
    tpu.barrier barrier_id(%barrier3A_354)
    %mul3A_355 = arith.constant 640 : i32
    %mul3A_356 = arith.muli %arg1, %mul3A_355 : i32
    %add3A_357 = arith.constant 0 : i32
    %add3A_358 = arith.addi %mul3A_356, %add3A_357 : i32
    "tpu.region"() ({
      %run_scoped3A = tpu.sem_alloc : memref<!tpu.dma_semaphore, #tpu.memory_space<semaphore_mem>>
      %dma_start3A_615 = arith.constant 0 : i32
      %dma_start3A_616 = tpu.memref_slice %arg28[%add3A_358, %dma_start3A_615] : memref<10240x128xf32, #tpu.memory_space<vmem_shared>> -> memref<40x128xf32, #tpu.memory_space<vmem_shared>>
      %dma_start3A_617 = arith.constant 0 : i32
      %dma_start3A_618 = tpu.memref_slice %arg28[%add3A_358, %dma_start3A_617] : memref<10240x128xf32, #tpu.memory_space<vmem_shared>> -> memref<40x128xf32, #tpu.memory_space<vmem_shared>>
      tpu.enqueue_dma source(%dma_start3A_618 : memref<40x128xf32, #tpu.memory_space<vmem_shared>>) target(%arg21 : memref<40x128xf32, #tpu.memory_space<vmem>>) target_semaphore(%run_scoped3A : memref<!tpu.dma_semaphore, #tpu.memory_space<semaphore_mem>>)
      %dma_wait3A_619 = arith.constant 0 : i32
      %dma_wait3A_620 = tpu.memref_slice %arg28[%add3A_358, %dma_wait3A_619] : memref<10240x128xf32, #tpu.memory_space<vmem_shared>> -> memref<40x128xf32, #tpu.memory_space<vmem_shared>>
      %dma_wait3A_621 = arith.constant 0 : i32
      %dma_wait3A_622 = tpu.memref_slice %arg28[%add3A_358, %dma_wait3A_621] : memref<10240x128xf32, #tpu.memory_space<vmem_shared>> -> memref<40x128xf32, #tpu.memory_space<vmem_shared>>
      tpu.wait_dma2 semaphore(%run_scoped3A : memref<!tpu.dma_semaphore, #tpu.memory_space<semaphore_mem>>) src(%dma_wait3A_622 : memref<40x128xf32, #tpu.memory_space<vmem_shared>>) dst(%arg21 : memref<40x128xf32, #tpu.memory_space<vmem>>)
      tpu.yield
    }) : () -> ()
    %dma_start3A_359 = arith.constant 0 : i32
    %dma_start3A_360 = tpu.memref_slice %arg6[%arg0, %add3A_358, %dma_start3A_359] : memref<2x10240x128xf32, #tpu.memory_space<hbm>> -> memref<1x40x128xf32, #tpu.memory_space<hbm>>
    %dma_start3A_361 = tpu.memref_squeeze %dma_start3A_360 : memref<1x40x128xf32, #tpu.memory_space<hbm>> -> memref<40x128xf32, #tpu.memory_space<hbm>>
    %dma_start3A_362 = arith.constant 0 : i32
    %dma_start3A_363 = tpu.memref_slice %arg6[%arg0, %add3A_358, %dma_start3A_362] : memref<2x10240x128xf32, #tpu.memory_space<hbm>> -> memref<1x40x128xf32, #tpu.memory_space<hbm>>
    %dma_start3A_364 = tpu.memref_squeeze %dma_start3A_363 : memref<1x40x128xf32, #tpu.memory_space<hbm>> -> memref<40x128xf32, #tpu.memory_space<hbm>>
    tpu.enqueue_dma source(%arg21 : memref<40x128xf32, #tpu.memory_space<vmem>>) target(%dma_start3A_364 : memref<40x128xf32, #tpu.memory_space<hbm>>) target_semaphore(%arg29 : memref<!tpu.dma_semaphore, #tpu.memory_space<semaphore_mem>>)
    %mul3A_365 = arith.constant 640 : i32
    %mul3A_366 = arith.muli %arg1, %mul3A_365 : i32
    %add3A_367 = arith.constant 40 : i32
    %add3A_368 = arith.addi %mul3A_366, %add3A_367 : i32
    "tpu.region"() ({
      %run_scoped3A = tpu.sem_alloc : memref<!tpu.dma_semaphore, #tpu.memory_space<semaphore_mem>>
      %dma_start3A_615 = arith.constant 0 : i32
      %dma_start3A_616 = tpu.memref_slice %arg28[%add3A_368, %dma_start3A_615] : memref<10240x128xf32, #tpu.memory_space<vmem_shared>> -> memref<40x128xf32, #tpu.memory_space<vmem_shared>>
      %dma_start3A_617 = arith.constant 0 : i32
      %dma_start3A_618 = tpu.memref_slice %arg28[%add3A_368, %dma_start3A_617] : memref<10240x128xf32, #tpu.memory_space<vmem_shared>> -> memref<40x128xf32, #tpu.memory_space<vmem_shared>>
      tpu.enqueue_dma source(%dma_start3A_618 : memref<40x128xf32, #tpu.memory_space<vmem_shared>>) target(%arg22 : memref<40x128xf32, #tpu.memory_space<vmem>>) target_semaphore(%run_scoped3A : memref<!tpu.dma_semaphore, #tpu.memory_space<semaphore_mem>>)
      %dma_wait3A_619 = arith.constant 0 : i32
      %dma_wait3A_620 = tpu.memref_slice %arg28[%add3A_368, %dma_wait3A_619] : memref<10240x128xf32, #tpu.memory_space<vmem_shared>> -> memref<40x128xf32, #tpu.memory_space<vmem_shared>>
      %dma_wait3A_621 = arith.constant 0 : i32
      %dma_wait3A_622 = tpu.memref_slice %arg28[%add3A_368, %dma_wait3A_621] : memref<10240x128xf32, #tpu.memory_space<vmem_shared>> -> memref<40x128xf32, #tpu.memory_space<vmem_shared>>
      tpu.wait_dma2 semaphore(%run_scoped3A : memref<!tpu.dma_semaphore, #tpu.memory_space<semaphore_mem>>) src(%dma_wait3A_622 : memref<40x128xf32, #tpu.memory_space<vmem_shared>>) dst(%arg22 : memref<40x128xf32, #tpu.memory_space<vmem>>)
      tpu.yield
    }) : () -> ()
    %dma_start3A_369 = arith.constant 0 : i32
    %dma_start3A_370 = tpu.memref_slice %arg6[%arg0, %add3A_368, %dma_start3A_369] : memref<2x10240x128xf32, #tpu.memory_space<hbm>> -> memref<1x40x128xf32, #tpu.memory_space<hbm>>
    %dma_start3A_371 = tpu.memref_squeeze %dma_start3A_370 : memref<1x40x128xf32, #tpu.memory_space<hbm>> -> memref<40x128xf32, #tpu.memory_space<hbm>>
    %dma_start3A_372 = arith.constant 0 : i32
    %dma_start3A_373 = tpu.memref_slice %arg6[%arg0, %add3A_368, %dma_start3A_372] : memref<2x10240x128xf32, #tpu.memory_space<hbm>> -> memref<1x40x128xf32, #tpu.memory_space<hbm>>
    %dma_start3A_374 = tpu.memref_squeeze %dma_start3A_373 : memref<1x40x128xf32, #tpu.memory_space<hbm>> -> memref<40x128xf32, #tpu.memory_space<hbm>>
    tpu.enqueue_dma source(%arg22 : memref<40x128xf32, #tpu.memory_space<vmem>>) target(%dma_start3A_374 : memref<40x128xf32, #tpu.memory_space<hbm>>) target_semaphore(%arg30 : memref<!tpu.dma_semaphore, #tpu.memory_space<semaphore_mem>>)
    %mul3A_375 = arith.constant 640 : i32
    %mul3A_376 = arith.muli %arg1, %mul3A_375 : i32
    %add3A_377 = arith.constant 80 : i32
    %add3A_378 = arith.addi %mul3A_376, %add3A_377 : i32
    %dma_wait3A_379 = arith.constant 0 : i32
    %dma_wait3A_380 = tpu.memref_slice %arg6[%arg0, %add3A_378, %dma_wait3A_379] : memref<2x10240x128xf32, #tpu.memory_space<hbm>> -> memref<1x40x128xf32, #tpu.memory_space<hbm>>
    %dma_wait3A_381 = tpu.memref_squeeze %dma_wait3A_380 : memref<1x40x128xf32, #tpu.memory_space<hbm>> -> memref<40x128xf32, #tpu.memory_space<hbm>>
    %dma_wait3A_382 = arith.constant 0 : i32
    %dma_wait3A_383 = tpu.memref_slice %arg6[%arg0, %add3A_378, %dma_wait3A_382] : memref<2x10240x128xf32, #tpu.memory_space<hbm>> -> memref<1x40x128xf32, #tpu.memory_space<hbm>>
    %dma_wait3A_384 = tpu.memref_squeeze %dma_wait3A_383 : memref<1x40x128xf32, #tpu.memory_space<hbm>> -> memref<40x128xf32, #tpu.memory_space<hbm>>
    tpu.wait_dma2 semaphore(%arg29 : memref<!tpu.dma_semaphore, #tpu.memory_space<semaphore_mem>>) src(%arg21 : memref<40x128xf32, #tpu.memory_space<vmem>>) dst(%dma_wait3A_384 : memref<40x128xf32, #tpu.memory_space<hbm>>)
    "tpu.region"() ({
      %run_scoped3A = tpu.sem_alloc : memref<!tpu.dma_semaphore, #tpu.memory_space<semaphore_mem>>
      %dma_start3A_615 = arith.constant 0 : i32
      %dma_start3A_616 = tpu.memref_slice %arg28[%add3A_378, %dma_start3A_615] : memref<10240x128xf32, #tpu.memory_space<vmem_shared>> -> memref<40x128xf32, #tpu.memory_space<vmem_shared>>
      %dma_start3A_617 = arith.constant 0 : i32
      %dma_start3A_618 = tpu.memref_slice %arg28[%add3A_378, %dma_start3A_617] : memref<10240x128xf32, #tpu.memory_space<vmem_shared>> -> memref<40x128xf32, #tpu.memory_space<vmem_shared>>
      tpu.enqueue_dma source(%dma_start3A_618 : memref<40x128xf32, #tpu.memory_space<vmem_shared>>) target(%arg21 : memref<40x128xf32, #tpu.memory_space<vmem>>) target_semaphore(%run_scoped3A : memref<!tpu.dma_semaphore, #tpu.memory_space<semaphore_mem>>)
      %dma_wait3A_619 = arith.constant 0 : i32
      %dma_wait3A_620 = tpu.memref_slice %arg28[%add3A_378, %dma_wait3A_619] : memref<10240x128xf32, #tpu.memory_space<vmem_shared>> -> memref<40x128xf32, #tpu.memory_space<vmem_shared>>
      %dma_wait3A_621 = arith.constant 0 : i32
      %dma_wait3A_622 = tpu.memref_slice %arg28[%add3A_378, %dma_wait3A_621] : memref<10240x128xf32, #tpu.memory_space<vmem_shared>> -> memref<40x128xf32, #tpu.memory_space<vmem_shared>>
      tpu.wait_dma2 semaphore(%run_scoped3A : memref<!tpu.dma_semaphore, #tpu.memory_space<semaphore_mem>>) src(%dma_wait3A_622 : memref<40x128xf32, #tpu.memory_space<vmem_shared>>) dst(%arg21 : memref<40x128xf32, #tpu.memory_space<vmem>>)
      tpu.yield
    }) : () -> ()
    %dma_start3A_385 = arith.constant 0 : i32
    %dma_start3A_386 = tpu.memref_slice %arg6[%arg0, %add3A_378, %dma_start3A_385] : memref<2x10240x128xf32, #tpu.memory_space<hbm>> -> memref<1x40x128xf32, #tpu.memory_space<hbm>>
    %dma_start3A_387 = tpu.memref_squeeze %dma_start3A_386 : memref<1x40x128xf32, #tpu.memory_space<hbm>> -> memref<40x128xf32, #tpu.memory_space<hbm>>
    %dma_start3A_388 = arith.constant 0 : i32
    %dma_start3A_389 = tpu.memref_slice %arg6[%arg0, %add3A_378, %dma_start3A_388] : memref<2x10240x128xf32, #tpu.memory_space<hbm>> -> memref<1x40x128xf32, #tpu.memory_space<hbm>>
    %dma_start3A_390 = tpu.memref_squeeze %dma_start3A_389 : memref<1x40x128xf32, #tpu.memory_space<hbm>> -> memref<40x128xf32, #tpu.memory_space<hbm>>
    tpu.enqueue_dma source(%arg21 : memref<40x128xf32, #tpu.memory_space<vmem>>) target(%dma_start3A_390 : memref<40x128xf32, #tpu.memory_space<hbm>>) target_semaphore(%arg29 : memref<!tpu.dma_semaphore, #tpu.memory_space<semaphore_mem>>)
    %mul3A_391 = arith.constant 640 : i32
    %mul3A_392 = arith.muli %arg1, %mul3A_391 : i32
    %add3A_393 = arith.constant 120 : i32
    %add3A_394 = arith.addi %mul3A_392, %add3A_393 : i32
    %dma_wait3A_395 = arith.constant 0 : i32
    %dma_wait3A_396 = tpu.memref_slice %arg6[%arg0, %add3A_394, %dma_wait3A_395] : memref<2x10240x128xf32, #tpu.memory_space<hbm>> -> memref<1x40x128xf32, #tpu.memory_space<hbm>>
    %dma_wait3A_397 = tpu.memref_squeeze %dma_wait3A_396 : memref<1x40x128xf32, #tpu.memory_space<hbm>> -> memref<40x128xf32, #tpu.memory_space<hbm>>
    %dma_wait3A_398 = arith.constant 0 : i32
    %dma_wait3A_399 = tpu.memref_slice %arg6[%arg0, %add3A_394, %dma_wait3A_398] : memref<2x10240x128xf32, #tpu.memory_space<hbm>> -> memref<1x40x128xf32, #tpu.memory_space<hbm>>
    %dma_wait3A_400 = tpu.memref_squeeze %dma_wait3A_399 : memref<1x40x128xf32, #tpu.memory_space<hbm>> -> memref<40x128xf32, #tpu.memory_space<hbm>>
    tpu.wait_dma2 semaphore(%arg30 : memref<!tpu.dma_semaphore, #tpu.memory_space<semaphore_mem>>) src(%arg22 : memref<40x128xf32, #tpu.memory_space<vmem>>) dst(%dma_wait3A_400 : memref<40x128xf32, #tpu.memory_space<hbm>>)
    "tpu.region"() ({
      %run_scoped3A = tpu.sem_alloc : memref<!tpu.dma_semaphore, #tpu.memory_space<semaphore_mem>>
      %dma_start3A_615 = arith.constant 0 : i32
      %dma_start3A_616 = tpu.memref_slice %arg28[%add3A_394, %dma_start3A_615] : memref<10240x128xf32, #tpu.memory_space<vmem_shared>> -> memref<40x128xf32, #tpu.memory_space<vmem_shared>>
      %dma_start3A_617 = arith.constant 0 : i32
      %dma_start3A_618 = tpu.memref_slice %arg28[%add3A_394, %dma_start3A_617] : memref<10240x128xf32, #tpu.memory_space<vmem_shared>> -> memref<40x128xf32, #tpu.memory_space<vmem_shared>>
      tpu.enqueue_dma source(%dma_start3A_618 : memref<40x128xf32, #tpu.memory_space<vmem_shared>>) target(%arg22 : memref<40x128xf32, #tpu.memory_space<vmem>>) target_semaphore(%run_scoped3A : memref<!tpu.dma_semaphore, #tpu.memory_space<semaphore_mem>>)
      %dma_wait3A_619 = arith.constant 0 : i32
      %dma_wait3A_620 = tpu.memref_slice %arg28[%add3A_394, %dma_wait3A_619] : memref<10240x128xf32, #tpu.memory_space<vmem_shared>> -> memref<40x128xf32, #tpu.memory_space<vmem_shared>>
      %dma_wait3A_621 = arith.constant 0 : i32
      %dma_wait3A_622 = tpu.memref_slice %arg28[%add3A_394, %dma_wait3A_621] : memref<10240x128xf32, #tpu.memory_space<vmem_shared>> -> memref<40x128xf32, #tpu.memory_space<vmem_shared>>
      tpu.wait_dma2 semaphore(%run_scoped3A : memref<!tpu.dma_semaphore, #tpu.memory_space<semaphore_mem>>) src(%dma_wait3A_622 : memref<40x128xf32, #tpu.memory_space<vmem_shared>>) dst(%arg22 : memref<40x128xf32, #tpu.memory_space<vmem>>)
      tpu.yield
    }) : () -> ()
    %dma_start3A_401 = arith.constant 0 : i32
    %dma_start3A_402 = tpu.memref_slice %arg6[%arg0, %add3A_394, %dma_start3A_401] : memref<2x10240x128xf32, #tpu.memory_space<hbm>> -> memref<1x40x128xf32, #tpu.memory_space<hbm>>
    %dma_start3A_403 = tpu.memref_squeeze %dma_start3A_402 : memref<1x40x128xf32, #tpu.memory_space<hbm>> -> memref<40x128xf32, #tpu.memory_space<hbm>>
    %dma_start3A_404 = arith.constant 0 : i32
    %dma_start3A_405 = tpu.memref_slice %arg6[%arg0, %add3A_394, %dma_start3A_404] : memref<2x10240x128xf32, #tpu.memory_space<hbm>> -> memref<1x40x128xf32, #tpu.memory_space<hbm>>
    %dma_start3A_406 = tpu.memref_squeeze %dma_start3A_405 : memref<1x40x128xf32, #tpu.memory_space<hbm>> -> memref<40x128xf32, #tpu.memory_space<hbm>>
    tpu.enqueue_dma source(%arg22 : memref<40x128xf32, #tpu.memory_space<vmem>>) target(%dma_start3A_406 : memref<40x128xf32, #tpu.memory_space<hbm>>) target_semaphore(%arg30 : memref<!tpu.dma_semaphore, #tpu.memory_space<semaphore_mem>>)
    %mul3A_407 = arith.constant 640 : i32
    %mul3A_408 = arith.muli %arg1, %mul3A_407 : i32
    %add3A_409 = arith.constant 160 : i32
    %add3A_410 = arith.addi %mul3A_408, %add3A_409 : i32
    %dma_wait3A_411 = arith.constant 0 : i32
    %dma_wait3A_412 = tpu.memref_slice %arg6[%arg0, %add3A_410, %dma_wait3A_411] : memref<2x10240x128xf32, #tpu.memory_space<hbm>> -> memref<1x40x128xf32, #tpu.memory_space<hbm>>
    %dma_wait3A_413 = tpu.memref_squeeze %dma_wait3A_412 : memref<1x40x128xf32, #tpu.memory_space<hbm>> -> memref<40x128xf32, #tpu.memory_space<hbm>>
    %dma_wait3A_414 = arith.constant 0 : i32
    %dma_wait3A_415 = tpu.memref_slice %arg6[%arg0, %add3A_410, %dma_wait3A_414] : memref<2x10240x128xf32, #tpu.memory_space<hbm>> -> memref<1x40x128xf32, #tpu.memory_space<hbm>>
    %dma_wait3A_416 = tpu.memref_squeeze %dma_wait3A_415 : memref<1x40x128xf32, #tpu.memory_space<hbm>> -> memref<40x128xf32, #tpu.memory_space<hbm>>
    tpu.wait_dma2 semaphore(%arg29 : memref<!tpu.dma_semaphore, #tpu.memory_space<semaphore_mem>>) src(%arg21 : memref<40x128xf32, #tpu.memory_space<vmem>>) dst(%dma_wait3A_416 : memref<40x128xf32, #tpu.memory_space<hbm>>)
    "tpu.region"() ({
      %run_scoped3A = tpu.sem_alloc : memref<!tpu.dma_semaphore, #tpu.memory_space<semaphore_mem>>
      %dma_start3A_615 = arith.constant 0 : i32
      %dma_start3A_616 = tpu.memref_slice %arg28[%add3A_410, %dma_start3A_615] : memref<10240x128xf32, #tpu.memory_space<vmem_shared>> -> memref<40x128xf32, #tpu.memory_space<vmem_shared>>
      %dma_start3A_617 = arith.constant 0 : i32
      %dma_start3A_618 = tpu.memref_slice %arg28[%add3A_410, %dma_start3A_617] : memref<10240x128xf32, #tpu.memory_space<vmem_shared>> -> memref<40x128xf32, #tpu.memory_space<vmem_shared>>
      tpu.enqueue_dma source(%dma_start3A_618 : memref<40x128xf32, #tpu.memory_space<vmem_shared>>) target(%arg21 : memref<40x128xf32, #tpu.memory_space<vmem>>) target_semaphore(%run_scoped3A : memref<!tpu.dma_semaphore, #tpu.memory_space<semaphore_mem>>)
      %dma_wait3A_619 = arith.constant 0 : i32
      %dma_wait3A_620 = tpu.memref_slice %arg28[%add3A_410, %dma_wait3A_619] : memref<10240x128xf32, #tpu.memory_space<vmem_shared>> -> memref<40x128xf32, #tpu.memory_space<vmem_shared>>
      %dma_wait3A_621 = arith.constant 0 : i32
      %dma_wait3A_622 = tpu.memref_slice %arg28[%add3A_410, %dma_wait3A_621] : memref<10240x128xf32, #tpu.memory_space<vmem_shared>> -> memref<40x128xf32, #tpu.memory_space<vmem_shared>>
      tpu.wait_dma2 semaphore(%run_scoped3A : memref<!tpu.dma_semaphore, #tpu.memory_space<semaphore_mem>>) src(%dma_wait3A_622 : memref<40x128xf32, #tpu.memory_space<vmem_shared>>) dst(%arg21 : memref<40x128xf32, #tpu.memory_space<vmem>>)
      tpu.yield
    }) : () -> ()
    %dma_start3A_417 = arith.constant 0 : i32
    %dma_start3A_418 = tpu.memref_slice %arg6[%arg0, %add3A_410, %dma_start3A_417] : memref<2x10240x128xf32, #tpu.memory_space<hbm>> -> memref<1x40x128xf32, #tpu.memory_space<hbm>>
    %dma_start3A_419 = tpu.memref_squeeze %dma_start3A_418 : memref<1x40x128xf32, #tpu.memory_space<hbm>> -> memref<40x128xf32, #tpu.memory_space<hbm>>
    %dma_start3A_420 = arith.constant 0 : i32
    %dma_start3A_421 = tpu.memref_slice %arg6[%arg0, %add3A_410, %dma_start3A_420] : memref<2x10240x128xf32, #tpu.memory_space<hbm>> -> memref<1x40x128xf32, #tpu.memory_space<hbm>>
    %dma_start3A_422 = tpu.memref_squeeze %dma_start3A_421 : memref<1x40x128xf32, #tpu.memory_space<hbm>> -> memref<40x128xf32, #tpu.memory_space<hbm>>
    tpu.enqueue_dma source(%arg21 : memref<40x128xf32, #tpu.memory_space<vmem>>) target(%dma_start3A_422 : memref<40x128xf32, #tpu.memory_space<hbm>>) target_semaphore(%arg29 : memref<!tpu.dma_semaphore, #tpu.memory_space<semaphore_mem>>)
    %mul3A_423 = arith.constant 640 : i32
    %mul3A_424 = arith.muli %arg1, %mul3A_423 : i32
    %add3A_425 = arith.constant 200 : i32
    %add3A_426 = arith.addi %mul3A_424, %add3A_425 : i32
    %dma_wait3A_427 = arith.constant 0 : i32
    %dma_wait3A_428 = tpu.memref_slice %arg6[%arg0, %add3A_426, %dma_wait3A_427] : memref<2x10240x128xf32, #tpu.memory_space<hbm>> -> memref<1x40x128xf32, #tpu.memory_space<hbm>>
    %dma_wait3A_429 = tpu.memref_squeeze %dma_wait3A_428 : memref<1x40x128xf32, #tpu.memory_space<hbm>> -> memref<40x128xf32, #tpu.memory_space<hbm>>
    %dma_wait3A_430 = arith.constant 0 : i32
    %dma_wait3A_431 = tpu.memref_slice %arg6[%arg0, %add3A_426, %dma_wait3A_430] : memref<2x10240x128xf32, #tpu.memory_space<hbm>> -> memref<1x40x128xf32, #tpu.memory_space<hbm>>
    %dma_wait3A_432 = tpu.memref_squeeze %dma_wait3A_431 : memref<1x40x128xf32, #tpu.memory_space<hbm>> -> memref<40x128xf32, #tpu.memory_space<hbm>>
    tpu.wait_dma2 semaphore(%arg30 : memref<!tpu.dma_semaphore, #tpu.memory_space<semaphore_mem>>) src(%arg22 : memref<40x128xf32, #tpu.memory_space<vmem>>) dst(%dma_wait3A_432 : memref<40x128xf32, #tpu.memory_space<hbm>>)
    "tpu.region"() ({
      %run_scoped3A = tpu.sem_alloc : memref<!tpu.dma_semaphore, #tpu.memory_space<semaphore_mem>>
      %dma_start3A_615 = arith.constant 0 : i32
      %dma_start3A_616 = tpu.memref_slice %arg28[%add3A_426, %dma_start3A_615] : memref<10240x128xf32, #tpu.memory_space<vmem_shared>> -> memref<40x128xf32, #tpu.memory_space<vmem_shared>>
      %dma_start3A_617 = arith.constant 0 : i32
      %dma_start3A_618 = tpu.memref_slice %arg28[%add3A_426, %dma_start3A_617] : memref<10240x128xf32, #tpu.memory_space<vmem_shared>> -> memref<40x128xf32, #tpu.memory_space<vmem_shared>>
      tpu.enqueue_dma source(%dma_start3A_618 : memref<40x128xf32, #tpu.memory_space<vmem_shared>>) target(%arg22 : memref<40x128xf32, #tpu.memory_space<vmem>>) target_semaphore(%run_scoped3A : memref<!tpu.dma_semaphore, #tpu.memory_space<semaphore_mem>>)
      %dma_wait3A_619 = arith.constant 0 : i32
      %dma_wait3A_620 = tpu.memref_slice %arg28[%add3A_426, %dma_wait3A_619] : memref<10240x128xf32, #tpu.memory_space<vmem_shared>> -> memref<40x128xf32, #tpu.memory_space<vmem_shared>>
      %dma_wait3A_621 = arith.constant 0 : i32
      %dma_wait3A_622 = tpu.memref_slice %arg28[%add3A_426, %dma_wait3A_621] : memref<10240x128xf32, #tpu.memory_space<vmem_shared>> -> memref<40x128xf32, #tpu.memory_space<vmem_shared>>
      tpu.wait_dma2 semaphore(%run_scoped3A : memref<!tpu.dma_semaphore, #tpu.memory_space<semaphore_mem>>) src(%dma_wait3A_622 : memref<40x128xf32, #tpu.memory_space<vmem_shared>>) dst(%arg22 : memref<40x128xf32, #tpu.memory_space<vmem>>)
      tpu.yield
    }) : () -> ()
    %dma_start3A_433 = arith.constant 0 : i32
    %dma_start3A_434 = tpu.memref_slice %arg6[%arg0, %add3A_426, %dma_start3A_433] : memref<2x10240x128xf32, #tpu.memory_space<hbm>> -> memref<1x40x128xf32, #tpu.memory_space<hbm>>
    %dma_start3A_435 = tpu.memref_squeeze %dma_start3A_434 : memref<1x40x128xf32, #tpu.memory_space<hbm>> -> memref<40x128xf32, #tpu.memory_space<hbm>>
    %dma_start3A_436 = arith.constant 0 : i32
    %dma_start3A_437 = tpu.memref_slice %arg6[%arg0, %add3A_426, %dma_start3A_436] : memref<2x10240x128xf32, #tpu.memory_space<hbm>> -> memref<1x40x128xf32, #tpu.memory_space<hbm>>
    %dma_start3A_438 = tpu.memref_squeeze %dma_start3A_437 : memref<1x40x128xf32, #tpu.memory_space<hbm>> -> memref<40x128xf32, #tpu.memory_space<hbm>>
    tpu.enqueue_dma source(%arg22 : memref<40x128xf32, #tpu.memory_space<vmem>>) target(%dma_start3A_438 : memref<40x128xf32, #tpu.memory_space<hbm>>) target_semaphore(%arg30 : memref<!tpu.dma_semaphore, #tpu.memory_space<semaphore_mem>>)
    %mul3A_439 = arith.constant 640 : i32
    %mul3A_440 = arith.muli %arg1, %mul3A_439 : i32
    %add3A_441 = arith.constant 240 : i32
    %add3A_442 = arith.addi %mul3A_440, %add3A_441 : i32
    %dma_wait3A_443 = arith.constant 0 : i32
    %dma_wait3A_444 = tpu.memref_slice %arg6[%arg0, %add3A_442, %dma_wait3A_443] : memref<2x10240x128xf32, #tpu.memory_space<hbm>> -> memref<1x40x128xf32, #tpu.memory_space<hbm>>
    %dma_wait3A_445 = tpu.memref_squeeze %dma_wait3A_444 : memref<1x40x128xf32, #tpu.memory_space<hbm>> -> memref<40x128xf32, #tpu.memory_space<hbm>>
    %dma_wait3A_446 = arith.constant 0 : i32
    %dma_wait3A_447 = tpu.memref_slice %arg6[%arg0, %add3A_442, %dma_wait3A_446] : memref<2x10240x128xf32, #tpu.memory_space<hbm>> -> memref<1x40x128xf32, #tpu.memory_space<hbm>>
    %dma_wait3A_448 = tpu.memref_squeeze %dma_wait3A_447 : memref<1x40x128xf32, #tpu.memory_space<hbm>> -> memref<40x128xf32, #tpu.memory_space<hbm>>
    tpu.wait_dma2 semaphore(%arg29 : memref<!tpu.dma_semaphore, #tpu.memory_space<semaphore_mem>>) src(%arg21 : memref<40x128xf32, #tpu.memory_space<vmem>>) dst(%dma_wait3A_448 : memref<40x128xf32, #tpu.memory_space<hbm>>)
    "tpu.region"() ({
      %run_scoped3A = tpu.sem_alloc : memref<!tpu.dma_semaphore, #tpu.memory_space<semaphore_mem>>
      %dma_start3A_615 = arith.constant 0 : i32
      %dma_start3A_616 = tpu.memref_slice %arg28[%add3A_442, %dma_start3A_615] : memref<10240x128xf32, #tpu.memory_space<vmem_shared>> -> memref<40x128xf32, #tpu.memory_space<vmem_shared>>
      %dma_start3A_617 = arith.constant 0 : i32
      %dma_start3A_618 = tpu.memref_slice %arg28[%add3A_442, %dma_start3A_617] : memref<10240x128xf32, #tpu.memory_space<vmem_shared>> -> memref<40x128xf32, #tpu.memory_space<vmem_shared>>
      tpu.enqueue_dma source(%dma_start3A_618 : memref<40x128xf32, #tpu.memory_space<vmem_shared>>) target(%arg21 : memref<40x128xf32, #tpu.memory_space<vmem>>) target_semaphore(%run_scoped3A : memref<!tpu.dma_semaphore, #tpu.memory_space<semaphore_mem>>)
      %dma_wait3A_619 = arith.constant 0 : i32
      %dma_wait3A_620 = tpu.memref_slice %arg28[%add3A_442, %dma_wait3A_619] : memref<10240x128xf32, #tpu.memory_space<vmem_shared>> -> memref<40x128xf32, #tpu.memory_space<vmem_shared>>
      %dma_wait3A_621 = arith.constant 0 : i32
      %dma_wait3A_622 = tpu.memref_slice %arg28[%add3A_442, %dma_wait3A_621] : memref<10240x128xf32, #tpu.memory_space<vmem_shared>> -> memref<40x128xf32, #tpu.memory_space<vmem_shared>>
      tpu.wait_dma2 semaphore(%run_scoped3A : memref<!tpu.dma_semaphore, #tpu.memory_space<semaphore_mem>>) src(%dma_wait3A_622 : memref<40x128xf32, #tpu.memory_space<vmem_shared>>) dst(%arg21 : memref<40x128xf32, #tpu.memory_space<vmem>>)
      tpu.yield
    }) : () -> ()
    %dma_start3A_449 = arith.constant 0 : i32
    %dma_start3A_450 = tpu.memref_slice %arg6[%arg0, %add3A_442, %dma_start3A_449] : memref<2x10240x128xf32, #tpu.memory_space<hbm>> -> memref<1x40x128xf32, #tpu.memory_space<hbm>>
    %dma_start3A_451 = tpu.memref_squeeze %dma_start3A_450 : memref<1x40x128xf32, #tpu.memory_space<hbm>> -> memref<40x128xf32, #tpu.memory_space<hbm>>
    %dma_start3A_452 = arith.constant 0 : i32
    %dma_start3A_453 = tpu.memref_slice %arg6[%arg0, %add3A_442, %dma_start3A_452] : memref<2x10240x128xf32, #tpu.memory_space<hbm>> -> memref<1x40x128xf32, #tpu.memory_space<hbm>>
    %dma_start3A_454 = tpu.memref_squeeze %dma_start3A_453 : memref<1x40x128xf32, #tpu.memory_space<hbm>> -> memref<40x128xf32, #tpu.memory_space<hbm>>
    tpu.enqueue_dma source(%arg21 : memref<40x128xf32, #tpu.memory_space<vmem>>) target(%dma_start3A_454 : memref<40x128xf32, #tpu.memory_space<hbm>>) target_semaphore(%arg29 : memref<!tpu.dma_semaphore, #tpu.memory_space<semaphore_mem>>)
    %mul3A_455 = arith.constant 640 : i32
    %mul3A_456 = arith.muli %arg1, %mul3A_455 : i32
    %add3A_457 = arith.constant 280 : i32
    %add3A_458 = arith.addi %mul3A_456, %add3A_457 : i32
    %dma_wait3A_459 = arith.constant 0 : i32
    %dma_wait3A_460 = tpu.memref_slice %arg6[%arg0, %add3A_458, %dma_wait3A_459] : memref<2x10240x128xf32, #tpu.memory_space<hbm>> -> memref<1x40x128xf32, #tpu.memory_space<hbm>>
    %dma_wait3A_461 = tpu.memref_squeeze %dma_wait3A_460 : memref<1x40x128xf32, #tpu.memory_space<hbm>> -> memref<40x128xf32, #tpu.memory_space<hbm>>
    %dma_wait3A_462 = arith.constant 0 : i32
    %dma_wait3A_463 = tpu.memref_slice %arg6[%arg0, %add3A_458, %dma_wait3A_462] : memref<2x10240x128xf32, #tpu.memory_space<hbm>> -> memref<1x40x128xf32, #tpu.memory_space<hbm>>
    %dma_wait3A_464 = tpu.memref_squeeze %dma_wait3A_463 : memref<1x40x128xf32, #tpu.memory_space<hbm>> -> memref<40x128xf32, #tpu.memory_space<hbm>>
    tpu.wait_dma2 semaphore(%arg30 : memref<!tpu.dma_semaphore, #tpu.memory_space<semaphore_mem>>) src(%arg22 : memref<40x128xf32, #tpu.memory_space<vmem>>) dst(%dma_wait3A_464 : memref<40x128xf32, #tpu.memory_space<hbm>>)
    "tpu.region"() ({
      %run_scoped3A = tpu.sem_alloc : memref<!tpu.dma_semaphore, #tpu.memory_space<semaphore_mem>>
      %dma_start3A_615 = arith.constant 0 : i32
      %dma_start3A_616 = tpu.memref_slice %arg28[%add3A_458, %dma_start3A_615] : memref<10240x128xf32, #tpu.memory_space<vmem_shared>> -> memref<40x128xf32, #tpu.memory_space<vmem_shared>>
      %dma_start3A_617 = arith.constant 0 : i32
      %dma_start3A_618 = tpu.memref_slice %arg28[%add3A_458, %dma_start3A_617] : memref<10240x128xf32, #tpu.memory_space<vmem_shared>> -> memref<40x128xf32, #tpu.memory_space<vmem_shared>>
      tpu.enqueue_dma source(%dma_start3A_618 : memref<40x128xf32, #tpu.memory_space<vmem_shared>>) target(%arg22 : memref<40x128xf32, #tpu.memory_space<vmem>>) target_semaphore(%run_scoped3A : memref<!tpu.dma_semaphore, #tpu.memory_space<semaphore_mem>>)
      %dma_wait3A_619 = arith.constant 0 : i32
      %dma_wait3A_620 = tpu.memref_slice %arg28[%add3A_458, %dma_wait3A_619] : memref<10240x128xf32, #tpu.memory_space<vmem_shared>> -> memref<40x128xf32, #tpu.memory_space<vmem_shared>>
      %dma_wait3A_621 = arith.constant 0 : i32
      %dma_wait3A_622 = tpu.memref_slice %arg28[%add3A_458, %dma_wait3A_621] : memref<10240x128xf32, #tpu.memory_space<vmem_shared>> -> memref<40x128xf32, #tpu.memory_space<vmem_shared>>
      tpu.wait_dma2 semaphore(%run_scoped3A : memref<!tpu.dma_semaphore, #tpu.memory_space<semaphore_mem>>) src(%dma_wait3A_622 : memref<40x128xf32, #tpu.memory_space<vmem_shared>>) dst(%arg22 : memref<40x128xf32, #tpu.memory_space<vmem>>)
      tpu.yield
    }) : () -> ()
    %dma_start3A_465 = arith.constant 0 : i32
    %dma_start3A_466 = tpu.memref_slice %arg6[%arg0, %add3A_458, %dma_start3A_465] : memref<2x10240x128xf32, #tpu.memory_space<hbm>> -> memref<1x40x128xf32, #tpu.memory_space<hbm>>
    %dma_start3A_467 = tpu.memref_squeeze %dma_start3A_466 : memref<1x40x128xf32, #tpu.memory_space<hbm>> -> memref<40x128xf32, #tpu.memory_space<hbm>>
    %dma_start3A_468 = arith.constant 0 : i32
    %dma_start3A_469 = tpu.memref_slice %arg6[%arg0, %add3A_458, %dma_start3A_468] : memref<2x10240x128xf32, #tpu.memory_space<hbm>> -> memref<1x40x128xf32, #tpu.memory_space<hbm>>
    %dma_start3A_470 = tpu.memref_squeeze %dma_start3A_469 : memref<1x40x128xf32, #tpu.memory_space<hbm>> -> memref<40x128xf32, #tpu.memory_space<hbm>>
    tpu.enqueue_dma source(%arg22 : memref<40x128xf32, #tpu.memory_space<vmem>>) target(%dma_start3A_470 : memref<40x128xf32, #tpu.memory_space<hbm>>) target_semaphore(%arg30 : memref<!tpu.dma_semaphore, #tpu.memory_space<semaphore_mem>>)
    %mul3A_471 = arith.constant 640 : i32
    %mul3A_472 = arith.muli %arg1, %mul3A_471 : i32
    %add3A_473 = arith.constant 320 : i32
    %add3A_474 = arith.addi %mul3A_472, %add3A_473 : i32
    %dma_wait3A_475 = arith.constant 0 : i32
    %dma_wait3A_476 = tpu.memref_slice %arg6[%arg0, %add3A_474, %dma_wait3A_475] : memref<2x10240x128xf32, #tpu.memory_space<hbm>> -> memref<1x40x128xf32, #tpu.memory_space<hbm>>
    %dma_wait3A_477 = tpu.memref_squeeze %dma_wait3A_476 : memref<1x40x128xf32, #tpu.memory_space<hbm>> -> memref<40x128xf32, #tpu.memory_space<hbm>>
    %dma_wait3A_478 = arith.constant 0 : i32
    %dma_wait3A_479 = tpu.memref_slice %arg6[%arg0, %add3A_474, %dma_wait3A_478] : memref<2x10240x128xf32, #tpu.memory_space<hbm>> -> memref<1x40x128xf32, #tpu.memory_space<hbm>>
    %dma_wait3A_480 = tpu.memref_squeeze %dma_wait3A_479 : memref<1x40x128xf32, #tpu.memory_space<hbm>> -> memref<40x128xf32, #tpu.memory_space<hbm>>
    tpu.wait_dma2 semaphore(%arg29 : memref<!tpu.dma_semaphore, #tpu.memory_space<semaphore_mem>>) src(%arg21 : memref<40x128xf32, #tpu.memory_space<vmem>>) dst(%dma_wait3A_480 : memref<40x128xf32, #tpu.memory_space<hbm>>)
    "tpu.region"() ({
      %run_scoped3A = tpu.sem_alloc : memref<!tpu.dma_semaphore, #tpu.memory_space<semaphore_mem>>
      %dma_start3A_615 = arith.constant 0 : i32
      %dma_start3A_616 = tpu.memref_slice %arg28[%add3A_474, %dma_start3A_615] : memref<10240x128xf32, #tpu.memory_space<vmem_shared>> -> memref<40x128xf32, #tpu.memory_space<vmem_shared>>
      %dma_start3A_617 = arith.constant 0 : i32
      %dma_start3A_618 = tpu.memref_slice %arg28[%add3A_474, %dma_start3A_617] : memref<10240x128xf32, #tpu.memory_space<vmem_shared>> -> memref<40x128xf32, #tpu.memory_space<vmem_shared>>
      tpu.enqueue_dma source(%dma_start3A_618 : memref<40x128xf32, #tpu.memory_space<vmem_shared>>) target(%arg21 : memref<40x128xf32, #tpu.memory_space<vmem>>) target_semaphore(%run_scoped3A : memref<!tpu.dma_semaphore, #tpu.memory_space<semaphore_mem>>)
      %dma_wait3A_619 = arith.constant 0 : i32
      %dma_wait3A_620 = tpu.memref_slice %arg28[%add3A_474, %dma_wait3A_619] : memref<10240x128xf32, #tpu.memory_space<vmem_shared>> -> memref<40x128xf32, #tpu.memory_space<vmem_shared>>
      %dma_wait3A_621 = arith.constant 0 : i32
      %dma_wait3A_622 = tpu.memref_slice %arg28[%add3A_474, %dma_wait3A_621] : memref<10240x128xf32, #tpu.memory_space<vmem_shared>> -> memref<40x128xf32, #tpu.memory_space<vmem_shared>>
      tpu.wait_dma2 semaphore(%run_scoped3A : memref<!tpu.dma_semaphore, #tpu.memory_space<semaphore_mem>>) src(%dma_wait3A_622 : memref<40x128xf32, #tpu.memory_space<vmem_shared>>) dst(%arg21 : memref<40x128xf32, #tpu.memory_space<vmem>>)
      tpu.yield
    }) : () -> ()
    %dma_start3A_481 = arith.constant 0 : i32
    %dma_start3A_482 = tpu.memref_slice %arg6[%arg0, %add3A_474, %dma_start3A_481] : memref<2x10240x128xf32, #tpu.memory_space<hbm>> -> memref<1x40x128xf32, #tpu.memory_space<hbm>>
    %dma_start3A_483 = tpu.memref_squeeze %dma_start3A_482 : memref<1x40x128xf32, #tpu.memory_space<hbm>> -> memref<40x128xf32, #tpu.memory_space<hbm>>
    %dma_start3A_484 = arith.constant 0 : i32
    %dma_start3A_485 = tpu.memref_slice %arg6[%arg0, %add3A_474, %dma_start3A_484] : memref<2x10240x128xf32, #tpu.memory_space<hbm>> -> memref<1x40x128xf32, #tpu.memory_space<hbm>>
    %dma_start3A_486 = tpu.memref_squeeze %dma_start3A_485 : memref<1x40x128xf32, #tpu.memory_space<hbm>> -> memref<40x128xf32, #tpu.memory_space<hbm>>
    tpu.enqueue_dma source(%arg21 : memref<40x128xf32, #tpu.memory_space<vmem>>) target(%dma_start3A_486 : memref<40x128xf32, #tpu.memory_space<hbm>>) target_semaphore(%arg29 : memref<!tpu.dma_semaphore, #tpu.memory_space<semaphore_mem>>)
    %mul3A_487 = arith.constant 640 : i32
    %mul3A_488 = arith.muli %arg1, %mul3A_487 : i32
    %add3A_489 = arith.constant 360 : i32
    %add3A_490 = arith.addi %mul3A_488, %add3A_489 : i32
    %dma_wait3A_491 = arith.constant 0 : i32
    %dma_wait3A_492 = tpu.memref_slice %arg6[%arg0, %add3A_490, %dma_wait3A_491] : memref<2x10240x128xf32, #tpu.memory_space<hbm>> -> memref<1x40x128xf32, #tpu.memory_space<hbm>>
    %dma_wait3A_493 = tpu.memref_squeeze %dma_wait3A_492 : memref<1x40x128xf32, #tpu.memory_space<hbm>> -> memref<40x128xf32, #tpu.memory_space<hbm>>
    %dma_wait3A_494 = arith.constant 0 : i32
    %dma_wait3A_495 = tpu.memref_slice %arg6[%arg0, %add3A_490, %dma_wait3A_494] : memref<2x10240x128xf32, #tpu.memory_space<hbm>> -> memref<1x40x128xf32, #tpu.memory_space<hbm>>
    %dma_wait3A_496 = tpu.memref_squeeze %dma_wait3A_495 : memref<1x40x128xf32, #tpu.memory_space<hbm>> -> memref<40x128xf32, #tpu.memory_space<hbm>>
    tpu.wait_dma2 semaphore(%arg30 : memref<!tpu.dma_semaphore, #tpu.memory_space<semaphore_mem>>) src(%arg22 : memref<40x128xf32, #tpu.memory_space<vmem>>) dst(%dma_wait3A_496 : memref<40x128xf32, #tpu.memory_space<hbm>>)
    "tpu.region"() ({
      %run_scoped3A = tpu.sem_alloc : memref<!tpu.dma_semaphore, #tpu.memory_space<semaphore_mem>>
      %dma_start3A_615 = arith.constant 0 : i32
      %dma_start3A_616 = tpu.memref_slice %arg28[%add3A_490, %dma_start3A_615] : memref<10240x128xf32, #tpu.memory_space<vmem_shared>> -> memref<40x128xf32, #tpu.memory_space<vmem_shared>>
      %dma_start3A_617 = arith.constant 0 : i32
      %dma_start3A_618 = tpu.memref_slice %arg28[%add3A_490, %dma_start3A_617] : memref<10240x128xf32, #tpu.memory_space<vmem_shared>> -> memref<40x128xf32, #tpu.memory_space<vmem_shared>>
      tpu.enqueue_dma source(%dma_start3A_618 : memref<40x128xf32, #tpu.memory_space<vmem_shared>>) target(%arg22 : memref<40x128xf32, #tpu.memory_space<vmem>>) target_semaphore(%run_scoped3A : memref<!tpu.dma_semaphore, #tpu.memory_space<semaphore_mem>>)
      %dma_wait3A_619 = arith.constant 0 : i32
      %dma_wait3A_620 = tpu.memref_slice %arg28[%add3A_490, %dma_wait3A_619] : memref<10240x128xf32, #tpu.memory_space<vmem_shared>> -> memref<40x128xf32, #tpu.memory_space<vmem_shared>>
      %dma_wait3A_621 = arith.constant 0 : i32
      %dma_wait3A_622 = tpu.memref_slice %arg28[%add3A_490, %dma_wait3A_621] : memref<10240x128xf32, #tpu.memory_space<vmem_shared>> -> memref<40x128xf32, #tpu.memory_space<vmem_shared>>
      tpu.wait_dma2 semaphore(%run_scoped3A : memref<!tpu.dma_semaphore, #tpu.memory_space<semaphore_mem>>) src(%dma_wait3A_622 : memref<40x128xf32, #tpu.memory_space<vmem_shared>>) dst(%arg22 : memref<40x128xf32, #tpu.memory_space<vmem>>)
      tpu.yield
    }) : () -> ()
    %dma_start3A_497 = arith.constant 0 : i32
    %dma_start3A_498 = tpu.memref_slice %arg6[%arg0, %add3A_490, %dma_start3A_497] : memref<2x10240x128xf32, #tpu.memory_space<hbm>> -> memref<1x40x128xf32, #tpu.memory_space<hbm>>
    %dma_start3A_499 = tpu.memref_squeeze %dma_start3A_498 : memref<1x40x128xf32, #tpu.memory_space<hbm>> -> memref<40x128xf32, #tpu.memory_space<hbm>>
    %dma_start3A_500 = arith.constant 0 : i32
    %dma_start3A_501 = tpu.memref_slice %arg6[%arg0, %add3A_490, %dma_start3A_500] : memref<2x10240x128xf32, #tpu.memory_space<hbm>> -> memref<1x40x128xf32, #tpu.memory_space<hbm>>
    %dma_start3A_502 = tpu.memref_squeeze %dma_start3A_501 : memref<1x40x128xf32, #tpu.memory_space<hbm>> -> memref<40x128xf32, #tpu.memory_space<hbm>>
    tpu.enqueue_dma source(%arg22 : memref<40x128xf32, #tpu.memory_space<vmem>>) target(%dma_start3A_502 : memref<40x128xf32, #tpu.memory_space<hbm>>) target_semaphore(%arg30 : memref<!tpu.dma_semaphore, #tpu.memory_space<semaphore_mem>>)
    %mul3A_503 = arith.constant 640 : i32
    %mul3A_504 = arith.muli %arg1, %mul3A_503 : i32
    %add3A_505 = arith.constant 400 : i32
    %add3A_506 = arith.addi %mul3A_504, %add3A_505 : i32
    %dma_wait3A_507 = arith.constant 0 : i32
    %dma_wait3A_508 = tpu.memref_slice %arg6[%arg0, %add3A_506, %dma_wait3A_507] : memref<2x10240x128xf32, #tpu.memory_space<hbm>> -> memref<1x40x128xf32, #tpu.memory_space<hbm>>
    %dma_wait3A_509 = tpu.memref_squeeze %dma_wait3A_508 : memref<1x40x128xf32, #tpu.memory_space<hbm>> -> memref<40x128xf32, #tpu.memory_space<hbm>>
    %dma_wait3A_510 = arith.constant 0 : i32
    %dma_wait3A_511 = tpu.memref_slice %arg6[%arg0, %add3A_506, %dma_wait3A_510] : memref<2x10240x128xf32, #tpu.memory_space<hbm>> -> memref<1x40x128xf32, #tpu.memory_space<hbm>>
    %dma_wait3A_512 = tpu.memref_squeeze %dma_wait3A_511 : memref<1x40x128xf32, #tpu.memory_space<hbm>> -> memref<40x128xf32, #tpu.memory_space<hbm>>
    tpu.wait_dma2 semaphore(%arg29 : memref<!tpu.dma_semaphore, #tpu.memory_space<semaphore_mem>>) src(%arg21 : memref<40x128xf32, #tpu.memory_space<vmem>>) dst(%dma_wait3A_512 : memref<40x128xf32, #tpu.memory_space<hbm>>)
    "tpu.region"() ({
      %run_scoped3A = tpu.sem_alloc : memref<!tpu.dma_semaphore, #tpu.memory_space<semaphore_mem>>
      %dma_start3A_615 = arith.constant 0 : i32
      %dma_start3A_616 = tpu.memref_slice %arg28[%add3A_506, %dma_start3A_615] : memref<10240x128xf32, #tpu.memory_space<vmem_shared>> -> memref<40x128xf32, #tpu.memory_space<vmem_shared>>
      %dma_start3A_617 = arith.constant 0 : i32
      %dma_start3A_618 = tpu.memref_slice %arg28[%add3A_506, %dma_start3A_617] : memref<10240x128xf32, #tpu.memory_space<vmem_shared>> -> memref<40x128xf32, #tpu.memory_space<vmem_shared>>
      tpu.enqueue_dma source(%dma_start3A_618 : memref<40x128xf32, #tpu.memory_space<vmem_shared>>) target(%arg21 : memref<40x128xf32, #tpu.memory_space<vmem>>) target_semaphore(%run_scoped3A : memref<!tpu.dma_semaphore, #tpu.memory_space<semaphore_mem>>)
      %dma_wait3A_619 = arith.constant 0 : i32
      %dma_wait3A_620 = tpu.memref_slice %arg28[%add3A_506, %dma_wait3A_619] : memref<10240x128xf32, #tpu.memory_space<vmem_shared>> -> memref<40x128xf32, #tpu.memory_space<vmem_shared>>
      %dma_wait3A_621 = arith.constant 0 : i32
      %dma_wait3A_622 = tpu.memref_slice %arg28[%add3A_506, %dma_wait3A_621] : memref<10240x128xf32, #tpu.memory_space<vmem_shared>> -> memref<40x128xf32, #tpu.memory_space<vmem_shared>>
      tpu.wait_dma2 semaphore(%run_scoped3A : memref<!tpu.dma_semaphore, #tpu.memory_space<semaphore_mem>>) src(%dma_wait3A_622 : memref<40x128xf32, #tpu.memory_space<vmem_shared>>) dst(%arg21 : memref<40x128xf32, #tpu.memory_space<vmem>>)
      tpu.yield
    }) : () -> ()
    %dma_start3A_513 = arith.constant 0 : i32
    %dma_start3A_514 = tpu.memref_slice %arg6[%arg0, %add3A_506, %dma_start3A_513] : memref<2x10240x128xf32, #tpu.memory_space<hbm>> -> memref<1x40x128xf32, #tpu.memory_space<hbm>>
    %dma_start3A_515 = tpu.memref_squeeze %dma_start3A_514 : memref<1x40x128xf32, #tpu.memory_space<hbm>> -> memref<40x128xf32, #tpu.memory_space<hbm>>
    %dma_start3A_516 = arith.constant 0 : i32
    %dma_start3A_517 = tpu.memref_slice %arg6[%arg0, %add3A_506, %dma_start3A_516] : memref<2x10240x128xf32, #tpu.memory_space<hbm>> -> memref<1x40x128xf32, #tpu.memory_space<hbm>>
    %dma_start3A_518 = tpu.memref_squeeze %dma_start3A_517 : memref<1x40x128xf32, #tpu.memory_space<hbm>> -> memref<40x128xf32, #tpu.memory_space<hbm>>
    tpu.enqueue_dma source(%arg21 : memref<40x128xf32, #tpu.memory_space<vmem>>) target(%dma_start3A_518 : memref<40x128xf32, #tpu.memory_space<hbm>>) target_semaphore(%arg29 : memref<!tpu.dma_semaphore, #tpu.memory_space<semaphore_mem>>)
    %mul3A_519 = arith.constant 640 : i32
    %mul3A_520 = arith.muli %arg1, %mul3A_519 : i32
    %add3A_521 = arith.constant 440 : i32
    %add3A_522 = arith.addi %mul3A_520, %add3A_521 : i32
    %dma_wait3A_523 = arith.constant 0 : i32
    %dma_wait3A_524 = tpu.memref_slice %arg6[%arg0, %add3A_522, %dma_wait3A_523] : memref<2x10240x128xf32, #tpu.memory_space<hbm>> -> memref<1x40x128xf32, #tpu.memory_space<hbm>>
    %dma_wait3A_525 = tpu.memref_squeeze %dma_wait3A_524 : memref<1x40x128xf32, #tpu.memory_space<hbm>> -> memref<40x128xf32, #tpu.memory_space<hbm>>
    %dma_wait3A_526 = arith.constant 0 : i32
    %dma_wait3A_527 = tpu.memref_slice %arg6[%arg0, %add3A_522, %dma_wait3A_526] : memref<2x10240x128xf32, #tpu.memory_space<hbm>> -> memref<1x40x128xf32, #tpu.memory_space<hbm>>
    %dma_wait3A_528 = tpu.memref_squeeze %dma_wait3A_527 : memref<1x40x128xf32, #tpu.memory_space<hbm>> -> memref<40x128xf32, #tpu.memory_space<hbm>>
    tpu.wait_dma2 semaphore(%arg30 : memref<!tpu.dma_semaphore, #tpu.memory_space<semaphore_mem>>) src(%arg22 : memref<40x128xf32, #tpu.memory_space<vmem>>) dst(%dma_wait3A_528 : memref<40x128xf32, #tpu.memory_space<hbm>>)
    "tpu.region"() ({
      %run_scoped3A = tpu.sem_alloc : memref<!tpu.dma_semaphore, #tpu.memory_space<semaphore_mem>>
      %dma_start3A_615 = arith.constant 0 : i32
      %dma_start3A_616 = tpu.memref_slice %arg28[%add3A_522, %dma_start3A_615] : memref<10240x128xf32, #tpu.memory_space<vmem_shared>> -> memref<40x128xf32, #tpu.memory_space<vmem_shared>>
      %dma_start3A_617 = arith.constant 0 : i32
      %dma_start3A_618 = tpu.memref_slice %arg28[%add3A_522, %dma_start3A_617] : memref<10240x128xf32, #tpu.memory_space<vmem_shared>> -> memref<40x128xf32, #tpu.memory_space<vmem_shared>>
      tpu.enqueue_dma source(%dma_start3A_618 : memref<40x128xf32, #tpu.memory_space<vmem_shared>>) target(%arg22 : memref<40x128xf32, #tpu.memory_space<vmem>>) target_semaphore(%run_scoped3A : memref<!tpu.dma_semaphore, #tpu.memory_space<semaphore_mem>>)
      %dma_wait3A_619 = arith.constant 0 : i32
      %dma_wait3A_620 = tpu.memref_slice %arg28[%add3A_522, %dma_wait3A_619] : memref<10240x128xf32, #tpu.memory_space<vmem_shared>> -> memref<40x128xf32, #tpu.memory_space<vmem_shared>>
      %dma_wait3A_621 = arith.constant 0 : i32
      %dma_wait3A_622 = tpu.memref_slice %arg28[%add3A_522, %dma_wait3A_621] : memref<10240x128xf32, #tpu.memory_space<vmem_shared>> -> memref<40x128xf32, #tpu.memory_space<vmem_shared>>
      tpu.wait_dma2 semaphore(%run_scoped3A : memref<!tpu.dma_semaphore, #tpu.memory_space<semaphore_mem>>) src(%dma_wait3A_622 : memref<40x128xf32, #tpu.memory_space<vmem_shared>>) dst(%arg22 : memref<40x128xf32, #tpu.memory_space<vmem>>)
      tpu.yield
    }) : () -> ()
    %dma_start3A_529 = arith.constant 0 : i32
    %dma_start3A_530 = tpu.memref_slice %arg6[%arg0, %add3A_522, %dma_start3A_529] : memref<2x10240x128xf32, #tpu.memory_space<hbm>> -> memref<1x40x128xf32, #tpu.memory_space<hbm>>
    %dma_start3A_531 = tpu.memref_squeeze %dma_start3A_530 : memref<1x40x128xf32, #tpu.memory_space<hbm>> -> memref<40x128xf32, #tpu.memory_space<hbm>>
    %dma_start3A_532 = arith.constant 0 : i32
    %dma_start3A_533 = tpu.memref_slice %arg6[%arg0, %add3A_522, %dma_start3A_532] : memref<2x10240x128xf32, #tpu.memory_space<hbm>> -> memref<1x40x128xf32, #tpu.memory_space<hbm>>
    %dma_start3A_534 = tpu.memref_squeeze %dma_start3A_533 : memref<1x40x128xf32, #tpu.memory_space<hbm>> -> memref<40x128xf32, #tpu.memory_space<hbm>>
    tpu.enqueue_dma source(%arg22 : memref<40x128xf32, #tpu.memory_space<vmem>>) target(%dma_start3A_534 : memref<40x128xf32, #tpu.memory_space<hbm>>) target_semaphore(%arg30 : memref<!tpu.dma_semaphore, #tpu.memory_space<semaphore_mem>>)
    %mul3A_535 = arith.constant 640 : i32
    %mul3A_536 = arith.muli %arg1, %mul3A_535 : i32
    %add3A_537 = arith.constant 480 : i32
    %add3A_538 = arith.addi %mul3A_536, %add3A_537 : i32
    %dma_wait3A_539 = arith.constant 0 : i32
    %dma_wait3A_540 = tpu.memref_slice %arg6[%arg0, %add3A_538, %dma_wait3A_539] : memref<2x10240x128xf32, #tpu.memory_space<hbm>> -> memref<1x40x128xf32, #tpu.memory_space<hbm>>
    %dma_wait3A_541 = tpu.memref_squeeze %dma_wait3A_540 : memref<1x40x128xf32, #tpu.memory_space<hbm>> -> memref<40x128xf32, #tpu.memory_space<hbm>>
    %dma_wait3A_542 = arith.constant 0 : i32
    %dma_wait3A_543 = tpu.memref_slice %arg6[%arg0, %add3A_538, %dma_wait3A_542] : memref<2x10240x128xf32, #tpu.memory_space<hbm>> -> memref<1x40x128xf32, #tpu.memory_space<hbm>>
    %dma_wait3A_544 = tpu.memref_squeeze %dma_wait3A_543 : memref<1x40x128xf32, #tpu.memory_space<hbm>> -> memref<40x128xf32, #tpu.memory_space<hbm>>
    tpu.wait_dma2 semaphore(%arg29 : memref<!tpu.dma_semaphore, #tpu.memory_space<semaphore_mem>>) src(%arg21 : memref<40x128xf32, #tpu.memory_space<vmem>>) dst(%dma_wait3A_544 : memref<40x128xf32, #tpu.memory_space<hbm>>)
    "tpu.region"() ({
      %run_scoped3A = tpu.sem_alloc : memref<!tpu.dma_semaphore, #tpu.memory_space<semaphore_mem>>
      %dma_start3A_615 = arith.constant 0 : i32
      %dma_start3A_616 = tpu.memref_slice %arg28[%add3A_538, %dma_start3A_615] : memref<10240x128xf32, #tpu.memory_space<vmem_shared>> -> memref<40x128xf32, #tpu.memory_space<vmem_shared>>
      %dma_start3A_617 = arith.constant 0 : i32
      %dma_start3A_618 = tpu.memref_slice %arg28[%add3A_538, %dma_start3A_617] : memref<10240x128xf32, #tpu.memory_space<vmem_shared>> -> memref<40x128xf32, #tpu.memory_space<vmem_shared>>
      tpu.enqueue_dma source(%dma_start3A_618 : memref<40x128xf32, #tpu.memory_space<vmem_shared>>) target(%arg21 : memref<40x128xf32, #tpu.memory_space<vmem>>) target_semaphore(%run_scoped3A : memref<!tpu.dma_semaphore, #tpu.memory_space<semaphore_mem>>)
      %dma_wait3A_619 = arith.constant 0 : i32
      %dma_wait3A_620 = tpu.memref_slice %arg28[%add3A_538, %dma_wait3A_619] : memref<10240x128xf32, #tpu.memory_space<vmem_shared>> -> memref<40x128xf32, #tpu.memory_space<vmem_shared>>
      %dma_wait3A_621 = arith.constant 0 : i32
      %dma_wait3A_622 = tpu.memref_slice %arg28[%add3A_538, %dma_wait3A_621] : memref<10240x128xf32, #tpu.memory_space<vmem_shared>> -> memref<40x128xf32, #tpu.memory_space<vmem_shared>>
      tpu.wait_dma2 semaphore(%run_scoped3A : memref<!tpu.dma_semaphore, #tpu.memory_space<semaphore_mem>>) src(%dma_wait3A_622 : memref<40x128xf32, #tpu.memory_space<vmem_shared>>) dst(%arg21 : memref<40x128xf32, #tpu.memory_space<vmem>>)
      tpu.yield
    }) : () -> ()
    %dma_start3A_545 = arith.constant 0 : i32
    %dma_start3A_546 = tpu.memref_slice %arg6[%arg0, %add3A_538, %dma_start3A_545] : memref<2x10240x128xf32, #tpu.memory_space<hbm>> -> memref<1x40x128xf32, #tpu.memory_space<hbm>>
    %dma_start3A_547 = tpu.memref_squeeze %dma_start3A_546 : memref<1x40x128xf32, #tpu.memory_space<hbm>> -> memref<40x128xf32, #tpu.memory_space<hbm>>
    %dma_start3A_548 = arith.constant 0 : i32
    %dma_start3A_549 = tpu.memref_slice %arg6[%arg0, %add3A_538, %dma_start3A_548] : memref<2x10240x128xf32, #tpu.memory_space<hbm>> -> memref<1x40x128xf32, #tpu.memory_space<hbm>>
    %dma_start3A_550 = tpu.memref_squeeze %dma_start3A_549 : memref<1x40x128xf32, #tpu.memory_space<hbm>> -> memref<40x128xf32, #tpu.memory_space<hbm>>
    tpu.enqueue_dma source(%arg21 : memref<40x128xf32, #tpu.memory_space<vmem>>) target(%dma_start3A_550 : memref<40x128xf32, #tpu.memory_space<hbm>>) target_semaphore(%arg29 : memref<!tpu.dma_semaphore, #tpu.memory_space<semaphore_mem>>)
    %mul3A_551 = arith.constant 640 : i32
    %mul3A_552 = arith.muli %arg1, %mul3A_551 : i32
    %add3A_553 = arith.constant 520 : i32
    %add3A_554 = arith.addi %mul3A_552, %add3A_553 : i32
    %dma_wait3A_555 = arith.constant 0 : i32
    %dma_wait3A_556 = tpu.memref_slice %arg6[%arg0, %add3A_554, %dma_wait3A_555] : memref<2x10240x128xf32, #tpu.memory_space<hbm>> -> memref<1x40x128xf32, #tpu.memory_space<hbm>>
    %dma_wait3A_557 = tpu.memref_squeeze %dma_wait3A_556 : memref<1x40x128xf32, #tpu.memory_space<hbm>> -> memref<40x128xf32, #tpu.memory_space<hbm>>
    %dma_wait3A_558 = arith.constant 0 : i32
    %dma_wait3A_559 = tpu.memref_slice %arg6[%arg0, %add3A_554, %dma_wait3A_558] : memref<2x10240x128xf32, #tpu.memory_space<hbm>> -> memref<1x40x128xf32, #tpu.memory_space<hbm>>
    %dma_wait3A_560 = tpu.memref_squeeze %dma_wait3A_559 : memref<1x40x128xf32, #tpu.memory_space<hbm>> -> memref<40x128xf32, #tpu.memory_space<hbm>>
    tpu.wait_dma2 semaphore(%arg30 : memref<!tpu.dma_semaphore, #tpu.memory_space<semaphore_mem>>) src(%arg22 : memref<40x128xf32, #tpu.memory_space<vmem>>) dst(%dma_wait3A_560 : memref<40x128xf32, #tpu.memory_space<hbm>>)
    "tpu.region"() ({
      %run_scoped3A = tpu.sem_alloc : memref<!tpu.dma_semaphore, #tpu.memory_space<semaphore_mem>>
      %dma_start3A_615 = arith.constant 0 : i32
      %dma_start3A_616 = tpu.memref_slice %arg28[%add3A_554, %dma_start3A_615] : memref<10240x128xf32, #tpu.memory_space<vmem_shared>> -> memref<40x128xf32, #tpu.memory_space<vmem_shared>>
      %dma_start3A_617 = arith.constant 0 : i32
      %dma_start3A_618 = tpu.memref_slice %arg28[%add3A_554, %dma_start3A_617] : memref<10240x128xf32, #tpu.memory_space<vmem_shared>> -> memref<40x128xf32, #tpu.memory_space<vmem_shared>>
      tpu.enqueue_dma source(%dma_start3A_618 : memref<40x128xf32, #tpu.memory_space<vmem_shared>>) target(%arg22 : memref<40x128xf32, #tpu.memory_space<vmem>>) target_semaphore(%run_scoped3A : memref<!tpu.dma_semaphore, #tpu.memory_space<semaphore_mem>>)
      %dma_wait3A_619 = arith.constant 0 : i32
      %dma_wait3A_620 = tpu.memref_slice %arg28[%add3A_554, %dma_wait3A_619] : memref<10240x128xf32, #tpu.memory_space<vmem_shared>> -> memref<40x128xf32, #tpu.memory_space<vmem_shared>>
      %dma_wait3A_621 = arith.constant 0 : i32
      %dma_wait3A_622 = tpu.memref_slice %arg28[%add3A_554, %dma_wait3A_621] : memref<10240x128xf32, #tpu.memory_space<vmem_shared>> -> memref<40x128xf32, #tpu.memory_space<vmem_shared>>
      tpu.wait_dma2 semaphore(%run_scoped3A : memref<!tpu.dma_semaphore, #tpu.memory_space<semaphore_mem>>) src(%dma_wait3A_622 : memref<40x128xf32, #tpu.memory_space<vmem_shared>>) dst(%arg22 : memref<40x128xf32, #tpu.memory_space<vmem>>)
      tpu.yield
    }) : () -> ()
    %dma_start3A_561 = arith.constant 0 : i32
    %dma_start3A_562 = tpu.memref_slice %arg6[%arg0, %add3A_554, %dma_start3A_561] : memref<2x10240x128xf32, #tpu.memory_space<hbm>> -> memref<1x40x128xf32, #tpu.memory_space<hbm>>
    %dma_start3A_563 = tpu.memref_squeeze %dma_start3A_562 : memref<1x40x128xf32, #tpu.memory_space<hbm>> -> memref<40x128xf32, #tpu.memory_space<hbm>>
    %dma_start3A_564 = arith.constant 0 : i32
    %dma_start3A_565 = tpu.memref_slice %arg6[%arg0, %add3A_554, %dma_start3A_564] : memref<2x10240x128xf32, #tpu.memory_space<hbm>> -> memref<1x40x128xf32, #tpu.memory_space<hbm>>
    %dma_start3A_566 = tpu.memref_squeeze %dma_start3A_565 : memref<1x40x128xf32, #tpu.memory_space<hbm>> -> memref<40x128xf32, #tpu.memory_space<hbm>>
    tpu.enqueue_dma source(%arg22 : memref<40x128xf32, #tpu.memory_space<vmem>>) target(%dma_start3A_566 : memref<40x128xf32, #tpu.memory_space<hbm>>) target_semaphore(%arg30 : memref<!tpu.dma_semaphore, #tpu.memory_space<semaphore_mem>>)
    %mul3A_567 = arith.constant 640 : i32
    %mul3A_568 = arith.muli %arg1, %mul3A_567 : i32
    %add3A_569 = arith.constant 560 : i32
    %add3A_570 = arith.addi %mul3A_568, %add3A_569 : i32
    %dma_wait3A_571 = arith.constant 0 : i32
    %dma_wait3A_572 = tpu.memref_slice %arg6[%arg0, %add3A_570, %dma_wait3A_571] : memref<2x10240x128xf32, #tpu.memory_space<hbm>> -> memref<1x40x128xf32, #tpu.memory_space<hbm>>
    %dma_wait3A_573 = tpu.memref_squeeze %dma_wait3A_572 : memref<1x40x128xf32, #tpu.memory_space<hbm>> -> memref<40x128xf32, #tpu.memory_space<hbm>>
    %dma_wait3A_574 = arith.constant 0 : i32
    %dma_wait3A_575 = tpu.memref_slice %arg6[%arg0, %add3A_570, %dma_wait3A_574] : memref<2x10240x128xf32, #tpu.memory_space<hbm>> -> memref<1x40x128xf32, #tpu.memory_space<hbm>>
    %dma_wait3A_576 = tpu.memref_squeeze %dma_wait3A_575 : memref<1x40x128xf32, #tpu.memory_space<hbm>> -> memref<40x128xf32, #tpu.memory_space<hbm>>
    tpu.wait_dma2 semaphore(%arg29 : memref<!tpu.dma_semaphore, #tpu.memory_space<semaphore_mem>>) src(%arg21 : memref<40x128xf32, #tpu.memory_space<vmem>>) dst(%dma_wait3A_576 : memref<40x128xf32, #tpu.memory_space<hbm>>)
    "tpu.region"() ({
      %run_scoped3A = tpu.sem_alloc : memref<!tpu.dma_semaphore, #tpu.memory_space<semaphore_mem>>
      %dma_start3A_615 = arith.constant 0 : i32
      %dma_start3A_616 = tpu.memref_slice %arg28[%add3A_570, %dma_start3A_615] : memref<10240x128xf32, #tpu.memory_space<vmem_shared>> -> memref<40x128xf32, #tpu.memory_space<vmem_shared>>
      %dma_start3A_617 = arith.constant 0 : i32
      %dma_start3A_618 = tpu.memref_slice %arg28[%add3A_570, %dma_start3A_617] : memref<10240x128xf32, #tpu.memory_space<vmem_shared>> -> memref<40x128xf32, #tpu.memory_space<vmem_shared>>
      tpu.enqueue_dma source(%dma_start3A_618 : memref<40x128xf32, #tpu.memory_space<vmem_shared>>) target(%arg21 : memref<40x128xf32, #tpu.memory_space<vmem>>) target_semaphore(%run_scoped3A : memref<!tpu.dma_semaphore, #tpu.memory_space<semaphore_mem>>)
      %dma_wait3A_619 = arith.constant 0 : i32
      %dma_wait3A_620 = tpu.memref_slice %arg28[%add3A_570, %dma_wait3A_619] : memref<10240x128xf32, #tpu.memory_space<vmem_shared>> -> memref<40x128xf32, #tpu.memory_space<vmem_shared>>
      %dma_wait3A_621 = arith.constant 0 : i32
      %dma_wait3A_622 = tpu.memref_slice %arg28[%add3A_570, %dma_wait3A_621] : memref<10240x128xf32, #tpu.memory_space<vmem_shared>> -> memref<40x128xf32, #tpu.memory_space<vmem_shared>>
      tpu.wait_dma2 semaphore(%run_scoped3A : memref<!tpu.dma_semaphore, #tpu.memory_space<semaphore_mem>>) src(%dma_wait3A_622 : memref<40x128xf32, #tpu.memory_space<vmem_shared>>) dst(%arg21 : memref<40x128xf32, #tpu.memory_space<vmem>>)
      tpu.yield
    }) : () -> ()
    %dma_start3A_577 = arith.constant 0 : i32
    %dma_start3A_578 = tpu.memref_slice %arg6[%arg0, %add3A_570, %dma_start3A_577] : memref<2x10240x128xf32, #tpu.memory_space<hbm>> -> memref<1x40x128xf32, #tpu.memory_space<hbm>>
    %dma_start3A_579 = tpu.memref_squeeze %dma_start3A_578 : memref<1x40x128xf32, #tpu.memory_space<hbm>> -> memref<40x128xf32, #tpu.memory_space<hbm>>
    %dma_start3A_580 = arith.constant 0 : i32
    %dma_start3A_581 = tpu.memref_slice %arg6[%arg0, %add3A_570, %dma_start3A_580] : memref<2x10240x128xf32, #tpu.memory_space<hbm>> -> memref<1x40x128xf32, #tpu.memory_space<hbm>>
    %dma_start3A_582 = tpu.memref_squeeze %dma_start3A_581 : memref<1x40x128xf32, #tpu.memory_space<hbm>> -> memref<40x128xf32, #tpu.memory_space<hbm>>
    tpu.enqueue_dma source(%arg21 : memref<40x128xf32, #tpu.memory_space<vmem>>) target(%dma_start3A_582 : memref<40x128xf32, #tpu.memory_space<hbm>>) target_semaphore(%arg29 : memref<!tpu.dma_semaphore, #tpu.memory_space<semaphore_mem>>)
    %mul3A_583 = arith.constant 640 : i32
    %mul3A_584 = arith.muli %arg1, %mul3A_583 : i32
    %add3A_585 = arith.constant 600 : i32
    %add3A_586 = arith.addi %mul3A_584, %add3A_585 : i32
    %dma_wait3A_587 = arith.constant 0 : i32
    %dma_wait3A_588 = tpu.memref_slice %arg6[%arg0, %add3A_586, %dma_wait3A_587] : memref<2x10240x128xf32, #tpu.memory_space<hbm>> -> memref<1x40x128xf32, #tpu.memory_space<hbm>>
    %dma_wait3A_589 = tpu.memref_squeeze %dma_wait3A_588 : memref<1x40x128xf32, #tpu.memory_space<hbm>> -> memref<40x128xf32, #tpu.memory_space<hbm>>
    %dma_wait3A_590 = arith.constant 0 : i32
    %dma_wait3A_591 = tpu.memref_slice %arg6[%arg0, %add3A_586, %dma_wait3A_590] : memref<2x10240x128xf32, #tpu.memory_space<hbm>> -> memref<1x40x128xf32, #tpu.memory_space<hbm>>
    %dma_wait3A_592 = tpu.memref_squeeze %dma_wait3A_591 : memref<1x40x128xf32, #tpu.memory_space<hbm>> -> memref<40x128xf32, #tpu.memory_space<hbm>>
    tpu.wait_dma2 semaphore(%arg30 : memref<!tpu.dma_semaphore, #tpu.memory_space<semaphore_mem>>) src(%arg22 : memref<40x128xf32, #tpu.memory_space<vmem>>) dst(%dma_wait3A_592 : memref<40x128xf32, #tpu.memory_space<hbm>>)
    "tpu.region"() ({
      %run_scoped3A = tpu.sem_alloc : memref<!tpu.dma_semaphore, #tpu.memory_space<semaphore_mem>>
      %dma_start3A_615 = arith.constant 0 : i32
      %dma_start3A_616 = tpu.memref_slice %arg28[%add3A_586, %dma_start3A_615] : memref<10240x128xf32, #tpu.memory_space<vmem_shared>> -> memref<40x128xf32, #tpu.memory_space<vmem_shared>>
      %dma_start3A_617 = arith.constant 0 : i32
      %dma_start3A_618 = tpu.memref_slice %arg28[%add3A_586, %dma_start3A_617] : memref<10240x128xf32, #tpu.memory_space<vmem_shared>> -> memref<40x128xf32, #tpu.memory_space<vmem_shared>>
      tpu.enqueue_dma source(%dma_start3A_618 : memref<40x128xf32, #tpu.memory_space<vmem_shared>>) target(%arg22 : memref<40x128xf32, #tpu.memory_space<vmem>>) target_semaphore(%run_scoped3A : memref<!tpu.dma_semaphore, #tpu.memory_space<semaphore_mem>>)
      %dma_wait3A_619 = arith.constant 0 : i32
      %dma_wait3A_620 = tpu.memref_slice %arg28[%add3A_586, %dma_wait3A_619] : memref<10240x128xf32, #tpu.memory_space<vmem_shared>> -> memref<40x128xf32, #tpu.memory_space<vmem_shared>>
      %dma_wait3A_621 = arith.constant 0 : i32
      %dma_wait3A_622 = tpu.memref_slice %arg28[%add3A_586, %dma_wait3A_621] : memref<10240x128xf32, #tpu.memory_space<vmem_shared>> -> memref<40x128xf32, #tpu.memory_space<vmem_shared>>
      tpu.wait_dma2 semaphore(%run_scoped3A : memref<!tpu.dma_semaphore, #tpu.memory_space<semaphore_mem>>) src(%dma_wait3A_622 : memref<40x128xf32, #tpu.memory_space<vmem_shared>>) dst(%arg22 : memref<40x128xf32, #tpu.memory_space<vmem>>)
      tpu.yield
    }) : () -> ()
    %dma_start3A_593 = arith.constant 0 : i32
    %dma_start3A_594 = tpu.memref_slice %arg6[%arg0, %add3A_586, %dma_start3A_593] : memref<2x10240x128xf32, #tpu.memory_space<hbm>> -> memref<1x40x128xf32, #tpu.memory_space<hbm>>
    %dma_start3A_595 = tpu.memref_squeeze %dma_start3A_594 : memref<1x40x128xf32, #tpu.memory_space<hbm>> -> memref<40x128xf32, #tpu.memory_space<hbm>>
    %dma_start3A_596 = arith.constant 0 : i32
    %dma_start3A_597 = tpu.memref_slice %arg6[%arg0, %add3A_586, %dma_start3A_596] : memref<2x10240x128xf32, #tpu.memory_space<hbm>> -> memref<1x40x128xf32, #tpu.memory_space<hbm>>
    %dma_start3A_598 = tpu.memref_squeeze %dma_start3A_597 : memref<1x40x128xf32, #tpu.memory_space<hbm>> -> memref<40x128xf32, #tpu.memory_space<hbm>>
    tpu.enqueue_dma source(%arg22 : memref<40x128xf32, #tpu.memory_space<vmem>>) target(%dma_start3A_598 : memref<40x128xf32, #tpu.memory_space<hbm>>) target_semaphore(%arg30 : memref<!tpu.dma_semaphore, #tpu.memory_space<semaphore_mem>>)
    %mul3A_599 = arith.constant 640 : i32
    %mul3A_600 = arith.muli %arg1, %mul3A_599 : i32
    %dma_wait3A_601 = arith.constant 0 : i32
    %dma_wait3A_602 = tpu.memref_slice %arg6[%arg0, %mul3A_600, %dma_wait3A_601] : memref<2x10240x128xf32, #tpu.memory_space<hbm>> -> memref<1x40x128xf32, #tpu.memory_space<hbm>>
    %dma_wait3A_603 = tpu.memref_squeeze %dma_wait3A_602 : memref<1x40x128xf32, #tpu.memory_space<hbm>> -> memref<40x128xf32, #tpu.memory_space<hbm>>
    %dma_wait3A_604 = arith.constant 0 : i32
    %dma_wait3A_605 = tpu.memref_slice %arg6[%arg0, %mul3A_600, %dma_wait3A_604] : memref<2x10240x128xf32, #tpu.memory_space<hbm>> -> memref<1x40x128xf32, #tpu.memory_space<hbm>>
    %dma_wait3A_606 = tpu.memref_squeeze %dma_wait3A_605 : memref<1x40x128xf32, #tpu.memory_space<hbm>> -> memref<40x128xf32, #tpu.memory_space<hbm>>
    tpu.wait_dma2 semaphore(%arg29 : memref<!tpu.dma_semaphore, #tpu.memory_space<semaphore_mem>>) src(%arg21 : memref<40x128xf32, #tpu.memory_space<vmem>>) dst(%dma_wait3A_606 : memref<40x128xf32, #tpu.memory_space<hbm>>)
    %mul3A_607 = arith.constant 640 : i32
    %mul3A_608 = arith.muli %arg1, %mul3A_607 : i32
    %dma_wait3A_609 = arith.constant 0 : i32
    %dma_wait3A_610 = tpu.memref_slice %arg6[%arg0, %mul3A_608, %dma_wait3A_609] : memref<2x10240x128xf32, #tpu.memory_space<hbm>> -> memref<1x40x128xf32, #tpu.memory_space<hbm>>
    %dma_wait3A_611 = tpu.memref_squeeze %dma_wait3A_610 : memref<1x40x128xf32, #tpu.memory_space<hbm>> -> memref<40x128xf32, #tpu.memory_space<hbm>>
    %dma_wait3A_612 = arith.constant 0 : i32
    %dma_wait3A_613 = tpu.memref_slice %arg6[%arg0, %mul3A_608, %dma_wait3A_612] : memref<2x10240x128xf32, #tpu.memory_space<hbm>> -> memref<1x40x128xf32, #tpu.memory_space<hbm>>
    %dma_wait3A_614 = tpu.memref_squeeze %dma_wait3A_613 : memref<1x40x128xf32, #tpu.memory_space<hbm>> -> memref<40x128xf32, #tpu.memory_space<hbm>>
    tpu.wait_dma2 semaphore(%arg30 : memref<!tpu.dma_semaphore, #tpu.memory_space<semaphore_mem>>) src(%arg22 : memref<40x128xf32, #tpu.memory_space<vmem>>) dst(%dma_wait3A_614 : memref<40x128xf32, #tpu.memory_space<hbm>>)
    return
  }
}

#map = affine_map<(d0, d1) -> (0, 0)>
#map1 = affine_map<(d0, d1) -> (0)>
module attributes {stable_mosaic.version = 14 : i64} {
  func.func @_sc_degree(%arg0: i32, %arg1: i32, %arg2: memref<32x10000xi32, #tpu.memory_space<hbm>>, %arg3: memref<10000xf32, #tpu.memory_space<hbm>>, %arg4: memref<32x10000xf32, #tpu.memory_space<hbm>>, %arg5: memref<10000xi32, #tpu.memory_space<vmem>>, %arg6: memref<10000xf32, #tpu.memory_space<vmem>>) attributes {dimension_semantics = [#tpu.dimension_semantics<core_parallel>, #tpu.dimension_semantics<subcore_parallel>], iteration_bounds = array<i64: 2, 16>, scalar_prefetch = 0 : i64, scratch_operands = 2 : i64, tpu.core_type = #tpu.core_type<sc_vector_subcore>, window_params = [{transform_indices = #map}, {transform_indices = #map1}, {transform_indices = #map}]} {
    %mul3A = arith.constant 16 : i32
    %mul3A_0 = arith.muli %arg0, %mul3A : i32
    %add3A = arith.addi %mul3A_0, %arg1 : i32
    "tpu.region"() ({
      %run_scoped3A = tpu.sem_alloc : memref<!tpu.dma_semaphore, #tpu.memory_space<semaphore_mem>>
      %dma_start3A = arith.constant 0 : i32
      %dma_start3A_12 = tpu.memref_slice %arg2[%add3A, %dma_start3A] : memref<32x10000xi32, #tpu.memory_space<hbm>> -> memref<1x10000xi32, #tpu.memory_space<hbm>>
      %dma_start3A_13 = tpu.memref_squeeze %dma_start3A_12 : memref<1x10000xi32, #tpu.memory_space<hbm>> -> memref<10000xi32, #tpu.memory_space<hbm>>
      %dma_start3A_14 = arith.constant 0 : i32
      %dma_start3A_15 = tpu.memref_slice %arg2[%add3A, %dma_start3A_14] : memref<32x10000xi32, #tpu.memory_space<hbm>> -> memref<1x10000xi32, #tpu.memory_space<hbm>>
      %dma_start3A_16 = tpu.memref_squeeze %dma_start3A_15 : memref<1x10000xi32, #tpu.memory_space<hbm>> -> memref<10000xi32, #tpu.memory_space<hbm>>
      tpu.enqueue_dma source(%dma_start3A_16 : memref<10000xi32, #tpu.memory_space<hbm>>) target(%arg5 : memref<10000xi32, #tpu.memory_space<vmem>>) target_semaphore(%run_scoped3A : memref<!tpu.dma_semaphore, #tpu.memory_space<semaphore_mem>>)
      %dma_wait3A = arith.constant 0 : i32
      %dma_wait3A_17 = tpu.memref_slice %arg2[%add3A, %dma_wait3A] : memref<32x10000xi32, #tpu.memory_space<hbm>> -> memref<1x10000xi32, #tpu.memory_space<hbm>>
      %dma_wait3A_18 = tpu.memref_squeeze %dma_wait3A_17 : memref<1x10000xi32, #tpu.memory_space<hbm>> -> memref<10000xi32, #tpu.memory_space<hbm>>
      %dma_wait3A_19 = arith.constant 0 : i32
      %dma_wait3A_20 = tpu.memref_slice %arg2[%add3A, %dma_wait3A_19] : memref<32x10000xi32, #tpu.memory_space<hbm>> -> memref<1x10000xi32, #tpu.memory_space<hbm>>
      %dma_wait3A_21 = tpu.memref_squeeze %dma_wait3A_20 : memref<1x10000xi32, #tpu.memory_space<hbm>> -> memref<10000xi32, #tpu.memory_space<hbm>>
      tpu.wait_dma2 semaphore(%run_scoped3A : memref<!tpu.dma_semaphore, #tpu.memory_space<semaphore_mem>>) src(%dma_wait3A_21 : memref<10000xi32, #tpu.memory_space<hbm>>) dst(%arg5 : memref<10000xi32, #tpu.memory_space<vmem>>)
      tpu.yield
    }) : () -> ()
    "tpu.region"() ({
      %run_scoped3A = tpu.sem_alloc : memref<!tpu.dma_semaphore, #tpu.memory_space<semaphore_mem>>
      tpu.enqueue_dma source(%arg3 : memref<10000xf32, #tpu.memory_space<hbm>>) target(%arg6 : memref<10000xf32, #tpu.memory_space<vmem>>) target_semaphore(%run_scoped3A : memref<!tpu.dma_semaphore, #tpu.memory_space<semaphore_mem>>)
      tpu.wait_dma2 semaphore(%run_scoped3A : memref<!tpu.dma_semaphore, #tpu.memory_space<semaphore_mem>>) src(%arg3 : memref<10000xf32, #tpu.memory_space<hbm>>) dst(%arg6 : memref<10000xf32, #tpu.memory_space<vmem>>)
      tpu.yield
    }) : () -> ()
    %broadcast_in_dim3A = arith.constant 1.000000e+00 : f32
    %broadcast_in_dim3A_1 = vector.broadcast %broadcast_in_dim3A : f32 to vector<16xf32>
    %scan3A = arith.constant 0 : i32
    %scan3A_2 = arith.constant 0 : i32
    %scan3A_3 = arith.constant 624 : i32
    %scan3A_4 = arith.addi %scan3A_2, %scan3A_3 : i32
    %scan3A_5 = arith.constant 4 : i32
    scf.for %scan3A_12 = %scan3A_2 to %scan3A_4 step %scan3A_5  : i32 {
      %mul3A_13 = arith.constant 16 : i32
      %mul3A_14 = arith.muli %scan3A_12, %mul3A_13 : i32
      %get3A_15 = arith.index_cast %mul3A_14 : i32 to index
      %get3A_16 = tpu.vector_load %arg5[%get3A_15] {strides = array<i32>} : memref<10000xi32, #tpu.memory_space<vmem>>, vector<16xi32>,
      tpu.vector_store_idx %arg6[%get3A_16], %broadcast_in_dim3A_1 {add = true} : memref<10000xf32, #tpu.memory_space<vmem>>[vector<16xi32>], vector<16xf32>,
      %scan3A_17 = arith.constant 1 : i32
      %scan3A_18 = arith.addi %scan3A_12, %scan3A_17 : i32
      %mul3A_19 = arith.constant 16 : i32
      %mul3A_20 = arith.muli %scan3A_18, %mul3A_19 : i32
      %get3A_21 = arith.index_cast %mul3A_20 : i32 to index
      %get3A_22 = tpu.vector_load %arg5[%get3A_21] {strides = array<i32>} : memref<10000xi32, #tpu.memory_space<vmem>>, vector<16xi32>,
      tpu.vector_store_idx %arg6[%get3A_22], %broadcast_in_dim3A_1 {add = true} : memref<10000xf32, #tpu.memory_space<vmem>>[vector<16xi32>], vector<16xf32>,
      %scan3A_23 = arith.constant 2 : i32
      %scan3A_24 = arith.addi %scan3A_12, %scan3A_23 : i32
      %mul3A_25 = arith.constant 16 : i32
      %mul3A_26 = arith.muli %scan3A_24, %mul3A_25 : i32
      %get3A_27 = arith.index_cast %mul3A_26 : i32 to index
      %get3A_28 = tpu.vector_load %arg5[%get3A_27] {strides = array<i32>} : memref<10000xi32, #tpu.memory_space<vmem>>, vector<16xi32>,
      tpu.vector_store_idx %arg6[%get3A_28], %broadcast_in_dim3A_1 {add = true} : memref<10000xf32, #tpu.memory_space<vmem>>[vector<16xi32>], vector<16xf32>,
      %scan3A_29 = arith.constant 3 : i32
      %scan3A_30 = arith.addi %scan3A_12, %scan3A_29 : i32
      %mul3A_31 = arith.constant 16 : i32
      %mul3A_32 = arith.muli %scan3A_30, %mul3A_31 : i32
      %get3A_33 = arith.index_cast %mul3A_32 : i32 to index
      %get3A_34 = tpu.vector_load %arg5[%get3A_33] {strides = array<i32>} : memref<10000xi32, #tpu.memory_space<vmem>>, vector<16xi32>,
      tpu.vector_store_idx %arg6[%get3A_34], %broadcast_in_dim3A_1 {add = true} : memref<10000xf32, #tpu.memory_space<vmem>>[vector<16xi32>], vector<16xf32>,
    }
    %scan3A_6 = arith.constant 624 : i32
    %scan3A_7 = arith.addi %scan3A_2, %scan3A_6 : i32
    %mul3A_8 = arith.constant 16 : i32
    %mul3A_9 = arith.muli %scan3A_7, %mul3A_8 : i32
    %get3A = arith.index_cast %mul3A_9 : i32 to index
    %get3A_10 = tpu.vector_load %arg5[%get3A] {strides = array<i32>} : memref<10000xi32, #tpu.memory_space<vmem>>, vector<16xi32>,
    tpu.vector_store_idx %arg6[%get3A_10], %broadcast_in_dim3A_1 {add = true} : memref<10000xf32, #tpu.memory_space<vmem>>[vector<16xi32>], vector<16xf32>,
    %scan3A_11 = arith.constant 625 : i32
    "tpu.region"() ({
      %run_scoped3A = tpu.sem_alloc : memref<!tpu.dma_semaphore, #tpu.memory_space<semaphore_mem>>
      %dma_start3A = arith.constant 0 : i32
      %dma_start3A_12 = tpu.memref_slice %arg4[%add3A, %dma_start3A] : memref<32x10000xf32, #tpu.memory_space<hbm>> -> memref<1x10000xf32, #tpu.memory_space<hbm>>
      %dma_start3A_13 = tpu.memref_squeeze %dma_start3A_12 : memref<1x10000xf32, #tpu.memory_space<hbm>> -> memref<10000xf32, #tpu.memory_space<hbm>>
      %dma_start3A_14 = arith.constant 0 : i32
      %dma_start3A_15 = tpu.memref_slice %arg4[%add3A, %dma_start3A_14] : memref<32x10000xf32, #tpu.memory_space<hbm>> -> memref<1x10000xf32, #tpu.memory_space<hbm>>
      %dma_start3A_16 = tpu.memref_squeeze %dma_start3A_15 : memref<1x10000xf32, #tpu.memory_space<hbm>> -> memref<10000xf32, #tpu.memory_space<hbm>>
      tpu.enqueue_dma source(%arg6 : memref<10000xf32, #tpu.memory_space<vmem>>) target(%dma_start3A_16 : memref<10000xf32, #tpu.memory_space<hbm>>) target_semaphore(%run_scoped3A : memref<!tpu.dma_semaphore, #tpu.memory_space<semaphore_mem>>)
      %dma_wait3A = arith.constant 0 : i32
      %dma_wait3A_17 = tpu.memref_slice %arg4[%add3A, %dma_wait3A] : memref<32x10000xf32, #tpu.memory_space<hbm>> -> memref<1x10000xf32, #tpu.memory_space<hbm>>
      %dma_wait3A_18 = tpu.memref_squeeze %dma_wait3A_17 : memref<1x10000xf32, #tpu.memory_space<hbm>> -> memref<10000xf32, #tpu.memory_space<hbm>>
      %dma_wait3A_19 = arith.constant 0 : i32
      %dma_wait3A_20 = tpu.memref_slice %arg4[%add3A, %dma_wait3A_19] : memref<32x10000xf32, #tpu.memory_space<hbm>> -> memref<1x10000xf32, #tpu.memory_space<hbm>>
      %dma_wait3A_21 = tpu.memref_squeeze %dma_wait3A_20 : memref<1x10000xf32, #tpu.memory_space<hbm>> -> memref<10000xf32, #tpu.memory_space<hbm>>
      tpu.wait_dma2 semaphore(%run_scoped3A : memref<!tpu.dma_semaphore, #tpu.memory_space<semaphore_mem>>) src(%arg6 : memref<10000xf32, #tpu.memory_space<vmem>>) dst(%dma_wait3A_21 : memref<10000xf32, #tpu.memory_space<hbm>>)
      tpu.yield
    }) : () -> ()
    return
  }
}

#map = affine_map<(d0, d1) -> (0, 0)>
#map1 = affine_map<(d0, d1) -> (0, 0, 0)>
module attributes {stable_mosaic.version = 14 : i64} {
  func.func @_sc_scatter(%arg0: i32, %arg1: i32, %arg2: memref<10000x128xf32, #tpu.memory_space<hbm>>, %arg3: memref<32x250x40xi32, #tpu.memory_space<hbm>>, %arg4: memref<32x250x40xi32, #tpu.memory_space<hbm>>, %arg5: memref<40x128xf32, #tpu.memory_space<hbm>>, %arg6: memref<2x10240x128xf32, #tpu.memory_space<hbm>>, %arg7: memref<40xi32, #tpu.memory_space<vmem>>, %arg8: memref<40xi32, #tpu.memory_space<vmem>>, %arg9: memref<40xi32, #tpu.memory_space<vmem>>, %arg10: memref<40xi32, #tpu.memory_space<vmem>>, %arg11: memref<40xi32, #tpu.memory_space<vmem>>, %arg12: memref<40xi32, #tpu.memory_space<vmem>>, %arg13: memref<40xi32, #tpu.memory_space<vmem>>, %arg14: memref<40xi32, #tpu.memory_space<vmem>>, %arg15: memref<40xi32, #tpu.memory_space<vmem>>, %arg16: memref<40xi32, #tpu.memory_space<vmem>>, %arg17: memref<40xi32, #tpu.memory_space<vmem>>, %arg18: memref<40xi32, #tpu.memory_space<vmem>>, %arg19: memref<40xi32, #tpu.memory_space<vmem>>, %arg20: memref<40xi32, #tpu.memory_space<vmem>>, %arg21: memref<40x128xf32, #tpu.memory_space<vmem>>, %arg22: memref<40x128xf32, #tpu.memory_space<vmem>>, %arg23: memref<40x128xf32, #tpu.memory_space<vmem>>, %arg24: memref<40x128xf32, #tpu.memory_space<vmem>>, %arg25: memref<40x128xf32, #tpu.memory_space<vmem>>, %arg26: memref<40x128xf32, #tpu.memory_space<vmem>>, %arg27: memref<40x128xf32, #tpu.memory_space<vmem>>, %arg28: memref<10240x128xf32, #tpu.memory_space<vmem_shared>>, %arg29: memref<!tpu.dma_semaphore, #tpu.memory_space<semaphore_mem>>, %arg30: memref<!tpu.dma_semaphore, #tpu.memory_space<semaphore_mem>>, %arg31: memref<!tpu.dma_semaphore, #tpu.memory_space<semaphore_mem>>, %arg32: memref<!tpu.dma_semaphore, #tpu.memory_space<semaphore_mem>>, %arg33: memref<!tpu.dma_semaphore, #tpu.memory_space<semaphore_mem>>, %arg34: memref<!tpu.dma_semaphore, #tpu.memory_space<semaphore_mem>>, %arg35: memref<!tpu.dma_semaphore, #tpu.memory_space<semaphore_mem>>, %arg36: memref<!tpu.dma_semaphore, #tpu.memory_space<semaphore_mem>>, %arg37: memref<!tpu.dma_semaphore, #tpu.memory_space<semaphore_mem>>, %arg38: memref<!tpu.dma_semaphore, #tpu.memory_space<semaphore_mem>>, %arg39: memref<!tpu.dma_semaphore, #tpu.memory_space<semaphore_mem>>, %arg40: memref<!tpu.dma_semaphore, #tpu.memory_space<semaphore_mem>>, %arg41: memref<!tpu.dma_semaphore, #tpu.memory_space<semaphore_mem>>, %arg42: memref<!tpu.dma_semaphore, #tpu.memory_space<semaphore_mem>>, %arg43: memref<!tpu.dma_semaphore, #tpu.memory_space<semaphore_mem>>, %arg44: memref<!tpu.dma_semaphore, #tpu.memory_space<semaphore_mem>>, %arg45: memref<!tpu.dma_semaphore, #tpu.memory_space<semaphore_mem>>, %arg46: memref<!tpu.dma_semaphore, #tpu.memory_space<semaphore_mem>>, %arg47: memref<!tpu.dma_semaphore, #tpu.memory_space<semaphore_mem>>, %arg48: memref<!tpu.dma_semaphore, #tpu.memory_space<semaphore_mem>>, %arg49: memref<!tpu.dma_semaphore, #tpu.memory_space<semaphore_mem>>, %arg50: memref<!tpu.dma_semaphore, #tpu.memory_space<semaphore_mem>>, %arg51: memref<!tpu.dma_semaphore, #tpu.memory_space<semaphore_mem>>, %arg52: memref<!tpu.dma_semaphore, #tpu.memory_space<semaphore_mem>>, %arg53: memref<!tpu.dma_semaphore, #tpu.memory_space<semaphore_mem>>, %arg54: memref<!tpu.dma_semaphore, #tpu.memory_space<semaphore_mem>>, %arg55: memref<!tpu.dma_semaphore, #tpu.memory_space<semaphore_mem>>, %arg56: memref<!tpu.dma_semaphore, #tpu.memory_space<semaphore_mem>>) attributes {dimension_semantics = [#tpu.dimension_semantics<core_parallel>, #tpu.dimension_semantics<subcore_parallel>], iteration_bounds = array<i64: 2, 16>, scalar_prefetch = 0 : i64, scratch_operands = 50 : i64, tpu.core_type = #tpu.core_type<sc_vector_subcore>, window_params = [{transform_indices = #map}, {transform_indices = #map1}, {transform_indices = #map1}, {transform_indices = #map}, {transform_indices = #map1}]} {
    %mul3A = arith.constant 16 : i32
    %mul3A_0 = arith.muli %arg0, %mul3A : i32
    %add3A = arith.addi %mul3A_0, %arg1 : i32
    "tpu.region"() ({
      %run_scoped3A = tpu.sem_alloc : memref<!tpu.dma_semaphore, #tpu.memory_space<semaphore_mem>>
      tpu.enqueue_dma source(%arg5 : memref<40x128xf32, #tpu.memory_space<hbm>>) target(%arg21 : memref<40x128xf32, #tpu.memory_space<vmem>>) target_semaphore(%run_scoped3A : memref<!tpu.dma_semaphore, #tpu.memory_space<semaphore_mem>>)
      tpu.wait_dma2 semaphore(%run_scoped3A : memref<!tpu.dma_semaphore, #tpu.memory_space<semaphore_mem>>) src(%arg5 : memref<40x128xf32, #tpu.memory_space<hbm>>) dst(%arg21 : memref<40x128xf32, #tpu.memory_space<vmem>>)
      tpu.yield
    }) : () -> ()
    %mul3A_1 = arith.constant 640 : i32
    %mul3A_2 = arith.muli %arg1, %mul3A_1 : i32
    %add3A_3 = arith.constant 0 : i32
    %add3A_4 = arith.addi %mul3A_2, %add3A_3 : i32
    %dma_start3A = arith.constant 0 : i32
    %dma_start3A_5 = tpu.memref_slice %arg28[%add3A_4, %dma_start3A] : memref<10240x128xf32, #tpu.memory_space<vmem_shared>> -> memref<40x128xf32, #tpu.memory_space<vmem_shared>>
    %dma_start3A_6 = arith.constant 0 : i32
    %dma_start3A_7 = tpu.memref_slice %arg28[%add3A_4, %dma_start3A_6] : memref<10240x128xf32, #tpu.memory_space<vmem_shared>> -> memref<40x128xf32, #tpu.memory_space<vmem_shared>>
    tpu.enqueue_dma source(%arg21 : memref<40x128xf32, #tpu.memory_space<vmem>>) target(%dma_start3A_7 : memref<40x128xf32, #tpu.memory_space<vmem_shared>>) target_semaphore(%arg29 : memref<!tpu.dma_semaphore, #tpu.memory_space<semaphore_mem>>)
    %mul3A_8 = arith.constant 640 : i32
    %mul3A_9 = arith.muli %arg1, %mul3A_8 : i32
    %add3A_10 = arith.constant 40 : i32
    %add3A_11 = arith.addi %mul3A_9, %add3A_10 : i32
    %dma_start3A_12 = arith.constant 0 : i32
    %dma_start3A_13 = tpu.memref_slice %arg28[%add3A_11, %dma_start3A_12] : memref<10240x128xf32, #tpu.memory_space<vmem_shared>> -> memref<40x128xf32, #tpu.memory_space<vmem_shared>>
    %dma_start3A_14 = arith.constant 0 : i32
    %dma_start3A_15 = tpu.memref_slice %arg28[%add3A_11, %dma_start3A_14] : memref<10240x128xf32, #tpu.memory_space<vmem_shared>> -> memref<40x128xf32, #tpu.memory_space<vmem_shared>>
    tpu.enqueue_dma source(%arg21 : memref<40x128xf32, #tpu.memory_space<vmem>>) target(%dma_start3A_15 : memref<40x128xf32, #tpu.memory_space<vmem_shared>>) target_semaphore(%arg29 : memref<!tpu.dma_semaphore, #tpu.memory_space<semaphore_mem>>)
    %mul3A_16 = arith.constant 640 : i32
    %mul3A_17 = arith.muli %arg1, %mul3A_16 : i32
    %add3A_18 = arith.constant 80 : i32
    %add3A_19 = arith.addi %mul3A_17, %add3A_18 : i32
    %dma_start3A_20 = arith.constant 0 : i32
    %dma_start3A_21 = tpu.memref_slice %arg28[%add3A_19, %dma_start3A_20] : memref<10240x128xf32, #tpu.memory_space<vmem_shared>> -> memref<40x128xf32, #tpu.memory_space<vmem_shared>>
    %dma_start3A_22 = arith.constant 0 : i32
    %dma_start3A_23 = tpu.memref_slice %arg28[%add3A_19, %dma_start3A_22] : memref<10240x128xf32, #tpu.memory_space<vmem_shared>> -> memref<40x128xf32, #tpu.memory_space<vmem_shared>>
    tpu.enqueue_dma source(%arg21 : memref<40x128xf32, #tpu.memory_space<vmem>>) target(%dma_start3A_23 : memref<40x128xf32, #tpu.memory_space<vmem_shared>>) target_semaphore(%arg29 : memref<!tpu.dma_semaphore, #tpu.memory_space<semaphore_mem>>)
    %mul3A_24 = arith.constant 640 : i32
    %mul3A_25 = arith.muli %arg1, %mul3A_24 : i32
    %add3A_26 = arith.constant 120 : i32
    %add3A_27 = arith.addi %mul3A_25, %add3A_26 : i32
    %dma_start3A_28 = arith.constant 0 : i32
    %dma_start3A_29 = tpu.memref_slice %arg28[%add3A_27, %dma_start3A_28] : memref<10240x128xf32, #tpu.memory_space<vmem_shared>> -> memref<40x128xf32, #tpu.memory_space<vmem_shared>>
    %dma_start3A_30 = arith.constant 0 : i32
    %dma_start3A_31 = tpu.memref_slice %arg28[%add3A_27, %dma_start3A_30] : memref<10240x128xf32, #tpu.memory_space<vmem_shared>> -> memref<40x128xf32, #tpu.memory_space<vmem_shared>>
    tpu.enqueue_dma source(%arg21 : memref<40x128xf32, #tpu.memory_space<vmem>>) target(%dma_start3A_31 : memref<40x128xf32, #tpu.memory_space<vmem_shared>>) target_semaphore(%arg29 : memref<!tpu.dma_semaphore, #tpu.memory_space<semaphore_mem>>)
    %mul3A_32 = arith.constant 640 : i32
    %mul3A_33 = arith.muli %arg1, %mul3A_32 : i32
    %add3A_34 = arith.constant 160 : i32
    %add3A_35 = arith.addi %mul3A_33, %add3A_34 : i32
    %dma_start3A_36 = arith.constant 0 : i32
    %dma_start3A_37 = tpu.memref_slice %arg28[%add3A_35, %dma_start3A_36] : memref<10240x128xf32, #tpu.memory_space<vmem_shared>> -> memref<40x128xf32, #tpu.memory_space<vmem_shared>>
    %dma_start3A_38 = arith.constant 0 : i32
    %dma_start3A_39 = tpu.memref_slice %arg28[%add3A_35, %dma_start3A_38] : memref<10240x128xf32, #tpu.memory_space<vmem_shared>> -> memref<40x128xf32, #tpu.memory_space<vmem_shared>>
    tpu.enqueue_dma source(%arg21 : memref<40x128xf32, #tpu.memory_space<vmem>>) target(%dma_start3A_39 : memref<40x128xf32, #tpu.memory_space<vmem_shared>>) target_semaphore(%arg29 : memref<!tpu.dma_semaphore, #tpu.memory_space<semaphore_mem>>)
    %mul3A_40 = arith.constant 640 : i32
    %mul3A_41 = arith.muli %arg1, %mul3A_40 : i32
    %add3A_42 = arith.constant 200 : i32
    %add3A_43 = arith.addi %mul3A_41, %add3A_42 : i32
    %dma_start3A_44 = arith.constant 0 : i32
    %dma_start3A_45 = tpu.memref_slice %arg28[%add3A_43, %dma_start3A_44] : memref<10240x128xf32, #tpu.memory_space<vmem_shared>> -> memref<40x128xf32, #tpu.memory_space<vmem_shared>>
    %dma_start3A_46 = arith.constant 0 : i32
    %dma_start3A_47 = tpu.memref_slice %arg28[%add3A_43, %dma_start3A_46] : memref<10240x128xf32, #tpu.memory_space<vmem_shared>> -> memref<40x128xf32, #tpu.memory_space<vmem_shared>>
    tpu.enqueue_dma source(%arg21 : memref<40x128xf32, #tpu.memory_space<vmem>>) target(%dma_start3A_47 : memref<40x128xf32, #tpu.memory_space<vmem_shared>>) target_semaphore(%arg29 : memref<!tpu.dma_semaphore, #tpu.memory_space<semaphore_mem>>)
    %mul3A_48 = arith.constant 640 : i32
    %mul3A_49 = arith.muli %arg1, %mul3A_48 : i32
    %add3A_50 = arith.constant 240 : i32
    %add3A_51 = arith.addi %mul3A_49, %add3A_50 : i32
    %dma_start3A_52 = arith.constant 0 : i32
    %dma_start3A_53 = tpu.memref_slice %arg28[%add3A_51, %dma_start3A_52] : memref<10240x128xf32, #tpu.memory_space<vmem_shared>> -> memref<40x128xf32, #tpu.memory_space<vmem_shared>>
    %dma_start3A_54 = arith.constant 0 : i32
    %dma_start3A_55 = tpu.memref_slice %arg28[%add3A_51, %dma_start3A_54] : memref<10240x128xf32, #tpu.memory_space<vmem_shared>> -> memref<40x128xf32, #tpu.memory_space<vmem_shared>>
    tpu.enqueue_dma source(%arg21 : memref<40x128xf32, #tpu.memory_space<vmem>>) target(%dma_start3A_55 : memref<40x128xf32, #tpu.memory_space<vmem_shared>>) target_semaphore(%arg29 : memref<!tpu.dma_semaphore, #tpu.memory_space<semaphore_mem>>)
    %mul3A_56 = arith.constant 640 : i32
    %mul3A_57 = arith.muli %arg1, %mul3A_56 : i32
    %add3A_58 = arith.constant 280 : i32
    %add3A_59 = arith.addi %mul3A_57, %add3A_58 : i32
    %dma_start3A_60 = arith.constant 0 : i32
    %dma_start3A_61 = tpu.memref_slice %arg28[%add3A_59, %dma_start3A_60] : memref<10240x128xf32, #tpu.memory_space<vmem_shared>> -> memref<40x128xf32, #tpu.memory_space<vmem_shared>>
    %dma_start3A_62 = arith.constant 0 : i32
    %dma_start3A_63 = tpu.memref_slice %arg28[%add3A_59, %dma_start3A_62] : memref<10240x128xf32, #tpu.memory_space<vmem_shared>> -> memref<40x128xf32, #tpu.memory_space<vmem_shared>>
    tpu.enqueue_dma source(%arg21 : memref<40x128xf32, #tpu.memory_space<vmem>>) target(%dma_start3A_63 : memref<40x128xf32, #tpu.memory_space<vmem_shared>>) target_semaphore(%arg29 : memref<!tpu.dma_semaphore, #tpu.memory_space<semaphore_mem>>)
    %mul3A_64 = arith.constant 640 : i32
    %mul3A_65 = arith.muli %arg1, %mul3A_64 : i32
    %add3A_66 = arith.constant 320 : i32
    %add3A_67 = arith.addi %mul3A_65, %add3A_66 : i32
    %dma_start3A_68 = arith.constant 0 : i32
    %dma_start3A_69 = tpu.memref_slice %arg28[%add3A_67, %dma_start3A_68] : memref<10240x128xf32, #tpu.memory_space<vmem_shared>> -> memref<40x128xf32, #tpu.memory_space<vmem_shared>>
    %dma_start3A_70 = arith.constant 0 : i32
    %dma_start3A_71 = tpu.memref_slice %arg28[%add3A_67, %dma_start3A_70] : memref<10240x128xf32, #tpu.memory_space<vmem_shared>> -> memref<40x128xf32, #tpu.memory_space<vmem_shared>>
    tpu.enqueue_dma source(%arg21 : memref<40x128xf32, #tpu.memory_space<vmem>>) target(%dma_start3A_71 : memref<40x128xf32, #tpu.memory_space<vmem_shared>>) target_semaphore(%arg29 : memref<!tpu.dma_semaphore, #tpu.memory_space<semaphore_mem>>)
    %mul3A_72 = arith.constant 640 : i32
    %mul3A_73 = arith.muli %arg1, %mul3A_72 : i32
    %add3A_74 = arith.constant 360 : i32
    %add3A_75 = arith.addi %mul3A_73, %add3A_74 : i32
    %dma_start3A_76 = arith.constant 0 : i32
    %dma_start3A_77 = tpu.memref_slice %arg28[%add3A_75, %dma_start3A_76] : memref<10240x128xf32, #tpu.memory_space<vmem_shared>> -> memref<40x128xf32, #tpu.memory_space<vmem_shared>>
    %dma_start3A_78 = arith.constant 0 : i32
    %dma_start3A_79 = tpu.memref_slice %arg28[%add3A_75, %dma_start3A_78] : memref<10240x128xf32, #tpu.memory_space<vmem_shared>> -> memref<40x128xf32, #tpu.memory_space<vmem_shared>>
    tpu.enqueue_dma source(%arg21 : memref<40x128xf32, #tpu.memory_space<vmem>>) target(%dma_start3A_79 : memref<40x128xf32, #tpu.memory_space<vmem_shared>>) target_semaphore(%arg29 : memref<!tpu.dma_semaphore, #tpu.memory_space<semaphore_mem>>)
    %mul3A_80 = arith.constant 640 : i32
    %mul3A_81 = arith.muli %arg1, %mul3A_80 : i32
    %add3A_82 = arith.constant 400 : i32
    %add3A_83 = arith.addi %mul3A_81, %add3A_82 : i32
    %dma_start3A_84 = arith.constant 0 : i32
    %dma_start3A_85 = tpu.memref_slice %arg28[%add3A_83, %dma_start3A_84] : memref<10240x128xf32, #tpu.memory_space<vmem_shared>> -> memref<40x128xf32, #tpu.memory_space<vmem_shared>>
    %dma_start3A_86 = arith.constant 0 : i32
    %dma_start3A_87 = tpu.memref_slice %arg28[%add3A_83, %dma_start3A_86] : memref<10240x128xf32, #tpu.memory_space<vmem_shared>> -> memref<40x128xf32, #tpu.memory_space<vmem_shared>>
    tpu.enqueue_dma source(%arg21 : memref<40x128xf32, #tpu.memory_space<vmem>>) target(%dma_start3A_87 : memref<40x128xf32, #tpu.memory_space<vmem_shared>>) target_semaphore(%arg29 : memref<!tpu.dma_semaphore, #tpu.memory_space<semaphore_mem>>)
    %mul3A_88 = arith.constant 640 : i32
    %mul3A_89 = arith.muli %arg1, %mul3A_88 : i32
    %add3A_90 = arith.constant 440 : i32
    %add3A_91 = arith.addi %mul3A_89, %add3A_90 : i32
    %dma_start3A_92 = arith.constant 0 : i32
    %dma_start3A_93 = tpu.memref_slice %arg28[%add3A_91, %dma_start3A_92] : memref<10240x128xf32, #tpu.memory_space<vmem_shared>> -> memref<40x128xf32, #tpu.memory_space<vmem_shared>>
    %dma_start3A_94 = arith.constant 0 : i32
    %dma_start3A_95 = tpu.memref_slice %arg28[%add3A_91, %dma_start3A_94] : memref<10240x128xf32, #tpu.memory_space<vmem_shared>> -> memref<40x128xf32, #tpu.memory_space<vmem_shared>>
    tpu.enqueue_dma source(%arg21 : memref<40x128xf32, #tpu.memory_space<vmem>>) target(%dma_start3A_95 : memref<40x128xf32, #tpu.memory_space<vmem_shared>>) target_semaphore(%arg29 : memref<!tpu.dma_semaphore, #tpu.memory_space<semaphore_mem>>)
    %mul3A_96 = arith.constant 640 : i32
    %mul3A_97 = arith.muli %arg1, %mul3A_96 : i32
    %add3A_98 = arith.constant 480 : i32
    %add3A_99 = arith.addi %mul3A_97, %add3A_98 : i32
    %dma_start3A_100 = arith.constant 0 : i32
    %dma_start3A_101 = tpu.memref_slice %arg28[%add3A_99, %dma_start3A_100] : memref<10240x128xf32, #tpu.memory_space<vmem_shared>> -> memref<40x128xf32, #tpu.memory_space<vmem_shared>>
    %dma_start3A_102 = arith.constant 0 : i32
    %dma_start3A_103 = tpu.memref_slice %arg28[%add3A_99, %dma_start3A_102] : memref<10240x128xf32, #tpu.memory_space<vmem_shared>> -> memref<40x128xf32, #tpu.memory_space<vmem_shared>>
    tpu.enqueue_dma source(%arg21 : memref<40x128xf32, #tpu.memory_space<vmem>>) target(%dma_start3A_103 : memref<40x128xf32, #tpu.memory_space<vmem_shared>>) target_semaphore(%arg29 : memref<!tpu.dma_semaphore, #tpu.memory_space<semaphore_mem>>)
    %mul3A_104 = arith.constant 640 : i32
    %mul3A_105 = arith.muli %arg1, %mul3A_104 : i32
    %add3A_106 = arith.constant 520 : i32
    %add3A_107 = arith.addi %mul3A_105, %add3A_106 : i32
    %dma_start3A_108 = arith.constant 0 : i32
    %dma_start3A_109 = tpu.memref_slice %arg28[%add3A_107, %dma_start3A_108] : memref<10240x128xf32, #tpu.memory_space<vmem_shared>> -> memref<40x128xf32, #tpu.memory_space<vmem_shared>>
    %dma_start3A_110 = arith.constant 0 : i32
    %dma_start3A_111 = tpu.memref_slice %arg28[%add3A_107, %dma_start3A_110] : memref<10240x128xf32, #tpu.memory_space<vmem_shared>> -> memref<40x128xf32, #tpu.memory_space<vmem_shared>>
    tpu.enqueue_dma source(%arg21 : memref<40x128xf32, #tpu.memory_space<vmem>>) target(%dma_start3A_111 : memref<40x128xf32, #tpu.memory_space<vmem_shared>>) target_semaphore(%arg29 : memref<!tpu.dma_semaphore, #tpu.memory_space<semaphore_mem>>)
    %mul3A_112 = arith.constant 640 : i32
    %mul3A_113 = arith.muli %arg1, %mul3A_112 : i32
    %add3A_114 = arith.constant 560 : i32
    %add3A_115 = arith.addi %mul3A_113, %add3A_114 : i32
    %dma_start3A_116 = arith.constant 0 : i32
    %dma_start3A_117 = tpu.memref_slice %arg28[%add3A_115, %dma_start3A_116] : memref<10240x128xf32, #tpu.memory_space<vmem_shared>> -> memref<40x128xf32, #tpu.memory_space<vmem_shared>>
    %dma_start3A_118 = arith.constant 0 : i32
    %dma_start3A_119 = tpu.memref_slice %arg28[%add3A_115, %dma_start3A_118] : memref<10240x128xf32, #tpu.memory_space<vmem_shared>> -> memref<40x128xf32, #tpu.memory_space<vmem_shared>>
    tpu.enqueue_dma source(%arg21 : memref<40x128xf32, #tpu.memory_space<vmem>>) target(%dma_start3A_119 : memref<40x128xf32, #tpu.memory_space<vmem_shared>>) target_semaphore(%arg29 : memref<!tpu.dma_semaphore, #tpu.memory_space<semaphore_mem>>)
    %mul3A_120 = arith.constant 640 : i32
    %mul3A_121 = arith.muli %arg1, %mul3A_120 : i32
    %add3A_122 = arith.constant 600 : i32
    %add3A_123 = arith.addi %mul3A_121, %add3A_122 : i32
    %dma_start3A_124 = arith.constant 0 : i32
    %dma_start3A_125 = tpu.memref_slice %arg28[%add3A_123, %dma_start3A_124] : memref<10240x128xf32, #tpu.memory_space<vmem_shared>> -> memref<40x128xf32, #tpu.memory_space<vmem_shared>>
    %dma_start3A_126 = arith.constant 0 : i32
    %dma_start3A_127 = tpu.memref_slice %arg28[%add3A_123, %dma_start3A_126] : memref<10240x128xf32, #tpu.memory_space<vmem_shared>> -> memref<40x128xf32, #tpu.memory_space<vmem_shared>>
    tpu.enqueue_dma source(%arg21 : memref<40x128xf32, #tpu.memory_space<vmem>>) target(%dma_start3A_127 : memref<40x128xf32, #tpu.memory_space<vmem_shared>>) target_semaphore(%arg29 : memref<!tpu.dma_semaphore, #tpu.memory_space<semaphore_mem>>)
    %mul3A_128 = arith.constant 640 : i32
    %mul3A_129 = arith.muli %arg1, %mul3A_128 : i32
    %dma_wait3A = arith.constant 0 : i32
    %dma_wait3A_130 = tpu.memref_slice %arg28[%mul3A_129, %dma_wait3A] : memref<10240x128xf32, #tpu.memory_space<vmem_shared>> -> memref<40x128xf32, #tpu.memory_space<vmem_shared>>
    %dma_wait3A_131 = arith.constant 0 : i32
    %dma_wait3A_132 = tpu.memref_slice %arg28[%mul3A_129, %dma_wait3A_131] : memref<10240x128xf32, #tpu.memory_space<vmem_shared>> -> memref<40x128xf32, #tpu.memory_space<vmem_shared>>
    tpu.wait_dma2 semaphore(%arg29 : memref<!tpu.dma_semaphore, #tpu.memory_space<semaphore_mem>>) src(%arg21 : memref<40x128xf32, #tpu.memory_space<vmem>>) dst(%dma_wait3A_132 : memref<40x128xf32, #tpu.memory_space<vmem_shared>>)
    %mul3A_133 = arith.constant 640 : i32
    %mul3A_134 = arith.muli %arg1, %mul3A_133 : i32
    %dma_wait3A_135 = arith.constant 0 : i32
    %dma_wait3A_136 = tpu.memref_slice %arg28[%mul3A_134, %dma_wait3A_135] : memref<10240x128xf32, #tpu.memory_space<vmem_shared>> -> memref<40x128xf32, #tpu.memory_space<vmem_shared>>
    %dma_wait3A_137 = arith.constant 0 : i32
    %dma_wait3A_138 = tpu.memref_slice %arg28[%mul3A_134, %dma_wait3A_137] : memref<10240x128xf32, #tpu.memory_space<vmem_shared>> -> memref<40x128xf32, #tpu.memory_space<vmem_shared>>
    tpu.wait_dma2 semaphore(%arg29 : memref<!tpu.dma_semaphore, #tpu.memory_space<semaphore_mem>>) src(%arg21 : memref<40x128xf32, #tpu.memory_space<vmem>>) dst(%dma_wait3A_138 : memref<40x128xf32, #tpu.memory_space<vmem_shared>>)
    %mul3A_139 = arith.constant 640 : i32
    %mul3A_140 = arith.muli %arg1, %mul3A_139 : i32
    %dma_wait3A_141 = arith.constant 0 : i32
    %dma_wait3A_142 = tpu.memref_slice %arg28[%mul3A_140, %dma_wait3A_141] : memref<10240x128xf32, #tpu.memory_space<vmem_shared>> -> memref<40x128xf32, #tpu.memory_space<vmem_shared>>
    %dma_wait3A_143 = arith.constant 0 : i32
    %dma_wait3A_144 = tpu.memref_slice %arg28[%mul3A_140, %dma_wait3A_143] : memref<10240x128xf32, #tpu.memory_space<vmem_shared>> -> memref<40x128xf32, #tpu.memory_space<vmem_shared>>
    tpu.wait_dma2 semaphore(%arg29 : memref<!tpu.dma_semaphore, #tpu.memory_space<semaphore_mem>>) src(%arg21 : memref<40x128xf32, #tpu.memory_space<vmem>>) dst(%dma_wait3A_144 : memref<40x128xf32, #tpu.memory_space<vmem_shared>>)
    %mul3A_145 = arith.constant 640 : i32
    %mul3A_146 = arith.muli %arg1, %mul3A_145 : i32
    %dma_wait3A_147 = arith.constant 0 : i32
    %dma_wait3A_148 = tpu.memref_slice %arg28[%mul3A_146, %dma_wait3A_147] : memref<10240x128xf32, #tpu.memory_space<vmem_shared>> -> memref<40x128xf32, #tpu.memory_space<vmem_shared>>
    %dma_wait3A_149 = arith.constant 0 : i32
    %dma_wait3A_150 = tpu.memref_slice %arg28[%mul3A_146, %dma_wait3A_149] : memref<10240x128xf32, #tpu.memory_space<vmem_shared>> -> memref<40x128xf32, #tpu.memory_space<vmem_shared>>
    tpu.wait_dma2 semaphore(%arg29 : memref<!tpu.dma_semaphore, #tpu.memory_space<semaphore_mem>>) src(%arg21 : memref<40x128xf32, #tpu.memory_space<vmem>>) dst(%dma_wait3A_150 : memref<40x128xf32, #tpu.memory_space<vmem_shared>>)
    %mul3A_151 = arith.constant 640 : i32
    %mul3A_152 = arith.muli %arg1, %mul3A_151 : i32
    %dma_wait3A_153 = arith.constant 0 : i32
    %dma_wait3A_154 = tpu.memref_slice %arg28[%mul3A_152, %dma_wait3A_153] : memref<10240x128xf32, #tpu.memory_space<vmem_shared>> -> memref<40x128xf32, #tpu.memory_space<vmem_shared>>
    %dma_wait3A_155 = arith.constant 0 : i32
    %dma_wait3A_156 = tpu.memref_slice %arg28[%mul3A_152, %dma_wait3A_155] : memref<10240x128xf32, #tpu.memory_space<vmem_shared>> -> memref<40x128xf32, #tpu.memory_space<vmem_shared>>
    tpu.wait_dma2 semaphore(%arg29 : memref<!tpu.dma_semaphore, #tpu.memory_space<semaphore_mem>>) src(%arg21 : memref<40x128xf32, #tpu.memory_space<vmem>>) dst(%dma_wait3A_156 : memref<40x128xf32, #tpu.memory_space<vmem_shared>>)
    %mul3A_157 = arith.constant 640 : i32
    %mul3A_158 = arith.muli %arg1, %mul3A_157 : i32
    %dma_wait3A_159 = arith.constant 0 : i32
    %dma_wait3A_160 = tpu.memref_slice %arg28[%mul3A_158, %dma_wait3A_159] : memref<10240x128xf32, #tpu.memory_space<vmem_shared>> -> memref<40x128xf32, #tpu.memory_space<vmem_shared>>
    %dma_wait3A_161 = arith.constant 0 : i32
    %dma_wait3A_162 = tpu.memref_slice %arg28[%mul3A_158, %dma_wait3A_161] : memref<10240x128xf32, #tpu.memory_space<vmem_shared>> -> memref<40x128xf32, #tpu.memory_space<vmem_shared>>
    tpu.wait_dma2 semaphore(%arg29 : memref<!tpu.dma_semaphore, #tpu.memory_space<semaphore_mem>>) src(%arg21 : memref<40x128xf32, #tpu.memory_space<vmem>>) dst(%dma_wait3A_162 : memref<40x128xf32, #tpu.memory_space<vmem_shared>>)
    %mul3A_163 = arith.constant 640 : i32
    %mul3A_164 = arith.muli %arg1, %mul3A_163 : i32
    %dma_wait3A_165 = arith.constant 0 : i32
    %dma_wait3A_166 = tpu.memref_slice %arg28[%mul3A_164, %dma_wait3A_165] : memref<10240x128xf32, #tpu.memory_space<vmem_shared>> -> memref<40x128xf32, #tpu.memory_space<vmem_shared>>
    %dma_wait3A_167 = arith.constant 0 : i32
    %dma_wait3A_168 = tpu.memref_slice %arg28[%mul3A_164, %dma_wait3A_167] : memref<10240x128xf32, #tpu.memory_space<vmem_shared>> -> memref<40x128xf32, #tpu.memory_space<vmem_shared>>
    tpu.wait_dma2 semaphore(%arg29 : memref<!tpu.dma_semaphore, #tpu.memory_space<semaphore_mem>>) src(%arg21 : memref<40x128xf32, #tpu.memory_space<vmem>>) dst(%dma_wait3A_168 : memref<40x128xf32, #tpu.memory_space<vmem_shared>>)
    %mul3A_169 = arith.constant 640 : i32
    %mul3A_170 = arith.muli %arg1, %mul3A_169 : i32
    %dma_wait3A_171 = arith.constant 0 : i32
    %dma_wait3A_172 = tpu.memref_slice %arg28[%mul3A_170, %dma_wait3A_171] : memref<10240x128xf32, #tpu.memory_space<vmem_shared>> -> memref<40x128xf32, #tpu.memory_space<vmem_shared>>
    %dma_wait3A_173 = arith.constant 0 : i32
    %dma_wait3A_174 = tpu.memref_slice %arg28[%mul3A_170, %dma_wait3A_173] : memref<10240x128xf32, #tpu.memory_space<vmem_shared>> -> memref<40x128xf32, #tpu.memory_space<vmem_shared>>
    tpu.wait_dma2 semaphore(%arg29 : memref<!tpu.dma_semaphore, #tpu.memory_space<semaphore_mem>>) src(%arg21 : memref<40x128xf32, #tpu.memory_space<vmem>>) dst(%dma_wait3A_174 : memref<40x128xf32, #tpu.memory_space<vmem_shared>>)
    %mul3A_175 = arith.constant 640 : i32
    %mul3A_176 = arith.muli %arg1, %mul3A_175 : i32
    %dma_wait3A_177 = arith.constant 0 : i32
    %dma_wait3A_178 = tpu.memref_slice %arg28[%mul3A_176, %dma_wait3A_177] : memref<10240x128xf32, #tpu.memory_space<vmem_shared>> -> memref<40x128xf32, #tpu.memory_space<vmem_shared>>
    %dma_wait3A_179 = arith.constant 0 : i32
    %dma_wait3A_180 = tpu.memref_slice %arg28[%mul3A_176, %dma_wait3A_179] : memref<10240x128xf32, #tpu.memory_space<vmem_shared>> -> memref<40x128xf32, #tpu.memory_space<vmem_shared>>
    tpu.wait_dma2 semaphore(%arg29 : memref<!tpu.dma_semaphore, #tpu.memory_space<semaphore_mem>>) src(%arg21 : memref<40x128xf32, #tpu.memory_space<vmem>>) dst(%dma_wait3A_180 : memref<40x128xf32, #tpu.memory_space<vmem_shared>>)
    %mul3A_181 = arith.constant 640 : i32
    %mul3A_182 = arith.muli %arg1, %mul3A_181 : i32
    %dma_wait3A_183 = arith.constant 0 : i32
    %dma_wait3A_184 = tpu.memref_slice %arg28[%mul3A_182, %dma_wait3A_183] : memref<10240x128xf32, #tpu.memory_space<vmem_shared>> -> memref<40x128xf32, #tpu.memory_space<vmem_shared>>
    %dma_wait3A_185 = arith.constant 0 : i32
    %dma_wait3A_186 = tpu.memref_slice %arg28[%mul3A_182, %dma_wait3A_185] : memref<10240x128xf32, #tpu.memory_space<vmem_shared>> -> memref<40x128xf32, #tpu.memory_space<vmem_shared>>
    tpu.wait_dma2 semaphore(%arg29 : memref<!tpu.dma_semaphore, #tpu.memory_space<semaphore_mem>>) src(%arg21 : memref<40x128xf32, #tpu.memory_space<vmem>>) dst(%dma_wait3A_186 : memref<40x128xf32, #tpu.memory_space<vmem_shared>>)
    %mul3A_187 = arith.constant 640 : i32
    %mul3A_188 = arith.muli %arg1, %mul3A_187 : i32
    %dma_wait3A_189 = arith.constant 0 : i32
    %dma_wait3A_190 = tpu.memref_slice %arg28[%mul3A_188, %dma_wait3A_189] : memref<10240x128xf32, #tpu.memory_space<vmem_shared>> -> memref<40x128xf32, #tpu.memory_space<vmem_shared>>
    %dma_wait3A_191 = arith.constant 0 : i32
    %dma_wait3A_192 = tpu.memref_slice %arg28[%mul3A_188, %dma_wait3A_191] : memref<10240x128xf32, #tpu.memory_space<vmem_shared>> -> memref<40x128xf32, #tpu.memory_space<vmem_shared>>
    tpu.wait_dma2 semaphore(%arg29 : memref<!tpu.dma_semaphore, #tpu.memory_space<semaphore_mem>>) src(%arg21 : memref<40x128xf32, #tpu.memory_space<vmem>>) dst(%dma_wait3A_192 : memref<40x128xf32, #tpu.memory_space<vmem_shared>>)
    %mul3A_193 = arith.constant 640 : i32
    %mul3A_194 = arith.muli %arg1, %mul3A_193 : i32
    %dma_wait3A_195 = arith.constant 0 : i32
    %dma_wait3A_196 = tpu.memref_slice %arg28[%mul3A_194, %dma_wait3A_195] : memref<10240x128xf32, #tpu.memory_space<vmem_shared>> -> memref<40x128xf32, #tpu.memory_space<vmem_shared>>
    %dma_wait3A_197 = arith.constant 0 : i32
    %dma_wait3A_198 = tpu.memref_slice %arg28[%mul3A_194, %dma_wait3A_197] : memref<10240x128xf32, #tpu.memory_space<vmem_shared>> -> memref<40x128xf32, #tpu.memory_space<vmem_shared>>
    tpu.wait_dma2 semaphore(%arg29 : memref<!tpu.dma_semaphore, #tpu.memory_space<semaphore_mem>>) src(%arg21 : memref<40x128xf32, #tpu.memory_space<vmem>>) dst(%dma_wait3A_198 : memref<40x128xf32, #tpu.memory_space<vmem_shared>>)
    %mul3A_199 = arith.constant 640 : i32
    %mul3A_200 = arith.muli %arg1, %mul3A_199 : i32
    %dma_wait3A_201 = arith.constant 0 : i32
    %dma_wait3A_202 = tpu.memref_slice %arg28[%mul3A_200, %dma_wait3A_201] : memref<10240x128xf32, #tpu.memory_space<vmem_shared>> -> memref<40x128xf32, #tpu.memory_space<vmem_shared>>
    %dma_wait3A_203 = arith.constant 0 : i32
    %dma_wait3A_204 = tpu.memref_slice %arg28[%mul3A_200, %dma_wait3A_203] : memref<10240x128xf32, #tpu.memory_space<vmem_shared>> -> memref<40x128xf32, #tpu.memory_space<vmem_shared>>
    tpu.wait_dma2 semaphore(%arg29 : memref<!tpu.dma_semaphore, #tpu.memory_space<semaphore_mem>>) src(%arg21 : memref<40x128xf32, #tpu.memory_space<vmem>>) dst(%dma_wait3A_204 : memref<40x128xf32, #tpu.memory_space<vmem_shared>>)
    %mul3A_205 = arith.constant 640 : i32
    %mul3A_206 = arith.muli %arg1, %mul3A_205 : i32
    %dma_wait3A_207 = arith.constant 0 : i32
    %dma_wait3A_208 = tpu.memref_slice %arg28[%mul3A_206, %dma_wait3A_207] : memref<10240x128xf32, #tpu.memory_space<vmem_shared>> -> memref<40x128xf32, #tpu.memory_space<vmem_shared>>
    %dma_wait3A_209 = arith.constant 0 : i32
    %dma_wait3A_210 = tpu.memref_slice %arg28[%mul3A_206, %dma_wait3A_209] : memref<10240x128xf32, #tpu.memory_space<vmem_shared>> -> memref<40x128xf32, #tpu.memory_space<vmem_shared>>
    tpu.wait_dma2 semaphore(%arg29 : memref<!tpu.dma_semaphore, #tpu.memory_space<semaphore_mem>>) src(%arg21 : memref<40x128xf32, #tpu.memory_space<vmem>>) dst(%dma_wait3A_210 : memref<40x128xf32, #tpu.memory_space<vmem_shared>>)
    %mul3A_211 = arith.constant 640 : i32
    %mul3A_212 = arith.muli %arg1, %mul3A_211 : i32
    %dma_wait3A_213 = arith.constant 0 : i32
    %dma_wait3A_214 = tpu.memref_slice %arg28[%mul3A_212, %dma_wait3A_213] : memref<10240x128xf32, #tpu.memory_space<vmem_shared>> -> memref<40x128xf32, #tpu.memory_space<vmem_shared>>
    %dma_wait3A_215 = arith.constant 0 : i32
    %dma_wait3A_216 = tpu.memref_slice %arg28[%mul3A_212, %dma_wait3A_215] : memref<10240x128xf32, #tpu.memory_space<vmem_shared>> -> memref<40x128xf32, #tpu.memory_space<vmem_shared>>
    tpu.wait_dma2 semaphore(%arg29 : memref<!tpu.dma_semaphore, #tpu.memory_space<semaphore_mem>>) src(%arg21 : memref<40x128xf32, #tpu.memory_space<vmem>>) dst(%dma_wait3A_216 : memref<40x128xf32, #tpu.memory_space<vmem_shared>>)
    %mul3A_217 = arith.constant 640 : i32
    %mul3A_218 = arith.muli %arg1, %mul3A_217 : i32
    %dma_wait3A_219 = arith.constant 0 : i32
    %dma_wait3A_220 = tpu.memref_slice %arg28[%mul3A_218, %dma_wait3A_219] : memref<10240x128xf32, #tpu.memory_space<vmem_shared>> -> memref<40x128xf32, #tpu.memory_space<vmem_shared>>
    %dma_wait3A_221 = arith.constant 0 : i32
    %dma_wait3A_222 = tpu.memref_slice %arg28[%mul3A_218, %dma_wait3A_221] : memref<10240x128xf32, #tpu.memory_space<vmem_shared>> -> memref<40x128xf32, #tpu.memory_space<vmem_shared>>
    tpu.wait_dma2 semaphore(%arg29 : memref<!tpu.dma_semaphore, #tpu.memory_space<semaphore_mem>>) src(%arg21 : memref<40x128xf32, #tpu.memory_space<vmem>>) dst(%dma_wait3A_222 : memref<40x128xf32, #tpu.memory_space<vmem_shared>>)
    %barrier3A = arith.constant 0 : index
    tpu.barrier barrier_id(%barrier3A)
    %dma_start3A_223 = arith.constant 0 : i32
    %dma_start3A_224 = arith.constant 0 : i32
    %dma_start3A_225 = tpu.memref_slice %arg3[%add3A, %dma_start3A_223, %dma_start3A_224] : memref<32x250x40xi32, #tpu.memory_space<hbm>> -> memref<1x1x40xi32, #tpu.memory_space<hbm>>
    %dma_start3A_226 = tpu.memref_squeeze %dma_start3A_225 : memref<1x1x40xi32, #tpu.memory_space<hbm>> -> memref<40xi32, #tpu.memory_space<hbm>>
    %dma_start3A_227 = arith.constant 0 : i32
    %dma_start3A_228 = tpu.memref_slice %arg3[%add3A, %dma_start3A_223, %dma_start3A_227] : memref<32x250x40xi32, #tpu.memory_space<hbm>> -> memref<1x1x40xi32, #tpu.memory_space<hbm>>
    %dma_start3A_229 = tpu.memref_squeeze %dma_start3A_228 : memref<1x1x40xi32, #tpu.memory_space<hbm>> -> memref<40xi32, #tpu.memory_space<hbm>>
    tpu.enqueue_dma source(%dma_start3A_229 : memref<40xi32, #tpu.memory_space<hbm>>) target(%arg7 : memref<40xi32, #tpu.memory_space<vmem>>) target_semaphore(%arg43 : memref<!tpu.dma_semaphore, #tpu.memory_space<semaphore_mem>>)
    %dma_start3A_230 = arith.constant 1 : i32
    %dma_start3A_231 = arith.constant 0 : i32
    %dma_start3A_232 = tpu.memref_slice %arg3[%add3A, %dma_start3A_230, %dma_start3A_231] : memref<32x250x40xi32, #tpu.memory_space<hbm>> -> memref<1x1x40xi32, #tpu.memory_space<hbm>>
    %dma_start3A_233 = tpu.memref_squeeze %dma_start3A_232 : memref<1x1x40xi32, #tpu.memory_space<hbm>> -> memref<40xi32, #tpu.memory_space<hbm>>
    %dma_start3A_234 = arith.constant 0 : i32
    %dma_start3A_235 = tpu.memref_slice %arg3[%add3A, %dma_start3A_230, %dma_start3A_234] : memref<32x250x40xi32, #tpu.memory_space<hbm>> -> memref<1x1x40xi32, #tpu.memory_space<hbm>>
    %dma_start3A_236 = tpu.memref_squeeze %dma_start3A_235 : memref<1x1x40xi32, #tpu.memory_space<hbm>> -> memref<40xi32, #tpu.memory_space<hbm>>
    tpu.enqueue_dma source(%dma_start3A_236 : memref<40xi32, #tpu.memory_space<hbm>>) target(%arg8 : memref<40xi32, #tpu.memory_space<vmem>>) target_semaphore(%arg44 : memref<!tpu.dma_semaphore, #tpu.memory_space<semaphore_mem>>)
    %dma_start3A_237 = arith.constant 2 : i32
    %dma_start3A_238 = arith.constant 0 : i32
    %dma_start3A_239 = tpu.memref_slice %arg3[%add3A, %dma_start3A_237, %dma_start3A_238] : memref<32x250x40xi32, #tpu.memory_space<hbm>> -> memref<1x1x40xi32, #tpu.memory_space<hbm>>
    %dma_start3A_240 = tpu.memref_squeeze %dma_start3A_239 : memref<1x1x40xi32, #tpu.memory_space<hbm>> -> memref<40xi32, #tpu.memory_space<hbm>>
    %dma_start3A_241 = arith.constant 0 : i32
    %dma_start3A_242 = tpu.memref_slice %arg3[%add3A, %dma_start3A_237, %dma_start3A_241] : memref<32x250x40xi32, #tpu.memory_space<hbm>> -> memref<1x1x40xi32, #tpu.memory_space<hbm>>
    %dma_start3A_243 = tpu.memref_squeeze %dma_start3A_242 : memref<1x1x40xi32, #tpu.memory_space<hbm>> -> memref<40xi32, #tpu.memory_space<hbm>>
    tpu.enqueue_dma source(%dma_start3A_243 : memref<40xi32, #tpu.memory_space<hbm>>) target(%arg9 : memref<40xi32, #tpu.memory_space<vmem>>) target_semaphore(%arg45 : memref<!tpu.dma_semaphore, #tpu.memory_space<semaphore_mem>>)
    %dma_start3A_244 = arith.constant 3 : i32
    %dma_start3A_245 = arith.constant 0 : i32
    %dma_start3A_246 = tpu.memref_slice %arg3[%add3A, %dma_start3A_244, %dma_start3A_245] : memref<32x250x40xi32, #tpu.memory_space<hbm>> -> memref<1x1x40xi32, #tpu.memory_space<hbm>>
    %dma_start3A_247 = tpu.memref_squeeze %dma_start3A_246 : memref<1x1x40xi32, #tpu.memory_space<hbm>> -> memref<40xi32, #tpu.memory_space<hbm>>
    %dma_start3A_248 = arith.constant 0 : i32
    %dma_start3A_249 = tpu.memref_slice %arg3[%add3A, %dma_start3A_244, %dma_start3A_248] : memref<32x250x40xi32, #tpu.memory_space<hbm>> -> memref<1x1x40xi32, #tpu.memory_space<hbm>>
    %dma_start3A_250 = tpu.memref_squeeze %dma_start3A_249 : memref<1x1x40xi32, #tpu.memory_space<hbm>> -> memref<40xi32, #tpu.memory_space<hbm>>
    tpu.enqueue_dma source(%dma_start3A_250 : memref<40xi32, #tpu.memory_space<hbm>>) target(%arg10 : memref<40xi32, #tpu.memory_space<vmem>>) target_semaphore(%arg46 : memref<!tpu.dma_semaphore, #tpu.memory_space<semaphore_mem>>)
    %dma_start3A_251 = arith.constant 4 : i32
    %dma_start3A_252 = arith.constant 0 : i32
    %dma_start3A_253 = tpu.memref_slice %arg3[%add3A, %dma_start3A_251, %dma_start3A_252] : memref<32x250x40xi32, #tpu.memory_space<hbm>> -> memref<1x1x40xi32, #tpu.memory_space<hbm>>
    %dma_start3A_254 = tpu.memref_squeeze %dma_start3A_253 : memref<1x1x40xi32, #tpu.memory_space<hbm>> -> memref<40xi32, #tpu.memory_space<hbm>>
    %dma_start3A_255 = arith.constant 0 : i32
    %dma_start3A_256 = tpu.memref_slice %arg3[%add3A, %dma_start3A_251, %dma_start3A_255] : memref<32x250x40xi32, #tpu.memory_space<hbm>> -> memref<1x1x40xi32, #tpu.memory_space<hbm>>
    %dma_start3A_257 = tpu.memref_squeeze %dma_start3A_256 : memref<1x1x40xi32, #tpu.memory_space<hbm>> -> memref<40xi32, #tpu.memory_space<hbm>>
    tpu.enqueue_dma source(%dma_start3A_257 : memref<40xi32, #tpu.memory_space<hbm>>) target(%arg11 : memref<40xi32, #tpu.memory_space<vmem>>) target_semaphore(%arg47 : memref<!tpu.dma_semaphore, #tpu.memory_space<semaphore_mem>>)
    %dma_start3A_258 = arith.constant 5 : i32
    %dma_start3A_259 = arith.constant 0 : i32
    %dma_start3A_260 = tpu.memref_slice %arg3[%add3A, %dma_start3A_258, %dma_start3A_259] : memref<32x250x40xi32, #tpu.memory_space<hbm>> -> memref<1x1x40xi32, #tpu.memory_space<hbm>>
    %dma_start3A_261 = tpu.memref_squeeze %dma_start3A_260 : memref<1x1x40xi32, #tpu.memory_space<hbm>> -> memref<40xi32, #tpu.memory_space<hbm>>
    %dma_start3A_262 = arith.constant 0 : i32
    %dma_start3A_263 = tpu.memref_slice %arg3[%add3A, %dma_start3A_258, %dma_start3A_262] : memref<32x250x40xi32, #tpu.memory_space<hbm>> -> memref<1x1x40xi32, #tpu.memory_space<hbm>>
    %dma_start3A_264 = tpu.memref_squeeze %dma_start3A_263 : memref<1x1x40xi32, #tpu.memory_space<hbm>> -> memref<40xi32, #tpu.memory_space<hbm>>
    tpu.enqueue_dma source(%dma_start3A_264 : memref<40xi32, #tpu.memory_space<hbm>>) target(%arg12 : memref<40xi32, #tpu.memory_space<vmem>>) target_semaphore(%arg48 : memref<!tpu.dma_semaphore, #tpu.memory_space<semaphore_mem>>)
    %dma_start3A_265 = arith.constant 6 : i32
    %dma_start3A_266 = arith.constant 0 : i32
    %dma_start3A_267 = tpu.memref_slice %arg3[%add3A, %dma_start3A_265, %dma_start3A_266] : memref<32x250x40xi32, #tpu.memory_space<hbm>> -> memref<1x1x40xi32, #tpu.memory_space<hbm>>
    %dma_start3A_268 = tpu.memref_squeeze %dma_start3A_267 : memref<1x1x40xi32, #tpu.memory_space<hbm>> -> memref<40xi32, #tpu.memory_space<hbm>>
    %dma_start3A_269 = arith.constant 0 : i32
    %dma_start3A_270 = tpu.memref_slice %arg3[%add3A, %dma_start3A_265, %dma_start3A_269] : memref<32x250x40xi32, #tpu.memory_space<hbm>> -> memref<1x1x40xi32, #tpu.memory_space<hbm>>
    %dma_start3A_271 = tpu.memref_squeeze %dma_start3A_270 : memref<1x1x40xi32, #tpu.memory_space<hbm>> -> memref<40xi32, #tpu.memory_space<hbm>>
    tpu.enqueue_dma source(%dma_start3A_271 : memref<40xi32, #tpu.memory_space<hbm>>) target(%arg13 : memref<40xi32, #tpu.memory_space<vmem>>) target_semaphore(%arg49 : memref<!tpu.dma_semaphore, #tpu.memory_space<semaphore_mem>>)
    %dma_start3A_272 = arith.constant 0 : i32
    %dma_start3A_273 = arith.constant 0 : i32
    %dma_start3A_274 = tpu.memref_slice %arg4[%add3A, %dma_start3A_272, %dma_start3A_273] : memref<32x250x40xi32, #tpu.memory_space<hbm>> -> memref<1x1x40xi32, #tpu.memory_space<hbm>>
    %dma_start3A_275 = tpu.memref_squeeze %dma_start3A_274 : memref<1x1x40xi32, #tpu.memory_space<hbm>> -> memref<40xi32, #tpu.memory_space<hbm>>
    %dma_start3A_276 = arith.constant 0 : i32
    %dma_start3A_277 = tpu.memref_slice %arg4[%add3A, %dma_start3A_272, %dma_start3A_276] : memref<32x250x40xi32, #tpu.memory_space<hbm>> -> memref<1x1x40xi32, #tpu.memory_space<hbm>>
    %dma_start3A_278 = tpu.memref_squeeze %dma_start3A_277 : memref<1x1x40xi32, #tpu.memory_space<hbm>> -> memref<40xi32, #tpu.memory_space<hbm>>
    tpu.enqueue_dma source(%dma_start3A_278 : memref<40xi32, #tpu.memory_space<hbm>>) target(%arg14 : memref<40xi32, #tpu.memory_space<vmem>>) target_semaphore(%arg36 : memref<!tpu.dma_semaphore, #tpu.memory_space<semaphore_mem>>)
    %dma_wait3A_279 = arith.constant 0 : i32
    %dma_wait3A_280 = arith.constant 0 : i32
    %dma_wait3A_281 = tpu.memref_slice %arg3[%add3A, %dma_wait3A_279, %dma_wait3A_280] : memref<32x250x40xi32, #tpu.memory_space<hbm>> -> memref<1x1x40xi32, #tpu.memory_space<hbm>>
    %dma_wait3A_282 = tpu.memref_squeeze %dma_wait3A_281 : memref<1x1x40xi32, #tpu.memory_space<hbm>> -> memref<40xi32, #tpu.memory_space<hbm>>
    %dma_wait3A_283 = arith.constant 0 : i32
    %dma_wait3A_284 = tpu.memref_slice %arg3[%add3A, %dma_wait3A_279, %dma_wait3A_283] : memref<32x250x40xi32, #tpu.memory_space<hbm>> -> memref<1x1x40xi32, #tpu.memory_space<hbm>>
    %dma_wait3A_285 = tpu.memref_squeeze %dma_wait3A_284 : memref<1x1x40xi32, #tpu.memory_space<hbm>> -> memref<40xi32, #tpu.memory_space<hbm>>
    tpu.wait_dma2 semaphore(%arg43 : memref<!tpu.dma_semaphore, #tpu.memory_space<semaphore_mem>>) src(%dma_wait3A_285 : memref<40xi32, #tpu.memory_space<hbm>>) dst(%arg7 : memref<40xi32, #tpu.memory_space<vmem>>)
    %dma_start3A_286 = arith.constant 0 : i32
    %dma_start3A_287 = arith.constant 0 : i32
    %dma_start3A_288 = tpu.memref_slice %arg2[%dma_start3A_286, %dma_start3A_287] : memref<10000x128xf32, #tpu.memory_space<hbm>> -> memref<10000x128xf32, #tpu.memory_space<hbm>>
    tpu.enqueue_indirect_dma source(%dma_start3A_288 : memref<10000x128xf32, #tpu.memory_space<hbm>>) target(%arg21 : memref<40x128xf32, #tpu.memory_space<vmem>>) offsets(%arg7 : memref<40xi32, #tpu.memory_space<vmem>>) semaphore(%arg29 : memref<!tpu.dma_semaphore, #tpu.memory_space<semaphore_mem>>)
    %dma_start3A_289 = arith.constant 1 : i32
    %dma_start3A_290 = arith.constant 0 : i32
    %dma_start3A_291 = tpu.memref_slice %arg4[%add3A, %dma_start3A_289, %dma_start3A_290] : memref<32x250x40xi32, #tpu.memory_space<hbm>> -> memref<1x1x40xi32, #tpu.memory_space<hbm>>
    %dma_start3A_292 = tpu.memref_squeeze %dma_start3A_291 : memref<1x1x40xi32, #tpu.memory_space<hbm>> -> memref<40xi32, #tpu.memory_space<hbm>>
    %dma_start3A_293 = arith.constant 0 : i32
    %dma_start3A_294 = tpu.memref_slice %arg4[%add3A, %dma_start3A_289, %dma_start3A_293] : memref<32x250x40xi32, #tpu.memory_space<hbm>> -> memref<1x1x40xi32, #tpu.memory_space<hbm>>
    %dma_start3A_295 = tpu.memref_squeeze %dma_start3A_294 : memref<1x1x40xi32, #tpu.memory_space<hbm>> -> memref<40xi32, #tpu.memory_space<hbm>>
    tpu.enqueue_dma source(%dma_start3A_295 : memref<40xi32, #tpu.memory_space<hbm>>) target(%arg15 : memref<40xi32, #tpu.memory_space<vmem>>) target_semaphore(%arg37 : memref<!tpu.dma_semaphore, #tpu.memory_space<semaphore_mem>>)
    %dma_wait3A_296 = arith.constant 1 : i32
    %dma_wait3A_297 = arith.constant 0 : i32
    %dma_wait3A_298 = tpu.memref_slice %arg3[%add3A, %dma_wait3A_296, %dma_wait3A_297] : memref<32x250x40xi32, #tpu.memory_space<hbm>> -> memref<1x1x40xi32, #tpu.memory_space<hbm>>
    %dma_wait3A_299 = tpu.memref_squeeze %dma_wait3A_298 : memref<1x1x40xi32, #tpu.memory_space<hbm>> -> memref<40xi32, #tpu.memory_space<hbm>>
    %dma_wait3A_300 = arith.constant 0 : i32
    %dma_wait3A_301 = tpu.memref_slice %arg3[%add3A, %dma_wait3A_296, %dma_wait3A_300] : memref<32x250x40xi32, #tpu.memory_space<hbm>> -> memref<1x1x40xi32, #tpu.memory_space<hbm>>
    %dma_wait3A_302 = tpu.memref_squeeze %dma_wait3A_301 : memref<1x1x40xi32, #tpu.memory_space<hbm>> -> memref<40xi32, #tpu.memory_space<hbm>>
    tpu.wait_dma2 semaphore(%arg44 : memref<!tpu.dma_semaphore, #tpu.memory_space<semaphore_mem>>) src(%dma_wait3A_302 : memref<40xi32, #tpu.memory_space<hbm>>) dst(%arg8 : memref<40xi32, #tpu.memory_space<vmem>>)
    %dma_start3A_303 = arith.constant 0 : i32
    %dma_start3A_304 = arith.constant 0 : i32
    %dma_start3A_305 = tpu.memref_slice %arg2[%dma_start3A_303, %dma_start3A_304] : memref<10000x128xf32, #tpu.memory_space<hbm>> -> memref<10000x128xf32, #tpu.memory_space<hbm>>
    tpu.enqueue_indirect_dma source(%dma_start3A_305 : memref<10000x128xf32, #tpu.memory_space<hbm>>) target(%arg22 : memref<40x128xf32, #tpu.memory_space<vmem>>) offsets(%arg8 : memref<40xi32, #tpu.memory_space<vmem>>) semaphore(%arg30 : memref<!tpu.dma_semaphore, #tpu.memory_space<semaphore_mem>>)
    %dma_start3A_306 = arith.constant 2 : i32
    %dma_start3A_307 = arith.constant 0 : i32
    %dma_start3A_308 = tpu.memref_slice %arg4[%add3A, %dma_start3A_306, %dma_start3A_307] : memref<32x250x40xi32, #tpu.memory_space<hbm>> -> memref<1x1x40xi32, #tpu.memory_space<hbm>>
    %dma_start3A_309 = tpu.memref_squeeze %dma_start3A_308 : memref<1x1x40xi32, #tpu.memory_space<hbm>> -> memref<40xi32, #tpu.memory_space<hbm>>
    %dma_start3A_310 = arith.constant 0 : i32
    %dma_start3A_311 = tpu.memref_slice %arg4[%add3A, %dma_start3A_306, %dma_start3A_310] : memref<32x250x40xi32, #tpu.memory_space<hbm>> -> memref<1x1x40xi32, #tpu.memory_space<hbm>>
    %dma_start3A_312 = tpu.memref_squeeze %dma_start3A_311 : memref<1x1x40xi32, #tpu.memory_space<hbm>> -> memref<40xi32, #tpu.memory_space<hbm>>
    tpu.enqueue_dma source(%dma_start3A_312 : memref<40xi32, #tpu.memory_space<hbm>>) target(%arg16 : memref<40xi32, #tpu.memory_space<vmem>>) target_semaphore(%arg38 : memref<!tpu.dma_semaphore, #tpu.memory_space<semaphore_mem>>)
    %dma_wait3A_313 = arith.constant 2 : i32
    %dma_wait3A_314 = arith.constant 0 : i32
    %dma_wait3A_315 = tpu.memref_slice %arg3[%add3A, %dma_wait3A_313, %dma_wait3A_314] : memref<32x250x40xi32, #tpu.memory_space<hbm>> -> memref<1x1x40xi32, #tpu.memory_space<hbm>>
    %dma_wait3A_316 = tpu.memref_squeeze %dma_wait3A_315 : memref<1x1x40xi32, #tpu.memory_space<hbm>> -> memref<40xi32, #tpu.memory_space<hbm>>
    %dma_wait3A_317 = arith.constant 0 : i32
    %dma_wait3A_318 = tpu.memref_slice %arg3[%add3A, %dma_wait3A_313, %dma_wait3A_317] : memref<32x250x40xi32, #tpu.memory_space<hbm>> -> memref<1x1x40xi32, #tpu.memory_space<hbm>>
    %dma_wait3A_319 = tpu.memref_squeeze %dma_wait3A_318 : memref<1x1x40xi32, #tpu.memory_space<hbm>> -> memref<40xi32, #tpu.memory_space<hbm>>
    tpu.wait_dma2 semaphore(%arg45 : memref<!tpu.dma_semaphore, #tpu.memory_space<semaphore_mem>>) src(%dma_wait3A_319 : memref<40xi32, #tpu.memory_space<hbm>>) dst(%arg9 : memref<40xi32, #tpu.memory_space<vmem>>)
    %dma_start3A_320 = arith.constant 0 : i32
    %dma_start3A_321 = arith.constant 0 : i32
    %dma_start3A_322 = tpu.memref_slice %arg2[%dma_start3A_320, %dma_start3A_321] : memref<10000x128xf32, #tpu.memory_space<hbm>> -> memref<10000x128xf32, #tpu.memory_space<hbm>>
    tpu.enqueue_indirect_dma source(%dma_start3A_322 : memref<10000x128xf32, #tpu.memory_space<hbm>>) target(%arg23 : memref<40x128xf32, #tpu.memory_space<vmem>>) offsets(%arg9 : memref<40xi32, #tpu.memory_space<vmem>>) semaphore(%arg31 : memref<!tpu.dma_semaphore, #tpu.memory_space<semaphore_mem>>)
    %dma_start3A_323 = arith.constant 3 : i32
    %dma_start3A_324 = arith.constant 0 : i32
    %dma_start3A_325 = tpu.memref_slice %arg4[%add3A, %dma_start3A_323, %dma_start3A_324] : memref<32x250x40xi32, #tpu.memory_space<hbm>> -> memref<1x1x40xi32, #tpu.memory_space<hbm>>
    %dma_start3A_326 = tpu.memref_squeeze %dma_start3A_325 : memref<1x1x40xi32, #tpu.memory_space<hbm>> -> memref<40xi32, #tpu.memory_space<hbm>>
    %dma_start3A_327 = arith.constant 0 : i32
    %dma_start3A_328 = tpu.memref_slice %arg4[%add3A, %dma_start3A_323, %dma_start3A_327] : memref<32x250x40xi32, #tpu.memory_space<hbm>> -> memref<1x1x40xi32, #tpu.memory_space<hbm>>
    %dma_start3A_329 = tpu.memref_squeeze %dma_start3A_328 : memref<1x1x40xi32, #tpu.memory_space<hbm>> -> memref<40xi32, #tpu.memory_space<hbm>>
    tpu.enqueue_dma source(%dma_start3A_329 : memref<40xi32, #tpu.memory_space<hbm>>) target(%arg17 : memref<40xi32, #tpu.memory_space<vmem>>) target_semaphore(%arg39 : memref<!tpu.dma_semaphore, #tpu.memory_space<semaphore_mem>>)
    %dma_wait3A_330 = arith.constant 3 : i32
    %dma_wait3A_331 = arith.constant 0 : i32
    %dma_wait3A_332 = tpu.memref_slice %arg3[%add3A, %dma_wait3A_330, %dma_wait3A_331] : memref<32x250x40xi32, #tpu.memory_space<hbm>> -> memref<1x1x40xi32, #tpu.memory_space<hbm>>
    %dma_wait3A_333 = tpu.memref_squeeze %dma_wait3A_332 : memref<1x1x40xi32, #tpu.memory_space<hbm>> -> memref<40xi32, #tpu.memory_space<hbm>>
    %dma_wait3A_334 = arith.constant 0 : i32
    %dma_wait3A_335 = tpu.memref_slice %arg3[%add3A, %dma_wait3A_330, %dma_wait3A_334] : memref<32x250x40xi32, #tpu.memory_space<hbm>> -> memref<1x1x40xi32, #tpu.memory_space<hbm>>
    %dma_wait3A_336 = tpu.memref_squeeze %dma_wait3A_335 : memref<1x1x40xi32, #tpu.memory_space<hbm>> -> memref<40xi32, #tpu.memory_space<hbm>>
    tpu.wait_dma2 semaphore(%arg46 : memref<!tpu.dma_semaphore, #tpu.memory_space<semaphore_mem>>) src(%dma_wait3A_336 : memref<40xi32, #tpu.memory_space<hbm>>) dst(%arg10 : memref<40xi32, #tpu.memory_space<vmem>>)
    %dma_start3A_337 = arith.constant 0 : i32
    %dma_start3A_338 = arith.constant 0 : i32
    %dma_start3A_339 = tpu.memref_slice %arg2[%dma_start3A_337, %dma_start3A_338] : memref<10000x128xf32, #tpu.memory_space<hbm>> -> memref<10000x128xf32, #tpu.memory_space<hbm>>
    tpu.enqueue_indirect_dma source(%dma_start3A_339 : memref<10000x128xf32, #tpu.memory_space<hbm>>) target(%arg24 : memref<40x128xf32, #tpu.memory_space<vmem>>) offsets(%arg10 : memref<40xi32, #tpu.memory_space<vmem>>) semaphore(%arg32 : memref<!tpu.dma_semaphore, #tpu.memory_space<semaphore_mem>>)
    %scan3A = arith.constant 0 : i32
    %scan3A_340 = arith.constant 0 : i32
    %scan3A_341 = arith.constant 250 : i32
    %scan3A_342 = arith.addi %scan3A_340, %scan3A_341 : i32
    %scan3A_343 = arith.constant 1 : i32
    scf.for %scan3A_615 = %scan3A_340 to %scan3A_342 step %scan3A_343  : i32 {
      %jit3A = arith.constant 7 : i32
      %eq3A = arith.constant 0 : i32
      %eq3A_616 = arith.cmpi eq, %jit3A, %eq3A : i32
      %jit3A_617 = arith.constant 1 : i32
      %select_n3A = arith.select %eq3A_616, %jit3A_617, %jit3A : i32
      %rem3A = arith.remsi %scan3A_615, %select_n3A : i32
      %ne3A = arith.constant 0 : i32
      %ne3A_618 = arith.cmpi ne, %rem3A, %ne3A : i32
      %lt3A = arith.constant 0 : i32
      %lt3A_619 = arith.cmpi slt, %rem3A, %lt3A : i32
      %lt3A_620 = arith.constant 0 : i32
      %lt3A_621 = arith.cmpi slt, %select_n3A, %lt3A_620 : i32
      %ne3A_622 = arith.xori %lt3A_619, %lt3A_621 : i1
      %and3A = arith.andi %ne3A_622, %ne3A_618 : i1
      %add3A_623 = arith.addi %rem3A, %select_n3A : i32
      %select_n3A_624 = arith.select %and3A, %add3A_623, %rem3A : i32
      %eq3A_625 = arith.constant 0 : i32
      %eq3A_626 = arith.cmpi eq, %select_n3A_624, %eq3A_625 : i32
      %convert_element_type3A = arith.extui %eq3A_626 : i1 to i32
      %cond3A = arith.constant 0 : i32
      %cond3A_627 = arith.cmpi ne, %convert_element_type3A, %cond3A : i32
      scf.if %cond3A_627 {
        %dma_wait3A_754 = arith.constant 0 : i32
        %dma_wait3A_755 = arith.constant 0 : i32
        %dma_wait3A_756 = tpu.memref_slice %arg2[%dma_wait3A_754, %dma_wait3A_755] : memref<10000x128xf32, #tpu.memory_space<hbm>> -> memref<10000x128xf32, #tpu.memory_space<hbm>>
        tpu.wait_indirect_dma semaphore(%arg29 : memref<!tpu.dma_semaphore, #tpu.memory_space<semaphore_mem>>) src(%dma_wait3A_756 : memref<10000x128xf32, #tpu.memory_space<hbm>>) dst(%arg21 : memref<40x128xf32, #tpu.memory_space<vmem>>)
        %ge3A = arith.constant 3 : i32
        %ge3A_757 = arith.cmpi sge, %scan3A_615, %ge3A : i32
        %convert_element_type3A_758 = arith.extui %ge3A_757 : i1 to i32
        %cond3A_759 = arith.constant 0 : i32
        %cond3A_760 = arith.cmpi ne, %convert_element_type3A_758, %cond3A_759 : i32
        scf.if %cond3A_760 {
          %dma_wait3A_784 = arith.constant 0 : i32
          %dma_wait3A_785 = arith.constant 0 : i32
          %dma_wait3A_786 = tpu.memref_slice %arg28[%dma_wait3A_784, %dma_wait3A_785] : memref<10240x128xf32, #tpu.memory_space<vmem_shared>> -> memref<10240x128xf32, #tpu.memory_space<vmem_shared>>
          tpu.wait_indirect_dma semaphore(%arg54 : memref<!tpu.dma_semaphore, #tpu.memory_space<semaphore_mem>>) src(%arg25 : memref<40x128xf32, #tpu.memory_space<vmem>>) dst(%dma_wait3A_786 : memref<10240x128xf32, #tpu.memory_space<vmem_shared>>)
        } else {
        }
        %dma_wait3A_761 = arith.constant 0 : i32
        %dma_wait3A_762 = tpu.memref_slice %arg4[%add3A, %scan3A_615, %dma_wait3A_761] : memref<32x250x40xi32, #tpu.memory_space<hbm>> -> memref<1x1x40xi32, #tpu.memory_space<hbm>>
        %dma_wait3A_763 = tpu.memref_squeeze %dma_wait3A_762 : memref<1x1x40xi32, #tpu.memory_space<hbm>> -> memref<40xi32, #tpu.memory_space<hbm>>
        %dma_wait3A_764 = arith.constant 0 : i32
        %dma_wait3A_765 = tpu.memref_slice %arg4[%add3A, %scan3A_615, %dma_wait3A_764] : memref<32x250x40xi32, #tpu.memory_space<hbm>> -> memref<1x1x40xi32, #tpu.memory_space<hbm>>
        %dma_wait3A_766 = tpu.memref_squeeze %dma_wait3A_765 : memref<1x1x40xi32, #tpu.memory_space<hbm>> -> memref<40xi32, #tpu.memory_space<hbm>>
        tpu.wait_dma2 semaphore(%arg36 : memref<!tpu.dma_semaphore, #tpu.memory_space<semaphore_mem>>) src(%dma_wait3A_766 : memref<40xi32, #tpu.memory_space<hbm>>) dst(%arg14 : memref<40xi32, #tpu.memory_space<vmem>>)
        %dma_start3A_767 = arith.constant 0 : i32
        %dma_start3A_768 = arith.constant 0 : i32
        %dma_start3A_769 = tpu.memref_slice %arg28[%dma_start3A_767, %dma_start3A_768] : memref<10240x128xf32, #tpu.memory_space<vmem_shared>> -> memref<10240x128xf32, #tpu.memory_space<vmem_shared>>
        tpu.enqueue_indirect_dma source(%arg21 : memref<40x128xf32, #tpu.memory_space<vmem>>) target(%dma_start3A_769 : memref<10240x128xf32, #tpu.memory_space<vmem_shared>>) offsets(%arg14 : memref<40xi32, #tpu.memory_space<vmem>>) semaphore(%arg50 : memref<!tpu.dma_semaphore, #tpu.memory_space<semaphore_mem>>) {add = true}
        %add3A_770 = arith.constant 7 : i32
        %add3A_771 = arith.addi %scan3A_615, %add3A_770 : i32
        %lt3A_772 = arith.constant 250 : i32
        %lt3A_773 = arith.cmpi slt, %add3A_771, %lt3A_772 : i32
        %convert_element_type3A_774 = arith.extui %lt3A_773 : i1 to i32
        %cond3A_775 = arith.constant 0 : i32
        %cond3A_776 = arith.cmpi ne, %convert_element_type3A_774, %cond3A_775 : i32
        scf.if %cond3A_776 {
          %add3A_784 = arith.constant 7 : i32
          %add3A_785 = arith.addi %scan3A_615, %add3A_784 : i32
          %dma_start3A_786 = arith.constant 0 : i32
          %dma_start3A_787 = tpu.memref_slice %arg3[%add3A, %add3A_785, %dma_start3A_786] : memref<32x250x40xi32, #tpu.memory_space<hbm>> -> memref<1x1x40xi32, #tpu.memory_space<hbm>>
          %dma_start3A_788 = tpu.memref_squeeze %dma_start3A_787 : memref<1x1x40xi32, #tpu.memory_space<hbm>> -> memref<40xi32, #tpu.memory_space<hbm>>
          %dma_start3A_789 = arith.constant 0 : i32
          %dma_start3A_790 = tpu.memref_slice %arg3[%add3A, %add3A_785, %dma_start3A_789] : memref<32x250x40xi32, #tpu.memory_space<hbm>> -> memref<1x1x40xi32, #tpu.memory_space<hbm>>
          %dma_start3A_791 = tpu.memref_squeeze %dma_start3A_790 : memref<1x1x40xi32, #tpu.memory_space<hbm>> -> memref<40xi32, #tpu.memory_space<hbm>>
          tpu.enqueue_dma source(%dma_start3A_791 : memref<40xi32, #tpu.memory_space<hbm>>) target(%arg7 : memref<40xi32, #tpu.memory_space<vmem>>) target_semaphore(%arg43 : memref<!tpu.dma_semaphore, #tpu.memory_space<semaphore_mem>>)
        } else {
        }
        %add3A_777 = arith.constant 4 : i32
        %add3A_778 = arith.addi %scan3A_615, %add3A_777 : i32
        %lt3A_779 = arith.constant 250 : i32
        %lt3A_780 = arith.cmpi slt, %add3A_778, %lt3A_779 : i32
        %convert_element_type3A_781 = arith.extui %lt3A_780 : i1 to i32
        %cond3A_782 = arith.constant 0 : i32
        %cond3A_783 = arith.cmpi ne, %convert_element_type3A_781, %cond3A_782 : i32
        scf.if %cond3A_783 {
          %add3A_784 = arith.constant 4 : i32
          %add3A_785 = arith.addi %scan3A_615, %add3A_784 : i32
          %dma_start3A_786 = arith.constant 0 : i32
          %dma_start3A_787 = tpu.memref_slice %arg4[%add3A, %add3A_785, %dma_start3A_786] : memref<32x250x40xi32, #tpu.memory_space<hbm>> -> memref<1x1x40xi32, #tpu.memory_space<hbm>>
          %dma_start3A_788 = tpu.memref_squeeze %dma_start3A_787 : memref<1x1x40xi32, #tpu.memory_space<hbm>> -> memref<40xi32, #tpu.memory_space<hbm>>
          %dma_start3A_789 = arith.constant 0 : i32
          %dma_start3A_790 = tpu.memref_slice %arg4[%add3A, %add3A_785, %dma_start3A_789] : memref<32x250x40xi32, #tpu.memory_space<hbm>> -> memref<1x1x40xi32, #tpu.memory_space<hbm>>
          %dma_start3A_791 = tpu.memref_squeeze %dma_start3A_790 : memref<1x1x40xi32, #tpu.memory_space<hbm>> -> memref<40xi32, #tpu.memory_space<hbm>>
          tpu.enqueue_dma source(%dma_start3A_791 : memref<40xi32, #tpu.memory_space<hbm>>) target(%arg18 : memref<40xi32, #tpu.memory_space<vmem>>) target_semaphore(%arg40 : memref<!tpu.dma_semaphore, #tpu.memory_space<semaphore_mem>>)
          %add3A_792 = arith.constant 4 : i32
          %add3A_793 = arith.addi %scan3A_615, %add3A_792 : i32
          %dma_wait3A_794 = arith.constant 0 : i32
          %dma_wait3A_795 = tpu.memref_slice %arg3[%add3A, %add3A_793, %dma_wait3A_794] : memref<32x250x40xi32, #tpu.memory_space<hbm>> -> memref<1x1x40xi32, #tpu.memory_space<hbm>>
          %dma_wait3A_796 = tpu.memref_squeeze %dma_wait3A_795 : memref<1x1x40xi32, #tpu.memory_space<hbm>> -> memref<40xi32, #tpu.memory_space<hbm>>
          %dma_wait3A_797 = arith.constant 0 : i32
          %dma_wait3A_798 = tpu.memref_slice %arg3[%add3A, %add3A_793, %dma_wait3A_797] : memref<32x250x40xi32, #tpu.memory_space<hbm>> -> memref<1x1x40xi32, #tpu.memory_space<hbm>>
          %dma_wait3A_799 = tpu.memref_squeeze %dma_wait3A_798 : memref<1x1x40xi32, #tpu.memory_space<hbm>> -> memref<40xi32, #tpu.memory_space<hbm>>
          tpu.wait_dma2 semaphore(%arg47 : memref<!tpu.dma_semaphore, #tpu.memory_space<semaphore_mem>>) src(%dma_wait3A_799 : memref<40xi32, #tpu.memory_space<hbm>>) dst(%arg11 : memref<40xi32, #tpu.memory_space<vmem>>)
          %dma_start3A_800 = arith.constant 0 : i32
          %dma_start3A_801 = arith.constant 0 : i32
          %dma_start3A_802 = tpu.memref_slice %arg2[%dma_start3A_800, %dma_start3A_801] : memref<10000x128xf32, #tpu.memory_space<hbm>> -> memref<10000x128xf32, #tpu.memory_space<hbm>>
          tpu.enqueue_indirect_dma source(%dma_start3A_802 : memref<10000x128xf32, #tpu.memory_space<hbm>>) target(%arg25 : memref<40x128xf32, #tpu.memory_space<vmem>>) offsets(%arg11 : memref<40xi32, #tpu.memory_space<vmem>>) semaphore(%arg33 : memref<!tpu.dma_semaphore, #tpu.memory_space<semaphore_mem>>)
        } else {
        }
      } else {
      }
      %jit3A_628 = arith.constant 7 : i32
      %eq3A_629 = arith.constant 0 : i32
      %eq3A_630 = arith.cmpi eq, %jit3A_628, %eq3A_629 : i32
      %jit3A_631 = arith.constant 1 : i32
      %select_n3A_632 = arith.select %eq3A_630, %jit3A_631, %jit3A_628 : i32
      %rem3A_633 = arith.remsi %scan3A_615, %select_n3A_632 : i32
      %ne3A_634 = arith.constant 0 : i32
      %ne3A_635 = arith.cmpi ne, %rem3A_633, %ne3A_634 : i32
      %lt3A_636 = arith.constant 0 : i32
      %lt3A_637 = arith.cmpi slt, %rem3A_633, %lt3A_636 : i32
      %lt3A_638 = arith.constant 0 : i32
      %lt3A_639 = arith.cmpi slt, %select_n3A_632, %lt3A_638 : i32
      %ne3A_640 = arith.xori %lt3A_637, %lt3A_639 : i1
      %and3A_641 = arith.andi %ne3A_640, %ne3A_635 : i1
      %add3A_642 = arith.addi %rem3A_633, %select_n3A_632 : i32
      %select_n3A_643 = arith.select %and3A_641, %add3A_642, %rem3A_633 : i32
      %eq3A_644 = arith.constant 1 : i32
      %eq3A_645 = arith.cmpi eq, %select_n3A_643, %eq3A_644 : i32
      %convert_element_type3A_646 = arith.extui %eq3A_645 : i1 to i32
      %cond3A_647 = arith.constant 0 : i32
      %cond3A_648 = arith.cmpi ne, %convert_element_type3A_646, %cond3A_647 : i32
      scf.if %cond3A_648 {
        %dma_wait3A_754 = arith.constant 0 : i32
        %dma_wait3A_755 = arith.constant 0 : i32
        %dma_wait3A_756 = tpu.memref_slice %arg2[%dma_wait3A_754, %dma_wait3A_755] : memref<10000x128xf32, #tpu.memory_space<hbm>> -> memref<10000x128xf32, #tpu.memory_space<hbm>>
        tpu.wait_indirect_dma semaphore(%arg30 : memref<!tpu.dma_semaphore, #tpu.memory_space<semaphore_mem>>) src(%dma_wait3A_756 : memref<10000x128xf32, #tpu.memory_space<hbm>>) dst(%arg22 : memref<40x128xf32, #tpu.memory_space<vmem>>)
        %ge3A = arith.constant 3 : i32
        %ge3A_757 = arith.cmpi sge, %scan3A_615, %ge3A : i32
        %convert_element_type3A_758 = arith.extui %ge3A_757 : i1 to i32
        %cond3A_759 = arith.constant 0 : i32
        %cond3A_760 = arith.cmpi ne, %convert_element_type3A_758, %cond3A_759 : i32
        scf.if %cond3A_760 {
          %dma_wait3A_784 = arith.constant 0 : i32
          %dma_wait3A_785 = arith.constant 0 : i32
          %dma_wait3A_786 = tpu.memref_slice %arg28[%dma_wait3A_784, %dma_wait3A_785] : memref<10240x128xf32, #tpu.memory_space<vmem_shared>> -> memref<10240x128xf32, #tpu.memory_space<vmem_shared>>
          tpu.wait_indirect_dma semaphore(%arg55 : memref<!tpu.dma_semaphore, #tpu.memory_space<semaphore_mem>>) src(%arg26 : memref<40x128xf32, #tpu.memory_space<vmem>>) dst(%dma_wait3A_786 : memref<10240x128xf32, #tpu.memory_space<vmem_shared>>)
        } else {
        }
        %dma_wait3A_761 = arith.constant 0 : i32
        %dma_wait3A_762 = tpu.memref_slice %arg4[%add3A, %scan3A_615, %dma_wait3A_761] : memref<32x250x40xi32, #tpu.memory_space<hbm>> -> memref<1x1x40xi32, #tpu.memory_space<hbm>>
        %dma_wait3A_763 = tpu.memref_squeeze %dma_wait3A_762 : memref<1x1x40xi32, #tpu.memory_space<hbm>> -> memref<40xi32, #tpu.memory_space<hbm>>
        %dma_wait3A_764 = arith.constant 0 : i32
        %dma_wait3A_765 = tpu.memref_slice %arg4[%add3A, %scan3A_615, %dma_wait3A_764] : memref<32x250x40xi32, #tpu.memory_space<hbm>> -> memref<1x1x40xi32, #tpu.memory_space<hbm>>
        %dma_wait3A_766 = tpu.memref_squeeze %dma_wait3A_765 : memref<1x1x40xi32, #tpu.memory_space<hbm>> -> memref<40xi32, #tpu.memory_space<hbm>>
        tpu.wait_dma2 semaphore(%arg37 : memref<!tpu.dma_semaphore, #tpu.memory_space<semaphore_mem>>) src(%dma_wait3A_766 : memref<40xi32, #tpu.memory_space<hbm>>) dst(%arg15 : memref<40xi32, #tpu.memory_space<vmem>>)
        %dma_start3A_767 = arith.constant 0 : i32
        %dma_start3A_768 = arith.constant 0 : i32
        %dma_start3A_769 = tpu.memref_slice %arg28[%dma_start3A_767, %dma_start3A_768] : memref<10240x128xf32, #tpu.memory_space<vmem_shared>> -> memref<10240x128xf32, #tpu.memory_space<vmem_shared>>
        tpu.enqueue_indirect_dma source(%arg22 : memref<40x128xf32, #tpu.memory_space<vmem>>) target(%dma_start3A_769 : memref<10240x128xf32, #tpu.memory_space<vmem_shared>>) offsets(%arg15 : memref<40xi32, #tpu.memory_space<vmem>>) semaphore(%arg51 : memref<!tpu.dma_semaphore, #tpu.memory_space<semaphore_mem>>) {add = true}
        %add3A_770 = arith.constant 7 : i32
        %add3A_771 = arith.addi %scan3A_615, %add3A_770 : i32
        %lt3A_772 = arith.constant 250 : i32
        %lt3A_773 = arith.cmpi slt, %add3A_771, %lt3A_772 : i32
        %convert_element_type3A_774 = arith.extui %lt3A_773 : i1 to i32
        %cond3A_775 = arith.constant 0 : i32
        %cond3A_776 = arith.cmpi ne, %convert_element_type3A_774, %cond3A_775 : i32
        scf.if %cond3A_776 {
          %add3A_784 = arith.constant 7 : i32
          %add3A_785 = arith.addi %scan3A_615, %add3A_784 : i32
          %dma_start3A_786 = arith.constant 0 : i32
          %dma_start3A_787 = tpu.memref_slice %arg3[%add3A, %add3A_785, %dma_start3A_786] : memref<32x250x40xi32, #tpu.memory_space<hbm>> -> memref<1x1x40xi32, #tpu.memory_space<hbm>>
          %dma_start3A_788 = tpu.memref_squeeze %dma_start3A_787 : memref<1x1x40xi32, #tpu.memory_space<hbm>> -> memref<40xi32, #tpu.memory_space<hbm>>
          %dma_start3A_789 = arith.constant 0 : i32
          %dma_start3A_790 = tpu.memref_slice %arg3[%add3A, %add3A_785, %dma_start3A_789] : memref<32x250x40xi32, #tpu.memory_space<hbm>> -> memref<1x1x40xi32, #tpu.memory_space<hbm>>
          %dma_start3A_791 = tpu.memref_squeeze %dma_start3A_790 : memref<1x1x40xi32, #tpu.memory_space<hbm>> -> memref<40xi32, #tpu.memory_space<hbm>>
          tpu.enqueue_dma source(%dma_start3A_791 : memref<40xi32, #tpu.memory_space<hbm>>) target(%arg8 : memref<40xi32, #tpu.memory_space<vmem>>) target_semaphore(%arg44 : memref<!tpu.dma_semaphore, #tpu.memory_space<semaphore_mem>>)
        } else {
        }
        %add3A_777 = arith.constant 4 : i32
        %add3A_778 = arith.addi %scan3A_615, %add3A_777 : i32
        %lt3A_779 = arith.constant 250 : i32
        %lt3A_780 = arith.cmpi slt, %add3A_778, %lt3A_779 : i32
        %convert_element_type3A_781 = arith.extui %lt3A_780 : i1 to i32
        %cond3A_782 = arith.constant 0 : i32
        %cond3A_783 = arith.cmpi ne, %convert_element_type3A_781, %cond3A_782 : i32
        scf.if %cond3A_783 {
          %add3A_784 = arith.constant 4 : i32
          %add3A_785 = arith.addi %scan3A_615, %add3A_784 : i32
          %dma_start3A_786 = arith.constant 0 : i32
          %dma_start3A_787 = tpu.memref_slice %arg4[%add3A, %add3A_785, %dma_start3A_786] : memref<32x250x40xi32, #tpu.memory_space<hbm>> -> memref<1x1x40xi32, #tpu.memory_space<hbm>>
          %dma_start3A_788 = tpu.memref_squeeze %dma_start3A_787 : memref<1x1x40xi32, #tpu.memory_space<hbm>> -> memref<40xi32, #tpu.memory_space<hbm>>
          %dma_start3A_789 = arith.constant 0 : i32
          %dma_start3A_790 = tpu.memref_slice %arg4[%add3A, %add3A_785, %dma_start3A_789] : memref<32x250x40xi32, #tpu.memory_space<hbm>> -> memref<1x1x40xi32, #tpu.memory_space<hbm>>
          %dma_start3A_791 = tpu.memref_squeeze %dma_start3A_790 : memref<1x1x40xi32, #tpu.memory_space<hbm>> -> memref<40xi32, #tpu.memory_space<hbm>>
          tpu.enqueue_dma source(%dma_start3A_791 : memref<40xi32, #tpu.memory_space<hbm>>) target(%arg19 : memref<40xi32, #tpu.memory_space<vmem>>) target_semaphore(%arg41 : memref<!tpu.dma_semaphore, #tpu.memory_space<semaphore_mem>>)
          %add3A_792 = arith.constant 4 : i32
          %add3A_793 = arith.addi %scan3A_615, %add3A_792 : i32
          %dma_wait3A_794 = arith.constant 0 : i32
          %dma_wait3A_795 = tpu.memref_slice %arg3[%add3A, %add3A_793, %dma_wait3A_794] : memref<32x250x40xi32, #tpu.memory_space<hbm>> -> memref<1x1x40xi32, #tpu.memory_space<hbm>>
          %dma_wait3A_796 = tpu.memref_squeeze %dma_wait3A_795 : memref<1x1x40xi32, #tpu.memory_space<hbm>> -> memref<40xi32, #tpu.memory_space<hbm>>
          %dma_wait3A_797 = arith.constant 0 : i32
          %dma_wait3A_798 = tpu.memref_slice %arg3[%add3A, %add3A_793, %dma_wait3A_797] : memref<32x250x40xi32, #tpu.memory_space<hbm>> -> memref<1x1x40xi32, #tpu.memory_space<hbm>>
          %dma_wait3A_799 = tpu.memref_squeeze %dma_wait3A_798 : memref<1x1x40xi32, #tpu.memory_space<hbm>> -> memref<40xi32, #tpu.memory_space<hbm>>
          tpu.wait_dma2 semaphore(%arg48 : memref<!tpu.dma_semaphore, #tpu.memory_space<semaphore_mem>>) src(%dma_wait3A_799 : memref<40xi32, #tpu.memory_space<hbm>>) dst(%arg12 : memref<40xi32, #tpu.memory_space<vmem>>)
          %dma_start3A_800 = arith.constant 0 : i32
          %dma_start3A_801 = arith.constant 0 : i32
          %dma_start3A_802 = tpu.memref_slice %arg2[%dma_start3A_800, %dma_start3A_801] : memref<10000x128xf32, #tpu.memory_space<hbm>> -> memref<10000x128xf32, #tpu.memory_space<hbm>>
          tpu.enqueue_indirect_dma source(%dma_start3A_802 : memref<10000x128xf32, #tpu.memory_space<hbm>>) target(%arg26 : memref<40x128xf32, #tpu.memory_space<vmem>>) offsets(%arg12 : memref<40xi32, #tpu.memory_space<vmem>>) semaphore(%arg34 : memref<!tpu.dma_semaphore, #tpu.memory_space<semaphore_mem>>)
        } else {
        }
      } else {
      }
      %jit3A_649 = arith.constant 7 : i32
      %eq3A_650 = arith.constant 0 : i32
      %eq3A_651 = arith.cmpi eq, %jit3A_649, %eq3A_650 : i32
      %jit3A_652 = arith.constant 1 : i32
      %select_n3A_653 = arith.select %eq3A_651, %jit3A_652, %jit3A_649 : i32
      %rem3A_654 = arith.remsi %scan3A_615, %select_n3A_653 : i32
      %ne3A_655 = arith.constant 0 : i32
      %ne3A_656 = arith.cmpi ne, %rem3A_654, %ne3A_655 : i32
      %lt3A_657 = arith.constant 0 : i32
      %lt3A_658 = arith.cmpi slt, %rem3A_654, %lt3A_657 : i32
      %lt3A_659 = arith.constant 0 : i32
      %lt3A_660 = arith.cmpi slt, %select_n3A_653, %lt3A_659 : i32
      %ne3A_661 = arith.xori %lt3A_658, %lt3A_660 : i1
      %and3A_662 = arith.andi %ne3A_661, %ne3A_656 : i1
      %add3A_663 = arith.addi %rem3A_654, %select_n3A_653 : i32
      %select_n3A_664 = arith.select %and3A_662, %add3A_663, %rem3A_654 : i32
      %eq3A_665 = arith.constant 2 : i32
      %eq3A_666 = arith.cmpi eq, %select_n3A_664, %eq3A_665 : i32
      %convert_element_type3A_667 = arith.extui %eq3A_666 : i1 to i32
      %cond3A_668 = arith.constant 0 : i32
      %cond3A_669 = arith.cmpi ne, %convert_element_type3A_667, %cond3A_668 : i32
      scf.if %cond3A_669 {
        %dma_wait3A_754 = arith.constant 0 : i32
        %dma_wait3A_755 = arith.constant 0 : i32
        %dma_wait3A_756 = tpu.memref_slice %arg2[%dma_wait3A_754, %dma_wait3A_755] : memref<10000x128xf32, #tpu.memory_space<hbm>> -> memref<10000x128xf32, #tpu.memory_space<hbm>>
        tpu.wait_indirect_dma semaphore(%arg31 : memref<!tpu.dma_semaphore, #tpu.memory_space<semaphore_mem>>) src(%dma_wait3A_756 : memref<10000x128xf32, #tpu.memory_space<hbm>>) dst(%arg23 : memref<40x128xf32, #tpu.memory_space<vmem>>)
        %ge3A = arith.constant 3 : i32
        %ge3A_757 = arith.cmpi sge, %scan3A_615, %ge3A : i32
        %convert_element_type3A_758 = arith.extui %ge3A_757 : i1 to i32
        %cond3A_759 = arith.constant 0 : i32
        %cond3A_760 = arith.cmpi ne, %convert_element_type3A_758, %cond3A_759 : i32
        scf.if %cond3A_760 {
          %dma_wait3A_784 = arith.constant 0 : i32
          %dma_wait3A_785 = arith.constant 0 : i32
          %dma_wait3A_786 = tpu.memref_slice %arg28[%dma_wait3A_784, %dma_wait3A_785] : memref<10240x128xf32, #tpu.memory_space<vmem_shared>> -> memref<10240x128xf32, #tpu.memory_space<vmem_shared>>
          tpu.wait_indirect_dma semaphore(%arg56 : memref<!tpu.dma_semaphore, #tpu.memory_space<semaphore_mem>>) src(%arg27 : memref<40x128xf32, #tpu.memory_space<vmem>>) dst(%dma_wait3A_786 : memref<10240x128xf32, #tpu.memory_space<vmem_shared>>)
        } else {
        }
        %dma_wait3A_761 = arith.constant 0 : i32
        %dma_wait3A_762 = tpu.memref_slice %arg4[%add3A, %scan3A_615, %dma_wait3A_761] : memref<32x250x40xi32, #tpu.memory_space<hbm>> -> memref<1x1x40xi32, #tpu.memory_space<hbm>>
        %dma_wait3A_763 = tpu.memref_squeeze %dma_wait3A_762 : memref<1x1x40xi32, #tpu.memory_space<hbm>> -> memref<40xi32, #tpu.memory_space<hbm>>
        %dma_wait3A_764 = arith.constant 0 : i32
        %dma_wait3A_765 = tpu.memref_slice %arg4[%add3A, %scan3A_615, %dma_wait3A_764] : memref<32x250x40xi32, #tpu.memory_space<hbm>> -> memref<1x1x40xi32, #tpu.memory_space<hbm>>
        %dma_wait3A_766 = tpu.memref_squeeze %dma_wait3A_765 : memref<1x1x40xi32, #tpu.memory_space<hbm>> -> memref<40xi32, #tpu.memory_space<hbm>>
        tpu.wait_dma2 semaphore(%arg38 : memref<!tpu.dma_semaphore, #tpu.memory_space<semaphore_mem>>) src(%dma_wait3A_766 : memref<40xi32, #tpu.memory_space<hbm>>) dst(%arg16 : memref<40xi32, #tpu.memory_space<vmem>>)
        %dma_start3A_767 = arith.constant 0 : i32
        %dma_start3A_768 = arith.constant 0 : i32
        %dma_start3A_769 = tpu.memref_slice %arg28[%dma_start3A_767, %dma_start3A_768] : memref<10240x128xf32, #tpu.memory_space<vmem_shared>> -> memref<10240x128xf32, #tpu.memory_space<vmem_shared>>
        tpu.enqueue_indirect_dma source(%arg23 : memref<40x128xf32, #tpu.memory_space<vmem>>) target(%dma_start3A_769 : memref<10240x128xf32, #tpu.memory_space<vmem_shared>>) offsets(%arg16 : memref<40xi32, #tpu.memory_space<vmem>>) semaphore(%arg52 : memref<!tpu.dma_semaphore, #tpu.memory_space<semaphore_mem>>) {add = true}
        %add3A_770 = arith.constant 7 : i32
        %add3A_771 = arith.addi %scan3A_615, %add3A_770 : i32
        %lt3A_772 = arith.constant 250 : i32
        %lt3A_773 = arith.cmpi slt, %add3A_771, %lt3A_772 : i32
        %convert_element_type3A_774 = arith.extui %lt3A_773 : i1 to i32
        %cond3A_775 = arith.constant 0 : i32
        %cond3A_776 = arith.cmpi ne, %convert_element_type3A_774, %cond3A_775 : i32
        scf.if %cond3A_776 {
          %add3A_784 = arith.constant 7 : i32
          %add3A_785 = arith.addi %scan3A_615, %add3A_784 : i32
          %dma_start3A_786 = arith.constant 0 : i32
          %dma_start3A_787 = tpu.memref_slice %arg3[%add3A, %add3A_785, %dma_start3A_786] : memref<32x250x40xi32, #tpu.memory_space<hbm>> -> memref<1x1x40xi32, #tpu.memory_space<hbm>>
          %dma_start3A_788 = tpu.memref_squeeze %dma_start3A_787 : memref<1x1x40xi32, #tpu.memory_space<hbm>> -> memref<40xi32, #tpu.memory_space<hbm>>
          %dma_start3A_789 = arith.constant 0 : i32
          %dma_start3A_790 = tpu.memref_slice %arg3[%add3A, %add3A_785, %dma_start3A_789] : memref<32x250x40xi32, #tpu.memory_space<hbm>> -> memref<1x1x40xi32, #tpu.memory_space<hbm>>
          %dma_start3A_791 = tpu.memref_squeeze %dma_start3A_790 : memref<1x1x40xi32, #tpu.memory_space<hbm>> -> memref<40xi32, #tpu.memory_space<hbm>>
          tpu.enqueue_dma source(%dma_start3A_791 : memref<40xi32, #tpu.memory_space<hbm>>) target(%arg9 : memref<40xi32, #tpu.memory_space<vmem>>) target_semaphore(%arg45 : memref<!tpu.dma_semaphore, #tpu.memory_space<semaphore_mem>>)
        } else {
        }
        %add3A_777 = arith.constant 4 : i32
        %add3A_778 = arith.addi %scan3A_615, %add3A_777 : i32
        %lt3A_779 = arith.constant 250 : i32
        %lt3A_780 = arith.cmpi slt, %add3A_778, %lt3A_779 : i32
        %convert_element_type3A_781 = arith.extui %lt3A_780 : i1 to i32
        %cond3A_782 = arith.constant 0 : i32
        %cond3A_783 = arith.cmpi ne, %convert_element_type3A_781, %cond3A_782 : i32
        scf.if %cond3A_783 {
          %add3A_784 = arith.constant 4 : i32
          %add3A_785 = arith.addi %scan3A_615, %add3A_784 : i32
          %dma_start3A_786 = arith.constant 0 : i32
          %dma_start3A_787 = tpu.memref_slice %arg4[%add3A, %add3A_785, %dma_start3A_786] : memref<32x250x40xi32, #tpu.memory_space<hbm>> -> memref<1x1x40xi32, #tpu.memory_space<hbm>>
          %dma_start3A_788 = tpu.memref_squeeze %dma_start3A_787 : memref<1x1x40xi32, #tpu.memory_space<hbm>> -> memref<40xi32, #tpu.memory_space<hbm>>
          %dma_start3A_789 = arith.constant 0 : i32
          %dma_start3A_790 = tpu.memref_slice %arg4[%add3A, %add3A_785, %dma_start3A_789] : memref<32x250x40xi32, #tpu.memory_space<hbm>> -> memref<1x1x40xi32, #tpu.memory_space<hbm>>
          %dma_start3A_791 = tpu.memref_squeeze %dma_start3A_790 : memref<1x1x40xi32, #tpu.memory_space<hbm>> -> memref<40xi32, #tpu.memory_space<hbm>>
          tpu.enqueue_dma source(%dma_start3A_791 : memref<40xi32, #tpu.memory_space<hbm>>) target(%arg20 : memref<40xi32, #tpu.memory_space<vmem>>) target_semaphore(%arg42 : memref<!tpu.dma_semaphore, #tpu.memory_space<semaphore_mem>>)
          %add3A_792 = arith.constant 4 : i32
          %add3A_793 = arith.addi %scan3A_615, %add3A_792 : i32
          %dma_wait3A_794 = arith.constant 0 : i32
          %dma_wait3A_795 = tpu.memref_slice %arg3[%add3A, %add3A_793, %dma_wait3A_794] : memref<32x250x40xi32, #tpu.memory_space<hbm>> -> memref<1x1x40xi32, #tpu.memory_space<hbm>>
          %dma_wait3A_796 = tpu.memref_squeeze %dma_wait3A_795 : memref<1x1x40xi32, #tpu.memory_space<hbm>> -> memref<40xi32, #tpu.memory_space<hbm>>
          %dma_wait3A_797 = arith.constant 0 : i32
          %dma_wait3A_798 = tpu.memref_slice %arg3[%add3A, %add3A_793, %dma_wait3A_797] : memref<32x250x40xi32, #tpu.memory_space<hbm>> -> memref<1x1x40xi32, #tpu.memory_space<hbm>>
          %dma_wait3A_799 = tpu.memref_squeeze %dma_wait3A_798 : memref<1x1x40xi32, #tpu.memory_space<hbm>> -> memref<40xi32, #tpu.memory_space<hbm>>
          tpu.wait_dma2 semaphore(%arg49 : memref<!tpu.dma_semaphore, #tpu.memory_space<semaphore_mem>>) src(%dma_wait3A_799 : memref<40xi32, #tpu.memory_space<hbm>>) dst(%arg13 : memref<40xi32, #tpu.memory_space<vmem>>)
          %dma_start3A_800 = arith.constant 0 : i32
          %dma_start3A_801 = arith.constant 0 : i32
          %dma_start3A_802 = tpu.memref_slice %arg2[%dma_start3A_800, %dma_start3A_801] : memref<10000x128xf32, #tpu.memory_space<hbm>> -> memref<10000x128xf32, #tpu.memory_space<hbm>>
          tpu.enqueue_indirect_dma source(%dma_start3A_802 : memref<10000x128xf32, #tpu.memory_space<hbm>>) target(%arg27 : memref<40x128xf32, #tpu.memory_space<vmem>>) offsets(%arg13 : memref<40xi32, #tpu.memory_space<vmem>>) semaphore(%arg35 : memref<!tpu.dma_semaphore, #tpu.memory_space<semaphore_mem>>)
        } else {
        }
      } else {
      }
      %jit3A_670 = arith.constant 7 : i32
      %eq3A_671 = arith.constant 0 : i32
      %eq3A_672 = arith.cmpi eq, %jit3A_670, %eq3A_671 : i32
      %jit3A_673 = arith.constant 1 : i32
      %select_n3A_674 = arith.select %eq3A_672, %jit3A_673, %jit3A_670 : i32
      %rem3A_675 = arith.remsi %scan3A_615, %select_n3A_674 : i32
      %ne3A_676 = arith.constant 0 : i32
      %ne3A_677 = arith.cmpi ne, %rem3A_675, %ne3A_676 : i32
      %lt3A_678 = arith.constant 0 : i32
      %lt3A_679 = arith.cmpi slt, %rem3A_675, %lt3A_678 : i32
      %lt3A_680 = arith.constant 0 : i32
      %lt3A_681 = arith.cmpi slt, %select_n3A_674, %lt3A_680 : i32
      %ne3A_682 = arith.xori %lt3A_679, %lt3A_681 : i1
      %and3A_683 = arith.andi %ne3A_682, %ne3A_677 : i1
      %add3A_684 = arith.addi %rem3A_675, %select_n3A_674 : i32
      %select_n3A_685 = arith.select %and3A_683, %add3A_684, %rem3A_675 : i32
      %eq3A_686 = arith.constant 3 : i32
      %eq3A_687 = arith.cmpi eq, %select_n3A_685, %eq3A_686 : i32
      %convert_element_type3A_688 = arith.extui %eq3A_687 : i1 to i32
      %cond3A_689 = arith.constant 0 : i32
      %cond3A_690 = arith.cmpi ne, %convert_element_type3A_688, %cond3A_689 : i32
      scf.if %cond3A_690 {
        %dma_wait3A_754 = arith.constant 0 : i32
        %dma_wait3A_755 = arith.constant 0 : i32
        %dma_wait3A_756 = tpu.memref_slice %arg2[%dma_wait3A_754, %dma_wait3A_755] : memref<10000x128xf32, #tpu.memory_space<hbm>> -> memref<10000x128xf32, #tpu.memory_space<hbm>>
        tpu.wait_indirect_dma semaphore(%arg32 : memref<!tpu.dma_semaphore, #tpu.memory_space<semaphore_mem>>) src(%dma_wait3A_756 : memref<10000x128xf32, #tpu.memory_space<hbm>>) dst(%arg24 : memref<40x128xf32, #tpu.memory_space<vmem>>)
        %ge3A = arith.constant 3 : i32
        %ge3A_757 = arith.cmpi sge, %scan3A_615, %ge3A : i32
        %convert_element_type3A_758 = arith.extui %ge3A_757 : i1 to i32
        %cond3A_759 = arith.constant 0 : i32
        %cond3A_760 = arith.cmpi ne, %convert_element_type3A_758, %cond3A_759 : i32
        scf.if %cond3A_760 {
          %dma_wait3A_784 = arith.constant 0 : i32
          %dma_wait3A_785 = arith.constant 0 : i32
          %dma_wait3A_786 = tpu.memref_slice %arg28[%dma_wait3A_784, %dma_wait3A_785] : memref<10240x128xf32, #tpu.memory_space<vmem_shared>> -> memref<10240x128xf32, #tpu.memory_space<vmem_shared>>
          tpu.wait_indirect_dma semaphore(%arg50 : memref<!tpu.dma_semaphore, #tpu.memory_space<semaphore_mem>>) src(%arg21 : memref<40x128xf32, #tpu.memory_space<vmem>>) dst(%dma_wait3A_786 : memref<10240x128xf32, #tpu.memory_space<vmem_shared>>)
        } else {
        }
        %dma_wait3A_761 = arith.constant 0 : i32
        %dma_wait3A_762 = tpu.memref_slice %arg4[%add3A, %scan3A_615, %dma_wait3A_761] : memref<32x250x40xi32, #tpu.memory_space<hbm>> -> memref<1x1x40xi32, #tpu.memory_space<hbm>>
        %dma_wait3A_763 = tpu.memref_squeeze %dma_wait3A_762 : memref<1x1x40xi32, #tpu.memory_space<hbm>> -> memref<40xi32, #tpu.memory_space<hbm>>
        %dma_wait3A_764 = arith.constant 0 : i32
        %dma_wait3A_765 = tpu.memref_slice %arg4[%add3A, %scan3A_615, %dma_wait3A_764] : memref<32x250x40xi32, #tpu.memory_space<hbm>> -> memref<1x1x40xi32, #tpu.memory_space<hbm>>
        %dma_wait3A_766 = tpu.memref_squeeze %dma_wait3A_765 : memref<1x1x40xi32, #tpu.memory_space<hbm>> -> memref<40xi32, #tpu.memory_space<hbm>>
        tpu.wait_dma2 semaphore(%arg39 : memref<!tpu.dma_semaphore, #tpu.memory_space<semaphore_mem>>) src(%dma_wait3A_766 : memref<40xi32, #tpu.memory_space<hbm>>) dst(%arg17 : memref<40xi32, #tpu.memory_space<vmem>>)
        %dma_start3A_767 = arith.constant 0 : i32
        %dma_start3A_768 = arith.constant 0 : i32
        %dma_start3A_769 = tpu.memref_slice %arg28[%dma_start3A_767, %dma_start3A_768] : memref<10240x128xf32, #tpu.memory_space<vmem_shared>> -> memref<10240x128xf32, #tpu.memory_space<vmem_shared>>
        tpu.enqueue_indirect_dma source(%arg24 : memref<40x128xf32, #tpu.memory_space<vmem>>) target(%dma_start3A_769 : memref<10240x128xf32, #tpu.memory_space<vmem_shared>>) offsets(%arg17 : memref<40xi32, #tpu.memory_space<vmem>>) semaphore(%arg53 : memref<!tpu.dma_semaphore, #tpu.memory_space<semaphore_mem>>) {add = true}
        %add3A_770 = arith.constant 7 : i32
        %add3A_771 = arith.addi %scan3A_615, %add3A_770 : i32
        %lt3A_772 = arith.constant 250 : i32
        %lt3A_773 = arith.cmpi slt, %add3A_771, %lt3A_772 : i32
        %convert_element_type3A_774 = arith.extui %lt3A_773 : i1 to i32
        %cond3A_775 = arith.constant 0 : i32
        %cond3A_776 = arith.cmpi ne, %convert_element_type3A_774, %cond3A_775 : i32
        scf.if %cond3A_776 {
          %add3A_784 = arith.constant 7 : i32
          %add3A_785 = arith.addi %scan3A_615, %add3A_784 : i32
          %dma_start3A_786 = arith.constant 0 : i32
          %dma_start3A_787 = tpu.memref_slice %arg3[%add3A, %add3A_785, %dma_start3A_786] : memref<32x250x40xi32, #tpu.memory_space<hbm>> -> memref<1x1x40xi32, #tpu.memory_space<hbm>>
          %dma_start3A_788 = tpu.memref_squeeze %dma_start3A_787 : memref<1x1x40xi32, #tpu.memory_space<hbm>> -> memref<40xi32, #tpu.memory_space<hbm>>
          %dma_start3A_789 = arith.constant 0 : i32
          %dma_start3A_790 = tpu.memref_slice %arg3[%add3A, %add3A_785, %dma_start3A_789] : memref<32x250x40xi32, #tpu.memory_space<hbm>> -> memref<1x1x40xi32, #tpu.memory_space<hbm>>
          %dma_start3A_791 = tpu.memref_squeeze %dma_start3A_790 : memref<1x1x40xi32, #tpu.memory_space<hbm>> -> memref<40xi32, #tpu.memory_space<hbm>>
          tpu.enqueue_dma source(%dma_start3A_791 : memref<40xi32, #tpu.memory_space<hbm>>) target(%arg10 : memref<40xi32, #tpu.memory_space<vmem>>) target_semaphore(%arg46 : memref<!tpu.dma_semaphore, #tpu.memory_space<semaphore_mem>>)
        } else {
        }
        %add3A_777 = arith.constant 4 : i32
        %add3A_778 = arith.addi %scan3A_615, %add3A_777 : i32
        %lt3A_779 = arith.constant 250 : i32
        %lt3A_780 = arith.cmpi slt, %add3A_778, %lt3A_779 : i32
        %convert_element_type3A_781 = arith.extui %lt3A_780 : i1 to i32
        %cond3A_782 = arith.constant 0 : i32
        %cond3A_783 = arith.cmpi ne, %convert_element_type3A_781, %cond3A_782 : i32
        scf.if %cond3A_783 {
          %add3A_784 = arith.constant 4 : i32
          %add3A_785 = arith.addi %scan3A_615, %add3A_784 : i32
          %dma_start3A_786 = arith.constant 0 : i32
          %dma_start3A_787 = tpu.memref_slice %arg4[%add3A, %add3A_785, %dma_start3A_786] : memref<32x250x40xi32, #tpu.memory_space<hbm>> -> memref<1x1x40xi32, #tpu.memory_space<hbm>>
          %dma_start3A_788 = tpu.memref_squeeze %dma_start3A_787 : memref<1x1x40xi32, #tpu.memory_space<hbm>> -> memref<40xi32, #tpu.memory_space<hbm>>
          %dma_start3A_789 = arith.constant 0 : i32
          %dma_start3A_790 = tpu.memref_slice %arg4[%add3A, %add3A_785, %dma_start3A_789] : memref<32x250x40xi32, #tpu.memory_space<hbm>> -> memref<1x1x40xi32, #tpu.memory_space<hbm>>
          %dma_start3A_791 = tpu.memref_squeeze %dma_start3A_790 : memref<1x1x40xi32, #tpu.memory_space<hbm>> -> memref<40xi32, #tpu.memory_space<hbm>>
          tpu.enqueue_dma source(%dma_start3A_791 : memref<40xi32, #tpu.memory_space<hbm>>) target(%arg14 : memref<40xi32, #tpu.memory_space<vmem>>) target_semaphore(%arg36 : memref<!tpu.dma_semaphore, #tpu.memory_space<semaphore_mem>>)
          %add3A_792 = arith.constant 4 : i32
          %add3A_793 = arith.addi %scan3A_615, %add3A_792 : i32
          %dma_wait3A_794 = arith.constant 0 : i32
          %dma_wait3A_795 = tpu.memref_slice %arg3[%add3A, %add3A_793, %dma_wait3A_794] : memref<32x250x40xi32, #tpu.memory_space<hbm>> -> memref<1x1x40xi32, #tpu.memory_space<hbm>>
          %dma_wait3A_796 = tpu.memref_squeeze %dma_wait3A_795 : memref<1x1x40xi32, #tpu.memory_space<hbm>> -> memref<40xi32, #tpu.memory_space<hbm>>
          %dma_wait3A_797 = arith.constant 0 : i32
          %dma_wait3A_798 = tpu.memref_slice %arg3[%add3A, %add3A_793, %dma_wait3A_797] : memref<32x250x40xi32, #tpu.memory_space<hbm>> -> memref<1x1x40xi32, #tpu.memory_space<hbm>>
          %dma_wait3A_799 = tpu.memref_squeeze %dma_wait3A_798 : memref<1x1x40xi32, #tpu.memory_space<hbm>> -> memref<40xi32, #tpu.memory_space<hbm>>
          tpu.wait_dma2 semaphore(%arg43 : memref<!tpu.dma_semaphore, #tpu.memory_space<semaphore_mem>>) src(%dma_wait3A_799 : memref<40xi32, #tpu.memory_space<hbm>>) dst(%arg7 : memref<40xi32, #tpu.memory_space<vmem>>)
          %dma_start3A_800 = arith.constant 0 : i32
          %dma_start3A_801 = arith.constant 0 : i32
          %dma_start3A_802 = tpu.memref_slice %arg2[%dma_start3A_800, %dma_start3A_801] : memref<10000x128xf32, #tpu.memory_space<hbm>> -> memref<10000x128xf32, #tpu.memory_space<hbm>>
          tpu.enqueue_indirect_dma source(%dma_start3A_802 : memref<10000x128xf32, #tpu.memory_space<hbm>>) target(%arg21 : memref<40x128xf32, #tpu.memory_space<vmem>>) offsets(%arg7 : memref<40xi32, #tpu.memory_space<vmem>>) semaphore(%arg29 : memref<!tpu.dma_semaphore, #tpu.memory_space<semaphore_mem>>)
        } else {
        }
      } else {
      }
      %jit3A_691 = arith.constant 7 : i32
      %eq3A_692 = arith.constant 0 : i32
      %eq3A_693 = arith.cmpi eq, %jit3A_691, %eq3A_692 : i32
      %jit3A_694 = arith.constant 1 : i32
      %select_n3A_695 = arith.select %eq3A_693, %jit3A_694, %jit3A_691 : i32
      %rem3A_696 = arith.remsi %scan3A_615, %select_n3A_695 : i32
      %ne3A_697 = arith.constant 0 : i32
      %ne3A_698 = arith.cmpi ne, %rem3A_696, %ne3A_697 : i32
      %lt3A_699 = arith.constant 0 : i32
      %lt3A_700 = arith.cmpi slt, %rem3A_696, %lt3A_699 : i32
      %lt3A_701 = arith.constant 0 : i32
      %lt3A_702 = arith.cmpi slt, %select_n3A_695, %lt3A_701 : i32
      %ne3A_703 = arith.xori %lt3A_700, %lt3A_702 : i1
      %and3A_704 = arith.andi %ne3A_703, %ne3A_698 : i1
      %add3A_705 = arith.addi %rem3A_696, %select_n3A_695 : i32
      %select_n3A_706 = arith.select %and3A_704, %add3A_705, %rem3A_696 : i32
      %eq3A_707 = arith.constant 4 : i32
      %eq3A_708 = arith.cmpi eq, %select_n3A_706, %eq3A_707 : i32
      %convert_element_type3A_709 = arith.extui %eq3A_708 : i1 to i32
      %cond3A_710 = arith.constant 0 : i32
      %cond3A_711 = arith.cmpi ne, %convert_element_type3A_709, %cond3A_710 : i32
      scf.if %cond3A_711 {
        %dma_wait3A_754 = arith.constant 0 : i32
        %dma_wait3A_755 = arith.constant 0 : i32
        %dma_wait3A_756 = tpu.memref_slice %arg2[%dma_wait3A_754, %dma_wait3A_755] : memref<10000x128xf32, #tpu.memory_space<hbm>> -> memref<10000x128xf32, #tpu.memory_space<hbm>>
        tpu.wait_indirect_dma semaphore(%arg33 : memref<!tpu.dma_semaphore, #tpu.memory_space<semaphore_mem>>) src(%dma_wait3A_756 : memref<10000x128xf32, #tpu.memory_space<hbm>>) dst(%arg25 : memref<40x128xf32, #tpu.memory_space<vmem>>)
        %ge3A = arith.constant 3 : i32
        %ge3A_757 = arith.cmpi sge, %scan3A_615, %ge3A : i32
        %convert_element_type3A_758 = arith.extui %ge3A_757 : i1 to i32
        %cond3A_759 = arith.constant 0 : i32
        %cond3A_760 = arith.cmpi ne, %convert_element_type3A_758, %cond3A_759 : i32
        scf.if %cond3A_760 {
          %dma_wait3A_784 = arith.constant 0 : i32
          %dma_wait3A_785 = arith.constant 0 : i32
          %dma_wait3A_786 = tpu.memref_slice %arg28[%dma_wait3A_784, %dma_wait3A_785] : memref<10240x128xf32, #tpu.memory_space<vmem_shared>> -> memref<10240x128xf32, #tpu.memory_space<vmem_shared>>
          tpu.wait_indirect_dma semaphore(%arg51 : memref<!tpu.dma_semaphore, #tpu.memory_space<semaphore_mem>>) src(%arg22 : memref<40x128xf32, #tpu.memory_space<vmem>>) dst(%dma_wait3A_786 : memref<10240x128xf32, #tpu.memory_space<vmem_shared>>)
        } else {
        }
        %dma_wait3A_761 = arith.constant 0 : i32
        %dma_wait3A_762 = tpu.memref_slice %arg4[%add3A, %scan3A_615, %dma_wait3A_761] : memref<32x250x40xi32, #tpu.memory_space<hbm>> -> memref<1x1x40xi32, #tpu.memory_space<hbm>>
        %dma_wait3A_763 = tpu.memref_squeeze %dma_wait3A_762 : memref<1x1x40xi32, #tpu.memory_space<hbm>> -> memref<40xi32, #tpu.memory_space<hbm>>
        %dma_wait3A_764 = arith.constant 0 : i32
        %dma_wait3A_765 = tpu.memref_slice %arg4[%add3A, %scan3A_615, %dma_wait3A_764] : memref<32x250x40xi32, #tpu.memory_space<hbm>> -> memref<1x1x40xi32, #tpu.memory_space<hbm>>
        %dma_wait3A_766 = tpu.memref_squeeze %dma_wait3A_765 : memref<1x1x40xi32, #tpu.memory_space<hbm>> -> memref<40xi32, #tpu.memory_space<hbm>>
        tpu.wait_dma2 semaphore(%arg40 : memref<!tpu.dma_semaphore, #tpu.memory_space<semaphore_mem>>) src(%dma_wait3A_766 : memref<40xi32, #tpu.memory_space<hbm>>) dst(%arg18 : memref<40xi32, #tpu.memory_space<vmem>>)
        %dma_start3A_767 = arith.constant 0 : i32
        %dma_start3A_768 = arith.constant 0 : i32
        %dma_start3A_769 = tpu.memref_slice %arg28[%dma_start3A_767, %dma_start3A_768] : memref<10240x128xf32, #tpu.memory_space<vmem_shared>> -> memref<10240x128xf32, #tpu.memory_space<vmem_shared>>
        tpu.enqueue_indirect_dma source(%arg25 : memref<40x128xf32, #tpu.memory_space<vmem>>) target(%dma_start3A_769 : memref<10240x128xf32, #tpu.memory_space<vmem_shared>>) offsets(%arg18 : memref<40xi32, #tpu.memory_space<vmem>>) semaphore(%arg54 : memref<!tpu.dma_semaphore, #tpu.memory_space<semaphore_mem>>) {add = true}
        %add3A_770 = arith.constant 7 : i32
        %add3A_771 = arith.addi %scan3A_615, %add3A_770 : i32
        %lt3A_772 = arith.constant 250 : i32
        %lt3A_773 = arith.cmpi slt, %add3A_771, %lt3A_772 : i32
        %convert_element_type3A_774 = arith.extui %lt3A_773 : i1 to i32
        %cond3A_775 = arith.constant 0 : i32
        %cond3A_776 = arith.cmpi ne, %convert_element_type3A_774, %cond3A_775 : i32
        scf.if %cond3A_776 {
          %add3A_784 = arith.constant 7 : i32
          %add3A_785 = arith.addi %scan3A_615, %add3A_784 : i32
          %dma_start3A_786 = arith.constant 0 : i32
          %dma_start3A_787 = tpu.memref_slice %arg3[%add3A, %add3A_785, %dma_start3A_786] : memref<32x250x40xi32, #tpu.memory_space<hbm>> -> memref<1x1x40xi32, #tpu.memory_space<hbm>>
          %dma_start3A_788 = tpu.memref_squeeze %dma_start3A_787 : memref<1x1x40xi32, #tpu.memory_space<hbm>> -> memref<40xi32, #tpu.memory_space<hbm>>
          %dma_start3A_789 = arith.constant 0 : i32
          %dma_start3A_790 = tpu.memref_slice %arg3[%add3A, %add3A_785, %dma_start3A_789] : memref<32x250x40xi32, #tpu.memory_space<hbm>> -> memref<1x1x40xi32, #tpu.memory_space<hbm>>
          %dma_start3A_791 = tpu.memref_squeeze %dma_start3A_790 : memref<1x1x40xi32, #tpu.memory_space<hbm>> -> memref<40xi32, #tpu.memory_space<hbm>>
          tpu.enqueue_dma source(%dma_start3A_791 : memref<40xi32, #tpu.memory_space<hbm>>) target(%arg11 : memref<40xi32, #tpu.memory_space<vmem>>) target_semaphore(%arg47 : memref<!tpu.dma_semaphore, #tpu.memory_space<semaphore_mem>>)
        } else {
        }
        %add3A_777 = arith.constant 4 : i32
        %add3A_778 = arith.addi %scan3A_615, %add3A_777 : i32
        %lt3A_779 = arith.constant 250 : i32
        %lt3A_780 = arith.cmpi slt, %add3A_778, %lt3A_779 : i32
        %convert_element_type3A_781 = arith.extui %lt3A_780 : i1 to i32
        %cond3A_782 = arith.constant 0 : i32
        %cond3A_783 = arith.cmpi ne, %convert_element_type3A_781, %cond3A_782 : i32
        scf.if %cond3A_783 {
          %add3A_784 = arith.constant 4 : i32
          %add3A_785 = arith.addi %scan3A_615, %add3A_784 : i32
          %dma_start3A_786 = arith.constant 0 : i32
          %dma_start3A_787 = tpu.memref_slice %arg4[%add3A, %add3A_785, %dma_start3A_786] : memref<32x250x40xi32, #tpu.memory_space<hbm>> -> memref<1x1x40xi32, #tpu.memory_space<hbm>>
          %dma_start3A_788 = tpu.memref_squeeze %dma_start3A_787 : memref<1x1x40xi32, #tpu.memory_space<hbm>> -> memref<40xi32, #tpu.memory_space<hbm>>
          %dma_start3A_789 = arith.constant 0 : i32
          %dma_start3A_790 = tpu.memref_slice %arg4[%add3A, %add3A_785, %dma_start3A_789] : memref<32x250x40xi32, #tpu.memory_space<hbm>> -> memref<1x1x40xi32, #tpu.memory_space<hbm>>
          %dma_start3A_791 = tpu.memref_squeeze %dma_start3A_790 : memref<1x1x40xi32, #tpu.memory_space<hbm>> -> memref<40xi32, #tpu.memory_space<hbm>>
          tpu.enqueue_dma source(%dma_start3A_791 : memref<40xi32, #tpu.memory_space<hbm>>) target(%arg15 : memref<40xi32, #tpu.memory_space<vmem>>) target_semaphore(%arg37 : memref<!tpu.dma_semaphore, #tpu.memory_space<semaphore_mem>>)
          %add3A_792 = arith.constant 4 : i32
          %add3A_793 = arith.addi %scan3A_615, %add3A_792 : i32
          %dma_wait3A_794 = arith.constant 0 : i32
          %dma_wait3A_795 = tpu.memref_slice %arg3[%add3A, %add3A_793, %dma_wait3A_794] : memref<32x250x40xi32, #tpu.memory_space<hbm>> -> memref<1x1x40xi32, #tpu.memory_space<hbm>>
          %dma_wait3A_796 = tpu.memref_squeeze %dma_wait3A_795 : memref<1x1x40xi32, #tpu.memory_space<hbm>> -> memref<40xi32, #tpu.memory_space<hbm>>
          %dma_wait3A_797 = arith.constant 0 : i32
          %dma_wait3A_798 = tpu.memref_slice %arg3[%add3A, %add3A_793, %dma_wait3A_797] : memref<32x250x40xi32, #tpu.memory_space<hbm>> -> memref<1x1x40xi32, #tpu.memory_space<hbm>>
          %dma_wait3A_799 = tpu.memref_squeeze %dma_wait3A_798 : memref<1x1x40xi32, #tpu.memory_space<hbm>> -> memref<40xi32, #tpu.memory_space<hbm>>
          tpu.wait_dma2 semaphore(%arg44 : memref<!tpu.dma_semaphore, #tpu.memory_space<semaphore_mem>>) src(%dma_wait3A_799 : memref<40xi32, #tpu.memory_space<hbm>>) dst(%arg8 : memref<40xi32, #tpu.memory_space<vmem>>)
          %dma_start3A_800 = arith.constant 0 : i32
          %dma_start3A_801 = arith.constant 0 : i32
          %dma_start3A_802 = tpu.memref_slice %arg2[%dma_start3A_800, %dma_start3A_801] : memref<10000x128xf32, #tpu.memory_space<hbm>> -> memref<10000x128xf32, #tpu.memory_space<hbm>>
          tpu.enqueue_indirect_dma source(%dma_start3A_802 : memref<10000x128xf32, #tpu.memory_space<hbm>>) target(%arg22 : memref<40x128xf32, #tpu.memory_space<vmem>>) offsets(%arg8 : memref<40xi32, #tpu.memory_space<vmem>>) semaphore(%arg30 : memref<!tpu.dma_semaphore, #tpu.memory_space<semaphore_mem>>)
        } else {
        }
      } else {
      }
      %jit3A_712 = arith.constant 7 : i32
      %eq3A_713 = arith.constant 0 : i32
      %eq3A_714 = arith.cmpi eq, %jit3A_712, %eq3A_713 : i32
      %jit3A_715 = arith.constant 1 : i32
      %select_n3A_716 = arith.select %eq3A_714, %jit3A_715, %jit3A_712 : i32
      %rem3A_717 = arith.remsi %scan3A_615, %select_n3A_716 : i32
      %ne3A_718 = arith.constant 0 : i32
      %ne3A_719 = arith.cmpi ne, %rem3A_717, %ne3A_718 : i32
      %lt3A_720 = arith.constant 0 : i32
      %lt3A_721 = arith.cmpi slt, %rem3A_717, %lt3A_720 : i32
      %lt3A_722 = arith.constant 0 : i32
      %lt3A_723 = arith.cmpi slt, %select_n3A_716, %lt3A_722 : i32
      %ne3A_724 = arith.xori %lt3A_721, %lt3A_723 : i1
      %and3A_725 = arith.andi %ne3A_724, %ne3A_719 : i1
      %add3A_726 = arith.addi %rem3A_717, %select_n3A_716 : i32
      %select_n3A_727 = arith.select %and3A_725, %add3A_726, %rem3A_717 : i32
      %eq3A_728 = arith.constant 5 : i32
      %eq3A_729 = arith.cmpi eq, %select_n3A_727, %eq3A_728 : i32
      %convert_element_type3A_730 = arith.extui %eq3A_729 : i1 to i32
      %cond3A_731 = arith.constant 0 : i32
      %cond3A_732 = arith.cmpi ne, %convert_element_type3A_730, %cond3A_731 : i32
      scf.if %cond3A_732 {
        %dma_wait3A_754 = arith.constant 0 : i32
        %dma_wait3A_755 = arith.constant 0 : i32
        %dma_wait3A_756 = tpu.memref_slice %arg2[%dma_wait3A_754, %dma_wait3A_755] : memref<10000x128xf32, #tpu.memory_space<hbm>> -> memref<10000x128xf32, #tpu.memory_space<hbm>>
        tpu.wait_indirect_dma semaphore(%arg34 : memref<!tpu.dma_semaphore, #tpu.memory_space<semaphore_mem>>) src(%dma_wait3A_756 : memref<10000x128xf32, #tpu.memory_space<hbm>>) dst(%arg26 : memref<40x128xf32, #tpu.memory_space<vmem>>)
        %ge3A = arith.constant 3 : i32
        %ge3A_757 = arith.cmpi sge, %scan3A_615, %ge3A : i32
        %convert_element_type3A_758 = arith.extui %ge3A_757 : i1 to i32
        %cond3A_759 = arith.constant 0 : i32
        %cond3A_760 = arith.cmpi ne, %convert_element_type3A_758, %cond3A_759 : i32
        scf.if %cond3A_760 {
          %dma_wait3A_784 = arith.constant 0 : i32
          %dma_wait3A_785 = arith.constant 0 : i32
          %dma_wait3A_786 = tpu.memref_slice %arg28[%dma_wait3A_784, %dma_wait3A_785] : memref<10240x128xf32, #tpu.memory_space<vmem_shared>> -> memref<10240x128xf32, #tpu.memory_space<vmem_shared>>
          tpu.wait_indirect_dma semaphore(%arg52 : memref<!tpu.dma_semaphore, #tpu.memory_space<semaphore_mem>>) src(%arg23 : memref<40x128xf32, #tpu.memory_space<vmem>>) dst(%dma_wait3A_786 : memref<10240x128xf32, #tpu.memory_space<vmem_shared>>)
        } else {
        }
        %dma_wait3A_761 = arith.constant 0 : i32
        %dma_wait3A_762 = tpu.memref_slice %arg4[%add3A, %scan3A_615, %dma_wait3A_761] : memref<32x250x40xi32, #tpu.memory_space<hbm>> -> memref<1x1x40xi32, #tpu.memory_space<hbm>>
        %dma_wait3A_763 = tpu.memref_squeeze %dma_wait3A_762 : memref<1x1x40xi32, #tpu.memory_space<hbm>> -> memref<40xi32, #tpu.memory_space<hbm>>
        %dma_wait3A_764 = arith.constant 0 : i32
        %dma_wait3A_765 = tpu.memref_slice %arg4[%add3A, %scan3A_615, %dma_wait3A_764] : memref<32x250x40xi32, #tpu.memory_space<hbm>> -> memref<1x1x40xi32, #tpu.memory_space<hbm>>
        %dma_wait3A_766 = tpu.memref_squeeze %dma_wait3A_765 : memref<1x1x40xi32, #tpu.memory_space<hbm>> -> memref<40xi32, #tpu.memory_space<hbm>>
        tpu.wait_dma2 semaphore(%arg41 : memref<!tpu.dma_semaphore, #tpu.memory_space<semaphore_mem>>) src(%dma_wait3A_766 : memref<40xi32, #tpu.memory_space<hbm>>) dst(%arg19 : memref<40xi32, #tpu.memory_space<vmem>>)
        %dma_start3A_767 = arith.constant 0 : i32
        %dma_start3A_768 = arith.constant 0 : i32
        %dma_start3A_769 = tpu.memref_slice %arg28[%dma_start3A_767, %dma_start3A_768] : memref<10240x128xf32, #tpu.memory_space<vmem_shared>> -> memref<10240x128xf32, #tpu.memory_space<vmem_shared>>
        tpu.enqueue_indirect_dma source(%arg26 : memref<40x128xf32, #tpu.memory_space<vmem>>) target(%dma_start3A_769 : memref<10240x128xf32, #tpu.memory_space<vmem_shared>>) offsets(%arg19 : memref<40xi32, #tpu.memory_space<vmem>>) semaphore(%arg55 : memref<!tpu.dma_semaphore, #tpu.memory_space<semaphore_mem>>) {add = true}
        %add3A_770 = arith.constant 7 : i32
        %add3A_771 = arith.addi %scan3A_615, %add3A_770 : i32
        %lt3A_772 = arith.constant 250 : i32
        %lt3A_773 = arith.cmpi slt, %add3A_771, %lt3A_772 : i32
        %convert_element_type3A_774 = arith.extui %lt3A_773 : i1 to i32
        %cond3A_775 = arith.constant 0 : i32
        %cond3A_776 = arith.cmpi ne, %convert_element_type3A_774, %cond3A_775 : i32
        scf.if %cond3A_776 {
          %add3A_784 = arith.constant 7 : i32
          %add3A_785 = arith.addi %scan3A_615, %add3A_784 : i32
          %dma_start3A_786 = arith.constant 0 : i32
          %dma_start3A_787 = tpu.memref_slice %arg3[%add3A, %add3A_785, %dma_start3A_786] : memref<32x250x40xi32, #tpu.memory_space<hbm>> -> memref<1x1x40xi32, #tpu.memory_space<hbm>>
          %dma_start3A_788 = tpu.memref_squeeze %dma_start3A_787 : memref<1x1x40xi32, #tpu.memory_space<hbm>> -> memref<40xi32, #tpu.memory_space<hbm>>
          %dma_start3A_789 = arith.constant 0 : i32
          %dma_start3A_790 = tpu.memref_slice %arg3[%add3A, %add3A_785, %dma_start3A_789] : memref<32x250x40xi32, #tpu.memory_space<hbm>> -> memref<1x1x40xi32, #tpu.memory_space<hbm>>
          %dma_start3A_791 = tpu.memref_squeeze %dma_start3A_790 : memref<1x1x40xi32, #tpu.memory_space<hbm>> -> memref<40xi32, #tpu.memory_space<hbm>>
          tpu.enqueue_dma source(%dma_start3A_791 : memref<40xi32, #tpu.memory_space<hbm>>) target(%arg12 : memref<40xi32, #tpu.memory_space<vmem>>) target_semaphore(%arg48 : memref<!tpu.dma_semaphore, #tpu.memory_space<semaphore_mem>>)
        } else {
        }
        %add3A_777 = arith.constant 4 : i32
        %add3A_778 = arith.addi %scan3A_615, %add3A_777 : i32
        %lt3A_779 = arith.constant 250 : i32
        %lt3A_780 = arith.cmpi slt, %add3A_778, %lt3A_779 : i32
        %convert_element_type3A_781 = arith.extui %lt3A_780 : i1 to i32
        %cond3A_782 = arith.constant 0 : i32
        %cond3A_783 = arith.cmpi ne, %convert_element_type3A_781, %cond3A_782 : i32
        scf.if %cond3A_783 {
          %add3A_784 = arith.constant 4 : i32
          %add3A_785 = arith.addi %scan3A_615, %add3A_784 : i32
          %dma_start3A_786 = arith.constant 0 : i32
          %dma_start3A_787 = tpu.memref_slice %arg4[%add3A, %add3A_785, %dma_start3A_786] : memref<32x250x40xi32, #tpu.memory_space<hbm>> -> memref<1x1x40xi32, #tpu.memory_space<hbm>>
          %dma_start3A_788 = tpu.memref_squeeze %dma_start3A_787 : memref<1x1x40xi32, #tpu.memory_space<hbm>> -> memref<40xi32, #tpu.memory_space<hbm>>
          %dma_start3A_789 = arith.constant 0 : i32
          %dma_start3A_790 = tpu.memref_slice %arg4[%add3A, %add3A_785, %dma_start3A_789] : memref<32x250x40xi32, #tpu.memory_space<hbm>> -> memref<1x1x40xi32, #tpu.memory_space<hbm>>
          %dma_start3A_791 = tpu.memref_squeeze %dma_start3A_790 : memref<1x1x40xi32, #tpu.memory_space<hbm>> -> memref<40xi32, #tpu.memory_space<hbm>>
          tpu.enqueue_dma source(%dma_start3A_791 : memref<40xi32, #tpu.memory_space<hbm>>) target(%arg16 : memref<40xi32, #tpu.memory_space<vmem>>) target_semaphore(%arg38 : memref<!tpu.dma_semaphore, #tpu.memory_space<semaphore_mem>>)
          %add3A_792 = arith.constant 4 : i32
          %add3A_793 = arith.addi %scan3A_615, %add3A_792 : i32
          %dma_wait3A_794 = arith.constant 0 : i32
          %dma_wait3A_795 = tpu.memref_slice %arg3[%add3A, %add3A_793, %dma_wait3A_794] : memref<32x250x40xi32, #tpu.memory_space<hbm>> -> memref<1x1x40xi32, #tpu.memory_space<hbm>>
          %dma_wait3A_796 = tpu.memref_squeeze %dma_wait3A_795 : memref<1x1x40xi32, #tpu.memory_space<hbm>> -> memref<40xi32, #tpu.memory_space<hbm>>
          %dma_wait3A_797 = arith.constant 0 : i32
          %dma_wait3A_798 = tpu.memref_slice %arg3[%add3A, %add3A_793, %dma_wait3A_797] : memref<32x250x40xi32, #tpu.memory_space<hbm>> -> memref<1x1x40xi32, #tpu.memory_space<hbm>>
          %dma_wait3A_799 = tpu.memref_squeeze %dma_wait3A_798 : memref<1x1x40xi32, #tpu.memory_space<hbm>> -> memref<40xi32, #tpu.memory_space<hbm>>
          tpu.wait_dma2 semaphore(%arg45 : memref<!tpu.dma_semaphore, #tpu.memory_space<semaphore_mem>>) src(%dma_wait3A_799 : memref<40xi32, #tpu.memory_space<hbm>>) dst(%arg9 : memref<40xi32, #tpu.memory_space<vmem>>)
          %dma_start3A_800 = arith.constant 0 : i32
          %dma_start3A_801 = arith.constant 0 : i32
          %dma_start3A_802 = tpu.memref_slice %arg2[%dma_start3A_800, %dma_start3A_801] : memref<10000x128xf32, #tpu.memory_space<hbm>> -> memref<10000x128xf32, #tpu.memory_space<hbm>>
          tpu.enqueue_indirect_dma source(%dma_start3A_802 : memref<10000x128xf32, #tpu.memory_space<hbm>>) target(%arg23 : memref<40x128xf32, #tpu.memory_space<vmem>>) offsets(%arg9 : memref<40xi32, #tpu.memory_space<vmem>>) semaphore(%arg31 : memref<!tpu.dma_semaphore, #tpu.memory_space<semaphore_mem>>)
        } else {
        }
      } else {
      }
      %jit3A_733 = arith.constant 7 : i32
      %eq3A_734 = arith.constant 0 : i32
      %eq3A_735 = arith.cmpi eq, %jit3A_733, %eq3A_734 : i32
      %jit3A_736 = arith.constant 1 : i32
      %select_n3A_737 = arith.select %eq3A_735, %jit3A_736, %jit3A_733 : i32
      %rem3A_738 = arith.remsi %scan3A_615, %select_n3A_737 : i32
      %ne3A_739 = arith.constant 0 : i32
      %ne3A_740 = arith.cmpi ne, %rem3A_738, %ne3A_739 : i32
      %lt3A_741 = arith.constant 0 : i32
      %lt3A_742 = arith.cmpi slt, %rem3A_738, %lt3A_741 : i32
      %lt3A_743 = arith.constant 0 : i32
      %lt3A_744 = arith.cmpi slt, %select_n3A_737, %lt3A_743 : i32
      %ne3A_745 = arith.xori %lt3A_742, %lt3A_744 : i1
      %and3A_746 = arith.andi %ne3A_745, %ne3A_740 : i1
      %add3A_747 = arith.addi %rem3A_738, %select_n3A_737 : i32
      %select_n3A_748 = arith.select %and3A_746, %add3A_747, %rem3A_738 : i32
      %eq3A_749 = arith.constant 6 : i32
      %eq3A_750 = arith.cmpi eq, %select_n3A_748, %eq3A_749 : i32
      %convert_element_type3A_751 = arith.extui %eq3A_750 : i1 to i32
      %cond3A_752 = arith.constant 0 : i32
      %cond3A_753 = arith.cmpi ne, %convert_element_type3A_751, %cond3A_752 : i32
      scf.if %cond3A_753 {
        %dma_wait3A_754 = arith.constant 0 : i32
        %dma_wait3A_755 = arith.constant 0 : i32
        %dma_wait3A_756 = tpu.memref_slice %arg2[%dma_wait3A_754, %dma_wait3A_755] : memref<10000x128xf32, #tpu.memory_space<hbm>> -> memref<10000x128xf32, #tpu.memory_space<hbm>>
        tpu.wait_indirect_dma semaphore(%arg35 : memref<!tpu.dma_semaphore, #tpu.memory_space<semaphore_mem>>) src(%dma_wait3A_756 : memref<10000x128xf32, #tpu.memory_space<hbm>>) dst(%arg27 : memref<40x128xf32, #tpu.memory_space<vmem>>)
        %ge3A = arith.constant 3 : i32
        %ge3A_757 = arith.cmpi sge, %scan3A_615, %ge3A : i32
        %convert_element_type3A_758 = arith.extui %ge3A_757 : i1 to i32
        %cond3A_759 = arith.constant 0 : i32
        %cond3A_760 = arith.cmpi ne, %convert_element_type3A_758, %cond3A_759 : i32
        scf.if %cond3A_760 {
          %dma_wait3A_784 = arith.constant 0 : i32
          %dma_wait3A_785 = arith.constant 0 : i32
          %dma_wait3A_786 = tpu.memref_slice %arg28[%dma_wait3A_784, %dma_wait3A_785] : memref<10240x128xf32, #tpu.memory_space<vmem_shared>> -> memref<10240x128xf32, #tpu.memory_space<vmem_shared>>
          tpu.wait_indirect_dma semaphore(%arg53 : memref<!tpu.dma_semaphore, #tpu.memory_space<semaphore_mem>>) src(%arg24 : memref<40x128xf32, #tpu.memory_space<vmem>>) dst(%dma_wait3A_786 : memref<10240x128xf32, #tpu.memory_space<vmem_shared>>)
        } else {
        }
        %dma_wait3A_761 = arith.constant 0 : i32
        %dma_wait3A_762 = tpu.memref_slice %arg4[%add3A, %scan3A_615, %dma_wait3A_761] : memref<32x250x40xi32, #tpu.memory_space<hbm>> -> memref<1x1x40xi32, #tpu.memory_space<hbm>>
        %dma_wait3A_763 = tpu.memref_squeeze %dma_wait3A_762 : memref<1x1x40xi32, #tpu.memory_space<hbm>> -> memref<40xi32, #tpu.memory_space<hbm>>
        %dma_wait3A_764 = arith.constant 0 : i32
        %dma_wait3A_765 = tpu.memref_slice %arg4[%add3A, %scan3A_615, %dma_wait3A_764] : memref<32x250x40xi32, #tpu.memory_space<hbm>> -> memref<1x1x40xi32, #tpu.memory_space<hbm>>
        %dma_wait3A_766 = tpu.memref_squeeze %dma_wait3A_765 : memref<1x1x40xi32, #tpu.memory_space<hbm>> -> memref<40xi32, #tpu.memory_space<hbm>>
        tpu.wait_dma2 semaphore(%arg42 : memref<!tpu.dma_semaphore, #tpu.memory_space<semaphore_mem>>) src(%dma_wait3A_766 : memref<40xi32, #tpu.memory_space<hbm>>) dst(%arg20 : memref<40xi32, #tpu.memory_space<vmem>>)
        %dma_start3A_767 = arith.constant 0 : i32
        %dma_start3A_768 = arith.constant 0 : i32
        %dma_start3A_769 = tpu.memref_slice %arg28[%dma_start3A_767, %dma_start3A_768] : memref<10240x128xf32, #tpu.memory_space<vmem_shared>> -> memref<10240x128xf32, #tpu.memory_space<vmem_shared>>
        tpu.enqueue_indirect_dma source(%arg27 : memref<40x128xf32, #tpu.memory_space<vmem>>) target(%dma_start3A_769 : memref<10240x128xf32, #tpu.memory_space<vmem_shared>>) offsets(%arg20 : memref<40xi32, #tpu.memory_space<vmem>>) semaphore(%arg56 : memref<!tpu.dma_semaphore, #tpu.memory_space<semaphore_mem>>) {add = true}
        %add3A_770 = arith.constant 7 : i32
        %add3A_771 = arith.addi %scan3A_615, %add3A_770 : i32
        %lt3A_772 = arith.constant 250 : i32
        %lt3A_773 = arith.cmpi slt, %add3A_771, %lt3A_772 : i32
        %convert_element_type3A_774 = arith.extui %lt3A_773 : i1 to i32
        %cond3A_775 = arith.constant 0 : i32
        %cond3A_776 = arith.cmpi ne, %convert_element_type3A_774, %cond3A_775 : i32
        scf.if %cond3A_776 {
          %add3A_784 = arith.constant 7 : i32
          %add3A_785 = arith.addi %scan3A_615, %add3A_784 : i32
          %dma_start3A_786 = arith.constant 0 : i32
          %dma_start3A_787 = tpu.memref_slice %arg3[%add3A, %add3A_785, %dma_start3A_786] : memref<32x250x40xi32, #tpu.memory_space<hbm>> -> memref<1x1x40xi32, #tpu.memory_space<hbm>>
          %dma_start3A_788 = tpu.memref_squeeze %dma_start3A_787 : memref<1x1x40xi32, #tpu.memory_space<hbm>> -> memref<40xi32, #tpu.memory_space<hbm>>
          %dma_start3A_789 = arith.constant 0 : i32
          %dma_start3A_790 = tpu.memref_slice %arg3[%add3A, %add3A_785, %dma_start3A_789] : memref<32x250x40xi32, #tpu.memory_space<hbm>> -> memref<1x1x40xi32, #tpu.memory_space<hbm>>
          %dma_start3A_791 = tpu.memref_squeeze %dma_start3A_790 : memref<1x1x40xi32, #tpu.memory_space<hbm>> -> memref<40xi32, #tpu.memory_space<hbm>>
          tpu.enqueue_dma source(%dma_start3A_791 : memref<40xi32, #tpu.memory_space<hbm>>) target(%arg13 : memref<40xi32, #tpu.memory_space<vmem>>) target_semaphore(%arg49 : memref<!tpu.dma_semaphore, #tpu.memory_space<semaphore_mem>>)
        } else {
        }
        %add3A_777 = arith.constant 4 : i32
        %add3A_778 = arith.addi %scan3A_615, %add3A_777 : i32
        %lt3A_779 = arith.constant 250 : i32
        %lt3A_780 = arith.cmpi slt, %add3A_778, %lt3A_779 : i32
        %convert_element_type3A_781 = arith.extui %lt3A_780 : i1 to i32
        %cond3A_782 = arith.constant 0 : i32
        %cond3A_783 = arith.cmpi ne, %convert_element_type3A_781, %cond3A_782 : i32
        scf.if %cond3A_783 {
          %add3A_784 = arith.constant 4 : i32
          %add3A_785 = arith.addi %scan3A_615, %add3A_784 : i32
          %dma_start3A_786 = arith.constant 0 : i32
          %dma_start3A_787 = tpu.memref_slice %arg4[%add3A, %add3A_785, %dma_start3A_786] : memref<32x250x40xi32, #tpu.memory_space<hbm>> -> memref<1x1x40xi32, #tpu.memory_space<hbm>>
          %dma_start3A_788 = tpu.memref_squeeze %dma_start3A_787 : memref<1x1x40xi32, #tpu.memory_space<hbm>> -> memref<40xi32, #tpu.memory_space<hbm>>
          %dma_start3A_789 = arith.constant 0 : i32
          %dma_start3A_790 = tpu.memref_slice %arg4[%add3A, %add3A_785, %dma_start3A_789] : memref<32x250x40xi32, #tpu.memory_space<hbm>> -> memref<1x1x40xi32, #tpu.memory_space<hbm>>
          %dma_start3A_791 = tpu.memref_squeeze %dma_start3A_790 : memref<1x1x40xi32, #tpu.memory_space<hbm>> -> memref<40xi32, #tpu.memory_space<hbm>>
          tpu.enqueue_dma source(%dma_start3A_791 : memref<40xi32, #tpu.memory_space<hbm>>) target(%arg17 : memref<40xi32, #tpu.memory_space<vmem>>) target_semaphore(%arg39 : memref<!tpu.dma_semaphore, #tpu.memory_space<semaphore_mem>>)
          %add3A_792 = arith.constant 4 : i32
          %add3A_793 = arith.addi %scan3A_615, %add3A_792 : i32
          %dma_wait3A_794 = arith.constant 0 : i32
          %dma_wait3A_795 = tpu.memref_slice %arg3[%add3A, %add3A_793, %dma_wait3A_794] : memref<32x250x40xi32, #tpu.memory_space<hbm>> -> memref<1x1x40xi32, #tpu.memory_space<hbm>>
          %dma_wait3A_796 = tpu.memref_squeeze %dma_wait3A_795 : memref<1x1x40xi32, #tpu.memory_space<hbm>> -> memref<40xi32, #tpu.memory_space<hbm>>
          %dma_wait3A_797 = arith.constant 0 : i32
          %dma_wait3A_798 = tpu.memref_slice %arg3[%add3A, %add3A_793, %dma_wait3A_797] : memref<32x250x40xi32, #tpu.memory_space<hbm>> -> memref<1x1x40xi32, #tpu.memory_space<hbm>>
          %dma_wait3A_799 = tpu.memref_squeeze %dma_wait3A_798 : memref<1x1x40xi32, #tpu.memory_space<hbm>> -> memref<40xi32, #tpu.memory_space<hbm>>
          tpu.wait_dma2 semaphore(%arg46 : memref<!tpu.dma_semaphore, #tpu.memory_space<semaphore_mem>>) src(%dma_wait3A_799 : memref<40xi32, #tpu.memory_space<hbm>>) dst(%arg10 : memref<40xi32, #tpu.memory_space<vmem>>)
          %dma_start3A_800 = arith.constant 0 : i32
          %dma_start3A_801 = arith.constant 0 : i32
          %dma_start3A_802 = tpu.memref_slice %arg2[%dma_start3A_800, %dma_start3A_801] : memref<10000x128xf32, #tpu.memory_space<hbm>> -> memref<10000x128xf32, #tpu.memory_space<hbm>>
          tpu.enqueue_indirect_dma source(%dma_start3A_802 : memref<10000x128xf32, #tpu.memory_space<hbm>>) target(%arg24 : memref<40x128xf32, #tpu.memory_space<vmem>>) offsets(%arg10 : memref<40xi32, #tpu.memory_space<vmem>>) semaphore(%arg32 : memref<!tpu.dma_semaphore, #tpu.memory_space<semaphore_mem>>)
        } else {
        }
      } else {
      }
    }
    %scan3A_344 = arith.constant 250 : i32
    %dma_wait3A_345 = arith.constant 0 : i32
    %dma_wait3A_346 = arith.constant 0 : i32
    %dma_wait3A_347 = tpu.memref_slice %arg28[%dma_wait3A_345, %dma_wait3A_346] : memref<10240x128xf32, #tpu.memory_space<vmem_shared>> -> memref<10240x128xf32, #tpu.memory_space<vmem_shared>>
    tpu.wait_indirect_dma semaphore(%arg52 : memref<!tpu.dma_semaphore, #tpu.memory_space<semaphore_mem>>) src(%arg23 : memref<40x128xf32, #tpu.memory_space<vmem>>) dst(%dma_wait3A_347 : memref<10240x128xf32, #tpu.memory_space<vmem_shared>>)
    %dma_wait3A_348 = arith.constant 0 : i32
    %dma_wait3A_349 = arith.constant 0 : i32
    %dma_wait3A_350 = tpu.memref_slice %arg28[%dma_wait3A_348, %dma_wait3A_349] : memref<10240x128xf32, #tpu.memory_space<vmem_shared>> -> memref<10240x128xf32, #tpu.memory_space<vmem_shared>>
    tpu.wait_indirect_dma semaphore(%arg53 : memref<!tpu.dma_semaphore, #tpu.memory_space<semaphore_mem>>) src(%arg24 : memref<40x128xf32, #tpu.memory_space<vmem>>) dst(%dma_wait3A_350 : memref<10240x128xf32, #tpu.memory_space<vmem_shared>>)
    %dma_wait3A_351 = arith.constant 0 : i32
    %dma_wait3A_352 = arith.constant 0 : i32
    %dma_wait3A_353 = tpu.memref_slice %arg28[%dma_wait3A_351, %dma_wait3A_352] : memref<10240x128xf32, #tpu.memory_space<vmem_shared>> -> memref<10240x128xf32, #tpu.memory_space<vmem_shared>>
    tpu.wait_indirect_dma semaphore(%arg54 : memref<!tpu.dma_semaphore, #tpu.memory_space<semaphore_mem>>) src(%arg25 : memref<40x128xf32, #tpu.memory_space<vmem>>) dst(%dma_wait3A_353 : memref<10240x128xf32, #tpu.memory_space<vmem_shared>>)
    %barrier3A_354 = arith.constant 0 : index
    tpu.barrier barrier_id(%barrier3A_354)
    %mul3A_355 = arith.constant 640 : i32
    %mul3A_356 = arith.muli %arg1, %mul3A_355 : i32
    %add3A_357 = arith.constant 0 : i32
    %add3A_358 = arith.addi %mul3A_356, %add3A_357 : i32
    "tpu.region"() ({
      %run_scoped3A = tpu.sem_alloc : memref<!tpu.dma_semaphore, #tpu.memory_space<semaphore_mem>>
      %dma_start3A_615 = arith.constant 0 : i32
      %dma_start3A_616 = tpu.memref_slice %arg28[%add3A_358, %dma_start3A_615] : memref<10240x128xf32, #tpu.memory_space<vmem_shared>> -> memref<40x128xf32, #tpu.memory_space<vmem_shared>>
      %dma_start3A_617 = arith.constant 0 : i32
      %dma_start3A_618 = tpu.memref_slice %arg28[%add3A_358, %dma_start3A_617] : memref<10240x128xf32, #tpu.memory_space<vmem_shared>> -> memref<40x128xf32, #tpu.memory_space<vmem_shared>>
      tpu.enqueue_dma source(%dma_start3A_618 : memref<40x128xf32, #tpu.memory_space<vmem_shared>>) target(%arg21 : memref<40x128xf32, #tpu.memory_space<vmem>>) target_semaphore(%run_scoped3A : memref<!tpu.dma_semaphore, #tpu.memory_space<semaphore_mem>>)
      %dma_wait3A_619 = arith.constant 0 : i32
      %dma_wait3A_620 = tpu.memref_slice %arg28[%add3A_358, %dma_wait3A_619] : memref<10240x128xf32, #tpu.memory_space<vmem_shared>> -> memref<40x128xf32, #tpu.memory_space<vmem_shared>>
      %dma_wait3A_621 = arith.constant 0 : i32
      %dma_wait3A_622 = tpu.memref_slice %arg28[%add3A_358, %dma_wait3A_621] : memref<10240x128xf32, #tpu.memory_space<vmem_shared>> -> memref<40x128xf32, #tpu.memory_space<vmem_shared>>
      tpu.wait_dma2 semaphore(%run_scoped3A : memref<!tpu.dma_semaphore, #tpu.memory_space<semaphore_mem>>) src(%dma_wait3A_622 : memref<40x128xf32, #tpu.memory_space<vmem_shared>>) dst(%arg21 : memref<40x128xf32, #tpu.memory_space<vmem>>)
      tpu.yield
    }) : () -> ()
    %dma_start3A_359 = arith.constant 0 : i32
    %dma_start3A_360 = tpu.memref_slice %arg6[%arg0, %add3A_358, %dma_start3A_359] : memref<2x10240x128xf32, #tpu.memory_space<hbm>> -> memref<1x40x128xf32, #tpu.memory_space<hbm>>
    %dma_start3A_361 = tpu.memref_squeeze %dma_start3A_360 : memref<1x40x128xf32, #tpu.memory_space<hbm>> -> memref<40x128xf32, #tpu.memory_space<hbm>>
    %dma_start3A_362 = arith.constant 0 : i32
    %dma_start3A_363 = tpu.memref_slice %arg6[%arg0, %add3A_358, %dma_start3A_362] : memref<2x10240x128xf32, #tpu.memory_space<hbm>> -> memref<1x40x128xf32, #tpu.memory_space<hbm>>
    %dma_start3A_364 = tpu.memref_squeeze %dma_start3A_363 : memref<1x40x128xf32, #tpu.memory_space<hbm>> -> memref<40x128xf32, #tpu.memory_space<hbm>>
    tpu.enqueue_dma source(%arg21 : memref<40x128xf32, #tpu.memory_space<vmem>>) target(%dma_start3A_364 : memref<40x128xf32, #tpu.memory_space<hbm>>) target_semaphore(%arg29 : memref<!tpu.dma_semaphore, #tpu.memory_space<semaphore_mem>>)
    %mul3A_365 = arith.constant 640 : i32
    %mul3A_366 = arith.muli %arg1, %mul3A_365 : i32
    %add3A_367 = arith.constant 40 : i32
    %add3A_368 = arith.addi %mul3A_366, %add3A_367 : i32
    "tpu.region"() ({
      %run_scoped3A = tpu.sem_alloc : memref<!tpu.dma_semaphore, #tpu.memory_space<semaphore_mem>>
      %dma_start3A_615 = arith.constant 0 : i32
      %dma_start3A_616 = tpu.memref_slice %arg28[%add3A_368, %dma_start3A_615] : memref<10240x128xf32, #tpu.memory_space<vmem_shared>> -> memref<40x128xf32, #tpu.memory_space<vmem_shared>>
      %dma_start3A_617 = arith.constant 0 : i32
      %dma_start3A_618 = tpu.memref_slice %arg28[%add3A_368, %dma_start3A_617] : memref<10240x128xf32, #tpu.memory_space<vmem_shared>> -> memref<40x128xf32, #tpu.memory_space<vmem_shared>>
      tpu.enqueue_dma source(%dma_start3A_618 : memref<40x128xf32, #tpu.memory_space<vmem_shared>>) target(%arg22 : memref<40x128xf32, #tpu.memory_space<vmem>>) target_semaphore(%run_scoped3A : memref<!tpu.dma_semaphore, #tpu.memory_space<semaphore_mem>>)
      %dma_wait3A_619 = arith.constant 0 : i32
      %dma_wait3A_620 = tpu.memref_slice %arg28[%add3A_368, %dma_wait3A_619] : memref<10240x128xf32, #tpu.memory_space<vmem_shared>> -> memref<40x128xf32, #tpu.memory_space<vmem_shared>>
      %dma_wait3A_621 = arith.constant 0 : i32
      %dma_wait3A_622 = tpu.memref_slice %arg28[%add3A_368, %dma_wait3A_621] : memref<10240x128xf32, #tpu.memory_space<vmem_shared>> -> memref<40x128xf32, #tpu.memory_space<vmem_shared>>
      tpu.wait_dma2 semaphore(%run_scoped3A : memref<!tpu.dma_semaphore, #tpu.memory_space<semaphore_mem>>) src(%dma_wait3A_622 : memref<40x128xf32, #tpu.memory_space<vmem_shared>>) dst(%arg22 : memref<40x128xf32, #tpu.memory_space<vmem>>)
      tpu.yield
    }) : () -> ()
    %dma_start3A_369 = arith.constant 0 : i32
    %dma_start3A_370 = tpu.memref_slice %arg6[%arg0, %add3A_368, %dma_start3A_369] : memref<2x10240x128xf32, #tpu.memory_space<hbm>> -> memref<1x40x128xf32, #tpu.memory_space<hbm>>
    %dma_start3A_371 = tpu.memref_squeeze %dma_start3A_370 : memref<1x40x128xf32, #tpu.memory_space<hbm>> -> memref<40x128xf32, #tpu.memory_space<hbm>>
    %dma_start3A_372 = arith.constant 0 : i32
    %dma_start3A_373 = tpu.memref_slice %arg6[%arg0, %add3A_368, %dma_start3A_372] : memref<2x10240x128xf32, #tpu.memory_space<hbm>> -> memref<1x40x128xf32, #tpu.memory_space<hbm>>
    %dma_start3A_374 = tpu.memref_squeeze %dma_start3A_373 : memref<1x40x128xf32, #tpu.memory_space<hbm>> -> memref<40x128xf32, #tpu.memory_space<hbm>>
    tpu.enqueue_dma source(%arg22 : memref<40x128xf32, #tpu.memory_space<vmem>>) target(%dma_start3A_374 : memref<40x128xf32, #tpu.memory_space<hbm>>) target_semaphore(%arg30 : memref<!tpu.dma_semaphore, #tpu.memory_space<semaphore_mem>>)
    %mul3A_375 = arith.constant 640 : i32
    %mul3A_376 = arith.muli %arg1, %mul3A_375 : i32
    %add3A_377 = arith.constant 80 : i32
    %add3A_378 = arith.addi %mul3A_376, %add3A_377 : i32
    %dma_wait3A_379 = arith.constant 0 : i32
    %dma_wait3A_380 = tpu.memref_slice %arg6[%arg0, %add3A_378, %dma_wait3A_379] : memref<2x10240x128xf32, #tpu.memory_space<hbm>> -> memref<1x40x128xf32, #tpu.memory_space<hbm>>
    %dma_wait3A_381 = tpu.memref_squeeze %dma_wait3A_380 : memref<1x40x128xf32, #tpu.memory_space<hbm>> -> memref<40x128xf32, #tpu.memory_space<hbm>>
    %dma_wait3A_382 = arith.constant 0 : i32
    %dma_wait3A_383 = tpu.memref_slice %arg6[%arg0, %add3A_378, %dma_wait3A_382] : memref<2x10240x128xf32, #tpu.memory_space<hbm>> -> memref<1x40x128xf32, #tpu.memory_space<hbm>>
    %dma_wait3A_384 = tpu.memref_squeeze %dma_wait3A_383 : memref<1x40x128xf32, #tpu.memory_space<hbm>> -> memref<40x128xf32, #tpu.memory_space<hbm>>
    tpu.wait_dma2 semaphore(%arg29 : memref<!tpu.dma_semaphore, #tpu.memory_space<semaphore_mem>>) src(%arg21 : memref<40x128xf32, #tpu.memory_space<vmem>>) dst(%dma_wait3A_384 : memref<40x128xf32, #tpu.memory_space<hbm>>)
    "tpu.region"() ({
      %run_scoped3A = tpu.sem_alloc : memref<!tpu.dma_semaphore, #tpu.memory_space<semaphore_mem>>
      %dma_start3A_615 = arith.constant 0 : i32
      %dma_start3A_616 = tpu.memref_slice %arg28[%add3A_378, %dma_start3A_615] : memref<10240x128xf32, #tpu.memory_space<vmem_shared>> -> memref<40x128xf32, #tpu.memory_space<vmem_shared>>
      %dma_start3A_617 = arith.constant 0 : i32
      %dma_start3A_618 = tpu.memref_slice %arg28[%add3A_378, %dma_start3A_617] : memref<10240x128xf32, #tpu.memory_space<vmem_shared>> -> memref<40x128xf32, #tpu.memory_space<vmem_shared>>
      tpu.enqueue_dma source(%dma_start3A_618 : memref<40x128xf32, #tpu.memory_space<vmem_shared>>) target(%arg21 : memref<40x128xf32, #tpu.memory_space<vmem>>) target_semaphore(%run_scoped3A : memref<!tpu.dma_semaphore, #tpu.memory_space<semaphore_mem>>)
      %dma_wait3A_619 = arith.constant 0 : i32
      %dma_wait3A_620 = tpu.memref_slice %arg28[%add3A_378, %dma_wait3A_619] : memref<10240x128xf32, #tpu.memory_space<vmem_shared>> -> memref<40x128xf32, #tpu.memory_space<vmem_shared>>
      %dma_wait3A_621 = arith.constant 0 : i32
      %dma_wait3A_622 = tpu.memref_slice %arg28[%add3A_378, %dma_wait3A_621] : memref<10240x128xf32, #tpu.memory_space<vmem_shared>> -> memref<40x128xf32, #tpu.memory_space<vmem_shared>>
      tpu.wait_dma2 semaphore(%run_scoped3A : memref<!tpu.dma_semaphore, #tpu.memory_space<semaphore_mem>>) src(%dma_wait3A_622 : memref<40x128xf32, #tpu.memory_space<vmem_shared>>) dst(%arg21 : memref<40x128xf32, #tpu.memory_space<vmem>>)
      tpu.yield
    }) : () -> ()
    %dma_start3A_385 = arith.constant 0 : i32
    %dma_start3A_386 = tpu.memref_slice %arg6[%arg0, %add3A_378, %dma_start3A_385] : memref<2x10240x128xf32, #tpu.memory_space<hbm>> -> memref<1x40x128xf32, #tpu.memory_space<hbm>>
    %dma_start3A_387 = tpu.memref_squeeze %dma_start3A_386 : memref<1x40x128xf32, #tpu.memory_space<hbm>> -> memref<40x128xf32, #tpu.memory_space<hbm>>
    %dma_start3A_388 = arith.constant 0 : i32
    %dma_start3A_389 = tpu.memref_slice %arg6[%arg0, %add3A_378, %dma_start3A_388] : memref<2x10240x128xf32, #tpu.memory_space<hbm>> -> memref<1x40x128xf32, #tpu.memory_space<hbm>>
    %dma_start3A_390 = tpu.memref_squeeze %dma_start3A_389 : memref<1x40x128xf32, #tpu.memory_space<hbm>> -> memref<40x128xf32, #tpu.memory_space<hbm>>
    tpu.enqueue_dma source(%arg21 : memref<40x128xf32, #tpu.memory_space<vmem>>) target(%dma_start3A_390 : memref<40x128xf32, #tpu.memory_space<hbm>>) target_semaphore(%arg29 : memref<!tpu.dma_semaphore, #tpu.memory_space<semaphore_mem>>)
    %mul3A_391 = arith.constant 640 : i32
    %mul3A_392 = arith.muli %arg1, %mul3A_391 : i32
    %add3A_393 = arith.constant 120 : i32
    %add3A_394 = arith.addi %mul3A_392, %add3A_393 : i32
    %dma_wait3A_395 = arith.constant 0 : i32
    %dma_wait3A_396 = tpu.memref_slice %arg6[%arg0, %add3A_394, %dma_wait3A_395] : memref<2x10240x128xf32, #tpu.memory_space<hbm>> -> memref<1x40x128xf32, #tpu.memory_space<hbm>>
    %dma_wait3A_397 = tpu.memref_squeeze %dma_wait3A_396 : memref<1x40x128xf32, #tpu.memory_space<hbm>> -> memref<40x128xf32, #tpu.memory_space<hbm>>
    %dma_wait3A_398 = arith.constant 0 : i32
    %dma_wait3A_399 = tpu.memref_slice %arg6[%arg0, %add3A_394, %dma_wait3A_398] : memref<2x10240x128xf32, #tpu.memory_space<hbm>> -> memref<1x40x128xf32, #tpu.memory_space<hbm>>
    %dma_wait3A_400 = tpu.memref_squeeze %dma_wait3A_399 : memref<1x40x128xf32, #tpu.memory_space<hbm>> -> memref<40x128xf32, #tpu.memory_space<hbm>>
    tpu.wait_dma2 semaphore(%arg30 : memref<!tpu.dma_semaphore, #tpu.memory_space<semaphore_mem>>) src(%arg22 : memref<40x128xf32, #tpu.memory_space<vmem>>) dst(%dma_wait3A_400 : memref<40x128xf32, #tpu.memory_space<hbm>>)
    "tpu.region"() ({
      %run_scoped3A = tpu.sem_alloc : memref<!tpu.dma_semaphore, #tpu.memory_space<semaphore_mem>>
      %dma_start3A_615 = arith.constant 0 : i32
      %dma_start3A_616 = tpu.memref_slice %arg28[%add3A_394, %dma_start3A_615] : memref<10240x128xf32, #tpu.memory_space<vmem_shared>> -> memref<40x128xf32, #tpu.memory_space<vmem_shared>>
      %dma_start3A_617 = arith.constant 0 : i32
      %dma_start3A_618 = tpu.memref_slice %arg28[%add3A_394, %dma_start3A_617] : memref<10240x128xf32, #tpu.memory_space<vmem_shared>> -> memref<40x128xf32, #tpu.memory_space<vmem_shared>>
      tpu.enqueue_dma source(%dma_start3A_618 : memref<40x128xf32, #tpu.memory_space<vmem_shared>>) target(%arg22 : memref<40x128xf32, #tpu.memory_space<vmem>>) target_semaphore(%run_scoped3A : memref<!tpu.dma_semaphore, #tpu.memory_space<semaphore_mem>>)
      %dma_wait3A_619 = arith.constant 0 : i32
      %dma_wait3A_620 = tpu.memref_slice %arg28[%add3A_394, %dma_wait3A_619] : memref<10240x128xf32, #tpu.memory_space<vmem_shared>> -> memref<40x128xf32, #tpu.memory_space<vmem_shared>>
      %dma_wait3A_621 = arith.constant 0 : i32
      %dma_wait3A_622 = tpu.memref_slice %arg28[%add3A_394, %dma_wait3A_621] : memref<10240x128xf32, #tpu.memory_space<vmem_shared>> -> memref<40x128xf32, #tpu.memory_space<vmem_shared>>
      tpu.wait_dma2 semaphore(%run_scoped3A : memref<!tpu.dma_semaphore, #tpu.memory_space<semaphore_mem>>) src(%dma_wait3A_622 : memref<40x128xf32, #tpu.memory_space<vmem_shared>>) dst(%arg22 : memref<40x128xf32, #tpu.memory_space<vmem>>)
      tpu.yield
    }) : () -> ()
    %dma_start3A_401 = arith.constant 0 : i32
    %dma_start3A_402 = tpu.memref_slice %arg6[%arg0, %add3A_394, %dma_start3A_401] : memref<2x10240x128xf32, #tpu.memory_space<hbm>> -> memref<1x40x128xf32, #tpu.memory_space<hbm>>
    %dma_start3A_403 = tpu.memref_squeeze %dma_start3A_402 : memref<1x40x128xf32, #tpu.memory_space<hbm>> -> memref<40x128xf32, #tpu.memory_space<hbm>>
    %dma_start3A_404 = arith.constant 0 : i32
    %dma_start3A_405 = tpu.memref_slice %arg6[%arg0, %add3A_394, %dma_start3A_404] : memref<2x10240x128xf32, #tpu.memory_space<hbm>> -> memref<1x40x128xf32, #tpu.memory_space<hbm>>
    %dma_start3A_406 = tpu.memref_squeeze %dma_start3A_405 : memref<1x40x128xf32, #tpu.memory_space<hbm>> -> memref<40x128xf32, #tpu.memory_space<hbm>>
    tpu.enqueue_dma source(%arg22 : memref<40x128xf32, #tpu.memory_space<vmem>>) target(%dma_start3A_406 : memref<40x128xf32, #tpu.memory_space<hbm>>) target_semaphore(%arg30 : memref<!tpu.dma_semaphore, #tpu.memory_space<semaphore_mem>>)
    %mul3A_407 = arith.constant 640 : i32
    %mul3A_408 = arith.muli %arg1, %mul3A_407 : i32
    %add3A_409 = arith.constant 160 : i32
    %add3A_410 = arith.addi %mul3A_408, %add3A_409 : i32
    %dma_wait3A_411 = arith.constant 0 : i32
    %dma_wait3A_412 = tpu.memref_slice %arg6[%arg0, %add3A_410, %dma_wait3A_411] : memref<2x10240x128xf32, #tpu.memory_space<hbm>> -> memref<1x40x128xf32, #tpu.memory_space<hbm>>
    %dma_wait3A_413 = tpu.memref_squeeze %dma_wait3A_412 : memref<1x40x128xf32, #tpu.memory_space<hbm>> -> memref<40x128xf32, #tpu.memory_space<hbm>>
    %dma_wait3A_414 = arith.constant 0 : i32
    %dma_wait3A_415 = tpu.memref_slice %arg6[%arg0, %add3A_410, %dma_wait3A_414] : memref<2x10240x128xf32, #tpu.memory_space<hbm>> -> memref<1x40x128xf32, #tpu.memory_space<hbm>>
    %dma_wait3A_416 = tpu.memref_squeeze %dma_wait3A_415 : memref<1x40x128xf32, #tpu.memory_space<hbm>> -> memref<40x128xf32, #tpu.memory_space<hbm>>
    tpu.wait_dma2 semaphore(%arg29 : memref<!tpu.dma_semaphore, #tpu.memory_space<semaphore_mem>>) src(%arg21 : memref<40x128xf32, #tpu.memory_space<vmem>>) dst(%dma_wait3A_416 : memref<40x128xf32, #tpu.memory_space<hbm>>)
    "tpu.region"() ({
      %run_scoped3A = tpu.sem_alloc : memref<!tpu.dma_semaphore, #tpu.memory_space<semaphore_mem>>
      %dma_start3A_615 = arith.constant 0 : i32
      %dma_start3A_616 = tpu.memref_slice %arg28[%add3A_410, %dma_start3A_615] : memref<10240x128xf32, #tpu.memory_space<vmem_shared>> -> memref<40x128xf32, #tpu.memory_space<vmem_shared>>
      %dma_start3A_617 = arith.constant 0 : i32
      %dma_start3A_618 = tpu.memref_slice %arg28[%add3A_410, %dma_start3A_617] : memref<10240x128xf32, #tpu.memory_space<vmem_shared>> -> memref<40x128xf32, #tpu.memory_space<vmem_shared>>
      tpu.enqueue_dma source(%dma_start3A_618 : memref<40x128xf32, #tpu.memory_space<vmem_shared>>) target(%arg21 : memref<40x128xf32, #tpu.memory_space<vmem>>) target_semaphore(%run_scoped3A : memref<!tpu.dma_semaphore, #tpu.memory_space<semaphore_mem>>)
      %dma_wait3A_619 = arith.constant 0 : i32
      %dma_wait3A_620 = tpu.memref_slice %arg28[%add3A_410, %dma_wait3A_619] : memref<10240x128xf32, #tpu.memory_space<vmem_shared>> -> memref<40x128xf32, #tpu.memory_space<vmem_shared>>
      %dma_wait3A_621 = arith.constant 0 : i32
      %dma_wait3A_622 = tpu.memref_slice %arg28[%add3A_410, %dma_wait3A_621] : memref<10240x128xf32, #tpu.memory_space<vmem_shared>> -> memref<40x128xf32, #tpu.memory_space<vmem_shared>>
      tpu.wait_dma2 semaphore(%run_scoped3A : memref<!tpu.dma_semaphore, #tpu.memory_space<semaphore_mem>>) src(%dma_wait3A_622 : memref<40x128xf32, #tpu.memory_space<vmem_shared>>) dst(%arg21 : memref<40x128xf32, #tpu.memory_space<vmem>>)
      tpu.yield
    }) : () -> ()
    %dma_start3A_417 = arith.constant 0 : i32
    %dma_start3A_418 = tpu.memref_slice %arg6[%arg0, %add3A_410, %dma_start3A_417] : memref<2x10240x128xf32, #tpu.memory_space<hbm>> -> memref<1x40x128xf32, #tpu.memory_space<hbm>>
    %dma_start3A_419 = tpu.memref_squeeze %dma_start3A_418 : memref<1x40x128xf32, #tpu.memory_space<hbm>> -> memref<40x128xf32, #tpu.memory_space<hbm>>
    %dma_start3A_420 = arith.constant 0 : i32
    %dma_start3A_421 = tpu.memref_slice %arg6[%arg0, %add3A_410, %dma_start3A_420] : memref<2x10240x128xf32, #tpu.memory_space<hbm>> -> memref<1x40x128xf32, #tpu.memory_space<hbm>>
    %dma_start3A_422 = tpu.memref_squeeze %dma_start3A_421 : memref<1x40x128xf32, #tpu.memory_space<hbm>> -> memref<40x128xf32, #tpu.memory_space<hbm>>
    tpu.enqueue_dma source(%arg21 : memref<40x128xf32, #tpu.memory_space<vmem>>) target(%dma_start3A_422 : memref<40x128xf32, #tpu.memory_space<hbm>>) target_semaphore(%arg29 : memref<!tpu.dma_semaphore, #tpu.memory_space<semaphore_mem>>)
    %mul3A_423 = arith.constant 640 : i32
    %mul3A_424 = arith.muli %arg1, %mul3A_423 : i32
    %add3A_425 = arith.constant 200 : i32
    %add3A_426 = arith.addi %mul3A_424, %add3A_425 : i32
    %dma_wait3A_427 = arith.constant 0 : i32
    %dma_wait3A_428 = tpu.memref_slice %arg6[%arg0, %add3A_426, %dma_wait3A_427] : memref<2x10240x128xf32, #tpu.memory_space<hbm>> -> memref<1x40x128xf32, #tpu.memory_space<hbm>>
    %dma_wait3A_429 = tpu.memref_squeeze %dma_wait3A_428 : memref<1x40x128xf32, #tpu.memory_space<hbm>> -> memref<40x128xf32, #tpu.memory_space<hbm>>
    %dma_wait3A_430 = arith.constant 0 : i32
    %dma_wait3A_431 = tpu.memref_slice %arg6[%arg0, %add3A_426, %dma_wait3A_430] : memref<2x10240x128xf32, #tpu.memory_space<hbm>> -> memref<1x40x128xf32, #tpu.memory_space<hbm>>
    %dma_wait3A_432 = tpu.memref_squeeze %dma_wait3A_431 : memref<1x40x128xf32, #tpu.memory_space<hbm>> -> memref<40x128xf32, #tpu.memory_space<hbm>>
    tpu.wait_dma2 semaphore(%arg30 : memref<!tpu.dma_semaphore, #tpu.memory_space<semaphore_mem>>) src(%arg22 : memref<40x128xf32, #tpu.memory_space<vmem>>) dst(%dma_wait3A_432 : memref<40x128xf32, #tpu.memory_space<hbm>>)
    "tpu.region"() ({
      %run_scoped3A = tpu.sem_alloc : memref<!tpu.dma_semaphore, #tpu.memory_space<semaphore_mem>>
      %dma_start3A_615 = arith.constant 0 : i32
      %dma_start3A_616 = tpu.memref_slice %arg28[%add3A_426, %dma_start3A_615] : memref<10240x128xf32, #tpu.memory_space<vmem_shared>> -> memref<40x128xf32, #tpu.memory_space<vmem_shared>>
      %dma_start3A_617 = arith.constant 0 : i32
      %dma_start3A_618 = tpu.memref_slice %arg28[%add3A_426, %dma_start3A_617] : memref<10240x128xf32, #tpu.memory_space<vmem_shared>> -> memref<40x128xf32, #tpu.memory_space<vmem_shared>>
      tpu.enqueue_dma source(%dma_start3A_618 : memref<40x128xf32, #tpu.memory_space<vmem_shared>>) target(%arg22 : memref<40x128xf32, #tpu.memory_space<vmem>>) target_semaphore(%run_scoped3A : memref<!tpu.dma_semaphore, #tpu.memory_space<semaphore_mem>>)
      %dma_wait3A_619 = arith.constant 0 : i32
      %dma_wait3A_620 = tpu.memref_slice %arg28[%add3A_426, %dma_wait3A_619] : memref<10240x128xf32, #tpu.memory_space<vmem_shared>> -> memref<40x128xf32, #tpu.memory_space<vmem_shared>>
      %dma_wait3A_621 = arith.constant 0 : i32
      %dma_wait3A_622 = tpu.memref_slice %arg28[%add3A_426, %dma_wait3A_621] : memref<10240x128xf32, #tpu.memory_space<vmem_shared>> -> memref<40x128xf32, #tpu.memory_space<vmem_shared>>
      tpu.wait_dma2 semaphore(%run_scoped3A : memref<!tpu.dma_semaphore, #tpu.memory_space<semaphore_mem>>) src(%dma_wait3A_622 : memref<40x128xf32, #tpu.memory_space<vmem_shared>>) dst(%arg22 : memref<40x128xf32, #tpu.memory_space<vmem>>)
      tpu.yield
    }) : () -> ()
    %dma_start3A_433 = arith.constant 0 : i32
    %dma_start3A_434 = tpu.memref_slice %arg6[%arg0, %add3A_426, %dma_start3A_433] : memref<2x10240x128xf32, #tpu.memory_space<hbm>> -> memref<1x40x128xf32, #tpu.memory_space<hbm>>
    %dma_start3A_435 = tpu.memref_squeeze %dma_start3A_434 : memref<1x40x128xf32, #tpu.memory_space<hbm>> -> memref<40x128xf32, #tpu.memory_space<hbm>>
    %dma_start3A_436 = arith.constant 0 : i32
    %dma_start3A_437 = tpu.memref_slice %arg6[%arg0, %add3A_426, %dma_start3A_436] : memref<2x10240x128xf32, #tpu.memory_space<hbm>> -> memref<1x40x128xf32, #tpu.memory_space<hbm>>
    %dma_start3A_438 = tpu.memref_squeeze %dma_start3A_437 : memref<1x40x128xf32, #tpu.memory_space<hbm>> -> memref<40x128xf32, #tpu.memory_space<hbm>>
    tpu.enqueue_dma source(%arg22 : memref<40x128xf32, #tpu.memory_space<vmem>>) target(%dma_start3A_438 : memref<40x128xf32, #tpu.memory_space<hbm>>) target_semaphore(%arg30 : memref<!tpu.dma_semaphore, #tpu.memory_space<semaphore_mem>>)
    %mul3A_439 = arith.constant 640 : i32
    %mul3A_440 = arith.muli %arg1, %mul3A_439 : i32
    %add3A_441 = arith.constant 240 : i32
    %add3A_442 = arith.addi %mul3A_440, %add3A_441 : i32
    %dma_wait3A_443 = arith.constant 0 : i32
    %dma_wait3A_444 = tpu.memref_slice %arg6[%arg0, %add3A_442, %dma_wait3A_443] : memref<2x10240x128xf32, #tpu.memory_space<hbm>> -> memref<1x40x128xf32, #tpu.memory_space<hbm>>
    %dma_wait3A_445 = tpu.memref_squeeze %dma_wait3A_444 : memref<1x40x128xf32, #tpu.memory_space<hbm>> -> memref<40x128xf32, #tpu.memory_space<hbm>>
    %dma_wait3A_446 = arith.constant 0 : i32
    %dma_wait3A_447 = tpu.memref_slice %arg6[%arg0, %add3A_442, %dma_wait3A_446] : memref<2x10240x128xf32, #tpu.memory_space<hbm>> -> memref<1x40x128xf32, #tpu.memory_space<hbm>>
    %dma_wait3A_448 = tpu.memref_squeeze %dma_wait3A_447 : memref<1x40x128xf32, #tpu.memory_space<hbm>> -> memref<40x128xf32, #tpu.memory_space<hbm>>
    tpu.wait_dma2 semaphore(%arg29 : memref<!tpu.dma_semaphore, #tpu.memory_space<semaphore_mem>>) src(%arg21 : memref<40x128xf32, #tpu.memory_space<vmem>>) dst(%dma_wait3A_448 : memref<40x128xf32, #tpu.memory_space<hbm>>)
    "tpu.region"() ({
      %run_scoped3A = tpu.sem_alloc : memref<!tpu.dma_semaphore, #tpu.memory_space<semaphore_mem>>
      %dma_start3A_615 = arith.constant 0 : i32
      %dma_start3A_616 = tpu.memref_slice %arg28[%add3A_442, %dma_start3A_615] : memref<10240x128xf32, #tpu.memory_space<vmem_shared>> -> memref<40x128xf32, #tpu.memory_space<vmem_shared>>
      %dma_start3A_617 = arith.constant 0 : i32
      %dma_start3A_618 = tpu.memref_slice %arg28[%add3A_442, %dma_start3A_617] : memref<10240x128xf32, #tpu.memory_space<vmem_shared>> -> memref<40x128xf32, #tpu.memory_space<vmem_shared>>
      tpu.enqueue_dma source(%dma_start3A_618 : memref<40x128xf32, #tpu.memory_space<vmem_shared>>) target(%arg21 : memref<40x128xf32, #tpu.memory_space<vmem>>) target_semaphore(%run_scoped3A : memref<!tpu.dma_semaphore, #tpu.memory_space<semaphore_mem>>)
      %dma_wait3A_619 = arith.constant 0 : i32
      %dma_wait3A_620 = tpu.memref_slice %arg28[%add3A_442, %dma_wait3A_619] : memref<10240x128xf32, #tpu.memory_space<vmem_shared>> -> memref<40x128xf32, #tpu.memory_space<vmem_shared>>
      %dma_wait3A_621 = arith.constant 0 : i32
      %dma_wait3A_622 = tpu.memref_slice %arg28[%add3A_442, %dma_wait3A_621] : memref<10240x128xf32, #tpu.memory_space<vmem_shared>> -> memref<40x128xf32, #tpu.memory_space<vmem_shared>>
      tpu.wait_dma2 semaphore(%run_scoped3A : memref<!tpu.dma_semaphore, #tpu.memory_space<semaphore_mem>>) src(%dma_wait3A_622 : memref<40x128xf32, #tpu.memory_space<vmem_shared>>) dst(%arg21 : memref<40x128xf32, #tpu.memory_space<vmem>>)
      tpu.yield
    }) : () -> ()
    %dma_start3A_449 = arith.constant 0 : i32
    %dma_start3A_450 = tpu.memref_slice %arg6[%arg0, %add3A_442, %dma_start3A_449] : memref<2x10240x128xf32, #tpu.memory_space<hbm>> -> memref<1x40x128xf32, #tpu.memory_space<hbm>>
    %dma_start3A_451 = tpu.memref_squeeze %dma_start3A_450 : memref<1x40x128xf32, #tpu.memory_space<hbm>> -> memref<40x128xf32, #tpu.memory_space<hbm>>
    %dma_start3A_452 = arith.constant 0 : i32
    %dma_start3A_453 = tpu.memref_slice %arg6[%arg0, %add3A_442, %dma_start3A_452] : memref<2x10240x128xf32, #tpu.memory_space<hbm>> -> memref<1x40x128xf32, #tpu.memory_space<hbm>>
    %dma_start3A_454 = tpu.memref_squeeze %dma_start3A_453 : memref<1x40x128xf32, #tpu.memory_space<hbm>> -> memref<40x128xf32, #tpu.memory_space<hbm>>
    tpu.enqueue_dma source(%arg21 : memref<40x128xf32, #tpu.memory_space<vmem>>) target(%dma_start3A_454 : memref<40x128xf32, #tpu.memory_space<hbm>>) target_semaphore(%arg29 : memref<!tpu.dma_semaphore, #tpu.memory_space<semaphore_mem>>)
    %mul3A_455 = arith.constant 640 : i32
    %mul3A_456 = arith.muli %arg1, %mul3A_455 : i32
    %add3A_457 = arith.constant 280 : i32
    %add3A_458 = arith.addi %mul3A_456, %add3A_457 : i32
    %dma_wait3A_459 = arith.constant 0 : i32
    %dma_wait3A_460 = tpu.memref_slice %arg6[%arg0, %add3A_458, %dma_wait3A_459] : memref<2x10240x128xf32, #tpu.memory_space<hbm>> -> memref<1x40x128xf32, #tpu.memory_space<hbm>>
    %dma_wait3A_461 = tpu.memref_squeeze %dma_wait3A_460 : memref<1x40x128xf32, #tpu.memory_space<hbm>> -> memref<40x128xf32, #tpu.memory_space<hbm>>
    %dma_wait3A_462 = arith.constant 0 : i32
    %dma_wait3A_463 = tpu.memref_slice %arg6[%arg0, %add3A_458, %dma_wait3A_462] : memref<2x10240x128xf32, #tpu.memory_space<hbm>> -> memref<1x40x128xf32, #tpu.memory_space<hbm>>
    %dma_wait3A_464 = tpu.memref_squeeze %dma_wait3A_463 : memref<1x40x128xf32, #tpu.memory_space<hbm>> -> memref<40x128xf32, #tpu.memory_space<hbm>>
    tpu.wait_dma2 semaphore(%arg30 : memref<!tpu.dma_semaphore, #tpu.memory_space<semaphore_mem>>) src(%arg22 : memref<40x128xf32, #tpu.memory_space<vmem>>) dst(%dma_wait3A_464 : memref<40x128xf32, #tpu.memory_space<hbm>>)
    "tpu.region"() ({
      %run_scoped3A = tpu.sem_alloc : memref<!tpu.dma_semaphore, #tpu.memory_space<semaphore_mem>>
      %dma_start3A_615 = arith.constant 0 : i32
      %dma_start3A_616 = tpu.memref_slice %arg28[%add3A_458, %dma_start3A_615] : memref<10240x128xf32, #tpu.memory_space<vmem_shared>> -> memref<40x128xf32, #tpu.memory_space<vmem_shared>>
      %dma_start3A_617 = arith.constant 0 : i32
      %dma_start3A_618 = tpu.memref_slice %arg28[%add3A_458, %dma_start3A_617] : memref<10240x128xf32, #tpu.memory_space<vmem_shared>> -> memref<40x128xf32, #tpu.memory_space<vmem_shared>>
      tpu.enqueue_dma source(%dma_start3A_618 : memref<40x128xf32, #tpu.memory_space<vmem_shared>>) target(%arg22 : memref<40x128xf32, #tpu.memory_space<vmem>>) target_semaphore(%run_scoped3A : memref<!tpu.dma_semaphore, #tpu.memory_space<semaphore_mem>>)
      %dma_wait3A_619 = arith.constant 0 : i32
      %dma_wait3A_620 = tpu.memref_slice %arg28[%add3A_458, %dma_wait3A_619] : memref<10240x128xf32, #tpu.memory_space<vmem_shared>> -> memref<40x128xf32, #tpu.memory_space<vmem_shared>>
      %dma_wait3A_621 = arith.constant 0 : i32
      %dma_wait3A_622 = tpu.memref_slice %arg28[%add3A_458, %dma_wait3A_621] : memref<10240x128xf32, #tpu.memory_space<vmem_shared>> -> memref<40x128xf32, #tpu.memory_space<vmem_shared>>
      tpu.wait_dma2 semaphore(%run_scoped3A : memref<!tpu.dma_semaphore, #tpu.memory_space<semaphore_mem>>) src(%dma_wait3A_622 : memref<40x128xf32, #tpu.memory_space<vmem_shared>>) dst(%arg22 : memref<40x128xf32, #tpu.memory_space<vmem>>)
      tpu.yield
    }) : () -> ()
    %dma_start3A_465 = arith.constant 0 : i32
    %dma_start3A_466 = tpu.memref_slice %arg6[%arg0, %add3A_458, %dma_start3A_465] : memref<2x10240x128xf32, #tpu.memory_space<hbm>> -> memref<1x40x128xf32, #tpu.memory_space<hbm>>
    %dma_start3A_467 = tpu.memref_squeeze %dma_start3A_466 : memref<1x40x128xf32, #tpu.memory_space<hbm>> -> memref<40x128xf32, #tpu.memory_space<hbm>>
    %dma_start3A_468 = arith.constant 0 : i32
    %dma_start3A_469 = tpu.memref_slice %arg6[%arg0, %add3A_458, %dma_start3A_468] : memref<2x10240x128xf32, #tpu.memory_space<hbm>> -> memref<1x40x128xf32, #tpu.memory_space<hbm>>
    %dma_start3A_470 = tpu.memref_squeeze %dma_start3A_469 : memref<1x40x128xf32, #tpu.memory_space<hbm>> -> memref<40x128xf32, #tpu.memory_space<hbm>>
    tpu.enqueue_dma source(%arg22 : memref<40x128xf32, #tpu.memory_space<vmem>>) target(%dma_start3A_470 : memref<40x128xf32, #tpu.memory_space<hbm>>) target_semaphore(%arg30 : memref<!tpu.dma_semaphore, #tpu.memory_space<semaphore_mem>>)
    %mul3A_471 = arith.constant 640 : i32
    %mul3A_472 = arith.muli %arg1, %mul3A_471 : i32
    %add3A_473 = arith.constant 320 : i32
    %add3A_474 = arith.addi %mul3A_472, %add3A_473 : i32
    %dma_wait3A_475 = arith.constant 0 : i32
    %dma_wait3A_476 = tpu.memref_slice %arg6[%arg0, %add3A_474, %dma_wait3A_475] : memref<2x10240x128xf32, #tpu.memory_space<hbm>> -> memref<1x40x128xf32, #tpu.memory_space<hbm>>
    %dma_wait3A_477 = tpu.memref_squeeze %dma_wait3A_476 : memref<1x40x128xf32, #tpu.memory_space<hbm>> -> memref<40x128xf32, #tpu.memory_space<hbm>>
    %dma_wait3A_478 = arith.constant 0 : i32
    %dma_wait3A_479 = tpu.memref_slice %arg6[%arg0, %add3A_474, %dma_wait3A_478] : memref<2x10240x128xf32, #tpu.memory_space<hbm>> -> memref<1x40x128xf32, #tpu.memory_space<hbm>>
    %dma_wait3A_480 = tpu.memref_squeeze %dma_wait3A_479 : memref<1x40x128xf32, #tpu.memory_space<hbm>> -> memref<40x128xf32, #tpu.memory_space<hbm>>
    tpu.wait_dma2 semaphore(%arg29 : memref<!tpu.dma_semaphore, #tpu.memory_space<semaphore_mem>>) src(%arg21 : memref<40x128xf32, #tpu.memory_space<vmem>>) dst(%dma_wait3A_480 : memref<40x128xf32, #tpu.memory_space<hbm>>)
    "tpu.region"() ({
      %run_scoped3A = tpu.sem_alloc : memref<!tpu.dma_semaphore, #tpu.memory_space<semaphore_mem>>
      %dma_start3A_615 = arith.constant 0 : i32
      %dma_start3A_616 = tpu.memref_slice %arg28[%add3A_474, %dma_start3A_615] : memref<10240x128xf32, #tpu.memory_space<vmem_shared>> -> memref<40x128xf32, #tpu.memory_space<vmem_shared>>
      %dma_start3A_617 = arith.constant 0 : i32
      %dma_start3A_618 = tpu.memref_slice %arg28[%add3A_474, %dma_start3A_617] : memref<10240x128xf32, #tpu.memory_space<vmem_shared>> -> memref<40x128xf32, #tpu.memory_space<vmem_shared>>
      tpu.enqueue_dma source(%dma_start3A_618 : memref<40x128xf32, #tpu.memory_space<vmem_shared>>) target(%arg21 : memref<40x128xf32, #tpu.memory_space<vmem>>) target_semaphore(%run_scoped3A : memref<!tpu.dma_semaphore, #tpu.memory_space<semaphore_mem>>)
      %dma_wait3A_619 = arith.constant 0 : i32
      %dma_wait3A_620 = tpu.memref_slice %arg28[%add3A_474, %dma_wait3A_619] : memref<10240x128xf32, #tpu.memory_space<vmem_shared>> -> memref<40x128xf32, #tpu.memory_space<vmem_shared>>
      %dma_wait3A_621 = arith.constant 0 : i32
      %dma_wait3A_622 = tpu.memref_slice %arg28[%add3A_474, %dma_wait3A_621] : memref<10240x128xf32, #tpu.memory_space<vmem_shared>> -> memref<40x128xf32, #tpu.memory_space<vmem_shared>>
      tpu.wait_dma2 semaphore(%run_scoped3A : memref<!tpu.dma_semaphore, #tpu.memory_space<semaphore_mem>>) src(%dma_wait3A_622 : memref<40x128xf32, #tpu.memory_space<vmem_shared>>) dst(%arg21 : memref<40x128xf32, #tpu.memory_space<vmem>>)
      tpu.yield
    }) : () -> ()
    %dma_start3A_481 = arith.constant 0 : i32
    %dma_start3A_482 = tpu.memref_slice %arg6[%arg0, %add3A_474, %dma_start3A_481] : memref<2x10240x128xf32, #tpu.memory_space<hbm>> -> memref<1x40x128xf32, #tpu.memory_space<hbm>>
    %dma_start3A_483 = tpu.memref_squeeze %dma_start3A_482 : memref<1x40x128xf32, #tpu.memory_space<hbm>> -> memref<40x128xf32, #tpu.memory_space<hbm>>
    %dma_start3A_484 = arith.constant 0 : i32
    %dma_start3A_485 = tpu.memref_slice %arg6[%arg0, %add3A_474, %dma_start3A_484] : memref<2x10240x128xf32, #tpu.memory_space<hbm>> -> memref<1x40x128xf32, #tpu.memory_space<hbm>>
    %dma_start3A_486 = tpu.memref_squeeze %dma_start3A_485 : memref<1x40x128xf32, #tpu.memory_space<hbm>> -> memref<40x128xf32, #tpu.memory_space<hbm>>
    tpu.enqueue_dma source(%arg21 : memref<40x128xf32, #tpu.memory_space<vmem>>) target(%dma_start3A_486 : memref<40x128xf32, #tpu.memory_space<hbm>>) target_semaphore(%arg29 : memref<!tpu.dma_semaphore, #tpu.memory_space<semaphore_mem>>)
    %mul3A_487 = arith.constant 640 : i32
    %mul3A_488 = arith.muli %arg1, %mul3A_487 : i32
    %add3A_489 = arith.constant 360 : i32
    %add3A_490 = arith.addi %mul3A_488, %add3A_489 : i32
    %dma_wait3A_491 = arith.constant 0 : i32
    %dma_wait3A_492 = tpu.memref_slice %arg6[%arg0, %add3A_490, %dma_wait3A_491] : memref<2x10240x128xf32, #tpu.memory_space<hbm>> -> memref<1x40x128xf32, #tpu.memory_space<hbm>>
    %dma_wait3A_493 = tpu.memref_squeeze %dma_wait3A_492 : memref<1x40x128xf32, #tpu.memory_space<hbm>> -> memref<40x128xf32, #tpu.memory_space<hbm>>
    %dma_wait3A_494 = arith.constant 0 : i32
    %dma_wait3A_495 = tpu.memref_slice %arg6[%arg0, %add3A_490, %dma_wait3A_494] : memref<2x10240x128xf32, #tpu.memory_space<hbm>> -> memref<1x40x128xf32, #tpu.memory_space<hbm>>
    %dma_wait3A_496 = tpu.memref_squeeze %dma_wait3A_495 : memref<1x40x128xf32, #tpu.memory_space<hbm>> -> memref<40x128xf32, #tpu.memory_space<hbm>>
    tpu.wait_dma2 semaphore(%arg30 : memref<!tpu.dma_semaphore, #tpu.memory_space<semaphore_mem>>) src(%arg22 : memref<40x128xf32, #tpu.memory_space<vmem>>) dst(%dma_wait3A_496 : memref<40x128xf32, #tpu.memory_space<hbm>>)
    "tpu.region"() ({
      %run_scoped3A = tpu.sem_alloc : memref<!tpu.dma_semaphore, #tpu.memory_space<semaphore_mem>>
      %dma_start3A_615 = arith.constant 0 : i32
      %dma_start3A_616 = tpu.memref_slice %arg28[%add3A_490, %dma_start3A_615] : memref<10240x128xf32, #tpu.memory_space<vmem_shared>> -> memref<40x128xf32, #tpu.memory_space<vmem_shared>>
      %dma_start3A_617 = arith.constant 0 : i32
      %dma_start3A_618 = tpu.memref_slice %arg28[%add3A_490, %dma_start3A_617] : memref<10240x128xf32, #tpu.memory_space<vmem_shared>> -> memref<40x128xf32, #tpu.memory_space<vmem_shared>>
      tpu.enqueue_dma source(%dma_start3A_618 : memref<40x128xf32, #tpu.memory_space<vmem_shared>>) target(%arg22 : memref<40x128xf32, #tpu.memory_space<vmem>>) target_semaphore(%run_scoped3A : memref<!tpu.dma_semaphore, #tpu.memory_space<semaphore_mem>>)
      %dma_wait3A_619 = arith.constant 0 : i32
      %dma_wait3A_620 = tpu.memref_slice %arg28[%add3A_490, %dma_wait3A_619] : memref<10240x128xf32, #tpu.memory_space<vmem_shared>> -> memref<40x128xf32, #tpu.memory_space<vmem_shared>>
      %dma_wait3A_621 = arith.constant 0 : i32
      %dma_wait3A_622 = tpu.memref_slice %arg28[%add3A_490, %dma_wait3A_621] : memref<10240x128xf32, #tpu.memory_space<vmem_shared>> -> memref<40x128xf32, #tpu.memory_space<vmem_shared>>
      tpu.wait_dma2 semaphore(%run_scoped3A : memref<!tpu.dma_semaphore, #tpu.memory_space<semaphore_mem>>) src(%dma_wait3A_622 : memref<40x128xf32, #tpu.memory_space<vmem_shared>>) dst(%arg22 : memref<40x128xf32, #tpu.memory_space<vmem>>)
      tpu.yield
    }) : () -> ()
    %dma_start3A_497 = arith.constant 0 : i32
    %dma_start3A_498 = tpu.memref_slice %arg6[%arg0, %add3A_490, %dma_start3A_497] : memref<2x10240x128xf32, #tpu.memory_space<hbm>> -> memref<1x40x128xf32, #tpu.memory_space<hbm>>
    %dma_start3A_499 = tpu.memref_squeeze %dma_start3A_498 : memref<1x40x128xf32, #tpu.memory_space<hbm>> -> memref<40x128xf32, #tpu.memory_space<hbm>>
    %dma_start3A_500 = arith.constant 0 : i32
    %dma_start3A_501 = tpu.memref_slice %arg6[%arg0, %add3A_490, %dma_start3A_500] : memref<2x10240x128xf32, #tpu.memory_space<hbm>> -> memref<1x40x128xf32, #tpu.memory_space<hbm>>
    %dma_start3A_502 = tpu.memref_squeeze %dma_start3A_501 : memref<1x40x128xf32, #tpu.memory_space<hbm>> -> memref<40x128xf32, #tpu.memory_space<hbm>>
    tpu.enqueue_dma source(%arg22 : memref<40x128xf32, #tpu.memory_space<vmem>>) target(%dma_start3A_502 : memref<40x128xf32, #tpu.memory_space<hbm>>) target_semaphore(%arg30 : memref<!tpu.dma_semaphore, #tpu.memory_space<semaphore_mem>>)
    %mul3A_503 = arith.constant 640 : i32
    %mul3A_504 = arith.muli %arg1, %mul3A_503 : i32
    %add3A_505 = arith.constant 400 : i32
    %add3A_506 = arith.addi %mul3A_504, %add3A_505 : i32
    %dma_wait3A_507 = arith.constant 0 : i32
    %dma_wait3A_508 = tpu.memref_slice %arg6[%arg0, %add3A_506, %dma_wait3A_507] : memref<2x10240x128xf32, #tpu.memory_space<hbm>> -> memref<1x40x128xf32, #tpu.memory_space<hbm>>
    %dma_wait3A_509 = tpu.memref_squeeze %dma_wait3A_508 : memref<1x40x128xf32, #tpu.memory_space<hbm>> -> memref<40x128xf32, #tpu.memory_space<hbm>>
    %dma_wait3A_510 = arith.constant 0 : i32
    %dma_wait3A_511 = tpu.memref_slice %arg6[%arg0, %add3A_506, %dma_wait3A_510] : memref<2x10240x128xf32, #tpu.memory_space<hbm>> -> memref<1x40x128xf32, #tpu.memory_space<hbm>>
    %dma_wait3A_512 = tpu.memref_squeeze %dma_wait3A_511 : memref<1x40x128xf32, #tpu.memory_space<hbm>> -> memref<40x128xf32, #tpu.memory_space<hbm>>
    tpu.wait_dma2 semaphore(%arg29 : memref<!tpu.dma_semaphore, #tpu.memory_space<semaphore_mem>>) src(%arg21 : memref<40x128xf32, #tpu.memory_space<vmem>>) dst(%dma_wait3A_512 : memref<40x128xf32, #tpu.memory_space<hbm>>)
    "tpu.region"() ({
      %run_scoped3A = tpu.sem_alloc : memref<!tpu.dma_semaphore, #tpu.memory_space<semaphore_mem>>
      %dma_start3A_615 = arith.constant 0 : i32
      %dma_start3A_616 = tpu.memref_slice %arg28[%add3A_506, %dma_start3A_615] : memref<10240x128xf32, #tpu.memory_space<vmem_shared>> -> memref<40x128xf32, #tpu.memory_space<vmem_shared>>
      %dma_start3A_617 = arith.constant 0 : i32
      %dma_start3A_618 = tpu.memref_slice %arg28[%add3A_506, %dma_start3A_617] : memref<10240x128xf32, #tpu.memory_space<vmem_shared>> -> memref<40x128xf32, #tpu.memory_space<vmem_shared>>
      tpu.enqueue_dma source(%dma_start3A_618 : memref<40x128xf32, #tpu.memory_space<vmem_shared>>) target(%arg21 : memref<40x128xf32, #tpu.memory_space<vmem>>) target_semaphore(%run_scoped3A : memref<!tpu.dma_semaphore, #tpu.memory_space<semaphore_mem>>)
      %dma_wait3A_619 = arith.constant 0 : i32
      %dma_wait3A_620 = tpu.memref_slice %arg28[%add3A_506, %dma_wait3A_619] : memref<10240x128xf32, #tpu.memory_space<vmem_shared>> -> memref<40x128xf32, #tpu.memory_space<vmem_shared>>
      %dma_wait3A_621 = arith.constant 0 : i32
      %dma_wait3A_622 = tpu.memref_slice %arg28[%add3A_506, %dma_wait3A_621] : memref<10240x128xf32, #tpu.memory_space<vmem_shared>> -> memref<40x128xf32, #tpu.memory_space<vmem_shared>>
      tpu.wait_dma2 semaphore(%run_scoped3A : memref<!tpu.dma_semaphore, #tpu.memory_space<semaphore_mem>>) src(%dma_wait3A_622 : memref<40x128xf32, #tpu.memory_space<vmem_shared>>) dst(%arg21 : memref<40x128xf32, #tpu.memory_space<vmem>>)
      tpu.yield
    }) : () -> ()
    %dma_start3A_513 = arith.constant 0 : i32
    %dma_start3A_514 = tpu.memref_slice %arg6[%arg0, %add3A_506, %dma_start3A_513] : memref<2x10240x128xf32, #tpu.memory_space<hbm>> -> memref<1x40x128xf32, #tpu.memory_space<hbm>>
    %dma_start3A_515 = tpu.memref_squeeze %dma_start3A_514 : memref<1x40x128xf32, #tpu.memory_space<hbm>> -> memref<40x128xf32, #tpu.memory_space<hbm>>
    %dma_start3A_516 = arith.constant 0 : i32
    %dma_start3A_517 = tpu.memref_slice %arg6[%arg0, %add3A_506, %dma_start3A_516] : memref<2x10240x128xf32, #tpu.memory_space<hbm>> -> memref<1x40x128xf32, #tpu.memory_space<hbm>>
    %dma_start3A_518 = tpu.memref_squeeze %dma_start3A_517 : memref<1x40x128xf32, #tpu.memory_space<hbm>> -> memref<40x128xf32, #tpu.memory_space<hbm>>
    tpu.enqueue_dma source(%arg21 : memref<40x128xf32, #tpu.memory_space<vmem>>) target(%dma_start3A_518 : memref<40x128xf32, #tpu.memory_space<hbm>>) target_semaphore(%arg29 : memref<!tpu.dma_semaphore, #tpu.memory_space<semaphore_mem>>)
    %mul3A_519 = arith.constant 640 : i32
    %mul3A_520 = arith.muli %arg1, %mul3A_519 : i32
    %add3A_521 = arith.constant 440 : i32
    %add3A_522 = arith.addi %mul3A_520, %add3A_521 : i32
    %dma_wait3A_523 = arith.constant 0 : i32
    %dma_wait3A_524 = tpu.memref_slice %arg6[%arg0, %add3A_522, %dma_wait3A_523] : memref<2x10240x128xf32, #tpu.memory_space<hbm>> -> memref<1x40x128xf32, #tpu.memory_space<hbm>>
    %dma_wait3A_525 = tpu.memref_squeeze %dma_wait3A_524 : memref<1x40x128xf32, #tpu.memory_space<hbm>> -> memref<40x128xf32, #tpu.memory_space<hbm>>
    %dma_wait3A_526 = arith.constant 0 : i32
    %dma_wait3A_527 = tpu.memref_slice %arg6[%arg0, %add3A_522, %dma_wait3A_526] : memref<2x10240x128xf32, #tpu.memory_space<hbm>> -> memref<1x40x128xf32, #tpu.memory_space<hbm>>
    %dma_wait3A_528 = tpu.memref_squeeze %dma_wait3A_527 : memref<1x40x128xf32, #tpu.memory_space<hbm>> -> memref<40x128xf32, #tpu.memory_space<hbm>>
    tpu.wait_dma2 semaphore(%arg30 : memref<!tpu.dma_semaphore, #tpu.memory_space<semaphore_mem>>) src(%arg22 : memref<40x128xf32, #tpu.memory_space<vmem>>) dst(%dma_wait3A_528 : memref<40x128xf32, #tpu.memory_space<hbm>>)
    "tpu.region"() ({
      %run_scoped3A = tpu.sem_alloc : memref<!tpu.dma_semaphore, #tpu.memory_space<semaphore_mem>>
      %dma_start3A_615 = arith.constant 0 : i32
      %dma_start3A_616 = tpu.memref_slice %arg28[%add3A_522, %dma_start3A_615] : memref<10240x128xf32, #tpu.memory_space<vmem_shared>> -> memref<40x128xf32, #tpu.memory_space<vmem_shared>>
      %dma_start3A_617 = arith.constant 0 : i32
      %dma_start3A_618 = tpu.memref_slice %arg28[%add3A_522, %dma_start3A_617] : memref<10240x128xf32, #tpu.memory_space<vmem_shared>> -> memref<40x128xf32, #tpu.memory_space<vmem_shared>>
      tpu.enqueue_dma source(%dma_start3A_618 : memref<40x128xf32, #tpu.memory_space<vmem_shared>>) target(%arg22 : memref<40x128xf32, #tpu.memory_space<vmem>>) target_semaphore(%run_scoped3A : memref<!tpu.dma_semaphore, #tpu.memory_space<semaphore_mem>>)
      %dma_wait3A_619 = arith.constant 0 : i32
      %dma_wait3A_620 = tpu.memref_slice %arg28[%add3A_522, %dma_wait3A_619] : memref<10240x128xf32, #tpu.memory_space<vmem_shared>> -> memref<40x128xf32, #tpu.memory_space<vmem_shared>>
      %dma_wait3A_621 = arith.constant 0 : i32
      %dma_wait3A_622 = tpu.memref_slice %arg28[%add3A_522, %dma_wait3A_621] : memref<10240x128xf32, #tpu.memory_space<vmem_shared>> -> memref<40x128xf32, #tpu.memory_space<vmem_shared>>
      tpu.wait_dma2 semaphore(%run_scoped3A : memref<!tpu.dma_semaphore, #tpu.memory_space<semaphore_mem>>) src(%dma_wait3A_622 : memref<40x128xf32, #tpu.memory_space<vmem_shared>>) dst(%arg22 : memref<40x128xf32, #tpu.memory_space<vmem>>)
      tpu.yield
    }) : () -> ()
    %dma_start3A_529 = arith.constant 0 : i32
    %dma_start3A_530 = tpu.memref_slice %arg6[%arg0, %add3A_522, %dma_start3A_529] : memref<2x10240x128xf32, #tpu.memory_space<hbm>> -> memref<1x40x128xf32, #tpu.memory_space<hbm>>
    %dma_start3A_531 = tpu.memref_squeeze %dma_start3A_530 : memref<1x40x128xf32, #tpu.memory_space<hbm>> -> memref<40x128xf32, #tpu.memory_space<hbm>>
    %dma_start3A_532 = arith.constant 0 : i32
    %dma_start3A_533 = tpu.memref_slice %arg6[%arg0, %add3A_522, %dma_start3A_532] : memref<2x10240x128xf32, #tpu.memory_space<hbm>> -> memref<1x40x128xf32, #tpu.memory_space<hbm>>
    %dma_start3A_534 = tpu.memref_squeeze %dma_start3A_533 : memref<1x40x128xf32, #tpu.memory_space<hbm>> -> memref<40x128xf32, #tpu.memory_space<hbm>>
    tpu.enqueue_dma source(%arg22 : memref<40x128xf32, #tpu.memory_space<vmem>>) target(%dma_start3A_534 : memref<40x128xf32, #tpu.memory_space<hbm>>) target_semaphore(%arg30 : memref<!tpu.dma_semaphore, #tpu.memory_space<semaphore_mem>>)
    %mul3A_535 = arith.constant 640 : i32
    %mul3A_536 = arith.muli %arg1, %mul3A_535 : i32
    %add3A_537 = arith.constant 480 : i32
    %add3A_538 = arith.addi %mul3A_536, %add3A_537 : i32
    %dma_wait3A_539 = arith.constant 0 : i32
    %dma_wait3A_540 = tpu.memref_slice %arg6[%arg0, %add3A_538, %dma_wait3A_539] : memref<2x10240x128xf32, #tpu.memory_space<hbm>> -> memref<1x40x128xf32, #tpu.memory_space<hbm>>
    %dma_wait3A_541 = tpu.memref_squeeze %dma_wait3A_540 : memref<1x40x128xf32, #tpu.memory_space<hbm>> -> memref<40x128xf32, #tpu.memory_space<hbm>>
    %dma_wait3A_542 = arith.constant 0 : i32
    %dma_wait3A_543 = tpu.memref_slice %arg6[%arg0, %add3A_538, %dma_wait3A_542] : memref<2x10240x128xf32, #tpu.memory_space<hbm>> -> memref<1x40x128xf32, #tpu.memory_space<hbm>>
    %dma_wait3A_544 = tpu.memref_squeeze %dma_wait3A_543 : memref<1x40x128xf32, #tpu.memory_space<hbm>> -> memref<40x128xf32, #tpu.memory_space<hbm>>
    tpu.wait_dma2 semaphore(%arg29 : memref<!tpu.dma_semaphore, #tpu.memory_space<semaphore_mem>>) src(%arg21 : memref<40x128xf32, #tpu.memory_space<vmem>>) dst(%dma_wait3A_544 : memref<40x128xf32, #tpu.memory_space<hbm>>)
    "tpu.region"() ({
      %run_scoped3A = tpu.sem_alloc : memref<!tpu.dma_semaphore, #tpu.memory_space<semaphore_mem>>
      %dma_start3A_615 = arith.constant 0 : i32
      %dma_start3A_616 = tpu.memref_slice %arg28[%add3A_538, %dma_start3A_615] : memref<10240x128xf32, #tpu.memory_space<vmem_shared>> -> memref<40x128xf32, #tpu.memory_space<vmem_shared>>
      %dma_start3A_617 = arith.constant 0 : i32
      %dma_start3A_618 = tpu.memref_slice %arg28[%add3A_538, %dma_start3A_617] : memref<10240x128xf32, #tpu.memory_space<vmem_shared>> -> memref<40x128xf32, #tpu.memory_space<vmem_shared>>
      tpu.enqueue_dma source(%dma_start3A_618 : memref<40x128xf32, #tpu.memory_space<vmem_shared>>) target(%arg21 : memref<40x128xf32, #tpu.memory_space<vmem>>) target_semaphore(%run_scoped3A : memref<!tpu.dma_semaphore, #tpu.memory_space<semaphore_mem>>)
      %dma_wait3A_619 = arith.constant 0 : i32
      %dma_wait3A_620 = tpu.memref_slice %arg28[%add3A_538, %dma_wait3A_619] : memref<10240x128xf32, #tpu.memory_space<vmem_shared>> -> memref<40x128xf32, #tpu.memory_space<vmem_shared>>
      %dma_wait3A_621 = arith.constant 0 : i32
      %dma_wait3A_622 = tpu.memref_slice %arg28[%add3A_538, %dma_wait3A_621] : memref<10240x128xf32, #tpu.memory_space<vmem_shared>> -> memref<40x128xf32, #tpu.memory_space<vmem_shared>>
      tpu.wait_dma2 semaphore(%run_scoped3A : memref<!tpu.dma_semaphore, #tpu.memory_space<semaphore_mem>>) src(%dma_wait3A_622 : memref<40x128xf32, #tpu.memory_space<vmem_shared>>) dst(%arg21 : memref<40x128xf32, #tpu.memory_space<vmem>>)
      tpu.yield
    }) : () -> ()
    %dma_start3A_545 = arith.constant 0 : i32
    %dma_start3A_546 = tpu.memref_slice %arg6[%arg0, %add3A_538, %dma_start3A_545] : memref<2x10240x128xf32, #tpu.memory_space<hbm>> -> memref<1x40x128xf32, #tpu.memory_space<hbm>>
    %dma_start3A_547 = tpu.memref_squeeze %dma_start3A_546 : memref<1x40x128xf32, #tpu.memory_space<hbm>> -> memref<40x128xf32, #tpu.memory_space<hbm>>
    %dma_start3A_548 = arith.constant 0 : i32
    %dma_start3A_549 = tpu.memref_slice %arg6[%arg0, %add3A_538, %dma_start3A_548] : memref<2x10240x128xf32, #tpu.memory_space<hbm>> -> memref<1x40x128xf32, #tpu.memory_space<hbm>>
    %dma_start3A_550 = tpu.memref_squeeze %dma_start3A_549 : memref<1x40x128xf32, #tpu.memory_space<hbm>> -> memref<40x128xf32, #tpu.memory_space<hbm>>
    tpu.enqueue_dma source(%arg21 : memref<40x128xf32, #tpu.memory_space<vmem>>) target(%dma_start3A_550 : memref<40x128xf32, #tpu.memory_space<hbm>>) target_semaphore(%arg29 : memref<!tpu.dma_semaphore, #tpu.memory_space<semaphore_mem>>)
    %mul3A_551 = arith.constant 640 : i32
    %mul3A_552 = arith.muli %arg1, %mul3A_551 : i32
    %add3A_553 = arith.constant 520 : i32
    %add3A_554 = arith.addi %mul3A_552, %add3A_553 : i32
    %dma_wait3A_555 = arith.constant 0 : i32
    %dma_wait3A_556 = tpu.memref_slice %arg6[%arg0, %add3A_554, %dma_wait3A_555] : memref<2x10240x128xf32, #tpu.memory_space<hbm>> -> memref<1x40x128xf32, #tpu.memory_space<hbm>>
    %dma_wait3A_557 = tpu.memref_squeeze %dma_wait3A_556 : memref<1x40x128xf32, #tpu.memory_space<hbm>> -> memref<40x128xf32, #tpu.memory_space<hbm>>
    %dma_wait3A_558 = arith.constant 0 : i32
    %dma_wait3A_559 = tpu.memref_slice %arg6[%arg0, %add3A_554, %dma_wait3A_558] : memref<2x10240x128xf32, #tpu.memory_space<hbm>> -> memref<1x40x128xf32, #tpu.memory_space<hbm>>
    %dma_wait3A_560 = tpu.memref_squeeze %dma_wait3A_559 : memref<1x40x128xf32, #tpu.memory_space<hbm>> -> memref<40x128xf32, #tpu.memory_space<hbm>>
    tpu.wait_dma2 semaphore(%arg30 : memref<!tpu.dma_semaphore, #tpu.memory_space<semaphore_mem>>) src(%arg22 : memref<40x128xf32, #tpu.memory_space<vmem>>) dst(%dma_wait3A_560 : memref<40x128xf32, #tpu.memory_space<hbm>>)
    "tpu.region"() ({
      %run_scoped3A = tpu.sem_alloc : memref<!tpu.dma_semaphore, #tpu.memory_space<semaphore_mem>>
      %dma_start3A_615 = arith.constant 0 : i32
      %dma_start3A_616 = tpu.memref_slice %arg28[%add3A_554, %dma_start3A_615] : memref<10240x128xf32, #tpu.memory_space<vmem_shared>> -> memref<40x128xf32, #tpu.memory_space<vmem_shared>>
      %dma_start3A_617 = arith.constant 0 : i32
      %dma_start3A_618 = tpu.memref_slice %arg28[%add3A_554, %dma_start3A_617] : memref<10240x128xf32, #tpu.memory_space<vmem_shared>> -> memref<40x128xf32, #tpu.memory_space<vmem_shared>>
      tpu.enqueue_dma source(%dma_start3A_618 : memref<40x128xf32, #tpu.memory_space<vmem_shared>>) target(%arg22 : memref<40x128xf32, #tpu.memory_space<vmem>>) target_semaphore(%run_scoped3A : memref<!tpu.dma_semaphore, #tpu.memory_space<semaphore_mem>>)
      %dma_wait3A_619 = arith.constant 0 : i32
      %dma_wait3A_620 = tpu.memref_slice %arg28[%add3A_554, %dma_wait3A_619] : memref<10240x128xf32, #tpu.memory_space<vmem_shared>> -> memref<40x128xf32, #tpu.memory_space<vmem_shared>>
      %dma_wait3A_621 = arith.constant 0 : i32
      %dma_wait3A_622 = tpu.memref_slice %arg28[%add3A_554, %dma_wait3A_621] : memref<10240x128xf32, #tpu.memory_space<vmem_shared>> -> memref<40x128xf32, #tpu.memory_space<vmem_shared>>
      tpu.wait_dma2 semaphore(%run_scoped3A : memref<!tpu.dma_semaphore, #tpu.memory_space<semaphore_mem>>) src(%dma_wait3A_622 : memref<40x128xf32, #tpu.memory_space<vmem_shared>>) dst(%arg22 : memref<40x128xf32, #tpu.memory_space<vmem>>)
      tpu.yield
    }) : () -> ()
    %dma_start3A_561 = arith.constant 0 : i32
    %dma_start3A_562 = tpu.memref_slice %arg6[%arg0, %add3A_554, %dma_start3A_561] : memref<2x10240x128xf32, #tpu.memory_space<hbm>> -> memref<1x40x128xf32, #tpu.memory_space<hbm>>
    %dma_start3A_563 = tpu.memref_squeeze %dma_start3A_562 : memref<1x40x128xf32, #tpu.memory_space<hbm>> -> memref<40x128xf32, #tpu.memory_space<hbm>>
    %dma_start3A_564 = arith.constant 0 : i32
    %dma_start3A_565 = tpu.memref_slice %arg6[%arg0, %add3A_554, %dma_start3A_564] : memref<2x10240x128xf32, #tpu.memory_space<hbm>> -> memref<1x40x128xf32, #tpu.memory_space<hbm>>
    %dma_start3A_566 = tpu.memref_squeeze %dma_start3A_565 : memref<1x40x128xf32, #tpu.memory_space<hbm>> -> memref<40x128xf32, #tpu.memory_space<hbm>>
    tpu.enqueue_dma source(%arg22 : memref<40x128xf32, #tpu.memory_space<vmem>>) target(%dma_start3A_566 : memref<40x128xf32, #tpu.memory_space<hbm>>) target_semaphore(%arg30 : memref<!tpu.dma_semaphore, #tpu.memory_space<semaphore_mem>>)
    %mul3A_567 = arith.constant 640 : i32
    %mul3A_568 = arith.muli %arg1, %mul3A_567 : i32
    %add3A_569 = arith.constant 560 : i32
    %add3A_570 = arith.addi %mul3A_568, %add3A_569 : i32
    %dma_wait3A_571 = arith.constant 0 : i32
    %dma_wait3A_572 = tpu.memref_slice %arg6[%arg0, %add3A_570, %dma_wait3A_571] : memref<2x10240x128xf32, #tpu.memory_space<hbm>> -> memref<1x40x128xf32, #tpu.memory_space<hbm>>
    %dma_wait3A_573 = tpu.memref_squeeze %dma_wait3A_572 : memref<1x40x128xf32, #tpu.memory_space<hbm>> -> memref<40x128xf32, #tpu.memory_space<hbm>>
    %dma_wait3A_574 = arith.constant 0 : i32
    %dma_wait3A_575 = tpu.memref_slice %arg6[%arg0, %add3A_570, %dma_wait3A_574] : memref<2x10240x128xf32, #tpu.memory_space<hbm>> -> memref<1x40x128xf32, #tpu.memory_space<hbm>>
    %dma_wait3A_576 = tpu.memref_squeeze %dma_wait3A_575 : memref<1x40x128xf32, #tpu.memory_space<hbm>> -> memref<40x128xf32, #tpu.memory_space<hbm>>
    tpu.wait_dma2 semaphore(%arg29 : memref<!tpu.dma_semaphore, #tpu.memory_space<semaphore_mem>>) src(%arg21 : memref<40x128xf32, #tpu.memory_space<vmem>>) dst(%dma_wait3A_576 : memref<40x128xf32, #tpu.memory_space<hbm>>)
    "tpu.region"() ({
      %run_scoped3A = tpu.sem_alloc : memref<!tpu.dma_semaphore, #tpu.memory_space<semaphore_mem>>
      %dma_start3A_615 = arith.constant 0 : i32
      %dma_start3A_616 = tpu.memref_slice %arg28[%add3A_570, %dma_start3A_615] : memref<10240x128xf32, #tpu.memory_space<vmem_shared>> -> memref<40x128xf32, #tpu.memory_space<vmem_shared>>
      %dma_start3A_617 = arith.constant 0 : i32
      %dma_start3A_618 = tpu.memref_slice %arg28[%add3A_570, %dma_start3A_617] : memref<10240x128xf32, #tpu.memory_space<vmem_shared>> -> memref<40x128xf32, #tpu.memory_space<vmem_shared>>
      tpu.enqueue_dma source(%dma_start3A_618 : memref<40x128xf32, #tpu.memory_space<vmem_shared>>) target(%arg21 : memref<40x128xf32, #tpu.memory_space<vmem>>) target_semaphore(%run_scoped3A : memref<!tpu.dma_semaphore, #tpu.memory_space<semaphore_mem>>)
      %dma_wait3A_619 = arith.constant 0 : i32
      %dma_wait3A_620 = tpu.memref_slice %arg28[%add3A_570, %dma_wait3A_619] : memref<10240x128xf32, #tpu.memory_space<vmem_shared>> -> memref<40x128xf32, #tpu.memory_space<vmem_shared>>
      %dma_wait3A_621 = arith.constant 0 : i32
      %dma_wait3A_622 = tpu.memref_slice %arg28[%add3A_570, %dma_wait3A_621] : memref<10240x128xf32, #tpu.memory_space<vmem_shared>> -> memref<40x128xf32, #tpu.memory_space<vmem_shared>>
      tpu.wait_dma2 semaphore(%run_scoped3A : memref<!tpu.dma_semaphore, #tpu.memory_space<semaphore_mem>>) src(%dma_wait3A_622 : memref<40x128xf32, #tpu.memory_space<vmem_shared>>) dst(%arg21 : memref<40x128xf32, #tpu.memory_space<vmem>>)
      tpu.yield
    }) : () -> ()
    %dma_start3A_577 = arith.constant 0 : i32
    %dma_start3A_578 = tpu.memref_slice %arg6[%arg0, %add3A_570, %dma_start3A_577] : memref<2x10240x128xf32, #tpu.memory_space<hbm>> -> memref<1x40x128xf32, #tpu.memory_space<hbm>>
    %dma_start3A_579 = tpu.memref_squeeze %dma_start3A_578 : memref<1x40x128xf32, #tpu.memory_space<hbm>> -> memref<40x128xf32, #tpu.memory_space<hbm>>
    %dma_start3A_580 = arith.constant 0 : i32
    %dma_start3A_581 = tpu.memref_slice %arg6[%arg0, %add3A_570, %dma_start3A_580] : memref<2x10240x128xf32, #tpu.memory_space<hbm>> -> memref<1x40x128xf32, #tpu.memory_space<hbm>>
    %dma_start3A_582 = tpu.memref_squeeze %dma_start3A_581 : memref<1x40x128xf32, #tpu.memory_space<hbm>> -> memref<40x128xf32, #tpu.memory_space<hbm>>
    tpu.enqueue_dma source(%arg21 : memref<40x128xf32, #tpu.memory_space<vmem>>) target(%dma_start3A_582 : memref<40x128xf32, #tpu.memory_space<hbm>>) target_semaphore(%arg29 : memref<!tpu.dma_semaphore, #tpu.memory_space<semaphore_mem>>)
    %mul3A_583 = arith.constant 640 : i32
    %mul3A_584 = arith.muli %arg1, %mul3A_583 : i32
    %add3A_585 = arith.constant 600 : i32
    %add3A_586 = arith.addi %mul3A_584, %add3A_585 : i32
    %dma_wait3A_587 = arith.constant 0 : i32
    %dma_wait3A_588 = tpu.memref_slice %arg6[%arg0, %add3A_586, %dma_wait3A_587] : memref<2x10240x128xf32, #tpu.memory_space<hbm>> -> memref<1x40x128xf32, #tpu.memory_space<hbm>>
    %dma_wait3A_589 = tpu.memref_squeeze %dma_wait3A_588 : memref<1x40x128xf32, #tpu.memory_space<hbm>> -> memref<40x128xf32, #tpu.memory_space<hbm>>
    %dma_wait3A_590 = arith.constant 0 : i32
    %dma_wait3A_591 = tpu.memref_slice %arg6[%arg0, %add3A_586, %dma_wait3A_590] : memref<2x10240x128xf32, #tpu.memory_space<hbm>> -> memref<1x40x128xf32, #tpu.memory_space<hbm>>
    %dma_wait3A_592 = tpu.memref_squeeze %dma_wait3A_591 : memref<1x40x128xf32, #tpu.memory_space<hbm>> -> memref<40x128xf32, #tpu.memory_space<hbm>>
    tpu.wait_dma2 semaphore(%arg30 : memref<!tpu.dma_semaphore, #tpu.memory_space<semaphore_mem>>) src(%arg22 : memref<40x128xf32, #tpu.memory_space<vmem>>) dst(%dma_wait3A_592 : memref<40x128xf32, #tpu.memory_space<hbm>>)
    "tpu.region"() ({
      %run_scoped3A = tpu.sem_alloc : memref<!tpu.dma_semaphore, #tpu.memory_space<semaphore_mem>>
      %dma_start3A_615 = arith.constant 0 : i32
      %dma_start3A_616 = tpu.memref_slice %arg28[%add3A_586, %dma_start3A_615] : memref<10240x128xf32, #tpu.memory_space<vmem_shared>> -> memref<40x128xf32, #tpu.memory_space<vmem_shared>>
      %dma_start3A_617 = arith.constant 0 : i32
      %dma_start3A_618 = tpu.memref_slice %arg28[%add3A_586, %dma_start3A_617] : memref<10240x128xf32, #tpu.memory_space<vmem_shared>> -> memref<40x128xf32, #tpu.memory_space<vmem_shared>>
      tpu.enqueue_dma source(%dma_start3A_618 : memref<40x128xf32, #tpu.memory_space<vmem_shared>>) target(%arg22 : memref<40x128xf32, #tpu.memory_space<vmem>>) target_semaphore(%run_scoped3A : memref<!tpu.dma_semaphore, #tpu.memory_space<semaphore_mem>>)
      %dma_wait3A_619 = arith.constant 0 : i32
      %dma_wait3A_620 = tpu.memref_slice %arg28[%add3A_586, %dma_wait3A_619] : memref<10240x128xf32, #tpu.memory_space<vmem_shared>> -> memref<40x128xf32, #tpu.memory_space<vmem_shared>>
      %dma_wait3A_621 = arith.constant 0 : i32
      %dma_wait3A_622 = tpu.memref_slice %arg28[%add3A_586, %dma_wait3A_621] : memref<10240x128xf32, #tpu.memory_space<vmem_shared>> -> memref<40x128xf32, #tpu.memory_space<vmem_shared>>
      tpu.wait_dma2 semaphore(%run_scoped3A : memref<!tpu.dma_semaphore, #tpu.memory_space<semaphore_mem>>) src(%dma_wait3A_622 : memref<40x128xf32, #tpu.memory_space<vmem_shared>>) dst(%arg22 : memref<40x128xf32, #tpu.memory_space<vmem>>)
      tpu.yield
    }) : () -> ()
    %dma_start3A_593 = arith.constant 0 : i32
    %dma_start3A_594 = tpu.memref_slice %arg6[%arg0, %add3A_586, %dma_start3A_593] : memref<2x10240x128xf32, #tpu.memory_space<hbm>> -> memref<1x40x128xf32, #tpu.memory_space<hbm>>
    %dma_start3A_595 = tpu.memref_squeeze %dma_start3A_594 : memref<1x40x128xf32, #tpu.memory_space<hbm>> -> memref<40x128xf32, #tpu.memory_space<hbm>>
    %dma_start3A_596 = arith.constant 0 : i32
    %dma_start3A_597 = tpu.memref_slice %arg6[%arg0, %add3A_586, %dma_start3A_596] : memref<2x10240x128xf32, #tpu.memory_space<hbm>> -> memref<1x40x128xf32, #tpu.memory_space<hbm>>
    %dma_start3A_598 = tpu.memref_squeeze %dma_start3A_597 : memref<1x40x128xf32, #tpu.memory_space<hbm>> -> memref<40x128xf32, #tpu.memory_space<hbm>>
    tpu.enqueue_dma source(%arg22 : memref<40x128xf32, #tpu.memory_space<vmem>>) target(%dma_start3A_598 : memref<40x128xf32, #tpu.memory_space<hbm>>) target_semaphore(%arg30 : memref<!tpu.dma_semaphore, #tpu.memory_space<semaphore_mem>>)
    %mul3A_599 = arith.constant 640 : i32
    %mul3A_600 = arith.muli %arg1, %mul3A_599 : i32
    %dma_wait3A_601 = arith.constant 0 : i32
    %dma_wait3A_602 = tpu.memref_slice %arg6[%arg0, %mul3A_600, %dma_wait3A_601] : memref<2x10240x128xf32, #tpu.memory_space<hbm>> -> memref<1x40x128xf32, #tpu.memory_space<hbm>>
    %dma_wait3A_603 = tpu.memref_squeeze %dma_wait3A_602 : memref<1x40x128xf32, #tpu.memory_space<hbm>> -> memref<40x128xf32, #tpu.memory_space<hbm>>
    %dma_wait3A_604 = arith.constant 0 : i32
    %dma_wait3A_605 = tpu.memref_slice %arg6[%arg0, %mul3A_600, %dma_wait3A_604] : memref<2x10240x128xf32, #tpu.memory_space<hbm>> -> memref<1x40x128xf32, #tpu.memory_space<hbm>>
    %dma_wait3A_606 = tpu.memref_squeeze %dma_wait3A_605 : memref<1x40x128xf32, #tpu.memory_space<hbm>> -> memref<40x128xf32, #tpu.memory_space<hbm>>
    tpu.wait_dma2 semaphore(%arg29 : memref<!tpu.dma_semaphore, #tpu.memory_space<semaphore_mem>>) src(%arg21 : memref<40x128xf32, #tpu.memory_space<vmem>>) dst(%dma_wait3A_606 : memref<40x128xf32, #tpu.memory_space<hbm>>)
    %mul3A_607 = arith.constant 640 : i32
    %mul3A_608 = arith.muli %arg1, %mul3A_607 : i32
    %dma_wait3A_609 = arith.constant 0 : i32
    %dma_wait3A_610 = tpu.memref_slice %arg6[%arg0, %mul3A_608, %dma_wait3A_609] : memref<2x10240x128xf32, #tpu.memory_space<hbm>> -> memref<1x40x128xf32, #tpu.memory_space<hbm>>
    %dma_wait3A_611 = tpu.memref_squeeze %dma_wait3A_610 : memref<1x40x128xf32, #tpu.memory_space<hbm>> -> memref<40x128xf32, #tpu.memory_space<hbm>>
    %dma_wait3A_612 = arith.constant 0 : i32
    %dma_wait3A_613 = tpu.memref_slice %arg6[%arg0, %mul3A_608, %dma_wait3A_612] : memref<2x10240x128xf32, #tpu.memory_space<hbm>> -> memref<1x40x128xf32, #tpu.memory_space<hbm>>
    %dma_wait3A_614 = tpu.memref_squeeze %dma_wait3A_613 : memref<1x40x128xf32, #tpu.memory_space<hbm>> -> memref<40x128xf32, #tpu.memory_space<hbm>>
    tpu.wait_dma2 semaphore(%arg30 : memref<!tpu.dma_semaphore, #tpu.memory_space<semaphore_mem>>) src(%arg22 : memref<40x128xf32, #tpu.memory_space<vmem>>) dst(%dma_wait3A_614 : memref<40x128xf32, #tpu.memory_space<hbm>>)
    return
  }
}

module attributes {stable_mosaic.version = 14 : i64} {
  func.func @_tc_pre_body(%arg0: i32, %arg1: memref<32x2048xf32, #tpu.memory_space<vmem>>, %arg2: memref<2048x128xf32, #tpu.memory_space<vmem>>, %arg3: memref<128x128xf32, #tpu.memory_space<vmem>>, %arg4: memref<2048x128xf32, #tpu.memory_space<vmem>>, %arg5: memref<2048xf32, #tpu.memory_space<vmem>>) attributes {dimension_semantics = [#tpu.dimension_semantics<arbitrary>], iteration_bounds = array<i64: 5>, scalar_prefetch = 0 : i64, scratch_operands = 0 : i64, tpu.core_type = #tpu.core_type<tc>, window_params = [{transform_indices = @transform_0, window_bounds = array<i64: 32, 2048>}, {transform_indices = @transform_1, window_bounds = array<i64: 2048, 128>}, {pipeline_mode = #tpu.pipeline_mode<synchronous>, transform_indices = @transform_2, window_bounds = array<i64: 128, 128>}, {transform_indices = @transform_3, window_bounds = array<i64: 2048, 128>}, {transform_indices = @transform_4, window_bounds = array<i64: 2048>}]} {
    %get3A = arith.constant 0 : index
    %get3A_0 = arith.constant 0 : index
    %get3A_1 = vector.load %arg1[%get3A, %get3A_0] : memref<32x2048xf32, #tpu.memory_space<vmem>>, vector<32x2048xf32>
    %reduce_sum3A = arith.constant dense<0.000000e+00> : vector<2048xf32>
    %reduce_sum3A_2 = vector.multi_reduction <add>, %get3A_1, %reduce_sum3A [0] : vector<32x2048xf32> to vector<2048xf32>
    %add3A = arith.constant 1.000000e+00 : f32
    %add3A_3 = vector.broadcast %add3A : f32 to vector<2048xf32>
    %add3A_4 = arith.addf %reduce_sum3A_2, %add3A_3 : vector<2048xf32>
    %rsqrt3A = math.rsqrt %add3A_4 : vector<2048xf32>
    %get3A_5 = arith.constant 0 : index
    %get3A_6 = arith.constant 0 : index
    %get3A_7 = vector.load %arg2[%get3A_5, %get3A_6] : memref<2048x128xf32, #tpu.memory_space<vmem>>, vector<2048x128xf32>
    %get3A_8 = arith.constant 0 : index
    %get3A_9 = arith.constant 0 : index
    %get3A_10 = vector.load %arg3[%get3A_8, %get3A_9] : memref<128x128xf32, #tpu.memory_space<vmem>>, vector<128x128xf32>
    %dot_general3A = arith.constant dense<0.000000e+00> : vector<2048x128xf32>
    %dot_general3A_11 = tpu.matmul %get3A_7, %get3A_10, %dot_general3A {dimension_numbers = #tpu.dot_dimension_numbers<[1], [0], [0], [1], [0, 0, 1, 1], [], []>, precision = #tpu.contract_precision<fp32>, transpose_lhs_hint = false} : vector<2048x128xf32>, vector<128x128xf32>, vector<2048x128xf32> -> vector<2048x128xf32>
    %broadcast_in_dim3A = vector.shape_cast %rsqrt3A : vector<2048xf32> to vector<2048x1xf32>
    %mul3A = vector.broadcast %broadcast_in_dim3A : vector<2048x1xf32> to vector<2048x128xf32>
    %mul3A_12 = arith.mulf %dot_general3A_11, %mul3A : vector<2048x128xf32>
    %swap3A = arith.constant 0 : index
    %swap3A_13 = arith.constant 0 : index
    %swap3A_14 = vector.load %arg4[%swap3A, %swap3A_13] : memref<2048x128xf32, #tpu.memory_space<vmem>>, vector<2048x128xf32>
    tpu.vector_store %arg4[%swap3A, %swap3A_13], %mul3A_12 {strides = array<i32>} : memref<2048x128xf32, #tpu.memory_space<vmem>>, vector<2048x128xf32>,
    %swap3A_15 = arith.constant 0 : index
    %swap3A_16 = vector.load %arg5[%swap3A_15] : memref<2048xf32, #tpu.memory_space<vmem>>, vector<2048xf32>
    tpu.vector_store %arg5[%swap3A_15], %rsqrt3A {strides = array<i32>} : memref<2048xf32, #tpu.memory_space<vmem>>, vector<2048xf32>,
    return
  }
  func.func @transform_0(%arg0: i32) -> (i32, i32) {
    %c0_i32 = arith.constant 0 : i32
    %c0_i32_0 = arith.constant 0 : i32
    return %c0_i32, %arg0 : i32, i32
  }
  func.func @transform_1(%arg0: i32) -> (i32, i32) {
    %c0_i32 = arith.constant 0 : i32
    %c0_i32_0 = arith.constant 0 : i32
    return %arg0, %c0_i32 : i32, i32
  }
  func.func @transform_2(%arg0: i32) -> (i32, i32) {
    %c0_i32 = arith.constant 0 : i32
    %c0_i32_0 = arith.constant 0 : i32
    %c0_i32_1 = arith.constant 0 : i32
    return %c0_i32, %c0_i32_0 : i32, i32
  }
  func.func @transform_3(%arg0: i32) -> (i32, i32) {
    %c0_i32 = arith.constant 0 : i32
    %c0_i32_0 = arith.constant 0 : i32
    return %arg0, %c0_i32 : i32, i32
  }
  func.func @transform_4(%arg0: i32) -> i32 {
    %c0_i32 = arith.constant 0 : i32
    return %arg0 : i32
  }
}

module attributes {stable_mosaic.version = 14 : i64} {
  func.func @_tc_mid_body(%arg0: i32, %arg1: memref<2x2048x128xf32, #tpu.memory_space<vmem>>, %arg2: memref<2048x128xf32, #tpu.memory_space<vmem>>, %arg3: memref<2048xf32, #tpu.memory_space<vmem>>, %arg4: memref<128xf32, #tpu.memory_space<vmem>>, %arg5: memref<128x128xf32, #tpu.memory_space<vmem>>, %arg6: memref<2048x128xf32, #tpu.memory_space<vmem>>) attributes {dimension_semantics = [#tpu.dimension_semantics<arbitrary>], iteration_bounds = array<i64: 5>, scalar_prefetch = 0 : i64, scratch_operands = 0 : i64, tpu.core_type = #tpu.core_type<tc>, window_params = [{transform_indices = @transform_0, window_bounds = array<i64: 2, 2048, 128>}, {transform_indices = @transform_1, window_bounds = array<i64: 2048, 128>}, {transform_indices = @transform_2, window_bounds = array<i64: 2048>}, {pipeline_mode = #tpu.pipeline_mode<synchronous>, transform_indices = @transform_3, window_bounds = array<i64: 128>}, {pipeline_mode = #tpu.pipeline_mode<synchronous>, transform_indices = @transform_4, window_bounds = array<i64: 128, 128>}, {transform_indices = @transform_5, window_bounds = array<i64: 2048, 128>}]} {
    %get3A = arith.constant 0 : index
    %get3A_0 = vector.load %arg3[%get3A] : memref<2048xf32, #tpu.memory_space<vmem>>, vector<2048xf32>
    %get3A_1 = arith.constant 0 : index
    %get3A_2 = arith.constant 0 : index
    %get3A_3 = arith.constant 0 : index
    %get3A_4 = vector.load %arg1[%get3A_1, %get3A_2, %get3A_3] : memref<2x2048x128xf32, #tpu.memory_space<vmem>>, vector<1x2048x128xf32>
    %get3A_5 = vector.shape_cast %get3A_4 : vector<1x2048x128xf32> to vector<2048x128xf32>
    %get3A_6 = arith.constant 1 : index
    %get3A_7 = arith.constant 0 : index
    %get3A_8 = arith.constant 0 : index
    %get3A_9 = vector.load %arg1[%get3A_6, %get3A_7, %get3A_8] : memref<2x2048x128xf32, #tpu.memory_space<vmem>>, vector<1x2048x128xf32>
    %get3A_10 = vector.shape_cast %get3A_9 : vector<1x2048x128xf32> to vector<2048x128xf32>
    %add3A = arith.addf %get3A_5, %get3A_10 : vector<2048x128xf32>
    %get3A_11 = arith.constant 0 : index
    %get3A_12 = arith.constant 0 : index
    %get3A_13 = vector.load %arg2[%get3A_11, %get3A_12] : memref<2048x128xf32, #tpu.memory_space<vmem>>, vector<2048x128xf32>
    %add3A_14 = arith.addf %add3A, %get3A_13 : vector<2048x128xf32>
    %broadcast_in_dim3A = vector.shape_cast %get3A_0 : vector<2048xf32> to vector<2048x1xf32>
    %mul3A = vector.broadcast %broadcast_in_dim3A : vector<2048x1xf32> to vector<2048x128xf32>
    %mul3A_15 = arith.mulf %add3A_14, %mul3A : vector<2048x128xf32>
    %get3A_16 = arith.constant 0 : index
    %get3A_17 = vector.load %arg4[%get3A_16] : memref<128xf32, #tpu.memory_space<vmem>>, vector<128xf32>
    %broadcast_in_dim3A_18 = vector.shape_cast %get3A_17 : vector<128xf32> to vector<1x128xf32>
    %add3A_19 = vector.broadcast %broadcast_in_dim3A_18 : vector<1x128xf32> to vector<2048x128xf32>
    %add3A_20 = arith.addf %mul3A_15, %add3A_19 : vector<2048x128xf32>
    %max3A = arith.constant 0.000000e+00 : f32
    %max3A_21 = vector.broadcast %max3A : f32 to vector<2048x128xf32>
    %max3A_22 = arith.maximumf %add3A_20, %max3A_21 : vector<2048x128xf32>
    %get3A_23 = arith.constant 0 : index
    %get3A_24 = arith.constant 0 : index
    %get3A_25 = vector.load %arg5[%get3A_23, %get3A_24] : memref<128x128xf32, #tpu.memory_space<vmem>>, vector<128x128xf32>
    %dot_general3A = arith.constant dense<0.000000e+00> : vector<2048x128xf32>
    %dot_general3A_26 = tpu.matmul %max3A_22, %get3A_25, %dot_general3A {dimension_numbers = #tpu.dot_dimension_numbers<[1], [0], [0], [1], [0, 0, 1, 1], [], []>, precision = #tpu.contract_precision<fp32>, transpose_lhs_hint = false} : vector<2048x128xf32>, vector<128x128xf32>, vector<2048x128xf32> -> vector<2048x128xf32>
    %broadcast_in_dim3A_27 = vector.shape_cast %get3A_0 : vector<2048xf32> to vector<2048x1xf32>
    %mul3A_28 = vector.broadcast %broadcast_in_dim3A_27 : vector<2048x1xf32> to vector<2048x128xf32>
    %mul3A_29 = arith.mulf %dot_general3A_26, %mul3A_28 : vector<2048x128xf32>
    %swap3A = arith.constant 0 : index
    %swap3A_30 = arith.constant 0 : index
    %swap3A_31 = vector.load %arg6[%swap3A, %swap3A_30] : memref<2048x128xf32, #tpu.memory_space<vmem>>, vector<2048x128xf32>
    tpu.vector_store %arg6[%swap3A, %swap3A_30], %mul3A_29 {strides = array<i32>} : memref<2048x128xf32, #tpu.memory_space<vmem>>, vector<2048x128xf32>,
    return
  }
  func.func @transform_0(%arg0: i32) -> (i32, i32, i32) {
    %c0_i32 = arith.constant 0 : i32
    %c0_i32_0 = arith.constant 0 : i32
    %c0_i32_1 = arith.constant 0 : i32
    return %c0_i32, %arg0, %c0_i32_0 : i32, i32, i32
  }
  func.func @transform_1(%arg0: i32) -> (i32, i32) {
    %c0_i32 = arith.constant 0 : i32
    %c0_i32_0 = arith.constant 0 : i32
    return %arg0, %c0_i32 : i32, i32
  }
  func.func @transform_2(%arg0: i32) -> i32 {
    %c0_i32 = arith.constant 0 : i32
    return %arg0 : i32
  }
  func.func @transform_3(%arg0: i32) -> i32 {
    %c0_i32 = arith.constant 0 : i32
    %c0_i32_0 = arith.constant 0 : i32
    return %c0_i32 : i32
  }
  func.func @transform_4(%arg0: i32) -> (i32, i32) {
    %c0_i32 = arith.constant 0 : i32
    %c0_i32_0 = arith.constant 0 : i32
    %c0_i32_1 = arith.constant 0 : i32
    return %c0_i32, %c0_i32_0 : i32, i32
  }
  func.func @transform_5(%arg0: i32) -> (i32, i32) {
    %c0_i32 = arith.constant 0 : i32
    %c0_i32_0 = arith.constant 0 : i32
    return %arg0, %c0_i32 : i32, i32
  }
}

module attributes {stable_mosaic.version = 14 : i64} {
  func.func @_tc_head_body(%arg0: i32, %arg1: memref<2x2048x128xf32, #tpu.memory_space<vmem>>, %arg2: memref<2048x128xf32, #tpu.memory_space<vmem>>, %arg3: memref<2048xf32, #tpu.memory_space<vmem>>, %arg4: memref<128xf32, #tpu.memory_space<vmem>>, %arg5: memref<128x128xf32, #tpu.memory_space<vmem>>, %arg6: memref<128xf32, #tpu.memory_space<vmem>>, %arg7: memref<128x64xf32, #tpu.memory_space<vmem>>, %arg8: memref<64xf32, #tpu.memory_space<vmem>>, %arg9: memref<2048x64xf32, #tpu.memory_space<vmem>>) attributes {dimension_semantics = [#tpu.dimension_semantics<arbitrary>], iteration_bounds = array<i64: 5>, scalar_prefetch = 0 : i64, scratch_operands = 0 : i64, tpu.core_type = #tpu.core_type<tc>, window_params = [{transform_indices = @transform_0, window_bounds = array<i64: 2, 2048, 128>}, {transform_indices = @transform_1, window_bounds = array<i64: 2048, 128>}, {transform_indices = @transform_2, window_bounds = array<i64: 2048>}, {pipeline_mode = #tpu.pipeline_mode<synchronous>, transform_indices = @transform_3, window_bounds = array<i64: 128>}, {pipeline_mode = #tpu.pipeline_mode<synchronous>, transform_indices = @transform_4, window_bounds = array<i64: 128, 128>}, {pipeline_mode = #tpu.pipeline_mode<synchronous>, transform_indices = @transform_5, window_bounds = array<i64: 128>}, {pipeline_mode = #tpu.pipeline_mode<synchronous>, transform_indices = @transform_6, window_bounds = array<i64: 128, 64>}, {pipeline_mode = #tpu.pipeline_mode<synchronous>, transform_indices = @transform_7, window_bounds = array<i64: 64>}, {transform_indices = @transform_8, window_bounds = array<i64: 2048, 64>}]} {
    %get3A = arith.constant 0 : index
    %get3A_0 = vector.load %arg3[%get3A] : memref<2048xf32, #tpu.memory_space<vmem>>, vector<2048xf32>
    %get3A_1 = arith.constant 0 : index
    %get3A_2 = arith.constant 0 : index
    %get3A_3 = arith.constant 0 : index
    %get3A_4 = vector.load %arg1[%get3A_1, %get3A_2, %get3A_3] : memref<2x2048x128xf32, #tpu.memory_space<vmem>>, vector<1x2048x128xf32>
    %get3A_5 = vector.shape_cast %get3A_4 : vector<1x2048x128xf32> to vector<2048x128xf32>
    %get3A_6 = arith.constant 1 : index
    %get3A_7 = arith.constant 0 : index
    %get3A_8 = arith.constant 0 : index
    %get3A_9 = vector.load %arg1[%get3A_6, %get3A_7, %get3A_8] : memref<2x2048x128xf32, #tpu.memory_space<vmem>>, vector<1x2048x128xf32>
    %get3A_10 = vector.shape_cast %get3A_9 : vector<1x2048x128xf32> to vector<2048x128xf32>
    %add3A = arith.addf %get3A_5, %get3A_10 : vector<2048x128xf32>
    %get3A_11 = arith.constant 0 : index
    %get3A_12 = arith.constant 0 : index
    %get3A_13 = vector.load %arg2[%get3A_11, %get3A_12] : memref<2048x128xf32, #tpu.memory_space<vmem>>, vector<2048x128xf32>
    %add3A_14 = arith.addf %add3A, %get3A_13 : vector<2048x128xf32>
    %broadcast_in_dim3A = vector.shape_cast %get3A_0 : vector<2048xf32> to vector<2048x1xf32>
    %mul3A = vector.broadcast %broadcast_in_dim3A : vector<2048x1xf32> to vector<2048x128xf32>
    %mul3A_15 = arith.mulf %add3A_14, %mul3A : vector<2048x128xf32>
    %get3A_16 = arith.constant 0 : index
    %get3A_17 = vector.load %arg4[%get3A_16] : memref<128xf32, #tpu.memory_space<vmem>>, vector<128xf32>
    %broadcast_in_dim3A_18 = vector.shape_cast %get3A_17 : vector<128xf32> to vector<1x128xf32>
    %add3A_19 = vector.broadcast %broadcast_in_dim3A_18 : vector<1x128xf32> to vector<2048x128xf32>
    %add3A_20 = arith.addf %mul3A_15, %add3A_19 : vector<2048x128xf32>
    %max3A = arith.constant 0.000000e+00 : f32
    %max3A_21 = vector.broadcast %max3A : f32 to vector<2048x128xf32>
    %max3A_22 = arith.maximumf %add3A_20, %max3A_21 : vector<2048x128xf32>
    %get3A_23 = arith.constant 0 : index
    %get3A_24 = arith.constant 0 : index
    %get3A_25 = vector.load %arg5[%get3A_23, %get3A_24] : memref<128x128xf32, #tpu.memory_space<vmem>>, vector<128x128xf32>
    %dot_general3A = arith.constant dense<0.000000e+00> : vector<2048x128xf32>
    %dot_general3A_26 = tpu.matmul %max3A_22, %get3A_25, %dot_general3A {dimension_numbers = #tpu.dot_dimension_numbers<[1], [0], [0], [1], [0, 0, 1, 1], [], []>, precision = #tpu.contract_precision<fp32>, transpose_lhs_hint = false} : vector<2048x128xf32>, vector<128x128xf32>, vector<2048x128xf32> -> vector<2048x128xf32>
    %get3A_27 = arith.constant 0 : index
    %get3A_28 = vector.load %arg6[%get3A_27] : memref<128xf32, #tpu.memory_space<vmem>>, vector<128xf32>
    %broadcast_in_dim3A_29 = vector.shape_cast %get3A_28 : vector<128xf32> to vector<1x128xf32>
    %add3A_30 = vector.broadcast %broadcast_in_dim3A_29 : vector<1x128xf32> to vector<2048x128xf32>
    %add3A_31 = arith.addf %dot_general3A_26, %add3A_30 : vector<2048x128xf32>
    %max3A_32 = arith.constant 0.000000e+00 : f32
    %max3A_33 = vector.broadcast %max3A_32 : f32 to vector<2048x128xf32>
    %max3A_34 = arith.maximumf %add3A_31, %max3A_33 : vector<2048x128xf32>
    %get3A_35 = arith.constant 0 : index
    %get3A_36 = arith.constant 0 : index
    %get3A_37 = vector.load %arg7[%get3A_35, %get3A_36] : memref<128x64xf32, #tpu.memory_space<vmem>>, vector<128x64xf32>
    %dot_general3A_38 = arith.constant dense<0.000000e+00> : vector<2048x64xf32>
    %dot_general3A_39 = tpu.matmul %max3A_34, %get3A_37, %dot_general3A_38 {dimension_numbers = #tpu.dot_dimension_numbers<[1], [0], [0], [1], [0, 0, 1, 1], [], []>, precision = #tpu.contract_precision<fp32>, transpose_lhs_hint = false} : vector<2048x128xf32>, vector<128x64xf32>, vector<2048x64xf32> -> vector<2048x64xf32>
    %get3A_40 = arith.constant 0 : index
    %get3A_41 = vector.load %arg8[%get3A_40] : memref<64xf32, #tpu.memory_space<vmem>>, vector<64xf32>
    %broadcast_in_dim3A_42 = vector.shape_cast %get3A_41 : vector<64xf32> to vector<1x64xf32>
    %add3A_43 = vector.broadcast %broadcast_in_dim3A_42 : vector<1x64xf32> to vector<2048x64xf32>
    %add3A_44 = arith.addf %dot_general3A_39, %add3A_43 : vector<2048x64xf32>
    %reduce_max3A = arith.constant dense<0xFF800000> : vector<2048xf32>
    %reduce_max3A_45 = vector.multi_reduction <maximumf>, %add3A_44, %reduce_max3A [1] : vector<2048x64xf32> to vector<2048xf32>
    %broadcast_in_dim3A_46 = vector.shape_cast %reduce_max3A_45 : vector<2048xf32> to vector<2048x1xf32>
    %sub3A = vector.broadcast %broadcast_in_dim3A_46 : vector<2048x1xf32> to vector<2048x64xf32>
    %sub3A_47 = arith.subf %add3A_44, %sub3A : vector<2048x64xf32>
    %exp3A = math.exp %sub3A_47 : vector<2048x64xf32>
    %reduce_sum3A = arith.constant dense<0.000000e+00> : vector<2048xf32>
    %reduce_sum3A_48 = vector.multi_reduction <add>, %exp3A, %reduce_sum3A [1] : vector<2048x64xf32> to vector<2048xf32>
    %broadcast_in_dim3A_49 = vector.shape_cast %reduce_sum3A_48 : vector<2048xf32> to vector<2048x1xf32>
    %log3A = math.log %broadcast_in_dim3A_49 : vector<2048x1xf32>
    %sub3A_50 = vector.broadcast %log3A : vector<2048x1xf32> to vector<2048x64xf32>
    %sub3A_51 = arith.subf %sub3A_47, %sub3A_50 : vector<2048x64xf32>
    %swap3A = arith.constant 0 : index
    %swap3A_52 = arith.constant 0 : index
    %swap3A_53 = vector.load %arg9[%swap3A, %swap3A_52] : memref<2048x64xf32, #tpu.memory_space<vmem>>, vector<2048x64xf32>
    tpu.vector_store %arg9[%swap3A, %swap3A_52], %sub3A_51 {strides = array<i32>} : memref<2048x64xf32, #tpu.memory_space<vmem>>, vector<2048x64xf32>,
    return
  }
  func.func @transform_0(%arg0: i32) -> (i32, i32, i32) {
    %c0_i32 = arith.constant 0 : i32
    %c0_i32_0 = arith.constant 0 : i32
    %c0_i32_1 = arith.constant 0 : i32
    return %c0_i32, %arg0, %c0_i32_0 : i32, i32, i32
  }
  func.func @transform_1(%arg0: i32) -> (i32, i32) {
    %c0_i32 = arith.constant 0 : i32
    %c0_i32_0 = arith.constant 0 : i32
    return %arg0, %c0_i32 : i32, i32
  }
  func.func @transform_2(%arg0: i32) -> i32 {
    %c0_i32 = arith.constant 0 : i32
    return %arg0 : i32
  }
  func.func @transform_3(%arg0: i32) -> i32 {
    %c0_i32 = arith.constant 0 : i32
    %c0_i32_0 = arith.constant 0 : i32
    return %c0_i32 : i32
  }
  func.func @transform_4(%arg0: i32) -> (i32, i32) {
    %c0_i32 = arith.constant 0 : i32
    %c0_i32_0 = arith.constant 0 : i32
    %c0_i32_1 = arith.constant 0 : i32
    return %c0_i32, %c0_i32_0 : i32, i32
  }
  func.func @transform_5(%arg0: i32) -> i32 {
    %c0_i32 = arith.constant 0 : i32
    %c0_i32_0 = arith.constant 0 : i32
    return %c0_i32 : i32
  }
  func.func @transform_6(%arg0: i32) -> (i32, i32) {
    %c0_i32 = arith.constant 0 : i32
    %c0_i32_0 = arith.constant 0 : i32
    %c0_i32_1 = arith.constant 0 : i32
    return %c0_i32, %c0_i32_0 : i32, i32
  }
  func.func @transform_7(%arg0: i32) -> i32 {
    %c0_i32 = arith.constant 0 : i32
    %c0_i32_0 = arith.constant 0 : i32
    return %c0_i32 : i32
  }
  func.func @transform_8(%arg0: i32) -> (i32, i32) {
    %c0_i32 = arith.constant 0 : i32
    %c0_i32_0 = arith.constant 0 : i32
    return %arg0, %c0_i32 : i32, i32
  }
}

</mosaic_0001>

<sc_bundles>
// kernel: kernel.11.cloned.1.call-start
scs
__scs_entry_jumppad:
0x0: {  	(pc) =	sbr.rel $0x88, $3  }
0x1: {  	(tag) =	ssettag $0x0;
	lr =	simm.s32 $0x1  }
0x2: {  	[smem:$0x3F97] =	sst lr;
	_ =	strace $0xD0000000  }
0x3: {  	_ = 	snop  }
0x4: {  	_ = 	snop  }
0x5: {  	_ = 	snop  }
0x6: {  	_ = 	snop  }
0x7: {  	_ = 	snop  }
__scs_overlays_trampoline_lowered:
0x8: {  	[smem:$0x3FA6] =	sst s0  }
0x9: {  	[smem:$0x3FA7] =	sst s1  }
0xa: {  	[smem:$0x3FA8] =	sst s2  }
0xb: {  	[smem:$0x3FA9] =	sst s3  }
0xc: {  	[smem:$0x3FAA] =	sst s4  }
0xd: {  	[smem:$0x3FAB] =	sst s5  }
0xe: {  	[smem:$0x3FAC] =	sst s6  }
0xf: {  	[smem:$0x3FAD] =	sst s7  }
0x10: {  	[smem:$0x3FAE] =	sst s8  }
0x11: {  	[smem:$0x3FAF] =	sst s9;
	s0 =	simm.s32 @!p0 $0x0  }
0x12: {  	s1 =	sld [smem:$0x3F95];
	s0 =	simm.s32 @p0 $0x1  }
0x13: {  	[smem:$0x3FB0] =	sst s0;
	s0 =	simm.s32 @!p1 $0x0  }
0x14: {  	s2 =	sld [smem:$0x3F94];
	s0 =	simm.s32 @p1 $0x1  }
0x15: {  	[smem:$0x3FB1] =	sst s0;
	s0 =	simm.s32 @!p2 $0x0  }
0x16: {  	s3 =	sld [smem:$0x3FDB];
	s0 =	simm.s32 @p2 $0x1  }
0x17: {  	s4 =	simm.s32 $0x1BF5;
	[smem:$0x3FB3] =	sst s0  }
0x18: {  	s0 =	sld [smem:$0x3F96];
	_ =	swait.ge [sflag:s4], $0x0  }
0x19: {  	s7 =	sld [smem:$0x3F97]  }
0x1a: {  	s8 =	sadd.s32 $0xFFFFE003, lr  }
0x1b: {  	s9 =	sadd.s32 $0xFFFFFEF7, lr;
	s5 =	simm.s32 $0xFFFFFFFF;
	p2 =	slt.u32 s8, $0xFFFFF086  }
0x1c: {  	p1 =	slt.u32 s9, $0xF7A;
	s5 =	simm.s32 @!p2 $0x0  }
0x1d: {  	s5 =	simm.s32 @p1 $0x1;
	p0 =	seq.s32 s7, s2  }
0x1e: {  	s7 =	smul.u32 @!p0 $0xF7A, s2;
	p2 =	seq.s32 @!p0 s5, $0x0  }
0x1f: {  	s9 =	smul.u32 $0xF7A, s1;
	s8 =	simm.s32 @!p0 $0x1BF5;
	p2 =	por !p2, p0  }
0x20: {  	[sflag:s8] =	ssyncset.s32 @!p0 $0xFFFFF086;
	s6 =	sadd.s32 @!p0 s3, s7;
	s7 =	simm.s32 @!p0 $0x108  }
0x21: {  	s3 =	sadd.s32 s3, s9;
	s6 =	sadd.s32 @!p0 $0x88, s6;
	s7 =	simm.s32 @p2 $0x1082  }
0x22: {  	[simem:s7], [sflag:s8] =	dma.local @!p0 [hbm:s6], $0xF7A  }
0x23: {  	s9 =	sor.u32 $0xD0000000, s2;
	s6 =	simm.s32 $0x108;
	_ =	swait.ge @!p0 [sflag:s8], $0x0  }
0x24: {  	s3 =	sadd.s32 $0x88, s3;
	s6 =	simm.s32 @!p1 $0x1082;
	[sflag:s4] =	ssyncset.s32 $0xFFFFF086  }
0x25: {  	[simem:s6], [sflag:s4] =	dma.local [hbm:s3], $0xF7A  }
0x26: {  	[smem:$0x3F97] =	sst s1;
	(tag) =	ssettag s2;
	_ =	strace s9  }
0x27: {  	s1 =	sld [smem:$0x3FA7]  }
0x28: {  	s2 =	sld [smem:$0x3FA8]  }
0x29: {  	s4 =	sld [smem:$0x3FAA]  }
0x2a: {  	p0 =	seq.s32 s5, $0x0;
	s5 =	sld [smem:$0x3FAB]  }
0x2b: {  	s6 =	sld [smem:$0x3FAC]  }
0x2c: {  	s7 =	sld [smem:$0x3FAD]  }
0x2d: {  	s3 =	simm.s32 $0x108;
	s8 =	sld [smem:$0x3FAE]  }
0x2e: {  	s3 =	simm.s32 @!p0 $0x1082;
	s9 =	sld [smem:$0x3FAF]  }
0x2f: {  	lr =	sadd.s32 s0, s3;
	s0 =	sld [smem:$0x3FA6]  }
0x30: {  	s3 =	sld [smem:$0x3FA9]  }
0x31: {  	[smem:$0x3FB2] =	sst s10  }
0x32: {  	s10 =	sld [smem:$0x3FB0];
	_ =	sdelay $0x3  }
0x33: {  	p0 =	seq.s32 s10, $0x1;
	s10 =	sld [smem:$0x3FB2];
	_ =	sdelay $0x3  }
0x34: {  	[smem:$0x3FB2] =	sst s10  }
0x35: {  	s10 =	sld [smem:$0x3FB1];
	_ =	sdelay $0x3  }
0x36: {  	p1 =	seq.s32 s10, $0x1;
	s10 =	sld [smem:$0x3FB2];
	_ =	sdelay $0x3  }
0x37: {  	[smem:$0x3FB2] =	sst s10  }
0x38: {  	s10 =	sld [smem:$0x3FB3]  }
0x39: {  	_ = 	snop;
	(pc) =	sbr.ind lr, $3  }
0x3a: {  	_ = 	snop  }
0x3b: {  	_ = 	snop  }
0x3c: {  	p2 =	seq.s32 s10, $0x1;
	s10 =	sld [smem:$0x3FB2]  }
0x3d: {  	_ =	shalt  }
0x3e: {  	_ =	shalt  }
0x3f: {  	_ =	shalt  }
0x40: {  	_ =	shalt  }
0x41: {  	_ =	shalt  }
0x42: {  	_ =	shalt  }
0x43: {  	_ =	shalt  }
0x44: {  	_ =	shalt  }
0x45: {  	_ =	shalt  }
0x46: {  	_ =	shalt  }
0x47: {  	_ =	shalt  }
0x48: {  	_ =	shalt  }
0x49: {  	_ =	shalt  }
0x4a: {  	_ =	shalt  }
0x4b: {  	_ =	shalt  }
0x4c: {  	_ =	shalt  }
0x4d: {  	_ =	shalt  }
0x4e: {  	_ =	shalt  }
0x4f: {  	_ =	shalt  }
0x50: {  	_ =	shalt  }
0x51: {  	_ =	shalt  }
0x52: {  	_ =	shalt  }
0x53: {  	_ =	shalt  }
0x54: {  	_ =	shalt  }
0x55: {  	_ =	shalt  }
0x56: {  	_ =	shalt  }
0x57: {  	_ =	shalt  }
0x58: {  	_ =	shalt  }
0x59: {  	_ =	shalt  }
0x5a: {  	_ =	shalt  }
0x5b: {  	_ =	shalt  }
0x5c: {  	_ =	shalt  }
0x5d: {  	_ =	shalt  }
0x5e: {  	_ =	shalt  }
0x5f: {  	_ =	shalt  }
0x60: {  	_ =	shalt  }
0x61: {  	_ =	shalt  }
0x62: {  	_ =	shalt  }
0x63: {  	_ =	shalt  }
0x64: {  	_ =	shalt  }
0x65: {  	_ =	shalt  }
0x66: {  	_ =	shalt  }
0x67: {  	_ =	shalt  }
0x68: {  	_ =	shalt  }
0x69: {  	_ =	shalt  }
0x6a: {  	_ =	shalt  }
0x6b: {  	_ =	shalt  }
0x6c: {  	_ =	shalt  }
0x6d: {  	_ =	shalt  }
0x6e: {  	_ =	shalt  }
0x6f: {  	_ =	shalt  }
0x70: {  	_ =	shalt  }
0x71: {  	_ =	shalt  }
0x72: {  	_ =	shalt  }
0x73: {  	_ =	shalt  }
0x74: {  	_ =	shalt  }
0x75: {  	_ =	shalt  }
0x76: {  	_ =	shalt  }
0x77: {  	_ =	shalt  }
0x78: {  	_ =	shalt  }
0x79: {  	_ =	shalt  }
0x7a: {  	_ =	shalt  }
0x7b: {  	_ =	shalt  }
0x7c: {  	_ =	shalt  }
0x7d: {  	_ =	shalt  }
0x7e: {  	_ =	shalt  }
0x7f: {  	_ =	shalt  }
0x80: {  	_ =	shalt  }
0x81: {  	_ =	shalt  }
0x82: {  	_ =	shalt  }
0x83: {  	_ =	shalt  }
0x84: {  	_ =	shalt  }
0x85: {  	_ =	shalt  }
0x86: {  	_ =	shalt  }
0x87: {  	_ =	shalt  }
.Lfunc_end0:
.L_simem_size_0:
called_computation.1_lowered:
.L_overlay_start_0:
0x88: {  	s2 =	sld [smem:$0x3FD9]  }
0x89: {  	s3 =	sld [smem:$0x3FFE];
	_ =	sdelay $0x1  }
0x8a: {  	s1 =	srdreg.scid  }
0x8b: {  	s0 =	sand.u32 $0x1, s1  }
0x8c: {  	s17 =	sshll.u32 s0, $0xA;
	s2 =	sadd.s32 s3, s2  }
0x8d: {  	s2 =	sadd.s32 s2, s17  }
0x8e: {  	[smem:$0x3FBE] =	sst s2  }
0x8f: {  	_ = 	snop  }
0x90: {  	s2 =	sld [smem:$0x3FD0];
	(tm) =	ssettm $0x1  }
0x91: {  	s18 =	sld [smem:$0x3FFB];
	_ =	sdelay $0x3  }
0x92: {  	_ =	strace s18  }
0x93: {  	s3 =	sld [smem:$0x3FFC];
	_ =	sdelay $0x3  }
0x94: {  	_ =	strace s3  }
0x95: {  	s3 =	sld [smem:$0x3FFD];
	_ =	sdelay $0x3  }
0x96: {  	_ =	strace s3  }
0x97: {  	_ =	strace $0x8FFFFFFF  }
0x98: {  	s19 =	sld [smem:$0x3FDB];
	_ =	sdelay $0x1  }
0x99: {  	s4 =	simm.s32 $_scs_section_size  }
0x9a: {  	s5 =	simm.s32 $_size__tile_overlayer_lowered;
	s6 =	simm.s32 $_tile_overlayer_lowered  }
0x9b: {  	s22 =	simm.s32 $0x1BFF;
	s21 =	sshll.u32 s6, $0x1;
	s3 =	sadd.s32 s4, s19  }
0x9c: {  	s7 =	simm.s32 $0x0;
	s20 =	sshll.u32 s5, $0x1;
	s5 =	sadd.s32 s21, s3  }
0x9d: {  	[timem:s7], [sflag:s22] =	dma.local [hbm:s5], s20  }
0x9e: {  	_ =	swait.ge [sflag:s22], s20  }
0x9f: {  	s4 =	ssub.s32 $0x0, s20;
	[sflag:s22] =	ssyncset.done $0x0  }
0xa0: {  	[sflag:s22] =	ssyncadd.s32 s4;
	_ =	sdelay $0x1  }
0xa1: {  	s23 =	simm.s32 $0x1B8B  }
0xa2: {  	_ =	swait.ge [sflag:s23], $0x1  }
0xa3: {  	[sflag:s23] =	ssyncset.done $0x0  }
0xa4: {  	s25 =	simm.s32 $0x1B8E;
	s24 =	sld [smem:$0x3FFE];
	[sflag:s23] =	ssyncadd.s32 $0xFFFFFFFF  }
0xa5: {  	s26 =	simm.s32 $execute0_lowered;
	[smem:$0x3FD2] =	sst s25  }
0xa6: {  	s5 =	sshll.u32 s26, $0x1;
	_ =	strace $0x80000049;
	[dreg:$0x1] =	wrdreg $0xFFFFFFFF  }
0xa7: {  	s28 =	simm.s32 $_size_execute0_lowered;
	s3 =	sadd.s32 s3, s5;
	[dreg:$0x0] =	wrdreg $0x0  }
0xa8: {  	s5 =	sshll.u32 s28, $0x1;
	[dreg:$0x2] =	wrdreg s3  }
0xa9: {  	[dreg:$0x3] =	wrdreg s5  }
0xaa: {  	[dreg:$0x4] =	wrdreg $0xC0  }
0xab: {  	_ =	task [dreg:s7], $0x5FFFF  }
0xac: {  	[dreg:$0x1] =	wrdreg $0xFFFFFFFF  }
0xad: {  	[dreg:$0x0] =	wrdreg $0x60  }
0xae: {  	[dreg:$0x2] =	wrdreg s24  }
0xaf: {  	[dreg:$0x3] =	wrdreg s2  }
0xb0: {  	[dreg:$0x4] =	wrdreg $0x93000  }
0xb1: {  	[dreg:$0x5] =	wrdreg $0x9  }
0xb2: {  	_ =	task.clear_ibuf [dreg:s7], $0x6FFFF;
	_ =	strace $0x90000049  }
0xb3: {  	s29 =	simm.s32 $0x9;
	_ =	strace $0x8000004B  }
0xb4: {  	_ =	swait.ge [sflag:s29], $0x1  }
0xb5: {  	[sflag:s29] =	ssyncadd.s32 $0xFFFFFFFF  }
0xb6: {  	_ =	strace $0x9000004B  }
0xb7: {  	_ =	sfence  }
0xb8: {  	s30 =	sld [smem:$0x0];
	_ =	sdelay $0x2  }
0xb9: {  	s31 =	sshll.u32 s1, $0xD;
	s1 =	sshrl.u32 s1, $0x2  }
0xba: {  	s3 =	sand.u32 $0x4000, s31;
	s1 =	sadd.s32 s1, s30  }
0xbb: {  	s0 =	sor.u32 s3, s0;
	s1 =	sshll.u32 s1, $0x11  }
0xbc: {  	s0 =	sor.u32 s1, s0  }
0xbd: {  	s0 =	sadd.s32 $0x8F2B, s0  }
0xbe: {  	[sflag:s0] =	ssyncadd.remote.s32 $0x1  }
0xbf: {  	_ =	sfence.sel $0xFFFF  }
0xc0: {  	[dreg:$0x0] =	wrdreg $0xFFFFFFFF;
	(pc) =	sbr.abs _section_cstart, $3  }
0xc1: {  	[dreg:$0x1] =	wrdreg $0xFFFFFFFF  }
0xc2: {  	_ =	task.clear_ibuf [dreg:s7], $0x2FFFF;
	_ =	strace $0x9FFFFFFF  }
0xc3: {  	(tm) =	ssettm $0x7FFFFFFF  }
tec
execute0_lowered:
.L_overlay_start_1:
0x0: {  	(tag) =	ssettag $0x1  }
0x1: {  	s0 =	srdreg.scid  }
0x2: {  	s3 =	rddreg [dreg:$0x0];
	s23 =	stileid.u32;
	s1 =	simm.s32 $0x0  }
0x3: {  	s2 =	sand.u32 $0x1, s0;
	s20 =	smul.u32 $0x14000, s23;
	[smem:$0x7FF] =	sst s1  }
0x4: {  	s19 =	sadd.s32 $0x74800, s3;
	s22 =	sshll.u32 s23, $0xF;
	s0 =	ssub.s32 $0x2, s2  }
0x5: {  	s21 =	smul.u32 $0x140000, s2;
	s2 =	sshll.u32 s2, $0x13;
	s4 =	sshrl.u32 s0, $0x1  }
0x6: {  	s5 =	sor.u32 $0x2800, s20;
	s6 =	sor.u32 $0x3C00, s20;
	s7 =	sadd.s32 $0x5000, s20  }
0x7: {  	s8 =	sadd.s32 $0x6400, s20;
	s9 =	sadd.s32 $0x7800, s20;
	s10 =	sadd.s32 $0x8C00, s20  }
0x8: {  	s26 =	sadd.s32 $0xA000, s20;
	s12 =	sadd.s32 $0xB400, s20;
	s13 =	sadd.s32 $0xC800, s20  }
0x9: {  	s14 =	sadd.s32 $0xDC00, s20;
	s15 =	sadd.s32 $0xF000, s20;
	s30 =	sadd.s32 $0x10400, s20  }
0xa: {  	s16 =	sadd.s32 $0x11800, s20;
	s17 =	sadd.s32 $0x12C00, s20;
	s2 =	sor.u32 s22, s2  }
0xb: {  	s0 =	ssub.s32 s0, s4;
	s4 =	sor.u32 $0x1400, s20;
	s20 =	sadd.s32 s20, s21  }
0xc: {  	s18 =	sadd.s32 s21, s6;
	[smem:$0x7F3] =	sst s0;
	s20 =	sshrl.u32 s20, $0x3  }
0xd: {  	s24 =	sadd.s32 s21, s4;
	s0 =	sadd.s32 s21, s5;
	s22 =	sshrl.u32 s18, $0x3  }
0xe: {  	s18 =	sadd.s32 s21, s9;
	s20 =	sadd.s32 s19, s20;
	s25 =	sshrl.u32 s24, $0x3  }
0xf: {  	s11 =	sshrl.u32 s0, $0x3;
	s24 =	sadd.s32 s21, s7;
	s0 =	sadd.s32 s21, s8  }
0x10: {  	[dreg:$0x4] =	wrdreg s20;
	s20 =	sadd.s32 s19, s25;
	s25 =	sshrl.u32 s24, $0x3  }
0x11: {  	s24 =	sadd.s32 s21, s10;
	[dreg:$0x5] =	wrdreg s20;
	s20 =	sadd.s32 s19, s11  }
0x12: {  	s11 =	sshrl.u32 s0, $0x3;
	s0 =	sadd.s32 s21, s26;
	[dreg:$0x6] =	wrdreg s20  }
0x13: {  	s20 =	sadd.s32 s19, s22;
	s22 =	sshrl.u32 s18, $0x3;
	s18 =	sadd.s32 s21, s12  }
0x14: {  	[dreg:$0x7] =	wrdreg s20;
	s20 =	sadd.s32 s19, s25;
	s25 =	sshrl.u32 s24, $0x3  }
0x15: {  	s24 =	sadd.s32 s21, s13;
	[dreg:$0x8] =	wrdreg s20;
	s20 =	sadd.s32 s19, s11  }
0x16: {  	s11 =	sshrl.u32 s0, $0x3;
	s0 =	sadd.s32 s21, s14;
	[dreg:$0x9] =	wrdreg s20  }
0x17: {  	s20 =	sadd.s32 s19, s22;
	s22 =	sshrl.u32 s18, $0x3;
	s18 =	sadd.s32 s21, s15  }
0x18: {  	[dreg:$0xa] =	wrdreg s20;
	s20 =	sadd.s32 s19, s25;
	s25 =	sshrl.u32 s24, $0x3  }
0x19: {  	s24 =	sshrl.u32 s18, $0x3;
	[dreg:$0xb] =	wrdreg s20;
	s20 =	sadd.s32 s19, s11  }
0x1a: {  	s11 =	sshrl.u32 s0, $0x3;
	[dreg:$0xc] =	wrdreg s20;
	s20 =	sadd.s32 s19, s22  }
0x1b: {  	[dreg:$0xd] =	wrdreg s20;
	s20 =	sadd.s32 s19, s25;
	s25 =	sadd.s32 s21, s30  }
0x1c: {  	[dreg:$0xe] =	wrdreg s20;
	s20 =	sadd.s32 s19, s11;
	s0 =	sshrl.u32 s25, $0x3  }
0x1d: {  	s11 =	sadd.s32 s21, s16;
	[dreg:$0xf] =	wrdreg s20;
	s20 =	sadd.s32 s19, s24  }
0x1e: {  	s18 =	sshrl.u32 s11, $0x3;
	[dreg:$0x10] =	wrdreg s20;
	s20 =	sadd.s32 s19, s0  }
0x1f: {  	s21 =	sadd.s32 s21, s17;
	[dreg:$0x11] =	wrdreg s20;
	s20 =	sadd.s32 s19, s18  }
0x20: {  	s21 =	sshrl.u32 s21, $0x3;
	[dreg:$0x12] =	wrdreg s20  }
0x21: {  	s19 =	sadd.s32 s19, s21;
	s20 =	rddreg [dreg:$0x2]  }
0x22: {  	[dreg:$0x13] =	wrdreg s19;
	s11 =	sadd.s32 s6, s20  }
0x23: {  	_ =	strace $0x8000004A;
	s7 =	sadd.s32 s7, s20;
	[dreg:$0x17] =	wrdreg s11  }
0x24: {  	s28 =	sadd.s32 s8, s20;
	[dreg:$0x18] =	wrdreg s7  }
0x25: {  	s25 =	smul.u32 $0x50000, s23;
	s31 =	sadd.s32 s9, s20;
	[dreg:$0x19] =	wrdreg s28  }
0x26: {  	s0 =	sadd.s32 s10, s20;
	[dreg:$0x1a] =	wrdreg s31  }
0x27: {  	s21 =	sshrl.u32 s25, $0x2;
	s18 =	sadd.s32 s26, s20;
	[dreg:$0x1b] =	wrdreg s0  }
0x28: {  	s25 =	sadd.s32 s4, s20;
	s4 =	sadd.s32 s12, s20;
	[dreg:$0x1c] =	wrdreg s18  }
0x29: {  	s6 =	sadd.s32 s13, s20;
	[dreg:$0x1d] =	wrdreg s4  }
0x2a: {  	s22 =	sadd.s32 $0x4D600, s3;
	s8 =	sadd.s32 s14, s20;
	[dreg:$0x1e] =	wrdreg s6  }
0x2b: {  	s23 =	sadd.s32 $0x2D600, s3;
	s19 =	sadd.s32 s15, s20;
	[dreg:$0x1f] =	wrdreg s8  }
0x2c: {  	s24 =	sadd.s32 $0xD600, s3;
	s10 =	sadd.s32 s30, s20;
	[smem:$0x7FA] =	sst s19  }
0x2d: {  	s12 =	sshrl.u32 s2, $0x3;
	s29 =	sadd.s32 s17, s20;
	[smem:$0x7FB] =	sst s10  }
0x2e: {  	s21 =	sadd.s32 s21, s20;
	s3 =	sadd.s32 s24, s12;
	[smem:$0x7FD] =	sst s29  }
0x2f: {  	s5 =	sadd.s32 s5, s20;
	s14 =	sadd.s32 s23, s12;
	[smem:$0x7EC] =	sst s3  }
0x30: {  	s17 =	smov.u32 s5;
	s5 =	smov.u32 s21;
	[smem:$0x7F7] =	sst s14  }
0x31: {  	s13 =	smov.u32 s25;
	[dreg:$0x14] =	wrdreg s5  }
0x32: {  	[dreg:$0x15] =	wrdreg s13  }
0x33: {  	s25 =	sadd.s32 s16, s20;
	s15 =	sor.u32 $0x10, s12;
	[dreg:$0x16] =	wrdreg s17  }
0x34: {  	s16 =	sor.u32 $0x20, s12;
	s26 =	sadd.s32 s23, s15;
	[smem:$0x7FC] =	sst s25  }
0x35: {  	s9 =	sor.u32 $0x30, s12;
	s12 =	sadd.s32 s24, s15;
	[smem:$0x7ED] =	sst s26  }
0x36: {  	s15 =	sadd.s32 s23, s16;
	[smem:$0x7EE] =	sst s12  }
0x37: {  	s16 =	sadd.s32 s24, s16;
	[smem:$0x7EF] =	sst s15  }
0x38: {  	[smem:$0x7F0] =	sst s16  }
0x39: {  	s30 =	simm.s32 $0x1B00;
	s21 =	sadd.s32 $0x50, s14;
	s15 =	sld [smem:$0x7F3]  }
0x3a: {  	s26 =	sadd.s32 s23, s9;
	s12 =	sadd.s32 s24, s9;
	[smem:$0x7F6] =	sst s21  }
0x3b: {  	s16 =	sadd.s32 $0x40, s14;
	s9 =	simm.s32 $0x18;
	[smem:$0x7F1] =	sst s26  }
.Ltmp0:
0x3c: {  	s21 =	simm.s32 $0x19;
	[smem:$0x7F2] =	sst s12;
	(pc) =	sbr.rel .LBB2_1-.Ltmp0, $4  }
0x3d: {  	[smem:$0x7F5] =	sst s16;
	s26 =	sadd.s32 $0x60, s14;
	s14 =	simm.s32 $0x700  }
0x3e: {  	s16 =	simm.s32 $0x1;
	[smem:$0x7F8] =	sst s26;
	s3 =	smax.u32 s15, $0x1  }
0x3f: {  	s12 =	simm.s32 $0x2;
	[smem:$0x7F4] =	sst s3;
	s3 =	simm.s32 $0x0  }
0x40: {  	s26 =	simm.s32 $0x28;
	s15 =	simm.s32 $0x1D;
	[smem:$0x7F9] =	sst s3  }
.LBB2_37:
0x41: {  	_ =	swait.ge [sflag:s9], $0x1400  }
0x42: {  	[sflag:s9] =	ssyncset.done $0x0  }
0x43: {  	[sflag:s9] =	ssyncadd.s32 $0xFFFFEC00  }
0x44: {  	_ =	swait.ge [sflag:s21], $0x1400  }
0x45: {  	[sflag:s21] =	ssyncset.done $0x0  }
0x46: {  	s0 =	simm.s32 $0x1A;
	[sflag:s21] =	ssyncadd.s32 $0xFFFFEC00  }
0x47: {  	_ =	swait.ge [sflag:s0], $0x1400  }
0x48: {  	[sflag:s0] =	ssyncset.done $0x0  }
0x49: {  	[sflag:s0] =	ssyncadd.s32 $0xFFFFEC00  }
0x4a: {  	[bflag:$0x0] =	sbarrier.arrive $0xFFFF  }
0x4b: {  	s5 =	rddreg [dreg:$0x14]  }
0x4c: {  	[tilespmem:s14], [sflag:$0x1D] =	stream.linear.gather [spmem:s5], $0x1400, $0x38;
	[tilespmem:$0x1D300] =	vst v63  }
0x4d: {  	_ =	swait.ge [sflag:s15], $0x1400  }
0x4e: {  	[sflag:s15] =	ssyncset.done $0x0  }
0x4f: {  	s3 =	rddreg [dreg:$0x4];
	[sflag:s15] =	ssyncadd.s32 $0xFFFFEC00  }
0x50: {  	[hbm4b:s3+s1] =	stream.linear.scatter [tilespmem:s14], [sflag:$0x1], $0x1400, $0x38;
	[tilespmem:$0x1D300] =	vst v63  }
0x51: {  	s13 =	rddreg [dreg:$0x15]  }
0x52: {  	[tilespmem:s30], [sflag:$0x1D] =	stream.linear.gather [spmem:s13], $0x1400, $0x38;
	[tilespmem:$0x1D300] =	vst v63  }
0x53: {  	_ =	swait.ge [sflag:s15], $0x1400  }
0x54: {  	[sflag:s15] =	ssyncset.done $0x0  }
0x55: {  	s7 =	rddreg [dreg:$0x5];
	[sflag:s15] =	ssyncadd.s32 $0xFFFFEC00  }
0x56: {  	[hbm4b:s7+s1] =	stream.linear.scatter [tilespmem:s30], [sflag:$0x2], $0x1400, $0x38;
	[tilespmem:$0x1D300] =	vst v63  }
0x57: {  	_ =	swait.ge [sflag:s16], $0x1400  }
0x58: {  	[sflag:s16] =	ssyncset.done $0x0  }
0x59: {  	s17 =	rddreg [dreg:$0x16];
	[sflag:s16] =	ssyncadd.s32 $0xFFFFEC00  }
0x5a: {  	[tilespmem:s14], [sflag:$0x1D] =	stream.linear.gather [spmem:s17], $0x1400, $0x38;
	[tilespmem:$0x1D300] =	vst v63  }
0x5b: {  	_ =	swait.ge [sflag:s15], $0x1400  }
0x5c: {  	[sflag:s15] =	ssyncset.done $0x0  }
0x5d: {  	s8 =	rddreg [dreg:$0x6];
	[sflag:s15] =	ssyncadd.s32 $0xFFFFEC00  }
0x5e: {  	[hbm4b:s8+s1] =	stream.linear.scatter [tilespmem:s14], [sflag:$0x1], $0x1400, $0x38;
	[tilespmem:$0x1D300] =	vst v63  }
0x5f: {  	_ =	swait.ge [sflag:s12], $0x1400  }
0x60: {  	[sflag:s12] =	ssyncset.done $0x0  }
0x61: {  	s11 =	rddreg [dreg:$0x17];
	[sflag:s12] =	ssyncadd.s32 $0xFFFFEC00  }
0x62: {  	[tilespmem:s30], [sflag:$0x1D] =	stream.linear.gather [spmem:s11], $0x1400, $0x38;
	[tilespmem:$0x1D300] =	vst v63  }
0x63: {  	_ =	swait.ge [sflag:s15], $0x1400  }
0x64: {  	[sflag:s15] =	ssyncset.done $0x0  }
0x65: {  	s9 =	rddreg [dreg:$0x7];
	[sflag:s15] =	ssyncadd.s32 $0xFFFFEC00  }
0x66: {  	[hbm4b:s9+s1] =	stream.linear.scatter [tilespmem:s30], [sflag:$0x2], $0x1400, $0x38;
	[tilespmem:$0x1D300] =	vst v63  }
0x67: {  	_ =	swait.ge [sflag:s16], $0x1400  }
0x68: {  	[sflag:s16] =	ssyncset.done $0x0  }
0x69: {  	s7 =	rddreg [dreg:$0x18];
	[sflag:s16] =	ssyncadd.s32 $0xFFFFEC00  }
0x6a: {  	[tilespmem:s14], [sflag:$0x1D] =	stream.linear.gather [spmem:s7], $0x1400, $0x38;
	[tilespmem:$0x1D300] =	vst v63  }
0x6b: {  	_ =	swait.ge [sflag:s15], $0x1400  }
0x6c: {  	[sflag:s15] =	ssyncset.done $0x0  }
0x6d: {  	s10 =	rddreg [dreg:$0x8];
	[sflag:s15] =	ssyncadd.s32 $0xFFFFEC00  }
0x6e: {  	[hbm4b:s10+s1] =	stream.linear.scatter [tilespmem:s14], [sflag:$0x1], $0x1400, $0x38;
	[tilespmem:$0x1D300] =	vst v63  }
0x6f: {  	_ =	swait.ge [sflag:s12], $0x1400  }
0x70: {  	[sflag:s12] =	ssyncset.done $0x0  }
0x71: {  	s28 =	rddreg [dreg:$0x19];
	[sflag:s12] =	ssyncadd.s32 $0xFFFFEC00  }
0x72: {  	[tilespmem:s30], [sflag:$0x1D] =	stream.linear.gather [spmem:s28], $0x1400, $0x38;
	[tilespmem:$0x1D300] =	vst v63  }
0x73: {  	_ =	swait.ge [sflag:s15], $0x1400  }
0x74: {  	[sflag:s15] =	ssyncset.done $0x0  }
0x75: {  	s18 =	rddreg [dreg:$0x9];
	[sflag:s15] =	ssyncadd.s32 $0xFFFFEC00  }
0x76: {  	[hbm4b:s18+s1] =	stream.linear.scatter [tilespmem:s30], [sflag:$0x2], $0x1400, $0x38;
	[tilespmem:$0x1D300] =	vst v63  }
0x77: {  	_ =	swait.ge [sflag:s16], $0x1400  }
0x78: {  	[sflag:s16] =	ssyncset.done $0x0  }
0x79: {  	s31 =	rddreg [dreg:$0x1a];
	[sflag:s16] =	ssyncadd.s32 $0xFFFFEC00  }
0x7a: {  	[tilespmem:s14], [sflag:$0x1D] =	stream.linear.gather [spmem:s31], $0x1400, $0x38;
	[tilespmem:$0x1D300] =	vst v63  }
0x7b: {  	_ =	swait.ge [sflag:s15], $0x1400  }
0x7c: {  	[sflag:s15] =	ssyncset.done $0x0  }
0x7d: {  	s19 =	rddreg [dreg:$0xa];
	[sflag:s15] =	ssyncadd.s32 $0xFFFFEC00  }
0x7e: {  	[hbm4b:s19+s1] =	stream.linear.scatter [tilespmem:s14], [sflag:$0x1], $0x1400, $0x38;
	[tilespmem:$0x1D300] =	vst v63  }
0x7f: {  	_ =	swait.ge [sflag:s12], $0x1400  }
0x80: {  	[sflag:s12] =	ssyncset.done $0x0  }
0x81: {  	s0 =	rddreg [dreg:$0x1b];
	[sflag:s12] =	ssyncadd.s32 $0xFFFFEC00  }
0x82: {  	[tilespmem:s30], [sflag:$0x1D] =	stream.linear.gather [spmem:s0], $0x1400, $0x38;
	[tilespmem:$0x1D300] =	vst v63  }
0x83: {  	_ =	swait.ge [sflag:s15], $0x1400  }
0x84: {  	[sflag:s15] =	ssyncset.done $0x0  }
0x85: {  	s25 =	rddreg [dreg:$0xb];
	[sflag:s15] =	ssyncadd.s32 $0xFFFFEC00  }
0x86: {  	[hbm4b:s25+s1] =	stream.linear.scatter [tilespmem:s30], [sflag:$0x2], $0x1400, $0x38;
	[tilespmem:$0x1D300] =	vst v63  }
0x87: {  	_ =	swait.ge [sflag:s16], $0x1400  }
0x88: {  	[sflag:s16] =	ssyncset.done $0x0  }
0x89: {  	s18 =	rddreg [dreg:$0x1c];
	[sflag:s16] =	ssyncadd.s32 $0xFFFFEC00  }
0x8a: {  	[tilespmem:s14], [sflag:$0x1D] =	stream.linear.gather [spmem:s18], $0x1400, $0x38;
	[tilespmem:$0x1D300] =	vst v63  }
0x8b: {  	_ =	swait.ge [sflag:s15], $0x1400  }
0x8c: {  	[sflag:s15] =	ssyncset.done $0x0  }
0x8d: {  	s4 =	rddreg [dreg:$0xc];
	[sflag:s15] =	ssyncadd.s32 $0xFFFFEC00  }
0x8e: {  	[hbm4b:s4+s1] =	stream.linear.scatter [tilespmem:s14], [sflag:$0x1], $0x1400, $0x38;
	[tilespmem:$0x1D300] =	vst v63  }
0x8f: {  	_ =	swait.ge [sflag:s12], $0x1400  }
0x90: {  	[sflag:s12] =	ssyncset.done $0x0  }
0x91: {  	s4 =	rddreg [dreg:$0x1d];
	[sflag:s12] =	ssyncadd.s32 $0xFFFFEC00  }
0x92: {  	[tilespmem:s30], [sflag:$0x1D] =	stream.linear.gather [spmem:s4], $0x1400, $0x38;
	[tilespmem:$0x1D300] =	vst v63  }
0x93: {  	_ =	swait.ge [sflag:s15], $0x1400  }
0x94: {  	[sflag:s15] =	ssyncset.done $0x0  }
0x95: {  	s6 =	rddreg [dreg:$0xd];
	[sflag:s15] =	ssyncadd.s32 $0xFFFFEC00  }
0x96: {  	[hbm4b:s6+s1] =	stream.linear.scatter [tilespmem:s30], [sflag:$0x2], $0x1400, $0x38;
	[tilespmem:$0x1D300] =	vst v63  }
0x97: {  	_ =	swait.ge [sflag:s16], $0x1400  }
0x98: {  	[sflag:s16] =	ssyncset.done $0x0  }
0x99: {  	s6 =	rddreg [dreg:$0x1e];
	[sflag:s16] =	ssyncadd.s32 $0xFFFFEC00  }
0x9a: {  	[tilespmem:s14], [sflag:$0x1D] =	stream.linear.gather [spmem:s6], $0x1400, $0x38;
	[tilespmem:$0x1D300] =	vst v63  }
0x9b: {  	_ =	swait.ge [sflag:s15], $0x1400  }
0x9c: {  	[sflag:s15] =	ssyncset.done $0x0  }
0x9d: {  	s8 =	rddreg [dreg:$0xe];
	[sflag:s15] =	ssyncadd.s32 $0xFFFFEC00  }
0x9e: {  	[hbm4b:s8+s1] =	stream.linear.scatter [tilespmem:s14], [sflag:$0x1], $0x1400, $0x38;
	[tilespmem:$0x1D300] =	vst v63  }
0x9f: {  	_ =	swait.ge [sflag:s12], $0x1400  }
0xa0: {  	[sflag:s12] =	ssyncset.done $0x0  }
0xa1: {  	s8 =	rddreg [dreg:$0x1f];
	[sflag:s12] =	ssyncadd.s32 $0xFFFFEC00  }
0xa2: {  	[tilespmem:s30], [sflag:$0x1D] =	stream.linear.gather [spmem:s8], $0x1400, $0x38;
	[tilespmem:$0x1D300] =	vst v63  }
0xa3: {  	_ =	swait.ge [sflag:s15], $0x1400  }
0xa4: {  	[sflag:s15] =	ssyncset.done $0x0  }
0xa5: {  	s9 =	rddreg [dreg:$0xf];
	[sflag:s15] =	ssyncadd.s32 $0xFFFFEC00  }
0xa6: {  	[hbm4b:s9+s1] =	stream.linear.scatter [tilespmem:s30], [sflag:$0x2], $0x1400, $0x38;
	[tilespmem:$0x1D300] =	vst v63  }
0xa7: {  	_ =	swait.ge [sflag:s16], $0x1400  }
0xa8: {  	s19 =	sld [smem:$0x7FA]  }
0xa9: {  	[sflag:s16] =	ssyncset.done $0x0  }
0xaa: {  	[sflag:s16] =	ssyncadd.s32 $0xFFFFEC00  }
0xab: {  	[tilespmem:s14], [sflag:$0x1D] =	stream.linear.gather [spmem:s19], $0x1400, $0x38;
	[tilespmem:$0x1D300] =	vst v63  }
0xac: {  	_ =	swait.ge [sflag:s15], $0x1400  }
0xad: {  	[sflag:s15] =	ssyncset.done $0x0  }
0xae: {  	s10 =	rddreg [dreg:$0x10];
	[sflag:s15] =	ssyncadd.s32 $0xFFFFEC00  }
0xaf: {  	[hbm4b:s10+s1] =	stream.linear.scatter [tilespmem:s14], [sflag:$0x1], $0x1400, $0x38;
	[tilespmem:$0x1D300] =	vst v63  }
0xb0: {  	_ =	swait.ge [sflag:s12], $0x1400  }
0xb1: {  	s10 =	sld [smem:$0x7FB]  }
0xb2: {  	[sflag:s12] =	ssyncset.done $0x0  }
0xb3: {  	[sflag:s12] =	ssyncadd.s32 $0xFFFFEC00  }
0xb4: {  	[tilespmem:s30], [sflag:$0x1D] =	stream.linear.gather [spmem:s10], $0x1400, $0x38;
	[tilespmem:$0x1D300] =	vst v63  }
0xb5: {  	_ =	swait.ge [sflag:s15], $0x1400  }
0xb6: {  	[sflag:s15] =	ssyncset.done $0x0  }
0xb7: {  	s25 =	rddreg [dreg:$0x11];
	[sflag:s15] =	ssyncadd.s32 $0xFFFFEC00  }
0xb8: {  	[hbm4b:s25+s1] =	stream.linear.scatter [tilespmem:s30], [sflag:$0x2], $0x1400, $0x38;
	[tilespmem:$0x1D300] =	vst v63  }
0xb9: {  	_ =	swait.ge [sflag:s16], $0x1400  }
0xba: {  	s25 =	sld [smem:$0x7FC]  }
0xbb: {  	[sflag:s16] =	ssyncset.done $0x0  }
0xbc: {  	[sflag:s16] =	ssyncadd.s32 $0xFFFFEC00  }
0xbd: {  	[tilespmem:s14], [sflag:$0x1D] =	stream.linear.gather [spmem:s25], $0x1400, $0x38;
	[tilespmem:$0x1D300] =	vst v63  }
0xbe: {  	_ =	swait.ge [sflag:s15], $0x1400  }
0xbf: {  	[sflag:s15] =	ssyncset.done $0x0  }
0xc0: {  	s9 =	rddreg [dreg:$0x12];
	[sflag:s15] =	ssyncadd.s32 $0xFFFFEC00  }
0xc1: {  	[hbm4b:s9+s1] =	stream.linear.scatter [tilespmem:s14], [sflag:$0x1], $0x1400, $0x38;
	[tilespmem:$0x1D300] =	vst v63  }
0xc2: {  	_ =	swait.ge [sflag:s12], $0x1400  }
0xc3: {  	s29 =	sld [smem:$0x7FD]  }
0xc4: {  	[sflag:s12] =	ssyncset.done $0x0  }
0xc5: {  	[sflag:s12] =	ssyncadd.s32 $0xFFFFEC00  }
0xc6: {  	[tilespmem:s30], [sflag:$0x1D] =	stream.linear.gather [spmem:s29], $0x1400, $0x38;
	[tilespmem:$0x1D300] =	vst v63  }
0xc7: {  	_ =	swait.ge [sflag:s15], $0x1400  }
0xc8: {  	[sflag:s15] =	ssyncset.done $0x0  }
0xc9: {  	s9 =	rddreg [dreg:$0x13];
	[sflag:s15] =	ssyncadd.s32 $0xFFFFEC00  }
0xca: {  	[hbm4b:s9+s1] =	stream.linear.scatter [tilespmem:s30], [sflag:$0x2], $0x1400, $0x38;
	[tilespmem:$0x1D300] =	vst v63  }
0xcb: {  	_ =	swait.ge [sflag:s16], $0x1400  }
0xcc: {  	[sflag:s16] =	ssyncset.done $0x0  }
0xcd: {  	[sflag:s16] =	ssyncadd.s32 $0xFFFFEC00  }
0xce: {  	_ =	swait.ge [sflag:s12], $0x1400  }
0xcf: {  	s3 =	sld [smem:$0x7F9];
	_ =	sdelay $0x2  }
0xd0: {  	s9 =	sadd.s32 $0x1, s3;
	s3 =	sld [smem:$0x7F4];
	_ =	sdelay $0x2  }
0xd1: {  	p0 =	sne.s32 s9, s3  }
.Ltmp1:
0xd2: {  	_ = 	snop;
	(pc) =	sbr.rel @!p0 .LBB2_38-.Ltmp1, $3  }
0xd3: {  	_ =	sdelay $0x1  }
0xd4: {  	[sflag:s12] =	ssyncset.done $0x0  }
0xd5: {  	[sflag:s12] =	ssyncadd.s32 $0xFFFFEC00;
	[smem:$0x7F9] =	sst s9;
	s9 =	simm.s32 $0x18  }
.LBB2_1:
0xd6: {  	s3 =	rddreg [dreg:$0x1]  }
0xd7: {  	[tilespmem:s14], [sflag:$0x1D] =	stream.linear.gather [hbm4b:s3+s1], $0x1400, $0x38;
	[tilespmem:$0x1D300] =	vst v63  }
0xd8: {  	_ =	swait.ge [sflag:s15], $0x1400  }
0xd9: {  	[sflag:s15] =	ssyncset.done $0x0  }
0xda: {  	[sflag:s15] =	ssyncadd.s32 $0xFFFFEC00  }
0xdb: {  	[spmem:s5] =	stream.linear.scatter [tilespmem:s14], [sflag:$0x1], $0x1400, $0x38;
	[tilespmem:$0x1D300] =	vst v63  }
0xdc: {  	_ = 	snop  }
0xdd: {  	[spmem:s13] =	stream.linear.scatter [tilespmem:s14], [sflag:$0x1], $0x1400, $0x38;
	[tilespmem:$0x1D300] =	vst v63  }
0xde: {  	_ = 	snop  }
0xdf: {  	[spmem:s17] =	stream.linear.scatter [tilespmem:s14], [sflag:$0x1], $0x1400, $0x38;
	[tilespmem:$0x1D300] =	vst v63  }
0xe0: {  	_ = 	snop  }
0xe1: {  	[spmem:s11] =	stream.linear.scatter [tilespmem:s14], [sflag:$0x1], $0x1400, $0x38;
	[tilespmem:$0x1D300] =	vst v63  }
0xe2: {  	_ = 	snop  }
0xe3: {  	[spmem:s7] =	stream.linear.scatter [tilespmem:s14], [sflag:$0x1], $0x1400, $0x38;
	[tilespmem:$0x1D300] =	vst v63  }
0xe4: {  	_ = 	snop  }
0xe5: {  	[spmem:s28] =	stream.linear.scatter [tilespmem:s14], [sflag:$0x1], $0x1400, $0x38;
	[tilespmem:$0x1D300] =	vst v63  }
0xe6: {  	_ = 	snop  }
0xe7: {  	[spmem:s31] =	stream.linear.scatter [tilespmem:s14], [sflag:$0x1], $0x1400, $0x38;
	[tilespmem:$0x1D300] =	vst v63  }
0xe8: {  	_ = 	snop  }
0xe9: {  	[spmem:s0] =	stream.linear.scatter [tilespmem:s14], [sflag:$0x1], $0x1400, $0x38;
	[tilespmem:$0x1D300] =	vst v63  }
0xea: {  	_ = 	snop  }
0xeb: {  	[spmem:s18] =	stream.linear.scatter [tilespmem:s14], [sflag:$0x1], $0x1400, $0x38;
	[tilespmem:$0x1D300] =	vst v63  }
0xec: {  	_ = 	snop  }
0xed: {  	[spmem:s4] =	stream.linear.scatter [tilespmem:s14], [sflag:$0x1], $0x1400, $0x38;
	[tilespmem:$0x1D300] =	vst v63  }
0xee: {  	_ = 	snop  }
0xef: {  	[spmem:s6] =	stream.linear.scatter [tilespmem:s14], [sflag:$0x1], $0x1400, $0x38;
	[tilespmem:$0x1D300] =	vst v63  }
0xf0: {  	_ = 	snop  }
0xf1: {  	[spmem:s8] =	stream.linear.scatter [tilespmem:s14], [sflag:$0x1], $0x1400, $0x38;
	[tilespmem:$0x1D300] =	vst v63  }
0xf2: {  	_ = 	snop  }
0xf3: {  	[spmem:s19] =	stream.linear.scatter [tilespmem:s14], [sflag:$0x1], $0x1400, $0x38;
	[tilespmem:$0x1D300] =	vst v63  }
0xf4: {  	_ = 	snop  }
0xf5: {  	[spmem:s10] =	stream.linear.scatter [tilespmem:s14], [sflag:$0x1], $0x1400, $0x38;
	[tilespmem:$0x1D300] =	vst v63  }
0xf6: {  	_ = 	snop  }
0xf7: {  	[spmem:s25] =	stream.linear.scatter [tilespmem:s14], [sflag:$0x1], $0x1400, $0x38;
	[tilespmem:$0x1D300] =	vst v63  }
0xf8: {  	_ = 	snop  }
0xf9: {  	[spmem:s29] =	stream.linear.scatter [tilespmem:s14], [sflag:$0x1], $0x1400, $0x38;
	[tilespmem:$0x1D300] =	vst v63  }
0xfa: {  	_ =	swait.ge [sflag:s16], $0x1400  }
0xfb: {  	[sflag:s16] =	ssyncset.done $0x0  }
0xfc: {  	[sflag:s16] =	ssyncadd.s32 $0xFFFFEC00  }
0xfd: {  	_ =	swait.ge [sflag:s16], $0x1400  }
0xfe: {  	[sflag:s16] =	ssyncset.done $0x0  }
0xff: {  	[sflag:s16] =	ssyncadd.s32 $0xFFFFEC00  }
0x100: {  	_ =	swait.ge [sflag:s16], $0x1400  }
0x101: {  	[sflag:s16] =	ssyncset.done $0x0  }
0x102: {  	[sflag:s16] =	ssyncadd.s32 $0xFFFFEC00  }
0x103: {  	_ =	swait.ge [sflag:s16], $0x1400  }
0x104: {  	[sflag:s16] =	ssyncset.done $0x0  }
0x105: {  	[sflag:s16] =	ssyncadd.s32 $0xFFFFEC00  }
0x106: {  	_ =	swait.ge [sflag:s16], $0x1400  }
0x107: {  	[sflag:s16] =	ssyncset.done $0x0  }
0x108: {  	[sflag:s16] =	ssyncadd.s32 $0xFFFFEC00  }
0x109: {  	_ =	swait.ge [sflag:s16], $0x1400  }
0x10a: {  	[sflag:s16] =	ssyncset.done $0x0  }
0x10b: {  	[sflag:s16] =	ssyncadd.s32 $0xFFFFEC00  }
0x10c: {  	_ =	swait.ge [sflag:s16], $0x1400  }
0x10d: {  	[sflag:s16] =	ssyncset.done $0x0  }
0x10e: {  	[sflag:s16] =	ssyncadd.s32 $0xFFFFEC00  }
0x10f: {  	_ =	swait.ge [sflag:s16], $0x1400  }
0x110: {  	[sflag:s16] =	ssyncset.done $0x0  }
0x111: {  	[sflag:s16] =	ssyncadd.s32 $0xFFFFEC00  }
0x112: {  	_ =	swait.ge [sflag:s16], $0x1400  }
0x113: {  	[sflag:s16] =	ssyncset.done $0x0  }
0x114: {  	[sflag:s16] =	ssyncadd.s32 $0xFFFFEC00  }
0x115: {  	_ =	swait.ge [sflag:s16], $0x1400  }
0x116: {  	[sflag:s16] =	ssyncset.done $0x0  }
0x117: {  	[sflag:s16] =	ssyncadd.s32 $0xFFFFEC00  }
0x118: {  	_ =	swait.ge [sflag:s16], $0x1400  }
0x119: {  	[sflag:s16] =	ssyncset.done $0x0  }
0x11a: {  	[sflag:s16] =	ssyncadd.s32 $0xFFFFEC00  }
0x11b: {  	_ =	swait.ge [sflag:s16], $0x1400  }
0x11c: {  	[sflag:s16] =	ssyncset.done $0x0  }
0x11d: {  	[sflag:s16] =	ssyncadd.s32 $0xFFFFEC00  }
0x11e: {  	_ =	swait.ge [sflag:s16], $0x1400  }
0x11f: {  	[sflag:s16] =	ssyncset.done $0x0  }
0x120: {  	[sflag:s16] =	ssyncadd.s32 $0xFFFFEC00  }
0x121: {  	_ =	swait.ge [sflag:s16], $0x1400  }
0x122: {  	[sflag:s16] =	ssyncset.done $0x0  }
0x123: {  	[sflag:s16] =	ssyncadd.s32 $0xFFFFEC00  }
0x124: {  	_ =	swait.ge [sflag:s16], $0x1400  }
0x125: {  	[sflag:s16] =	ssyncset.done $0x0  }
0x126: {  	[sflag:s16] =	ssyncadd.s32 $0xFFFFEC00  }
0x127: {  	_ =	swait.ge [sflag:s16], $0x1400  }
0x128: {  	[sflag:s16] =	ssyncset.done $0x0  }
0x129: {  	[sflag:s16] =	ssyncadd.s32 $0xFFFFEC00  }
0x12a: {  	[bflag:$0x0] =	sbarrier.arrive $0xFFFF  }
0x12b: {  	s10 =	sld [smem:$0x7F7];
	_ =	sdelay $0x1  }
0x12c: {  	s11 =	sld [smem:$0x7ED]  }
0x12d: {  	[tilespmem:s1], [sflag:$0xF] =	stream.linear.gather [hbm4b:s10+s1], $0x80, $0x38;
	[tilespmem:$0x1D300] =	vst v63  }
0x12e: {  	s4 =	simm.s32 $0x80;
	s13 =	sld [smem:$0x7EF]  }
0x12f: {  	[tilespmem:s4], [sflag:$0x10] =	stream.linear.gather [hbm4b:s11+s1], $0x80, $0x38;
	[tilespmem:$0x1D300] =	vst v63  }
0x130: {  	s6 =	simm.s32 $0x100;
	s17 =	sld [smem:$0x7F1]  }
0x131: {  	[tilespmem:s6], [sflag:$0x11] =	stream.linear.gather [hbm4b:s13+s1], $0x80, $0x38;
	[tilespmem:$0x1D300] =	vst v63  }
0x132: {  	s7 =	simm.s32 $0x180;
	s18 =	sld [smem:$0x7F5]  }
0x133: {  	[tilespmem:s7], [sflag:$0x12] =	stream.linear.gather [hbm4b:s17+s1], $0x80, $0x38;
	[tilespmem:$0x1D300] =	vst v63  }
0x134: {  	s8 =	simm.s32 $0x200;
	s19 =	sld [smem:$0x7F6]  }
0x135: {  	[tilespmem:s8], [sflag:$0x13] =	stream.linear.gather [hbm4b:s18+s1], $0x80, $0x38;
	[tilespmem:$0x1D300] =	vst v63  }
0x136: {  	s25 =	sld [smem:$0x7F8];
	s10 =	simm.s32 $0x280  }
0x137: {  	[tilespmem:s10], [sflag:$0x14] =	stream.linear.gather [hbm4b:s19+s1], $0x80, $0x38;
	[tilespmem:$0x1D300] =	vst v63  }
0x138: {  	s3 =	sld [smem:$0x7EC];
	s11 =	simm.s32 $0x300  }
0x139: {  	[tilespmem:s11], [sflag:$0x15] =	stream.linear.gather [hbm4b:s25+s1], $0x80, $0x38;
	[tilespmem:$0x1D300] =	vst v63  }
0x13a: {  	s5 =	simm.s32 $0x380;
	s18 =	simm.s32 $0xF  }
0x13b: {  	[tilespmem:s5], [sflag:$0x8] =	stream.linear.gather [hbm4b:s3+s1], $0x80, $0x38;
	[tilespmem:$0x1D300] =	vst v63  }
0x13c: {  	_ =	swait.ge [sflag:s18], $0x80  }
0x13d: {  	[sflag:s18] =	ssyncset.done $0x0  }
0x13e: {  	s13 =	sld [smem:$0x7EE];
	[sflag:s18] =	ssyncadd.s32 $0xFFFFFF80  }
0x13f: {  	[tilespmem:s14], [sflag:$0x1] =	stream.indirect.gather [hbm4b:s22+s26], $0x80, s1, s26, $0xb8;
	[tilespmem:$0x1D300] =	vst v63  }
0x140: {  	s19 =	simm.s32 $0x400;
	s25 =	simm.s32 $0x10  }
0x141: {  	[tilespmem:s19], [sflag:$0x9] =	stream.linear.gather [hbm4b:s13+s1], $0x80, $0x38;
	[tilespmem:$0x1D300] =	vst v63  }
0x142: {  	_ =	swait.ge [sflag:s25], $0x80  }
0x143: {  	[sflag:s25] =	ssyncset.done $0x0  }
0x144: {  	s17 =	sld [smem:$0x7F0];
	[sflag:s25] =	ssyncadd.s32 $0xFFFFFF80  }
0x145: {  	[tilespmem:s30], [sflag:$0x2] =	stream.indirect.gather [hbm4b:s22+s26], $0x80, s4, s26, $0xb8;
	[tilespmem:$0x1D300] =	vst v63  }
0x146: {  	s28 =	simm.s32 $0x480;
	s29 =	simm.s32 $0x11  }
0x147: {  	[tilespmem:s28], [sflag:$0xA] =	stream.linear.gather [hbm4b:s17+s1], $0x80, $0x38;
	[tilespmem:$0x1D300] =	vst v63  }
0x148: {  	_ =	swait.ge [sflag:s29], $0x80  }
0x149: {  	[sflag:s29] =	ssyncset.done $0x0  }
0x14a: {  	s31 =	simm.s32 $0x2F00;
	s3 =	sld [smem:$0x7F2];
	[sflag:s29] =	ssyncadd.s32 $0xFFFFFF80  }
0x14b: {  	[tilespmem:s31], [sflag:$0x3] =	stream.indirect.gather [hbm4b:s22+s26], $0x80, s6, s26, $0xb8;
	[tilespmem:$0x1D300] =	vst v63  }
0x14c: {  	s5 =	simm.s32 $0x500;
	s13 =	simm.s32 $0x12  }
0x14d: {  	[tilespmem:s5], [sflag:$0xB] =	stream.linear.gather [hbm4b:s3+s1], $0x80, $0x38;
	[tilespmem:$0x1D300] =	vst v63  }
.Ltmp2:
0x14e: {  	_ =	swait.ge [sflag:s13], $0x80;
	(pc) =	sbr.rel .LBB2_2-.Ltmp2, $4  }
0x14f: {  	[sflag:s13] =	ssyncset.done $0x0  }
0x150: {  	s17 =	simm.s32 $0x4300;
	[sflag:s13] =	ssyncadd.s32 $0xFFFFFF80  }
0x151: {  	[tilespmem:s17], [sflag:$0x4] =	stream.indirect.gather [hbm4b:s22+s26], $0x80, s7, s26, $0xb8;
	[tilespmem:$0x1D300] =	vst v63  }
0x152: {  	s0 =	simm.s32 $0x500;
	s3 =	simm.s32 $0x0;
	s17 =	simm.s32 $0x380  }
.LBB2_12:
0x153: {  	s5 =	sand.u32 $0xFC00, s17  }
0x154: {  	s13 =	sand.u32 $0x380, s17;
	s5 =	sadd.s32 s2, s5  }
0x155: {  	s5 =	sor.u32 s13, s5  }
0x156: {  	s5 =	sshrl.u32 s5, $0x3  }
0x157: {  	s5 =	sadd.s32 s23, s5  }
0x158: {  	[tilespmem:s1], [sflag:$0xF] =	stream.linear.gather [hbm4b:s5+s1], $0x80, $0x38;
	[tilespmem:$0x1D300] =	vst v63  }
.LBB2_14:
0x159: {  	s5 =	sadd.s32 $0xFFFFFE80, s17  }
0x15a: {  	s13 =	sand.u32 $0xFC00, s5  }
0x15b: {  	s5 =	sand.u32 $0x380, s5;
	s13 =	sadd.s32 s2, s13  }
0x15c: {  	s5 =	sor.u32 s5, s13  }
0x15d: {  	s5 =	sshrl.u32 s5, $0x3  }
0x15e: {  	s13 =	simm.s32 $0x580;
	s5 =	sadd.s32 s24, s5  }
0x15f: {  	[tilespmem:s13], [sflag:$0xC] =	stream.linear.gather [hbm4b:s5+s1], $0x80, $0x38;
	[tilespmem:$0x1D300] =	vst v63  }
0x160: {  	s13 =	simm.s32 $0x13  }
0x161: {  	_ =	swait.ge [sflag:s13], $0x80  }
0x162: {  	[sflag:s13] =	ssyncset.done $0x0  }
0x163: {  	[sflag:s13] =	ssyncadd.s32 $0xFFFFFF80;
	s13 =	simm.s32 $0x5700  }
0x164: {  	[tilespmem:s13], [sflag:$0x5] =	stream.indirect.gather [hbm4b:s22+s26], $0x80, s8, s26, $0xb8;
	[tilespmem:$0x1D300] =	vst v63  }
.LBB2_36:
0x165: {  	s3 =	sadd.s32 $0x1, s3  }
0x166: {  	p0 =	sne.s32 s3, $0xFA  }
.Ltmp3:
0x167: {  	_ = 	snop;
	(pc) =	sbr.rel @!p0 .LBB2_37-.Ltmp3, $2  }
0x168: {  	_ =	sdelay $0x2  }
0x169: {  	s17 =	sadd.s32 $0x80, s17  }
.LBB2_2:
0x16a: {  	s5 =	smul.u32 $0x25, s3;
	_ =	sdelay $0x1  }
0x16b: {  	s5 =	sshrl.u32 s5, $0x8  }
0x16c: {  	s13 =	ssub.s32 s3, s5  }
0x16d: {  	s13 =	sand.u32 $0xFE, s13  }
0x16e: {  	s13 =	sshrl.u32 s13, $0x1  }
0x16f: {  	s5 =	sadd.s32 s5, s13  }
0x170: {  	s5 =	sand.u32 $0xFC, s5  }
0x171: {  	s5 =	sshrl.u32 s5, $0x2  }
0x172: {  	s5 =	smul.u32 $0x7, s5;
	_ =	sdelay $0x1  }
0x173: {  	s5 =	ssub.s32 s3, s5  }
0x174: {  	s5 =	sand.u32 $0xFF, s5  }
0x175: {  	p0 =	sgt.s32 s5, $0x2  }
.Ltmp4:
0x176: {  	_ = 	snop;
	(pc) =	sbr.rel @!p0 .LBB2_3-.Ltmp4, $1  }
0x177: {  	_ =	sdelay $0x3  }
0x178: {  	p0 =	sgt.s32 s5, $0x4  }
.Ltmp5:
0x179: {  	_ = 	snop;
	(pc) =	sbr.rel @p0 .LBB2_31-.Ltmp5, $1  }
0x17a: {  	_ =	sdelay $0x3  }
0x17b: {  	p0 =	seq.s32 s5, $0x3  }
.Ltmp6:
0x17c: {  	_ = 	snop;
	(pc) =	sbr.rel @!p0 .LBB2_23-.Ltmp6, $1  }
0x17d: {  	_ =	sdelay $0x3  }
0x17e: {  	s5 =	simm.s32 $0x4  }
0x17f: {  	_ =	swait.ge [sflag:s5], $0x1400  }
0x180: {  	[sflag:s5] =	ssyncset.done $0x0  }
0x181: {  	s13 =	simm.s32 $0x16;
	[sflag:s5] =	ssyncadd.s32 $0xFFFFEC00  }
0x182: {  	_ =	swait.ge [sflag:s13], $0x1400  }
0x183: {  	p0 =	sgt.u32 s3, $0xF2;
	[sflag:s13] =	ssyncset.done $0x0  }
.Ltmp7:
0x184: {  	[sflag:s13] =	ssyncadd.s32 $0xFFFFEC00;
	s13 =	simm.s32 $0xB;
	(pc) =	sbr.rel @p0 .LBB2_21-.Ltmp7, $4  }
0x185: {  	_ =	swait.ge [sflag:s13], $0x80  }
0x186: {  	[sflag:s13] =	ssyncset.done $0x0  }
0x187: {  	[sflag:s13] =	ssyncadd.s32 $0xFFFFFF80;
	s13 =	simm.s32 $0x4300  }
0x188: {  	[spmem:s20] =	stream.indirect.scatter.add.f32 [tilespmem:s13], [sflag:$0x19], $0x80, s0, s26, $0xb8;
	[tilespmem:$0x1D300] =	vst v63  }
0x189: {  	s5 =	sand.u32 $0xFC00, s17  }
.Ltmp8:
0x18a: {  	s13 =	sand.u32 $0x380, s17;
	s5 =	sadd.s32 s2, s5;
	(pc) =	sbr.rel .LBB2_22-.Ltmp8, $4  }
0x18b: {  	s5 =	sor.u32 s13, s5  }
0x18c: {  	s5 =	sshrl.u32 s5, $0x3  }
0x18d: {  	s5 =	sadd.s32 s23, s5  }
0x18e: {  	[tilespmem:s7], [sflag:$0x12] =	stream.linear.gather [hbm4b:s5+s1], $0x80, $0x38;
	[tilespmem:$0x1D300] =	vst v63  }
.LBB2_3:
0x18f: {  	p0 =	seq.s32 s5, $0x0  }
.Ltmp9:
0x190: {  	_ = 	snop;
	(pc) =	sbr.rel @p0 .LBB2_11-.Ltmp9, $1  }
0x191: {  	_ =	sdelay $0x3  }
0x192: {  	p1 =	seq.s32 s5, $0x1  }
.Ltmp10:
0x193: {  	_ = 	snop;
	(pc) =	sbr.rel @!p1 .LBB2_17-.Ltmp10, $2  }
0x194: {  	_ =	sdelay $0x2  }
0x195: {  	p0 =	slt.u32 s3, $0x3  }
0x196: {  	_ =	swait.ge [sflag:s12], $0x1400  }
0x197: {  	[sflag:s12] =	ssyncset.done $0x0  }
0x198: {  	s5 =	simm.s32 @!p0 $0x1B;
	[sflag:s12] =	ssyncadd.s32 $0xFFFFEC00  }
0x199: {  	_ =	swait.ge @!p0 [sflag:s5], $0x1400  }
0x19a: {  	[sflag:s5] =	ssyncset.done @!p0 $0x0  }
0x19b: {  	[sflag:s5] =	ssyncadd.s32 @!p0 $0xFFFFEC00;
	p0 =	sgt.u32 s3, $0xF2  }
.Ltmp11:
0x19c: {  	s13 =	simm.s32 $0x9;
	(pc) =	sbr.rel @p0 .LBB2_15-.Ltmp11, $4  }
0x19d: {  	_ =	swait.ge [sflag:s13], $0x80  }
0x19e: {  	[sflag:s13] =	ssyncset.done $0x0  }
0x19f: {  	[sflag:s13] =	ssyncadd.s32 $0xFFFFFF80  }
0x1a0: {  	[spmem:s20] =	stream.indirect.scatter.add.f32 [tilespmem:s30], [sflag:$0x17], $0x80, s19, s26, $0xb8;
	[tilespmem:$0x1D300] =	vst v63  }
0x1a1: {  	s5 =	sand.u32 $0xFC00, s17  }
.Ltmp12:
0x1a2: {  	s13 =	sand.u32 $0x380, s17;
	s5 =	sadd.s32 s2, s5;
	(pc) =	sbr.rel .LBB2_16-.Ltmp12, $4  }
0x1a3: {  	s5 =	sor.u32 s13, s5  }
0x1a4: {  	s5 =	sshrl.u32 s5, $0x3  }
0x1a5: {  	s5 =	sadd.s32 s23, s5  }
0x1a6: {  	[tilespmem:s4], [sflag:$0x10] =	stream.linear.gather [hbm4b:s5+s1], $0x80, $0x38;
	[tilespmem:$0x1D300] =	vst v63  }
.LBB2_31:
0x1a7: {  	p0 =	seq.s32 s5, $0x5  }
.Ltmp13:
0x1a8: {  	_ = 	snop;
	(pc) =	sbr.rel @!p0 .LBB2_32-.Ltmp13, $1  }
0x1a9: {  	_ =	sdelay $0x3  }
0x1aa: {  	s5 =	simm.s32 $0x6  }
0x1ab: {  	_ =	swait.ge [sflag:s5], $0x1400  }
0x1ac: {  	[sflag:s5] =	ssyncset.done $0x0  }
0x1ad: {  	[sflag:s5] =	ssyncadd.s32 $0xFFFFEC00  }
0x1ae: {  	_ =	swait.ge [sflag:s9], $0x1400  }
0x1af: {  	p0 =	sgt.u32 s3, $0xF2;
	[sflag:s9] =	ssyncset.done $0x0  }
.Ltmp14:
0x1b0: {  	s13 =	simm.s32 $0xD;
	[sflag:s9] =	ssyncadd.s32 $0xFFFFEC00;
	(pc) =	sbr.rel @p0 .LBB2_29-.Ltmp14, $4  }
0x1b1: {  	_ =	swait.ge [sflag:s13], $0x80  }
0x1b2: {  	[sflag:s13] =	ssyncset.done $0x0  }
0x1b3: {  	s5 =	simm.s32 $0x600;
	[sflag:s13] =	ssyncadd.s32 $0xFFFFFF80;
	s13 =	simm.s32 $0x6B00  }
0x1b4: {  	[spmem:s20] =	stream.indirect.scatter.add.f32 [tilespmem:s13], [sflag:$0x1B], $0x80, s5, s26, $0xb8;
	[tilespmem:$0x1D300] =	vst v63  }
0x1b5: {  	s5 =	sand.u32 $0xFC00, s17  }
.Ltmp15:
0x1b6: {  	s13 =	sand.u32 $0x380, s17;
	s5 =	sadd.s32 s2, s5;
	(pc) =	sbr.rel .LBB2_30-.Ltmp15, $4  }
0x1b7: {  	s5 =	sor.u32 s13, s5  }
0x1b8: {  	s5 =	sshrl.u32 s5, $0x3  }
0x1b9: {  	s5 =	sadd.s32 s23, s5  }
0x1ba: {  	[tilespmem:s10], [sflag:$0x14] =	stream.linear.gather [hbm4b:s5+s1], $0x80, $0x38;
	[tilespmem:$0x1D300] =	vst v63  }
.LBB2_11:
0x1bb: {  	_ =	swait.ge [sflag:s16], $0x1400  }
0x1bc: {  	p0 =	slt.u32 s3, $0x3;
	[sflag:s16] =	ssyncset.done $0x0  }
0x1bd: {  	s5 =	simm.s32 @!p0 $0x1A;
	[sflag:s16] =	ssyncadd.s32 $0xFFFFEC00  }
0x1be: {  	_ =	swait.ge @!p0 [sflag:s5], $0x1400  }
0x1bf: {  	[sflag:s5] =	ssyncset.done @!p0 $0x0  }
0x1c0: {  	[sflag:s5] =	ssyncadd.s32 @!p0 $0xFFFFEC00;
	p0 =	sgt.u32 s3, $0xF2  }
.Ltmp16:
0x1c1: {  	s13 =	simm.s32 $0x8;
	(pc) =	sbr.rel @!p0 .LBB2_12-.Ltmp16, $4  }
0x1c2: {  	_ =	swait.ge [sflag:s13], $0x80  }
0x1c3: {  	[sflag:s13] =	ssyncset.done $0x0  }
0x1c4: {  	[sflag:s13] =	ssyncadd.s32 $0xFFFFFF80;
	s13 =	simm.s32 $0x380  }
0x1c5: {  	[spmem:s20] =	stream.indirect.scatter.add.f32 [tilespmem:s14], [sflag:$0x16], $0x80, s13, s26, $0xb8;
	[tilespmem:$0x1D300] =	vst v63  }
0x1c6: {  	p0 =	sgt.u32 s3, $0xF5  }
.Ltmp17:
0x1c7: {  	_ = 	snop;
	(pc) =	sbr.rel @p0 .LBB2_36-.Ltmp17, $4  }
.Ltmp18:
0x1c8: {  	_ = 	snop;
	(pc) =	sbr.rel @!p0 .LBB2_14-.Ltmp18, $4  }
0x1c9: {  	_ = 	snop  }
0x1ca: {  	_ = 	snop  }
0x1cb: {  	_ = 	snop  }
0x1cc: {  	_ = 	snop  }
.LBB2_17:
0x1cd: {  	s5 =	simm.s32 $0x3  }
0x1ce: {  	_ =	swait.ge [sflag:s5], $0x1400  }
0x1cf: {  	[sflag:s5] =	ssyncset.done $0x0  }
0x1d0: {  	[sflag:s5] =	ssyncadd.s32 $0xFFFFEC00;
	s5 =	simm.s32 @!p0 $0x1C  }
0x1d1: {  	_ =	swait.ge @!p0 [sflag:s5], $0x1400  }
0x1d2: {  	[sflag:s5] =	ssyncset.done @!p0 $0x0  }
0x1d3: {  	[sflag:s5] =	ssyncadd.s32 @!p0 $0xFFFFEC00;
	p0 =	sgt.u32 s3, $0xF2  }
.Ltmp19:
0x1d4: {  	s13 =	simm.s32 $0xA;
	(pc) =	sbr.rel @p0 .LBB2_19-.Ltmp19, $4  }
0x1d5: {  	_ =	swait.ge [sflag:s13], $0x80  }
0x1d6: {  	[sflag:s13] =	ssyncset.done $0x0  }
0x1d7: {  	[sflag:s13] =	ssyncadd.s32 $0xFFFFFF80  }
0x1d8: {  	[spmem:s20] =	stream.indirect.scatter.add.f32 [tilespmem:s31], [sflag:$0x18], $0x80, s28, s26, $0xb8;
	[tilespmem:$0x1D300] =	vst v63  }
0x1d9: {  	s5 =	sand.u32 $0xFC00, s17  }
.Ltmp20:
0x1da: {  	s13 =	sand.u32 $0x380, s17;
	s5 =	sadd.s32 s2, s5;
	(pc) =	sbr.rel .LBB2_20-.Ltmp20, $4  }
0x1db: {  	s5 =	sor.u32 s13, s5  }
0x1dc: {  	s5 =	sshrl.u32 s5, $0x3  }
0x1dd: {  	s5 =	sadd.s32 s23, s5  }
0x1de: {  	[tilespmem:s6], [sflag:$0x11] =	stream.linear.gather [hbm4b:s5+s1], $0x80, $0x38;
	[tilespmem:$0x1D300] =	vst v63  }
.LBB2_23:
0x1df: {  	s5 =	simm.s32 $0x5  }
0x1e0: {  	_ =	swait.ge [sflag:s5], $0x1400  }
0x1e1: {  	[sflag:s5] =	ssyncset.done $0x0  }
0x1e2: {  	s13 =	simm.s32 $0x17;
	[sflag:s5] =	ssyncadd.s32 $0xFFFFEC00  }
0x1e3: {  	_ =	swait.ge [sflag:s13], $0x1400  }
0x1e4: {  	p0 =	sgt.u32 s3, $0xF2;
	[sflag:s13] =	ssyncset.done $0x0  }
.Ltmp21:
0x1e5: {  	[sflag:s13] =	ssyncadd.s32 $0xFFFFEC00;
	s13 =	simm.s32 $0xC;
	(pc) =	sbr.rel @p0 .LBB2_25-.Ltmp21, $4  }
0x1e6: {  	_ =	swait.ge [sflag:s13], $0x80  }
0x1e7: {  	[sflag:s13] =	ssyncset.done $0x0  }
0x1e8: {  	s5 =	simm.s32 $0x580;
	[sflag:s13] =	ssyncadd.s32 $0xFFFFFF80;
	s13 =	simm.s32 $0x5700  }
0x1e9: {  	[spmem:s20] =	stream.indirect.scatter.add.f32 [tilespmem:s13], [sflag:$0x1A], $0x80, s5, s26, $0xb8;
	[tilespmem:$0x1D300] =	vst v63  }
0x1ea: {  	s5 =	sand.u32 $0xFC00, s17  }
.Ltmp22:
0x1eb: {  	s13 =	sand.u32 $0x380, s17;
	s5 =	sadd.s32 s2, s5;
	(pc) =	sbr.rel .LBB2_26-.Ltmp22, $4  }
0x1ec: {  	s5 =	sor.u32 s13, s5  }
0x1ed: {  	s5 =	sshrl.u32 s5, $0x3  }
0x1ee: {  	s5 =	sadd.s32 s23, s5  }
0x1ef: {  	[tilespmem:s8], [sflag:$0x13] =	stream.linear.gather [hbm4b:s5+s1], $0x80, $0x38;
	[tilespmem:$0x1D300] =	vst v63  }
.LBB2_32:
0x1f0: {  	s5 =	simm.s32 $0x7  }
0x1f1: {  	_ =	swait.ge [sflag:s5], $0x1400  }
0x1f2: {  	[sflag:s5] =	ssyncset.done $0x0  }
0x1f3: {  	[sflag:s5] =	ssyncadd.s32 $0xFFFFEC00  }
0x1f4: {  	_ =	swait.ge [sflag:s21], $0x1400  }
0x1f5: {  	p0 =	sgt.u32 s3, $0xF2;
	[sflag:s21] =	ssyncset.done $0x0  }
.Ltmp23:
0x1f6: {  	s13 =	simm.s32 $0xE;
	[sflag:s21] =	ssyncadd.s32 $0xFFFFEC00;
	(pc) =	sbr.rel @p0 .LBB2_34-.Ltmp23, $4  }
0x1f7: {  	_ =	swait.ge [sflag:s13], $0x80  }
0x1f8: {  	[sflag:s13] =	ssyncset.done $0x0  }
0x1f9: {  	s5 =	simm.s32 $0x680;
	[sflag:s13] =	ssyncadd.s32 $0xFFFFFF80;
	s13 =	simm.s32 $0x7F00  }
0x1fa: {  	[spmem:s20] =	stream.indirect.scatter.add.f32 [tilespmem:s13], [sflag:$0x1C], $0x80, s5, s26, $0xb8;
	[tilespmem:$0x1D300] =	vst v63  }
0x1fb: {  	s5 =	sand.u32 $0xFC00, s17  }
.Ltmp24:
0x1fc: {  	s13 =	sand.u32 $0x380, s17;
	s5 =	sadd.s32 s2, s5;
	(pc) =	sbr.rel .LBB2_35-.Ltmp24, $4  }
0x1fd: {  	s5 =	sor.u32 s13, s5  }
0x1fe: {  	s5 =	sshrl.u32 s5, $0x3  }
0x1ff: {  	s5 =	sadd.s32 s23, s5  }
0x200: {  	[tilespmem:s11], [sflag:$0x15] =	stream.linear.gather [hbm4b:s5+s1], $0x80, $0x38;
	[tilespmem:$0x1D300] =	vst v63  }
.LBB2_15:
0x201: {  	p0 =	sgt.u32 s3, $0xF5  }
.Ltmp25:
0x202: {  	_ = 	snop;
	(pc) =	sbr.rel @p0 .LBB2_36-.Ltmp25, $1  }
0x203: {  	_ =	sdelay $0x3  }
.LBB2_16:
0x204: {  	s5 =	sadd.s32 $0xFFFFFE80, s17  }
0x205: {  	s13 =	sand.u32 $0xFC00, s5  }
0x206: {  	s5 =	sand.u32 $0x380, s5;
	s13 =	sadd.s32 s2, s13  }
0x207: {  	s5 =	sor.u32 s5, s13  }
0x208: {  	s5 =	sshrl.u32 s5, $0x3  }
0x209: {  	s13 =	simm.s32 $0x600;
	s5 =	sadd.s32 s24, s5  }
0x20a: {  	[tilespmem:s13], [sflag:$0xD] =	stream.linear.gather [hbm4b:s5+s1], $0x80, $0x38;
	[tilespmem:$0x1D300] =	vst v63  }
.Ltmp26:
0x20b: {  	s13 =	simm.s32 $0x14;
	(pc) =	sbr.rel .LBB2_36-.Ltmp26, $4  }
0x20c: {  	_ =	swait.ge [sflag:s13], $0x80  }
0x20d: {  	[sflag:s13] =	ssyncset.done $0x0  }
0x20e: {  	[sflag:s13] =	ssyncadd.s32 $0xFFFFFF80;
	s13 =	simm.s32 $0x6B00  }
0x20f: {  	[tilespmem:s13], [sflag:$0x6] =	stream.indirect.gather [hbm4b:s22+s26], $0x80, s10, s26, $0xb8;
	[tilespmem:$0x1D300] =	vst v63  }
.LBB2_19:
0x210: {  	p0 =	sgt.u32 s3, $0xF5  }
.Ltmp27:
0x211: {  	_ = 	snop;
	(pc) =	sbr.rel @p0 .LBB2_36-.Ltmp27, $1  }
0x212: {  	_ =	sdelay $0x3  }
.LBB2_20:
0x213: {  	s5 =	sadd.s32 $0xFFFFFE80, s17  }
0x214: {  	s13 =	sand.u32 $0xFC00, s5  }
0x215: {  	s5 =	sand.u32 $0x380, s5;
	s13 =	sadd.s32 s2, s13  }
0x216: {  	s5 =	sor.u32 s5, s13  }
0x217: {  	s5 =	sshrl.u32 s5, $0x3  }
0x218: {  	s13 =	simm.s32 $0x680;
	s5 =	sadd.s32 s24, s5  }
0x219: {  	[tilespmem:s13], [sflag:$0xE] =	stream.linear.gather [hbm4b:s5+s1], $0x80, $0x38;
	[tilespmem:$0x1D300] =	vst v63  }
.Ltmp28:
0x21a: {  	s13 =	simm.s32 $0x15;
	(pc) =	sbr.rel .LBB2_36-.Ltmp28, $4  }
0x21b: {  	_ =	swait.ge [sflag:s13], $0x80  }
0x21c: {  	[sflag:s13] =	ssyncset.done $0x0  }
0x21d: {  	[sflag:s13] =	ssyncadd.s32 $0xFFFFFF80;
	s13 =	simm.s32 $0x7F00  }
0x21e: {  	[tilespmem:s13], [sflag:$0x7] =	stream.indirect.gather [hbm4b:s22+s26], $0x80, s11, s26, $0xb8;
	[tilespmem:$0x1D300] =	vst v63  }
.LBB2_21:
0x21f: {  	p0 =	sgt.u32 s3, $0xF5  }
.Ltmp29:
0x220: {  	_ = 	snop;
	(pc) =	sbr.rel @p0 .LBB2_36-.Ltmp29, $1  }
0x221: {  	_ =	sdelay $0x3  }
.LBB2_22:
0x222: {  	s5 =	sadd.s32 $0xFFFFFE80, s17  }
0x223: {  	s13 =	sand.u32 $0xFC00, s5  }
0x224: {  	s5 =	sand.u32 $0x380, s5;
	s13 =	sadd.s32 s2, s13  }
0x225: {  	s5 =	sor.u32 s5, s13  }
0x226: {  	s5 =	sshrl.u32 s5, $0x3  }
0x227: {  	s13 =	simm.s32 $0x380;
	s5 =	sadd.s32 s24, s5  }
0x228: {  	[tilespmem:s13], [sflag:$0x8] =	stream.linear.gather [hbm4b:s5+s1], $0x80, $0x38;
	[tilespmem:$0x1D300] =	vst v63  }
.Ltmp30:
0x229: {  	_ = 	snop;
	(pc) =	sbr.rel .LBB2_36-.Ltmp30, $4  }
0x22a: {  	_ =	swait.ge [sflag:s18], $0x80  }
0x22b: {  	[sflag:s18] =	ssyncset.done $0x0  }
0x22c: {  	[sflag:s18] =	ssyncadd.s32 $0xFFFFFF80  }
0x22d: {  	[tilespmem:s14], [sflag:$0x1] =	stream.indirect.gather [hbm4b:s22+s26], $0x80, s1, s26, $0xb8;
	[tilespmem:$0x1D300] =	vst v63  }
.LBB2_29:
0x22e: {  	p0 =	sgt.u32 s3, $0xF5  }
.Ltmp31:
0x22f: {  	_ = 	snop;
	(pc) =	sbr.rel @p0 .LBB2_36-.Ltmp31, $1  }
0x230: {  	_ =	sdelay $0x3  }
.LBB2_30:
0x231: {  	s5 =	sadd.s32 $0xFFFFFE80, s17  }
0x232: {  	s13 =	sand.u32 $0xFC00, s5  }
0x233: {  	s5 =	sand.u32 $0x380, s5;
	s13 =	sadd.s32 s2, s13  }
0x234: {  	s5 =	sor.u32 s5, s13  }
0x235: {  	s5 =	sshrl.u32 s5, $0x3  }
0x236: {  	s5 =	sadd.s32 s24, s5  }
0x237: {  	[tilespmem:s28], [sflag:$0xA] =	stream.linear.gather [hbm4b:s5+s1], $0x80, $0x38;
	[tilespmem:$0x1D300] =	vst v63  }
.Ltmp32:
0x238: {  	_ = 	snop;
	(pc) =	sbr.rel .LBB2_36-.Ltmp32, $4  }
0x239: {  	_ =	swait.ge [sflag:s29], $0x80  }
0x23a: {  	[sflag:s29] =	ssyncset.done $0x0  }
0x23b: {  	[sflag:s29] =	ssyncadd.s32 $0xFFFFFF80  }
0x23c: {  	[tilespmem:s31], [sflag:$0x3] =	stream.indirect.gather [hbm4b:s22+s26], $0x80, s6, s26, $0xb8;
	[tilespmem:$0x1D300] =	vst v63  }
.LBB2_25:
0x23d: {  	p0 =	sgt.u32 s3, $0xF5  }
.Ltmp33:
0x23e: {  	_ = 	snop;
	(pc) =	sbr.rel @p0 .LBB2_36-.Ltmp33, $1  }
0x23f: {  	_ =	sdelay $0x3  }
.LBB2_26:
0x240: {  	s5 =	sadd.s32 $0xFFFFFE80, s17  }
0x241: {  	s13 =	sand.u32 $0xFC00, s5  }
0x242: {  	s5 =	sand.u32 $0x380, s5;
	s13 =	sadd.s32 s2, s13  }
0x243: {  	s5 =	sor.u32 s5, s13  }
0x244: {  	s5 =	sshrl.u32 s5, $0x3  }
0x245: {  	s5 =	sadd.s32 s24, s5  }
0x246: {  	[tilespmem:s19], [sflag:$0x9] =	stream.linear.gather [hbm4b:s5+s1], $0x80, $0x38;
	[tilespmem:$0x1D300] =	vst v63  }
.Ltmp34:
0x247: {  	_ = 	snop;
	(pc) =	sbr.rel .LBB2_36-.Ltmp34, $4  }
0x248: {  	_ =	swait.ge [sflag:s25], $0x80  }
0x249: {  	[sflag:s25] =	ssyncset.done $0x0  }
0x24a: {  	[sflag:s25] =	ssyncadd.s32 $0xFFFFFF80  }
0x24b: {  	[tilespmem:s30], [sflag:$0x2] =	stream.indirect.gather [hbm4b:s22+s26], $0x80, s4, s26, $0xb8;
	[tilespmem:$0x1D300] =	vst v63  }
.LBB2_34:
0x24c: {  	p0 =	sgt.u32 s3, $0xF5  }
.Ltmp35:
0x24d: {  	_ = 	snop;
	(pc) =	sbr.rel @p0 .LBB2_36-.Ltmp35, $1  }
0x24e: {  	_ =	sdelay $0x3  }
.LBB2_35:
0x24f: {  	s5 =	sadd.s32 $0xFFFFFE80, s17  }
0x250: {  	s13 =	sand.u32 $0xFC00, s5  }
0x251: {  	s5 =	sand.u32 $0x380, s5;
	s13 =	sadd.s32 s2, s13  }
0x252: {  	s5 =	sor.u32 s5, s13  }
0x253: {  	s5 =	sshrl.u32 s5, $0x3  }
0x254: {  	s5 =	sadd.s32 s24, s5  }
0x255: {  	[tilespmem:s0], [sflag:$0xB] =	stream.linear.gather [hbm4b:s5+s1], $0x80, $0x38;
	[tilespmem:$0x1D300] =	vst v63  }
.Ltmp36:
0x256: {  	s13 =	simm.s32 $0x12;
	(pc) =	sbr.rel .LBB2_36-.Ltmp36, $4  }
0x257: {  	_ =	swait.ge [sflag:s13], $0x80  }
0x258: {  	[sflag:s13] =	ssyncset.done $0x0  }
0x259: {  	[sflag:s13] =	ssyncadd.s32 $0xFFFFFF80;
	s13 =	simm.s32 $0x4300  }
0x25a: {  	[tilespmem:s13], [sflag:$0x4] =	stream.indirect.gather [hbm4b:s22+s26], $0x80, s7, s26, $0xb8;
	[tilespmem:$0x1D300] =	vst v63  }
.LBB2_38:
0x25b: {  	_ =	sfence.sel $0x180000  }
0x25c: {  	[bflag:$0x0] =	sbarrier.arrive $0xFFFF  }
0x25d: {  	_ =	strace $0x9000004A  }
0x25e: {  	s0 =	stileid.u32;
	[bflag:$0x2] =	sbarrier.arrive $0xFFFF  }
0x25f: {  	p0 =	sne.s32 s0, $0x0;
	s0 =	rddreg [dreg:$0x3]  }
0x260: {  	s0 =	sadd.s32 @!p0 $0x100000, s0  }
0x261: {  	[sflag:s0] =	ssyncadd.tile.s32 @!p0 $0x1;
	_ =	shalt  }
.Lfunc_end2:
_tile_overlayer_lowered:
.L_overlay_start_2:
0x262: {  	(tag) =	ssettag $0x2  }
0x263: {  	s0 =	rddreg [dreg:$0x0];
	s2 =	stileid.u32  }
0x264: {  	s1 =	rddreg [dreg:$0x1];
	p0 =	sne.s32 s2, $0x0  }
0x265: {  	s3 =	rddreg [dreg:$0x2];
	[bflag:$0x3] =	sbarrier.arrive $0xFFFF;
	s2 =	simm.s32 @!p0 $0x1C1D  }
0x266: {  	[timem:s3], [sflag:s2] =	dma.local @!p0 [hbm:s0], s1  }
0x267: {  	s0 =	simm.s32 @!p0 $0x1D  }
0x268: {  	_ =	swait.ge @!p0 [sflag:s0], s1  }
0x269: {  	s1 =	ssub.s32 @!p0 $0x0, s1;
	[sflag:s0] =	ssyncset.done @!p0 $0x0  }
0x26a: {  	[sflag:s0] =	ssyncadd.s32 @!p0 s1  }
0x26b: {  	[bflag:$0x3] =	sbarrier.arrive $0xFFFF  }
0x26c: {  	_ =	shalt  }

// kernel: kernel.14.cloned.1.call-start
scs
__scs_entry_jumppad:
0x0: {  	(pc) =	sbr.rel $0x88, $3  }
0x1: {  	(tag) =	ssettag $0x0;
	lr =	simm.s32 $0x1  }
0x2: {  	[smem:$0x3F97] =	sst lr;
	_ =	strace $0xD0000000  }
0x3: {  	_ = 	snop  }
0x4: {  	_ = 	snop  }
0x5: {  	_ = 	snop  }
0x6: {  	_ = 	snop  }
0x7: {  	_ = 	snop  }
__scs_overlays_trampoline_lowered:
0x8: {  	[smem:$0x3FA6] =	sst s0  }
0x9: {  	[smem:$0x3FA7] =	sst s1  }
0xa: {  	[smem:$0x3FA8] =	sst s2  }
0xb: {  	[smem:$0x3FA9] =	sst s3  }
0xc: {  	[smem:$0x3FAA] =	sst s4  }
0xd: {  	[smem:$0x3FAB] =	sst s5  }
0xe: {  	[smem:$0x3FAC] =	sst s6  }
0xf: {  	[smem:$0x3FAD] =	sst s7  }
0x10: {  	[smem:$0x3FAE] =	sst s8  }
0x11: {  	[smem:$0x3FAF] =	sst s9;
	s0 =	simm.s32 @!p0 $0x0  }
0x12: {  	s1 =	sld [smem:$0x3F95];
	s0 =	simm.s32 @p0 $0x1  }
0x13: {  	[smem:$0x3FB0] =	sst s0;
	s0 =	simm.s32 @!p1 $0x0  }
0x14: {  	s2 =	sld [smem:$0x3F94];
	s0 =	simm.s32 @p1 $0x1  }
0x15: {  	[smem:$0x3FB1] =	sst s0;
	s0 =	simm.s32 @!p2 $0x0  }
0x16: {  	s3 =	sld [smem:$0x3FDB];
	s0 =	simm.s32 @p2 $0x1  }
0x17: {  	s4 =	simm.s32 $0x1BF5;
	[smem:$0x3FB3] =	sst s0  }
0x18: {  	s0 =	sld [smem:$0x3F96];
	_ =	swait.ge [sflag:s4], $0x0  }
0x19: {  	s7 =	sld [smem:$0x3F97]  }
0x1a: {  	s8 =	sadd.s32 $0xFFFFE003, lr  }
0x1b: {  	s9 =	sadd.s32 $0xFFFFFEF7, lr;
	s5 =	simm.s32 $0xFFFFFFFF;
	p2 =	slt.u32 s8, $0xFFFFF086  }
0x1c: {  	p1 =	slt.u32 s9, $0xF7A;
	s5 =	simm.s32 @!p2 $0x0  }
0x1d: {  	s5 =	simm.s32 @p1 $0x1;
	p0 =	seq.s32 s7, s2  }
0x1e: {  	s7 =	smul.u32 @!p0 $0xF7A, s2;
	p2 =	seq.s32 @!p0 s5, $0x0  }
0x1f: {  	s9 =	smul.u32 $0xF7A, s1;
	s8 =	simm.s32 @!p0 $0x1BF5;
	p2 =	por !p2, p0  }
0x20: {  	[sflag:s8] =	ssyncset.s32 @!p0 $0xFFFFF086;
	s6 =	sadd.s32 @!p0 s3, s7;
	s7 =	simm.s32 @!p0 $0x108  }
0x21: {  	s3 =	sadd.s32 s3, s9;
	s6 =	sadd.s32 @!p0 $0x88, s6;
	s7 =	simm.s32 @p2 $0x1082  }
0x22: {  	[simem:s7], [sflag:s8] =	dma.local @!p0 [hbm:s6], $0xF7A  }
0x23: {  	s9 =	sor.u32 $0xD0000000, s2;
	s6 =	simm.s32 $0x108;
	_ =	swait.ge @!p0 [sflag:s8], $0x0  }
0x24: {  	s3 =	sadd.s32 $0x88, s3;
	s6 =	simm.s32 @!p1 $0x1082;
	[sflag:s4] =	ssyncset.s32 $0xFFFFF086  }
0x25: {  	[simem:s6], [sflag:s4] =	dma.local [hbm:s3], $0xF7A  }
0x26: {  	[smem:$0x3F97] =	sst s1;
	(tag) =	ssettag s2;
	_ =	strace s9  }
0x27: {  	s1 =	sld [smem:$0x3FA7]  }
0x28: {  	s2 =	sld [smem:$0x3FA8]  }
0x29: {  	s4 =	sld [smem:$0x3FAA]  }
0x2a: {  	p0 =	seq.s32 s5, $0x0;
	s5 =	sld [smem:$0x3FAB]  }
0x2b: {  	s6 =	sld [smem:$0x3FAC]  }
0x2c: {  	s7 =	sld [smem:$0x3FAD]  }
0x2d: {  	s3 =	simm.s32 $0x108;
	s8 =	sld [smem:$0x3FAE]  }
0x2e: {  	s3 =	simm.s32 @!p0 $0x1082;
	s9 =	sld [smem:$0x3FAF]  }
0x2f: {  	lr =	sadd.s32 s0, s3;
	s0 =	sld [smem:$0x3FA6]  }
0x30: {  	s3 =	sld [smem:$0x3FA9]  }
0x31: {  	[smem:$0x3FB2] =	sst s10  }
0x32: {  	s10 =	sld [smem:$0x3FB0];
	_ =	sdelay $0x3  }
0x33: {  	p0 =	seq.s32 s10, $0x1;
	s10 =	sld [smem:$0x3FB2];
	_ =	sdelay $0x3  }
0x34: {  	[smem:$0x3FB2] =	sst s10  }
0x35: {  	s10 =	sld [smem:$0x3FB1];
	_ =	sdelay $0x3  }
0x36: {  	p1 =	seq.s32 s10, $0x1;
	s10 =	sld [smem:$0x3FB2];
	_ =	sdelay $0x3  }
0x37: {  	[smem:$0x3FB2] =	sst s10  }
0x38: {  	s10 =	sld [smem:$0x3FB3]  }
0x39: {  	_ = 	snop;
	(pc) =	sbr.ind lr, $3  }
0x3a: {  	_ = 	snop  }
0x3b: {  	_ = 	snop  }
0x3c: {  	p2 =	seq.s32 s10, $0x1;
	s10 =	sld [smem:$0x3FB2]  }
0x3d: {  	_ =	shalt  }
0x3e: {  	_ =	shalt  }
0x3f: {  	_ =	shalt  }
0x40: {  	_ =	shalt  }
0x41: {  	_ =	shalt  }
0x42: {  	_ =	shalt  }
0x43: {  	_ =	shalt  }
0x44: {  	_ =	shalt  }
0x45: {  	_ =	shalt  }
0x46: {  	_ =	shalt  }
0x47: {  	_ =	shalt  }
0x48: {  	_ =	shalt  }
0x49: {  	_ =	shalt  }
0x4a: {  	_ =	shalt  }
0x4b: {  	_ =	shalt  }
0x4c: {  	_ =	shalt  }
0x4d: {  	_ =	shalt  }
0x4e: {  	_ =	shalt  }
0x4f: {  	_ =	shalt  }
0x50: {  	_ =	shalt  }
0x51: {  	_ =	shalt  }
0x52: {  	_ =	shalt  }
0x53: {  	_ =	shalt  }
0x54: {  	_ =	shalt  }
0x55: {  	_ =	shalt  }
0x56: {  	_ =	shalt  }
0x57: {  	_ =	shalt  }
0x58: {  	_ =	shalt  }
0x59: {  	_ =	shalt  }
0x5a: {  	_ =	shalt  }
0x5b: {  	_ =	shalt  }
0x5c: {  	_ =	shalt  }
0x5d: {  	_ =	shalt  }
0x5e: {  	_ =	shalt  }
0x5f: {  	_ =	shalt  }
0x60: {  	_ =	shalt  }
0x61: {  	_ =	shalt  }
0x62: {  	_ =	shalt  }
0x63: {  	_ =	shalt  }
0x64: {  	_ =	shalt  }
0x65: {  	_ =	shalt  }
0x66: {  	_ =	shalt  }
0x67: {  	_ =	shalt  }
0x68: {  	_ =	shalt  }
0x69: {  	_ =	shalt  }
0x6a: {  	_ =	shalt  }
0x6b: {  	_ =	shalt  }
0x6c: {  	_ =	shalt  }
0x6d: {  	_ =	shalt  }
0x6e: {  	_ =	shalt  }
0x6f: {  	_ =	shalt  }
0x70: {  	_ =	shalt  }
0x71: {  	_ =	shalt  }
0x72: {  	_ =	shalt  }
0x73: {  	_ =	shalt  }
0x74: {  	_ =	shalt  }
0x75: {  	_ =	shalt  }
0x76: {  	_ =	shalt  }
0x77: {  	_ =	shalt  }
0x78: {  	_ =	shalt  }
0x79: {  	_ =	shalt  }
0x7a: {  	_ =	shalt  }
0x7b: {  	_ =	shalt  }
0x7c: {  	_ =	shalt  }
0x7d: {  	_ =	shalt  }
0x7e: {  	_ =	shalt  }
0x7f: {  	_ =	shalt  }
0x80: {  	_ =	shalt  }
0x81: {  	_ =	shalt  }
0x82: {  	_ =	shalt  }
0x83: {  	_ =	shalt  }
0x84: {  	_ =	shalt  }
0x85: {  	_ =	shalt  }
0x86: {  	_ =	shalt  }
0x87: {  	_ =	shalt  }
.Lfunc_end0:
.L_simem_size_0:
called_computation.2_lowered:
.L_overlay_start_0:
0x88: {  	s2 =	sld [smem:$0x3FD9]  }
0x89: {  	s3 =	sld [smem:$0x3FFE];
	_ =	sdelay $0x1  }
0x8a: {  	s1 =	srdreg.scid  }
0x8b: {  	s0 =	sand.u32 $0x1, s1  }
0x8c: {  	s17 =	sshll.u32 s0, $0xA;
	s2 =	sadd.s32 s3, s2  }
0x8d: {  	s2 =	sadd.s32 s2, s17  }
0x8e: {  	[smem:$0x3FBE] =	sst s2  }
0x8f: {  	_ = 	snop  }
0x90: {  	s2 =	sld [smem:$0x3FD0];
	(tm) =	ssettm $0x1  }
0x91: {  	s18 =	sld [smem:$0x3FFB];
	_ =	sdelay $0x3  }
0x92: {  	_ =	strace s18  }
0x93: {  	s3 =	sld [smem:$0x3FFC];
	_ =	sdelay $0x3  }
0x94: {  	_ =	strace s3  }
0x95: {  	s3 =	sld [smem:$0x3FFD];
	_ =	sdelay $0x3  }
0x96: {  	_ =	strace s3  }
0x97: {  	_ =	strace $0x8FFFFFFF  }
0x98: {  	s19 =	sld [smem:$0x3FDB];
	_ =	sdelay $0x1  }
0x99: {  	s4 =	simm.s32 $_scs_section_size  }
0x9a: {  	s5 =	simm.s32 $_size__tile_overlayer_lowered;
	s6 =	simm.s32 $_tile_overlayer_lowered  }
0x9b: {  	s22 =	simm.s32 $0x1BFF;
	s21 =	sshll.u32 s6, $0x1;
	s3 =	sadd.s32 s4, s19  }
0x9c: {  	s7 =	simm.s32 $0x0;
	s20 =	sshll.u32 s5, $0x1;
	s5 =	sadd.s32 s21, s3  }
0x9d: {  	[timem:s7], [sflag:s22] =	dma.local [hbm:s5], s20  }
0x9e: {  	_ =	swait.ge [sflag:s22], s20  }
0x9f: {  	s4 =	ssub.s32 $0x0, s20;
	[sflag:s22] =	ssyncset.done $0x0  }
0xa0: {  	[sflag:s22] =	ssyncadd.s32 s4;
	_ =	sdelay $0x1  }
0xa1: {  	s23 =	simm.s32 $0x1B8B  }
0xa2: {  	_ =	swait.ge [sflag:s23], $0x1  }
0xa3: {  	[sflag:s23] =	ssyncset.done $0x0  }
0xa4: {  	s25 =	simm.s32 $0x1B8E;
	s24 =	sld [smem:$0x3FFE];
	[sflag:s23] =	ssyncadd.s32 $0xFFFFFFFF  }
0xa5: {  	s26 =	simm.s32 $execute0_lowered;
	[smem:$0x3FD2] =	sst s25  }
0xa6: {  	s5 =	sshll.u32 s26, $0x1;
	_ =	strace $0x8000004C;
	[dreg:$0x1] =	wrdreg $0xFFFFFFFF  }
0xa7: {  	s28 =	simm.s32 $_size_execute0_lowered;
	s3 =	sadd.s32 s3, s5;
	[dreg:$0x0] =	wrdreg $0x0  }
0xa8: {  	s5 =	sshll.u32 s28, $0x1;
	[dreg:$0x2] =	wrdreg s3  }
0xa9: {  	[dreg:$0x3] =	wrdreg s5  }
0xaa: {  	[dreg:$0x4] =	wrdreg $0xC0  }
0xab: {  	_ =	task [dreg:s7], $0x5FFFF  }
0xac: {  	[dreg:$0x1] =	wrdreg $0xFFFFFFFF  }
0xad: {  	[dreg:$0x0] =	wrdreg $0x60  }
0xae: {  	[dreg:$0x2] =	wrdreg s24  }
0xaf: {  	[dreg:$0x3] =	wrdreg s2  }
0xb0: {  	[dreg:$0x4] =	wrdreg $0x93000  }
0xb1: {  	[dreg:$0x5] =	wrdreg $0x9  }
0xb2: {  	_ =	task.clear_ibuf [dreg:s7], $0x6FFFF;
	_ =	strace $0x9000004C  }
0xb3: {  	s29 =	simm.s32 $0x9;
	_ =	strace $0x8000004E  }
0xb4: {  	_ =	swait.ge [sflag:s29], $0x1  }
0xb5: {  	[sflag:s29] =	ssyncadd.s32 $0xFFFFFFFF  }
0xb6: {  	_ =	strace $0x9000004E  }
0xb7: {  	_ =	sfence  }
0xb8: {  	s30 =	sld [smem:$0x0];
	_ =	sdelay $0x2  }
0xb9: {  	s31 =	sshll.u32 s1, $0xD;
	s1 =	sshrl.u32 s1, $0x2  }
0xba: {  	s3 =	sand.u32 $0x4000, s31;
	s1 =	sadd.s32 s1, s30  }
0xbb: {  	s0 =	sor.u32 s3, s0;
	s1 =	sshll.u32 s1, $0x11  }
0xbc: {  	s0 =	sor.u32 s1, s0  }
0xbd: {  	s0 =	sadd.s32 $0x8F2B, s0  }
0xbe: {  	[sflag:s0] =	ssyncadd.remote.s32 $0x1  }
0xbf: {  	_ =	sfence.sel $0xFFFF  }
0xc0: {  	[dreg:$0x0] =	wrdreg $0xFFFFFFFF;
	(pc) =	sbr.abs _section_cstart, $3  }
0xc1: {  	[dreg:$0x1] =	wrdreg $0xFFFFFFFF  }
0xc2: {  	_ =	task.clear_ibuf [dreg:s7], $0x2FFFF;
	_ =	strace $0x9FFFFFFF  }
0xc3: {  	(tm) =	ssettm $0x7FFFFFFF  }
tec
execute0_lowered:
.L_overlay_start_1:
0x0: {  	(tag) =	ssettag $0x1  }
0x1: {  	s0 =	srdreg.scid  }
0x2: {  	s3 =	rddreg [dreg:$0x0];
	s23 =	stileid.u32;
	s1 =	simm.s32 $0x0  }
0x3: {  	s2 =	sand.u32 $0x1, s0;
	s20 =	smul.u32 $0x14000, s23;
	[smem:$0x7FF] =	sst s1  }
0x4: {  	s19 =	sadd.s32 $0x74800, s3;
	s22 =	sshll.u32 s23, $0xF;
	s0 =	ssub.s32 $0x2, s2  }
0x5: {  	s21 =	smul.u32 $0x140000, s2;
	s2 =	sshll.u32 s2, $0x13;
	s4 =	sshrl.u32 s0, $0x1  }
0x6: {  	s5 =	sor.u32 $0x2800, s20;
	s6 =	sor.u32 $0x3C00, s20;
	s7 =	sadd.s32 $0x5000, s20  }
0x7: {  	s8 =	sadd.s32 $0x6400, s20;
	s9 =	sadd.s32 $0x7800, s20;
	s10 =	sadd.s32 $0x8C00, s20  }
0x8: {  	s26 =	sadd.s32 $0xA000, s20;
	s12 =	sadd.s32 $0xB400, s20;
	s13 =	sadd.s32 $0xC800, s20  }
0x9: {  	s14 =	sadd.s32 $0xDC00, s20;
	s15 =	sadd.s32 $0xF000, s20;
	s30 =	sadd.s32 $0x10400, s20  }
0xa: {  	s16 =	sadd.s32 $0x11800, s20;
	s17 =	sadd.s32 $0x12C00, s20;
	s2 =	sor.u32 s22, s2  }
0xb: {  	s0 =	ssub.s32 s0, s4;
	s4 =	sor.u32 $0x1400, s20;
	s20 =	sadd.s32 s20, s21  }
0xc: {  	s18 =	sadd.s32 s21, s6;
	[smem:$0x7F3] =	sst s0;
	s20 =	sshrl.u32 s20, $0x3  }
0xd: {  	s24 =	sadd.s32 s21, s4;
	s0 =	sadd.s32 s21, s5;
	s22 =	sshrl.u32 s18, $0x3  }
0xe: {  	s18 =	sadd.s32 s21, s9;
	s20 =	sadd.s32 s19, s20;
	s25 =	sshrl.u32 s24, $0x3  }
0xf: {  	s11 =	sshrl.u32 s0, $0x3;
	s24 =	sadd.s32 s21, s7;
	s0 =	sadd.s32 s21, s8  }
0x10: {  	[dreg:$0x4] =	wrdreg s20;
	s20 =	sadd.s32 s19, s25;
	s25 =	sshrl.u32 s24, $0x3  }
0x11: {  	s24 =	sadd.s32 s21, s10;
	[dreg:$0x5] =	wrdreg s20;
	s20 =	sadd.s32 s19, s11  }
0x12: {  	s11 =	sshrl.u32 s0, $0x3;
	s0 =	sadd.s32 s21, s26;
	[dreg:$0x6] =	wrdreg s20  }
0x13: {  	s20 =	sadd.s32 s19, s22;
	s22 =	sshrl.u32 s18, $0x3;
	s18 =	sadd.s32 s21, s12  }
0x14: {  	[dreg:$0x7] =	wrdreg s20;
	s20 =	sadd.s32 s19, s25;
	s25 =	sshrl.u32 s24, $0x3  }
0x15: {  	s24 =	sadd.s32 s21, s13;
	[dreg:$0x8] =	wrdreg s20;
	s20 =	sadd.s32 s19, s11  }
0x16: {  	s11 =	sshrl.u32 s0, $0x3;
	s0 =	sadd.s32 s21, s14;
	[dreg:$0x9] =	wrdreg s20  }
0x17: {  	s20 =	sadd.s32 s19, s22;
	s22 =	sshrl.u32 s18, $0x3;
	s18 =	sadd.s32 s21, s15  }
0x18: {  	[dreg:$0xa] =	wrdreg s20;
	s20 =	sadd.s32 s19, s25;
	s25 =	sshrl.u32 s24, $0x3  }
0x19: {  	s24 =	sshrl.u32 s18, $0x3;
	[dreg:$0xb] =	wrdreg s20;
	s20 =	sadd.s32 s19, s11  }
0x1a: {  	s11 =	sshrl.u32 s0, $0x3;
	[dreg:$0xc] =	wrdreg s20;
	s20 =	sadd.s32 s19, s22  }
0x1b: {  	[dreg:$0xd] =	wrdreg s20;
	s20 =	sadd.s32 s19, s25;
	s25 =	sadd.s32 s21, s30  }
0x1c: {  	[dreg:$0xe] =	wrdreg s20;
	s20 =	sadd.s32 s19, s11;
	s0 =	sshrl.u32 s25, $0x3  }
0x1d: {  	s11 =	sadd.s32 s21, s16;
	[dreg:$0xf] =	wrdreg s20;
	s20 =	sadd.s32 s19, s24  }
0x1e: {  	s18 =	sshrl.u32 s11, $0x3;
	[dreg:$0x10] =	wrdreg s20;
	s20 =	sadd.s32 s19, s0  }
0x1f: {  	s21 =	sadd.s32 s21, s17;
	[dreg:$0x11] =	wrdreg s20;
	s20 =	sadd.s32 s19, s18  }
0x20: {  	s21 =	sshrl.u32 s21, $0x3;
	[dreg:$0x12] =	wrdreg s20  }
0x21: {  	s19 =	sadd.s32 s19, s21;
	s20 =	rddreg [dreg:$0x2]  }
0x22: {  	[dreg:$0x13] =	wrdreg s19;
	s11 =	sadd.s32 s6, s20  }
0x23: {  	_ =	strace $0x8000004D;
	s7 =	sadd.s32 s7, s20;
	[dreg:$0x17] =	wrdreg s11  }
0x24: {  	s28 =	sadd.s32 s8, s20;
	[dreg:$0x18] =	wrdreg s7  }
0x25: {  	s25 =	smul.u32 $0x50000, s23;
	s31 =	sadd.s32 s9, s20;
	[dreg:$0x19] =	wrdreg s28  }
0x26: {  	s0 =	sadd.s32 s10, s20;
	[dreg:$0x1a] =	wrdreg s31  }
0x27: {  	s21 =	sshrl.u32 s25, $0x2;
	s18 =	sadd.s32 s26, s20;
	[dreg:$0x1b] =	wrdreg s0  }
0x28: {  	s25 =	sadd.s32 s4, s20;
	s4 =	sadd.s32 s12, s20;
	[dreg:$0x1c] =	wrdreg s18  }
0x29: {  	s6 =	sadd.s32 s13, s20;
	[dreg:$0x1d] =	wrdreg s4  }
0x2a: {  	s22 =	sadd.s32 $0x4D600, s3;
	s8 =	sadd.s32 s14, s20;
	[dreg:$0x1e] =	wrdreg s6  }
0x2b: {  	s23 =	sadd.s32 $0x2D600, s3;
	s19 =	sadd.s32 s15, s20;
	[dreg:$0x1f] =	wrdreg s8  }
0x2c: {  	s24 =	sadd.s32 $0xD600, s3;
	s10 =	sadd.s32 s30, s20;
	[smem:$0x7FA] =	sst s19  }
0x2d: {  	s12 =	sshrl.u32 s2, $0x3;
	s29 =	sadd.s32 s17, s20;
	[smem:$0x7FB] =	sst s10  }
0x2e: {  	s21 =	sadd.s32 s21, s20;
	s3 =	sadd.s32 s24, s12;
	[smem:$0x7FD] =	sst s29  }
0x2f: {  	s5 =	sadd.s32 s5, s20;
	s14 =	sadd.s32 s23, s12;
	[smem:$0x7EC] =	sst s3  }
0x30: {  	s17 =	smov.u32 s5;
	s5 =	smov.u32 s21;
	[smem:$0x7F7] =	sst s14  }
0x31: {  	s13 =	smov.u32 s25;
	[dreg:$0x14] =	wrdreg s5  }
0x32: {  	[dreg:$0x15] =	wrdreg s13  }
0x33: {  	s25 =	sadd.s32 s16, s20;
	s15 =	sor.u32 $0x10, s12;
	[dreg:$0x16] =	wrdreg s17  }
0x34: {  	s16 =	sor.u32 $0x20, s12;
	s26 =	sadd.s32 s23, s15;
	[smem:$0x7FC] =	sst s25  }
0x35: {  	s9 =	sor.u32 $0x30, s12;
	s12 =	sadd.s32 s24, s15;
	[smem:$0x7ED] =	sst s26  }
0x36: {  	s15 =	sadd.s32 s23, s16;
	[smem:$0x7EE] =	sst s12  }
0x37: {  	s16 =	sadd.s32 s24, s16;
	[smem:$0x7EF] =	sst s15  }
0x38: {  	[smem:$0x7F0] =	sst s16  }
0x39: {  	s30 =	simm.s32 $0x1B00;
	s21 =	sadd.s32 $0x50, s14;
	s15 =	sld [smem:$0x7F3]  }
0x3a: {  	s26 =	sadd.s32 s23, s9;
	s12 =	sadd.s32 s24, s9;
	[smem:$0x7F6] =	sst s21  }
0x3b: {  	s16 =	sadd.s32 $0x40, s14;
	s9 =	simm.s32 $0x18;
	[smem:$0x7F1] =	sst s26  }
.Ltmp0:
0x3c: {  	s21 =	simm.s32 $0x19;
	[smem:$0x7F2] =	sst s12;
	(pc) =	sbr.rel .LBB2_1-.Ltmp0, $4  }
0x3d: {  	[smem:$0x7F5] =	sst s16;
	s26 =	sadd.s32 $0x60, s14;
	s14 =	simm.s32 $0x700  }
0x3e: {  	s16 =	simm.s32 $0x1;
	[smem:$0x7F8] =	sst s26;
	s3 =	smax.u32 s15, $0x1  }
0x3f: {  	s12 =	simm.s32 $0x2;
	[smem:$0x7F4] =	sst s3;
	s3 =	simm.s32 $0x0  }
0x40: {  	s26 =	simm.s32 $0x28;
	s15 =	simm.s32 $0x1D;
	[smem:$0x7F9] =	sst s3  }
.LBB2_37:
0x41: {  	_ =	swait.ge [sflag:s9], $0x1400  }
0x42: {  	[sflag:s9] =	ssyncset.done $0x0  }
0x43: {  	[sflag:s9] =	ssyncadd.s32 $0xFFFFEC00  }
0x44: {  	_ =	swait.ge [sflag:s21], $0x1400  }
0x45: {  	[sflag:s21] =	ssyncset.done $0x0  }
0x46: {  	s0 =	simm.s32 $0x1A;
	[sflag:s21] =	ssyncadd.s32 $0xFFFFEC00  }
0x47: {  	_ =	swait.ge [sflag:s0], $0x1400  }
0x48: {  	[sflag:s0] =	ssyncset.done $0x0  }
0x49: {  	[sflag:s0] =	ssyncadd.s32 $0xFFFFEC00  }
0x4a: {  	[bflag:$0x0] =	sbarrier.arrive $0xFFFF  }
0x4b: {  	s5 =	rddreg [dreg:$0x14]  }
0x4c: {  	[tilespmem:s14], [sflag:$0x1D] =	stream.linear.gather [spmem:s5], $0x1400, $0x38;
	[tilespmem:$0x1D300] =	vst v63  }
0x4d: {  	_ =	swait.ge [sflag:s15], $0x1400  }
0x4e: {  	[sflag:s15] =	ssyncset.done $0x0  }
0x4f: {  	s3 =	rddreg [dreg:$0x4];
	[sflag:s15] =	ssyncadd.s32 $0xFFFFEC00  }
0x50: {  	[hbm4b:s3+s1] =	stream.linear.scatter [tilespmem:s14], [sflag:$0x1], $0x1400, $0x38;
	[tilespmem:$0x1D300] =	vst v63  }
0x51: {  	s13 =	rddreg [dreg:$0x15]  }
0x52: {  	[tilespmem:s30], [sflag:$0x1D] =	stream.linear.gather [spmem:s13], $0x1400, $0x38;
	[tilespmem:$0x1D300] =	vst v63  }
0x53: {  	_ =	swait.ge [sflag:s15], $0x1400  }
0x54: {  	[sflag:s15] =	ssyncset.done $0x0  }
0x55: {  	s7 =	rddreg [dreg:$0x5];
	[sflag:s15] =	ssyncadd.s32 $0xFFFFEC00  }
0x56: {  	[hbm4b:s7+s1] =	stream.linear.scatter [tilespmem:s30], [sflag:$0x2], $0x1400, $0x38;
	[tilespmem:$0x1D300] =	vst v63  }
0x57: {  	_ =	swait.ge [sflag:s16], $0x1400  }
0x58: {  	[sflag:s16] =	ssyncset.done $0x0  }
0x59: {  	s17 =	rddreg [dreg:$0x16];
	[sflag:s16] =	ssyncadd.s32 $0xFFFFEC00  }
0x5a: {  	[tilespmem:s14], [sflag:$0x1D] =	stream.linear.gather [spmem:s17], $0x1400, $0x38;
	[tilespmem:$0x1D300] =	vst v63  }
0x5b: {  	_ =	swait.ge [sflag:s15], $0x1400  }
0x5c: {  	[sflag:s15] =	ssyncset.done $0x0  }
0x5d: {  	s8 =	rddreg [dreg:$0x6];
	[sflag:s15] =	ssyncadd.s32 $0xFFFFEC00  }
0x5e: {  	[hbm4b:s8+s1] =	stream.linear.scatter [tilespmem:s14], [sflag:$0x1], $0x1400, $0x38;
	[tilespmem:$0x1D300] =	vst v63  }
0x5f: {  	_ =	swait.ge [sflag:s12], $0x1400  }
0x60: {  	[sflag:s12] =	ssyncset.done $0x0  }
0x61: {  	s11 =	rddreg [dreg:$0x17];
	[sflag:s12] =	ssyncadd.s32 $0xFFFFEC00  }
0x62: {  	[tilespmem:s30], [sflag:$0x1D] =	stream.linear.gather [spmem:s11], $0x1400, $0x38;
	[tilespmem:$0x1D300] =	vst v63  }
0x63: {  	_ =	swait.ge [sflag:s15], $0x1400  }
0x64: {  	[sflag:s15] =	ssyncset.done $0x0  }
0x65: {  	s9 =	rddreg [dreg:$0x7];
	[sflag:s15] =	ssyncadd.s32 $0xFFFFEC00  }
0x66: {  	[hbm4b:s9+s1] =	stream.linear.scatter [tilespmem:s30], [sflag:$0x2], $0x1400, $0x38;
	[tilespmem:$0x1D300] =	vst v63  }
0x67: {  	_ =	swait.ge [sflag:s16], $0x1400  }
0x68: {  	[sflag:s16] =	ssyncset.done $0x0  }
0x69: {  	s7 =	rddreg [dreg:$0x18];
	[sflag:s16] =	ssyncadd.s32 $0xFFFFEC00  }
0x6a: {  	[tilespmem:s14], [sflag:$0x1D] =	stream.linear.gather [spmem:s7], $0x1400, $0x38;
	[tilespmem:$0x1D300] =	vst v63  }
0x6b: {  	_ =	swait.ge [sflag:s15], $0x1400  }
0x6c: {  	[sflag:s15] =	ssyncset.done $0x0  }
0x6d: {  	s10 =	rddreg [dreg:$0x8];
	[sflag:s15] =	ssyncadd.s32 $0xFFFFEC00  }
0x6e: {  	[hbm4b:s10+s1] =	stream.linear.scatter [tilespmem:s14], [sflag:$0x1], $0x1400, $0x38;
	[tilespmem:$0x1D300] =	vst v63  }
0x6f: {  	_ =	swait.ge [sflag:s12], $0x1400  }
0x70: {  	[sflag:s12] =	ssyncset.done $0x0  }
0x71: {  	s28 =	rddreg [dreg:$0x19];
	[sflag:s12] =	ssyncadd.s32 $0xFFFFEC00  }
0x72: {  	[tilespmem:s30], [sflag:$0x1D] =	stream.linear.gather [spmem:s28], $0x1400, $0x38;
	[tilespmem:$0x1D300] =	vst v63  }
0x73: {  	_ =	swait.ge [sflag:s15], $0x1400  }
0x74: {  	[sflag:s15] =	ssyncset.done $0x0  }
0x75: {  	s18 =	rddreg [dreg:$0x9];
	[sflag:s15] =	ssyncadd.s32 $0xFFFFEC00  }
0x76: {  	[hbm4b:s18+s1] =	stream.linear.scatter [tilespmem:s30], [sflag:$0x2], $0x1400, $0x38;
	[tilespmem:$0x1D300] =	vst v63  }
0x77: {  	_ =	swait.ge [sflag:s16], $0x1400  }
0x78: {  	[sflag:s16] =	ssyncset.done $0x0  }
0x79: {  	s31 =	rddreg [dreg:$0x1a];
	[sflag:s16] =	ssyncadd.s32 $0xFFFFEC00  }
0x7a: {  	[tilespmem:s14], [sflag:$0x1D] =	stream.linear.gather [spmem:s31], $0x1400, $0x38;
	[tilespmem:$0x1D300] =	vst v63  }
0x7b: {  	_ =	swait.ge [sflag:s15], $0x1400  }
0x7c: {  	[sflag:s15] =	ssyncset.done $0x0  }
0x7d: {  	s19 =	rddreg [dreg:$0xa];
	[sflag:s15] =	ssyncadd.s32 $0xFFFFEC00  }
0x7e: {  	[hbm4b:s19+s1] =	stream.linear.scatter [tilespmem:s14], [sflag:$0x1], $0x1400, $0x38;
	[tilespmem:$0x1D300] =	vst v63  }
0x7f: {  	_ =	swait.ge [sflag:s12], $0x1400  }
0x80: {  	[sflag:s12] =	ssyncset.done $0x0  }
0x81: {  	s0 =	rddreg [dreg:$0x1b];
	[sflag:s12] =	ssyncadd.s32 $0xFFFFEC00  }
0x82: {  	[tilespmem:s30], [sflag:$0x1D] =	stream.linear.gather [spmem:s0], $0x1400, $0x38;
	[tilespmem:$0x1D300] =	vst v63  }
0x83: {  	_ =	swait.ge [sflag:s15], $0x1400  }
0x84: {  	[sflag:s15] =	ssyncset.done $0x0  }
0x85: {  	s25 =	rddreg [dreg:$0xb];
	[sflag:s15] =	ssyncadd.s32 $0xFFFFEC00  }
0x86: {  	[hbm4b:s25+s1] =	stream.linear.scatter [tilespmem:s30], [sflag:$0x2], $0x1400, $0x38;
	[tilespmem:$0x1D300] =	vst v63  }
0x87: {  	_ =	swait.ge [sflag:s16], $0x1400  }
0x88: {  	[sflag:s16] =	ssyncset.done $0x0  }
0x89: {  	s18 =	rddreg [dreg:$0x1c];
	[sflag:s16] =	ssyncadd.s32 $0xFFFFEC00  }
0x8a: {  	[tilespmem:s14], [sflag:$0x1D] =	stream.linear.gather [spmem:s18], $0x1400, $0x38;
	[tilespmem:$0x1D300] =	vst v63  }
0x8b: {  	_ =	swait.ge [sflag:s15], $0x1400  }
0x8c: {  	[sflag:s15] =	ssyncset.done $0x0  }
0x8d: {  	s4 =	rddreg [dreg:$0xc];
	[sflag:s15] =	ssyncadd.s32 $0xFFFFEC00  }
0x8e: {  	[hbm4b:s4+s1] =	stream.linear.scatter [tilespmem:s14], [sflag:$0x1], $0x1400, $0x38;
	[tilespmem:$0x1D300] =	vst v63  }
0x8f: {  	_ =	swait.ge [sflag:s12], $0x1400  }
0x90: {  	[sflag:s12] =	ssyncset.done $0x0  }
0x91: {  	s4 =	rddreg [dreg:$0x1d];
	[sflag:s12] =	ssyncadd.s32 $0xFFFFEC00  }
0x92: {  	[tilespmem:s30], [sflag:$0x1D] =	stream.linear.gather [spmem:s4], $0x1400, $0x38;
	[tilespmem:$0x1D300] =	vst v63  }
0x93: {  	_ =	swait.ge [sflag:s15], $0x1400  }
0x94: {  	[sflag:s15] =	ssyncset.done $0x0  }
0x95: {  	s6 =	rddreg [dreg:$0xd];
	[sflag:s15] =	ssyncadd.s32 $0xFFFFEC00  }
0x96: {  	[hbm4b:s6+s1] =	stream.linear.scatter [tilespmem:s30], [sflag:$0x2], $0x1400, $0x38;
	[tilespmem:$0x1D300] =	vst v63  }
0x97: {  	_ =	swait.ge [sflag:s16], $0x1400  }
0x98: {  	[sflag:s16] =	ssyncset.done $0x0  }
0x99: {  	s6 =	rddreg [dreg:$0x1e];
	[sflag:s16] =	ssyncadd.s32 $0xFFFFEC00  }
0x9a: {  	[tilespmem:s14], [sflag:$0x1D] =	stream.linear.gather [spmem:s6], $0x1400, $0x38;
	[tilespmem:$0x1D300] =	vst v63  }
0x9b: {  	_ =	swait.ge [sflag:s15], $0x1400  }
0x9c: {  	[sflag:s15] =	ssyncset.done $0x0  }
0x9d: {  	s8 =	rddreg [dreg:$0xe];
	[sflag:s15] =	ssyncadd.s32 $0xFFFFEC00  }
0x9e: {  	[hbm4b:s8+s1] =	stream.linear.scatter [tilespmem:s14], [sflag:$0x1], $0x1400, $0x38;
	[tilespmem:$0x1D300] =	vst v63  }
0x9f: {  	_ =	swait.ge [sflag:s12], $0x1400  }
0xa0: {  	[sflag:s12] =	ssyncset.done $0x0  }
0xa1: {  	s8 =	rddreg [dreg:$0x1f];
	[sflag:s12] =	ssyncadd.s32 $0xFFFFEC00  }
0xa2: {  	[tilespmem:s30], [sflag:$0x1D] =	stream.linear.gather [spmem:s8], $0x1400, $0x38;
	[tilespmem:$0x1D300] =	vst v63  }
0xa3: {  	_ =	swait.ge [sflag:s15], $0x1400  }
0xa4: {  	[sflag:s15] =	ssyncset.done $0x0  }
0xa5: {  	s9 =	rddreg [dreg:$0xf];
	[sflag:s15] =	ssyncadd.s32 $0xFFFFEC00  }
0xa6: {  	[hbm4b:s9+s1] =	stream.linear.scatter [tilespmem:s30], [sflag:$0x2], $0x1400, $0x38;
	[tilespmem:$0x1D300] =	vst v63  }
0xa7: {  	_ =	swait.ge [sflag:s16], $0x1400  }
0xa8: {  	s19 =	sld [smem:$0x7FA]  }
0xa9: {  	[sflag:s16] =	ssyncset.done $0x0  }
0xaa: {  	[sflag:s16] =	ssyncadd.s32 $0xFFFFEC00  }
0xab: {  	[tilespmem:s14], [sflag:$0x1D] =	stream.linear.gather [spmem:s19], $0x1400, $0x38;
	[tilespmem:$0x1D300] =	vst v63  }
0xac: {  	_ =	swait.ge [sflag:s15], $0x1400  }
0xad: {  	[sflag:s15] =	ssyncset.done $0x0  }
0xae: {  	s10 =	rddreg [dreg:$0x10];
	[sflag:s15] =	ssyncadd.s32 $0xFFFFEC00  }
0xaf: {  	[hbm4b:s10+s1] =	stream.linear.scatter [tilespmem:s14], [sflag:$0x1], $0x1400, $0x38;
	[tilespmem:$0x1D300] =	vst v63  }
0xb0: {  	_ =	swait.ge [sflag:s12], $0x1400  }
0xb1: {  	s10 =	sld [smem:$0x7FB]  }
0xb2: {  	[sflag:s12] =	ssyncset.done $0x0  }
0xb3: {  	[sflag:s12] =	ssyncadd.s32 $0xFFFFEC00  }
0xb4: {  	[tilespmem:s30], [sflag:$0x1D] =	stream.linear.gather [spmem:s10], $0x1400, $0x38;
	[tilespmem:$0x1D300] =	vst v63  }
0xb5: {  	_ =	swait.ge [sflag:s15], $0x1400  }
0xb6: {  	[sflag:s15] =	ssyncset.done $0x0  }
0xb7: {  	s25 =	rddreg [dreg:$0x11];
	[sflag:s15] =	ssyncadd.s32 $0xFFFFEC00  }
0xb8: {  	[hbm4b:s25+s1] =	stream.linear.scatter [tilespmem:s30], [sflag:$0x2], $0x1400, $0x38;
	[tilespmem:$0x1D300] =	vst v63  }
0xb9: {  	_ =	swait.ge [sflag:s16], $0x1400  }
0xba: {  	s25 =	sld [smem:$0x7FC]  }
0xbb: {  	[sflag:s16] =	ssyncset.done $0x0  }
0xbc: {  	[sflag:s16] =	ssyncadd.s32 $0xFFFFEC00  }
0xbd: {  	[tilespmem:s14], [sflag:$0x1D] =	stream.linear.gather [spmem:s25], $0x1400, $0x38;
	[tilespmem:$0x1D300] =	vst v63  }
0xbe: {  	_ =	swait.ge [sflag:s15], $0x1400  }
0xbf: {  	[sflag:s15] =	ssyncset.done $0x0  }
0xc0: {  	s9 =	rddreg [dreg:$0x12];
	[sflag:s15] =	ssyncadd.s32 $0xFFFFEC00  }
0xc1: {  	[hbm4b:s9+s1] =	stream.linear.scatter [tilespmem:s14], [sflag:$0x1], $0x1400, $0x38;
	[tilespmem:$0x1D300] =	vst v63  }
0xc2: {  	_ =	swait.ge [sflag:s12], $0x1400  }
0xc3: {  	s29 =	sld [smem:$0x7FD]  }
0xc4: {  	[sflag:s12] =	ssyncset.done $0x0  }
0xc5: {  	[sflag:s12] =	ssyncadd.s32 $0xFFFFEC00  }
0xc6: {  	[tilespmem:s30], [sflag:$0x1D] =	stream.linear.gather [spmem:s29], $0x1400, $0x38;
	[tilespmem:$0x1D300] =	vst v63  }
0xc7: {  	_ =	swait.ge [sflag:s15], $0x1400  }
0xc8: {  	[sflag:s15] =	ssyncset.done $0x0  }
0xc9: {  	s9 =	rddreg [dreg:$0x13];
	[sflag:s15] =	ssyncadd.s32 $0xFFFFEC00  }
0xca: {  	[hbm4b:s9+s1] =	stream.linear.scatter [tilespmem:s30], [sflag:$0x2], $0x1400, $0x38;
	[tilespmem:$0x1D300] =	vst v63  }
0xcb: {  	_ =	swait.ge [sflag:s16], $0x1400  }
0xcc: {  	[sflag:s16] =	ssyncset.done $0x0  }
0xcd: {  	[sflag:s16] =	ssyncadd.s32 $0xFFFFEC00  }
0xce: {  	_ =	swait.ge [sflag:s12], $0x1400  }
0xcf: {  	s3 =	sld [smem:$0x7F9];
	_ =	sdelay $0x2  }
0xd0: {  	s9 =	sadd.s32 $0x1, s3;
	s3 =	sld [smem:$0x7F4];
	_ =	sdelay $0x2  }
0xd1: {  	p0 =	sne.s32 s9, s3  }
.Ltmp1:
0xd2: {  	_ = 	snop;
	(pc) =	sbr.rel @!p0 .LBB2_38-.Ltmp1, $3  }
0xd3: {  	_ =	sdelay $0x1  }
0xd4: {  	[sflag:s12] =	ssyncset.done $0x0  }
0xd5: {  	[sflag:s12] =	ssyncadd.s32 $0xFFFFEC00;
	[smem:$0x7F9] =	sst s9;
	s9 =	simm.s32 $0x18  }
.LBB2_1:
0xd6: {  	s3 =	rddreg [dreg:$0x1]  }
0xd7: {  	[tilespmem:s14], [sflag:$0x1D] =	stream.linear.gather [hbm4b:s3+s1], $0x1400, $0x38;
	[tilespmem:$0x1D300] =	vst v63  }
0xd8: {  	_ =	swait.ge [sflag:s15], $0x1400  }
0xd9: {  	[sflag:s15] =	ssyncset.done $0x0  }
0xda: {  	[sflag:s15] =	ssyncadd.s32 $0xFFFFEC00  }
0xdb: {  	[spmem:s5] =	stream.linear.scatter [tilespmem:s14], [sflag:$0x1], $0x1400, $0x38;
	[tilespmem:$0x1D300] =	vst v63  }
0xdc: {  	_ = 	snop  }
0xdd: {  	[spmem:s13] =	stream.linear.scatter [tilespmem:s14], [sflag:$0x1], $0x1400, $0x38;
	[tilespmem:$0x1D300] =	vst v63  }
0xde: {  	_ = 	snop  }
0xdf: {  	[spmem:s17] =	stream.linear.scatter [tilespmem:s14], [sflag:$0x1], $0x1400, $0x38;
	[tilespmem:$0x1D300] =	vst v63  }
0xe0: {  	_ = 	snop  }
0xe1: {  	[spmem:s11] =	stream.linear.scatter [tilespmem:s14], [sflag:$0x1], $0x1400, $0x38;
	[tilespmem:$0x1D300] =	vst v63  }
0xe2: {  	_ = 	snop  }
0xe3: {  	[spmem:s7] =	stream.linear.scatter [tilespmem:s14], [sflag:$0x1], $0x1400, $0x38;
	[tilespmem:$0x1D300] =	vst v63  }
0xe4: {  	_ = 	snop  }
0xe5: {  	[spmem:s28] =	stream.linear.scatter [tilespmem:s14], [sflag:$0x1], $0x1400, $0x38;
	[tilespmem:$0x1D300] =	vst v63  }
0xe6: {  	_ = 	snop  }
0xe7: {  	[spmem:s31] =	stream.linear.scatter [tilespmem:s14], [sflag:$0x1], $0x1400, $0x38;
	[tilespmem:$0x1D300] =	vst v63  }
0xe8: {  	_ = 	snop  }
0xe9: {  	[spmem:s0] =	stream.linear.scatter [tilespmem:s14], [sflag:$0x1], $0x1400, $0x38;
	[tilespmem:$0x1D300] =	vst v63  }
0xea: {  	_ = 	snop  }
0xeb: {  	[spmem:s18] =	stream.linear.scatter [tilespmem:s14], [sflag:$0x1], $0x1400, $0x38;
	[tilespmem:$0x1D300] =	vst v63  }
0xec: {  	_ = 	snop  }
0xed: {  	[spmem:s4] =	stream.linear.scatter [tilespmem:s14], [sflag:$0x1], $0x1400, $0x38;
	[tilespmem:$0x1D300] =	vst v63  }
0xee: {  	_ = 	snop  }
0xef: {  	[spmem:s6] =	stream.linear.scatter [tilespmem:s14], [sflag:$0x1], $0x1400, $0x38;
	[tilespmem:$0x1D300] =	vst v63  }
0xf0: {  	_ = 	snop  }
0xf1: {  	[spmem:s8] =	stream.linear.scatter [tilespmem:s14], [sflag:$0x1], $0x1400, $0x38;
	[tilespmem:$0x1D300] =	vst v63  }
0xf2: {  	_ = 	snop  }
0xf3: {  	[spmem:s19] =	stream.linear.scatter [tilespmem:s14], [sflag:$0x1], $0x1400, $0x38;
	[tilespmem:$0x1D300] =	vst v63  }
0xf4: {  	_ = 	snop  }
0xf5: {  	[spmem:s10] =	stream.linear.scatter [tilespmem:s14], [sflag:$0x1], $0x1400, $0x38;
	[tilespmem:$0x1D300] =	vst v63  }
0xf6: {  	_ = 	snop  }
0xf7: {  	[spmem:s25] =	stream.linear.scatter [tilespmem:s14], [sflag:$0x1], $0x1400, $0x38;
	[tilespmem:$0x1D300] =	vst v63  }
0xf8: {  	_ = 	snop  }
0xf9: {  	[spmem:s29] =	stream.linear.scatter [tilespmem:s14], [sflag:$0x1], $0x1400, $0x38;
	[tilespmem:$0x1D300] =	vst v63  }
0xfa: {  	_ =	swait.ge [sflag:s16], $0x1400  }
0xfb: {  	[sflag:s16] =	ssyncset.done $0x0  }
0xfc: {  	[sflag:s16] =	ssyncadd.s32 $0xFFFFEC00  }
0xfd: {  	_ =	swait.ge [sflag:s16], $0x1400  }
0xfe: {  	[sflag:s16] =	ssyncset.done $0x0  }
0xff: {  	[sflag:s16] =	ssyncadd.s32 $0xFFFFEC00  }
0x100: {  	_ =	swait.ge [sflag:s16], $0x1400  }
0x101: {  	[sflag:s16] =	ssyncset.done $0x0  }
0x102: {  	[sflag:s16] =	ssyncadd.s32 $0xFFFFEC00  }
0x103: {  	_ =	swait.ge [sflag:s16], $0x1400  }
0x104: {  	[sflag:s16] =	ssyncset.done $0x0  }
0x105: {  	[sflag:s16] =	ssyncadd.s32 $0xFFFFEC00  }
0x106: {  	_ =	swait.ge [sflag:s16], $0x1400  }
0x107: {  	[sflag:s16] =	ssyncset.done $0x0  }
0x108: {  	[sflag:s16] =	ssyncadd.s32 $0xFFFFEC00  }
0x109: {  	_ =	swait.ge [sflag:s16], $0x1400  }
0x10a: {  	[sflag:s16] =	ssyncset.done $0x0  }
0x10b: {  	[sflag:s16] =	ssyncadd.s32 $0xFFFFEC00  }
0x10c: {  	_ =	swait.ge [sflag:s16], $0x1400  }
0x10d: {  	[sflag:s16] =	ssyncset.done $0x0  }
0x10e: {  	[sflag:s16] =	ssyncadd.s32 $0xFFFFEC00  }
0x10f: {  	_ =	swait.ge [sflag:s16], $0x1400  }
0x110: {  	[sflag:s16] =	ssyncset.done $0x0  }
0x111: {  	[sflag:s16] =	ssyncadd.s32 $0xFFFFEC00  }
0x112: {  	_ =	swait.ge [sflag:s16], $0x1400  }
0x113: {  	[sflag:s16] =	ssyncset.done $0x0  }
0x114: {  	[sflag:s16] =	ssyncadd.s32 $0xFFFFEC00  }
0x115: {  	_ =	swait.ge [sflag:s16], $0x1400  }
0x116: {  	[sflag:s16] =	ssyncset.done $0x0  }
0x117: {  	[sflag:s16] =	ssyncadd.s32 $0xFFFFEC00  }
0x118: {  	_ =	swait.ge [sflag:s16], $0x1400  }
0x119: {  	[sflag:s16] =	ssyncset.done $0x0  }
0x11a: {  	[sflag:s16] =	ssyncadd.s32 $0xFFFFEC00  }
0x11b: {  	_ =	swait.ge [sflag:s16], $0x1400  }
0x11c: {  	[sflag:s16] =	ssyncset.done $0x0  }
0x11d: {  	[sflag:s16] =	ssyncadd.s32 $0xFFFFEC00  }
0x11e: {  	_ =	swait.ge [sflag:s16], $0x1400  }
0x11f: {  	[sflag:s16] =	ssyncset.done $0x0  }
0x120: {  	[sflag:s16] =	ssyncadd.s32 $0xFFFFEC00  }
0x121: {  	_ =	swait.ge [sflag:s16], $0x1400  }
0x122: {  	[sflag:s16] =	ssyncset.done $0x0  }
0x123: {  	[sflag:s16] =	ssyncadd.s32 $0xFFFFEC00  }
0x124: {  	_ =	swait.ge [sflag:s16], $0x1400  }
0x125: {  	[sflag:s16] =	ssyncset.done $0x0  }
0x126: {  	[sflag:s16] =	ssyncadd.s32 $0xFFFFEC00  }
0x127: {  	_ =	swait.ge [sflag:s16], $0x1400  }
0x128: {  	[sflag:s16] =	ssyncset.done $0x0  }
0x129: {  	[sflag:s16] =	ssyncadd.s32 $0xFFFFEC00  }
0x12a: {  	[bflag:$0x0] =	sbarrier.arrive $0xFFFF  }
0x12b: {  	s10 =	sld [smem:$0x7F7];
	_ =	sdelay $0x1  }
0x12c: {  	s11 =	sld [smem:$0x7ED]  }
0x12d: {  	[tilespmem:s1], [sflag:$0xF] =	stream.linear.gather [hbm4b:s10+s1], $0x80, $0x38;
	[tilespmem:$0x1D300] =	vst v63  }
0x12e: {  	s4 =	simm.s32 $0x80;
	s13 =	sld [smem:$0x7EF]  }
0x12f: {  	[tilespmem:s4], [sflag:$0x10] =	stream.linear.gather [hbm4b:s11+s1], $0x80, $0x38;
	[tilespmem:$0x1D300] =	vst v63  }
0x130: {  	s6 =	simm.s32 $0x100;
	s17 =	sld [smem:$0x7F1]  }
0x131: {  	[tilespmem:s6], [sflag:$0x11] =	stream.linear.gather [hbm4b:s13+s1], $0x80, $0x38;
	[tilespmem:$0x1D300] =	vst v63  }
0x132: {  	s7 =	simm.s32 $0x180;
	s18 =	sld [smem:$0x7F5]  }
0x133: {  	[tilespmem:s7], [sflag:$0x12] =	stream.linear.gather [hbm4b:s17+s1], $0x80, $0x38;
	[tilespmem:$0x1D300] =	vst v63  }
0x134: {  	s8 =	simm.s32 $0x200;
	s19 =	sld [smem:$0x7F6]  }
0x135: {  	[tilespmem:s8], [sflag:$0x13] =	stream.linear.gather [hbm4b:s18+s1], $0x80, $0x38;
	[tilespmem:$0x1D300] =	vst v63  }
0x136: {  	s25 =	sld [smem:$0x7F8];
	s10 =	simm.s32 $0x280  }
0x137: {  	[tilespmem:s10], [sflag:$0x14] =	stream.linear.gather [hbm4b:s19+s1], $0x80, $0x38;
	[tilespmem:$0x1D300] =	vst v63  }
0x138: {  	s3 =	sld [smem:$0x7EC];
	s11 =	simm.s32 $0x300  }
0x139: {  	[tilespmem:s11], [sflag:$0x15] =	stream.linear.gather [hbm4b:s25+s1], $0x80, $0x38;
	[tilespmem:$0x1D300] =	vst v63  }
0x13a: {  	s5 =	simm.s32 $0x380;
	s18 =	simm.s32 $0xF  }
0x13b: {  	[tilespmem:s5], [sflag:$0x8] =	stream.linear.gather [hbm4b:s3+s1], $0x80, $0x38;
	[tilespmem:$0x1D300] =	vst v63  }
0x13c: {  	_ =	swait.ge [sflag:s18], $0x80  }
0x13d: {  	[sflag:s18] =	ssyncset.done $0x0  }
0x13e: {  	s13 =	sld [smem:$0x7EE];
	[sflag:s18] =	ssyncadd.s32 $0xFFFFFF80  }
0x13f: {  	[tilespmem:s14], [sflag:$0x1] =	stream.indirect.gather [hbm4b:s22+s26], $0x80, s1, s26, $0xb8;
	[tilespmem:$0x1D300] =	vst v63  }
0x140: {  	s19 =	simm.s32 $0x400;
	s25 =	simm.s32 $0x10  }
0x141: {  	[tilespmem:s19], [sflag:$0x9] =	stream.linear.gather [hbm4b:s13+s1], $0x80, $0x38;
	[tilespmem:$0x1D300] =	vst v63  }
0x142: {  	_ =	swait.ge [sflag:s25], $0x80  }
0x143: {  	[sflag:s25] =	ssyncset.done $0x0  }
0x144: {  	s17 =	sld [smem:$0x7F0];
	[sflag:s25] =	ssyncadd.s32 $0xFFFFFF80  }
0x145: {  	[tilespmem:s30], [sflag:$0x2] =	stream.indirect.gather [hbm4b:s22+s26], $0x80, s4, s26, $0xb8;
	[tilespmem:$0x1D300] =	vst v63  }
0x146: {  	s28 =	simm.s32 $0x480;
	s29 =	simm.s32 $0x11  }
0x147: {  	[tilespmem:s28], [sflag:$0xA] =	stream.linear.gather [hbm4b:s17+s1], $0x80, $0x38;
	[tilespmem:$0x1D300] =	vst v63  }
0x148: {  	_ =	swait.ge [sflag:s29], $0x80  }
0x149: {  	[sflag:s29] =	ssyncset.done $0x0  }
0x14a: {  	s31 =	simm.s32 $0x2F00;
	s3 =	sld [smem:$0x7F2];
	[sflag:s29] =	ssyncadd.s32 $0xFFFFFF80  }
0x14b: {  	[tilespmem:s31], [sflag:$0x3] =	stream.indirect.gather [hbm4b:s22+s26], $0x80, s6, s26, $0xb8;
	[tilespmem:$0x1D300] =	vst v63  }
0x14c: {  	s5 =	simm.s32 $0x500;
	s13 =	simm.s32 $0x12  }
0x14d: {  	[tilespmem:s5], [sflag:$0xB] =	stream.linear.gather [hbm4b:s3+s1], $0x80, $0x38;
	[tilespmem:$0x1D300] =	vst v63  }
.Ltmp2:
0x14e: {  	_ =	swait.ge [sflag:s13], $0x80;
	(pc) =	sbr.rel .LBB2_2-.Ltmp2, $4  }
0x14f: {  	[sflag:s13] =	ssyncset.done $0x0  }
0x150: {  	s17 =	simm.s32 $0x4300;
	[sflag:s13] =	ssyncadd.s32 $0xFFFFFF80  }
0x151: {  	[tilespmem:s17], [sflag:$0x4] =	stream.indirect.gather [hbm4b:s22+s26], $0x80, s7, s26, $0xb8;
	[tilespmem:$0x1D300] =	vst v63  }
0x152: {  	s0 =	simm.s32 $0x500;
	s3 =	simm.s32 $0x0;
	s17 =	simm.s32 $0x380  }
.LBB2_12:
0x153: {  	s5 =	sand.u32 $0xFC00, s17  }
0x154: {  	s13 =	sand.u32 $0x380, s17;
	s5 =	sadd.s32 s2, s5  }
0x155: {  	s5 =	sor.u32 s13, s5  }
0x156: {  	s5 =	sshrl.u32 s5, $0x3  }
0x157: {  	s5 =	sadd.s32 s23, s5  }
0x158: {  	[tilespmem:s1], [sflag:$0xF] =	stream.linear.gather [hbm4b:s5+s1], $0x80, $0x38;
	[tilespmem:$0x1D300] =	vst v63  }
.LBB2_14:
0x159: {  	s5 =	sadd.s32 $0xFFFFFE80, s17  }
0x15a: {  	s13 =	sand.u32 $0xFC00, s5  }
0x15b: {  	s5 =	sand.u32 $0x380, s5;
	s13 =	sadd.s32 s2, s13  }
0x15c: {  	s5 =	sor.u32 s5, s13  }
0x15d: {  	s5 =	sshrl.u32 s5, $0x3  }
0x15e: {  	s13 =	simm.s32 $0x580;
	s5 =	sadd.s32 s24, s5  }
0x15f: {  	[tilespmem:s13], [sflag:$0xC] =	stream.linear.gather [hbm4b:s5+s1], $0x80, $0x38;
	[tilespmem:$0x1D300] =	vst v63  }
0x160: {  	s13 =	simm.s32 $0x13  }
0x161: {  	_ =	swait.ge [sflag:s13], $0x80  }
0x162: {  	[sflag:s13] =	ssyncset.done $0x0  }
0x163: {  	[sflag:s13] =	ssyncadd.s32 $0xFFFFFF80;
	s13 =	simm.s32 $0x5700  }
0x164: {  	[tilespmem:s13], [sflag:$0x5] =	stream.indirect.gather [hbm4b:s22+s26], $0x80, s8, s26, $0xb8;
	[tilespmem:$0x1D300] =	vst v63  }
.LBB2_36:
0x165: {  	s3 =	sadd.s32 $0x1, s3  }
0x166: {  	p0 =	sne.s32 s3, $0xFA  }
.Ltmp3:
0x167: {  	_ = 	snop;
	(pc) =	sbr.rel @!p0 .LBB2_37-.Ltmp3, $2  }
0x168: {  	_ =	sdelay $0x2  }
0x169: {  	s17 =	sadd.s32 $0x80, s17  }
.LBB2_2:
0x16a: {  	s5 =	smul.u32 $0x25, s3;
	_ =	sdelay $0x1  }
0x16b: {  	s5 =	sshrl.u32 s5, $0x8  }
0x16c: {  	s13 =	ssub.s32 s3, s5  }
0x16d: {  	s13 =	sand.u32 $0xFE, s13  }
0x16e: {  	s13 =	sshrl.u32 s13, $0x1  }
0x16f: {  	s5 =	sadd.s32 s5, s13  }
0x170: {  	s5 =	sand.u32 $0xFC, s5  }
0x171: {  	s5 =	sshrl.u32 s5, $0x2  }
0x172: {  	s5 =	smul.u32 $0x7, s5;
	_ =	sdelay $0x1  }
0x173: {  	s5 =	ssub.s32 s3, s5  }
0x174: {  	s5 =	sand.u32 $0xFF, s5  }
0x175: {  	p0 =	sgt.s32 s5, $0x2  }
.Ltmp4:
0x176: {  	_ = 	snop;
	(pc) =	sbr.rel @!p0 .LBB2_3-.Ltmp4, $1  }
0x177: {  	_ =	sdelay $0x3  }
0x178: {  	p0 =	sgt.s32 s5, $0x4  }
.Ltmp5:
0x179: {  	_ = 	snop;
	(pc) =	sbr.rel @p0 .LBB2_31-.Ltmp5, $1  }
0x17a: {  	_ =	sdelay $0x3  }
0x17b: {  	p0 =	seq.s32 s5, $0x3  }
.Ltmp6:
0x17c: {  	_ = 	snop;
	(pc) =	sbr.rel @!p0 .LBB2_23-.Ltmp6, $1  }
0x17d: {  	_ =	sdelay $0x3  }
0x17e: {  	s5 =	simm.s32 $0x4  }
0x17f: {  	_ =	swait.ge [sflag:s5], $0x1400  }
0x180: {  	[sflag:s5] =	ssyncset.done $0x0  }
0x181: {  	s13 =	simm.s32 $0x16;
	[sflag:s5] =	ssyncadd.s32 $0xFFFFEC00  }
0x182: {  	_ =	swait.ge [sflag:s13], $0x1400  }
0x183: {  	p0 =	sgt.u32 s3, $0xF2;
	[sflag:s13] =	ssyncset.done $0x0  }
.Ltmp7:
0x184: {  	[sflag:s13] =	ssyncadd.s32 $0xFFFFEC00;
	s13 =	simm.s32 $0xB;
	(pc) =	sbr.rel @p0 .LBB2_21-.Ltmp7, $4  }
0x185: {  	_ =	swait.ge [sflag:s13], $0x80  }
0x186: {  	[sflag:s13] =	ssyncset.done $0x0  }
0x187: {  	[sflag:s13] =	ssyncadd.s32 $0xFFFFFF80;
	s13 =	simm.s32 $0x4300  }
0x188: {  	[spmem:s20] =	stream.indirect.scatter.add.f32 [tilespmem:s13], [sflag:$0x19], $0x80, s0, s26, $0xb8;
	[tilespmem:$0x1D300] =	vst v63  }
0x189: {  	s5 =	sand.u32 $0xFC00, s17  }
.Ltmp8:
0x18a: {  	s13 =	sand.u32 $0x380, s17;
	s5 =	sadd.s32 s2, s5;
	(pc) =	sbr.rel .LBB2_22-.Ltmp8, $4  }
0x18b: {  	s5 =	sor.u32 s13, s5  }
0x18c: {  	s5 =	sshrl.u32 s5, $0x3  }
0x18d: {  	s5 =	sadd.s32 s23, s5  }
0x18e: {  	[tilespmem:s7], [sflag:$0x12] =	stream.linear.gather [hbm4b:s5+s1], $0x80, $0x38;
	[tilespmem:$0x1D300] =	vst v63  }
.LBB2_3:
0x18f: {  	p0 =	seq.s32 s5, $0x0  }
.Ltmp9:
0x190: {  	_ = 	snop;
	(pc) =	sbr.rel @p0 .LBB2_11-.Ltmp9, $1  }
0x191: {  	_ =	sdelay $0x3  }
0x192: {  	p1 =	seq.s32 s5, $0x1  }
.Ltmp10:
0x193: {  	_ = 	snop;
	(pc) =	sbr.rel @!p1 .LBB2_17-.Ltmp10, $2  }
0x194: {  	_ =	sdelay $0x2  }
0x195: {  	p0 =	slt.u32 s3, $0x3  }
0x196: {  	_ =	swait.ge [sflag:s12], $0x1400  }
0x197: {  	[sflag:s12] =	ssyncset.done $0x0  }
0x198: {  	s5 =	simm.s32 @!p0 $0x1B;
	[sflag:s12] =	ssyncadd.s32 $0xFFFFEC00  }
0x199: {  	_ =	swait.ge @!p0 [sflag:s5], $0x1400  }
0x19a: {  	[sflag:s5] =	ssyncset.done @!p0 $0x0  }
0x19b: {  	[sflag:s5] =	ssyncadd.s32 @!p0 $0xFFFFEC00;
	p0 =	sgt.u32 s3, $0xF2  }
.Ltmp11:
0x19c: {  	s13 =	simm.s32 $0x9;
	(pc) =	sbr.rel @p0 .LBB2_15-.Ltmp11, $4  }
0x19d: {  	_ =	swait.ge [sflag:s13], $0x80  }
0x19e: {  	[sflag:s13] =	ssyncset.done $0x0  }
0x19f: {  	[sflag:s13] =	ssyncadd.s32 $0xFFFFFF80  }
0x1a0: {  	[spmem:s20] =	stream.indirect.scatter.add.f32 [tilespmem:s30], [sflag:$0x17], $0x80, s19, s26, $0xb8;
	[tilespmem:$0x1D300] =	vst v63  }
0x1a1: {  	s5 =	sand.u32 $0xFC00, s17  }
.Ltmp12:
0x1a2: {  	s13 =	sand.u32 $0x380, s17;
	s5 =	sadd.s32 s2, s5;
	(pc) =	sbr.rel .LBB2_16-.Ltmp12, $4  }
0x1a3: {  	s5 =	sor.u32 s13, s5  }
0x1a4: {  	s5 =	sshrl.u32 s5, $0x3  }
0x1a5: {  	s5 =	sadd.s32 s23, s5  }
0x1a6: {  	[tilespmem:s4], [sflag:$0x10] =	stream.linear.gather [hbm4b:s5+s1], $0x80, $0x38;
	[tilespmem:$0x1D300] =	vst v63  }
.LBB2_31:
0x1a7: {  	p0 =	seq.s32 s5, $0x5  }
.Ltmp13:
0x1a8: {  	_ = 	snop;
	(pc) =	sbr.rel @!p0 .LBB2_32-.Ltmp13, $1  }
0x1a9: {  	_ =	sdelay $0x3  }
0x1aa: {  	s5 =	simm.s32 $0x6  }
0x1ab: {  	_ =	swait.ge [sflag:s5], $0x1400  }
0x1ac: {  	[sflag:s5] =	ssyncset.done $0x0  }
0x1ad: {  	[sflag:s5] =	ssyncadd.s32 $0xFFFFEC00  }
0x1ae: {  	_ =	swait.ge [sflag:s9], $0x1400  }
0x1af: {  	p0 =	sgt.u32 s3, $0xF2;
	[sflag:s9] =	ssyncset.done $0x0  }
.Ltmp14:
0x1b0: {  	s13 =	simm.s32 $0xD;
	[sflag:s9] =	ssyncadd.s32 $0xFFFFEC00;
	(pc) =	sbr.rel @p0 .LBB2_29-.Ltmp14, $4  }
0x1b1: {  	_ =	swait.ge [sflag:s13], $0x80  }
0x1b2: {  	[sflag:s13] =	ssyncset.done $0x0  }
0x1b3: {  	s5 =	simm.s32 $0x600;
	[sflag:s13] =	ssyncadd.s32 $0xFFFFFF80;
	s13 =	simm.s32 $0x6B00  }
0x1b4: {  	[spmem:s20] =	stream.indirect.scatter.add.f32 [tilespmem:s13], [sflag:$0x1B], $0x80, s5, s26, $0xb8;
	[tilespmem:$0x1D300] =	vst v63  }
0x1b5: {  	s5 =	sand.u32 $0xFC00, s17  }
.Ltmp15:
0x1b6: {  	s13 =	sand.u32 $0x380, s17;
	s5 =	sadd.s32 s2, s5;
	(pc) =	sbr.rel .LBB2_30-.Ltmp15, $4  }
0x1b7: {  	s5 =	sor.u32 s13, s5  }
0x1b8: {  	s5 =	sshrl.u32 s5, $0x3  }
0x1b9: {  	s5 =	sadd.s32 s23, s5  }
0x1ba: {  	[tilespmem:s10], [sflag:$0x14] =	stream.linear.gather [hbm4b:s5+s1], $0x80, $0x38;
	[tilespmem:$0x1D300] =	vst v63  }
.LBB2_11:
0x1bb: {  	_ =	swait.ge [sflag:s16], $0x1400  }
0x1bc: {  	p0 =	slt.u32 s3, $0x3;
	[sflag:s16] =	ssyncset.done $0x0  }
0x1bd: {  	s5 =	simm.s32 @!p0 $0x1A;
	[sflag:s16] =	ssyncadd.s32 $0xFFFFEC00  }
0x1be: {  	_ =	swait.ge @!p0 [sflag:s5], $0x1400  }
0x1bf: {  	[sflag:s5] =	ssyncset.done @!p0 $0x0  }
0x1c0: {  	[sflag:s5] =	ssyncadd.s32 @!p0 $0xFFFFEC00;
	p0 =	sgt.u32 s3, $0xF2  }
.Ltmp16:
0x1c1: {  	s13 =	simm.s32 $0x8;
	(pc) =	sbr.rel @!p0 .LBB2_12-.Ltmp16, $4  }
0x1c2: {  	_ =	swait.ge [sflag:s13], $0x80  }
0x1c3: {  	[sflag:s13] =	ssyncset.done $0x0  }
0x1c4: {  	[sflag:s13] =	ssyncadd.s32 $0xFFFFFF80;
	s13 =	simm.s32 $0x380  }
0x1c5: {  	[spmem:s20] =	stream.indirect.scatter.add.f32 [tilespmem:s14], [sflag:$0x16], $0x80, s13, s26, $0xb8;
	[tilespmem:$0x1D300] =	vst v63  }
0x1c6: {  	p0 =	sgt.u32 s3, $0xF5  }
.Ltmp17:
0x1c7: {  	_ = 	snop;
	(pc) =	sbr.rel @p0 .LBB2_36-.Ltmp17, $4  }
.Ltmp18:
0x1c8: {  	_ = 	snop;
	(pc) =	sbr.rel @!p0 .LBB2_14-.Ltmp18, $4  }
0x1c9: {  	_ = 	snop  }
0x1ca: {  	_ = 	snop  }
0x1cb: {  	_ = 	snop  }
0x1cc: {  	_ = 	snop  }
.LBB2_17:
0x1cd: {  	s5 =	simm.s32 $0x3  }
0x1ce: {  	_ =	swait.ge [sflag:s5], $0x1400  }
0x1cf: {  	[sflag:s5] =	ssyncset.done $0x0  }
0x1d0: {  	[sflag:s5] =	ssyncadd.s32 $0xFFFFEC00;
	s5 =	simm.s32 @!p0 $0x1C  }
0x1d1: {  	_ =	swait.ge @!p0 [sflag:s5], $0x1400  }
0x1d2: {  	[sflag:s5] =	ssyncset.done @!p0 $0x0  }
0x1d3: {  	[sflag:s5] =	ssyncadd.s32 @!p0 $0xFFFFEC00;
	p0 =	sgt.u32 s3, $0xF2  }
.Ltmp19:
0x1d4: {  	s13 =	simm.s32 $0xA;
	(pc) =	sbr.rel @p0 .LBB2_19-.Ltmp19, $4  }
0x1d5: {  	_ =	swait.ge [sflag:s13], $0x80  }
0x1d6: {  	[sflag:s13] =	ssyncset.done $0x0  }
0x1d7: {  	[sflag:s13] =	ssyncadd.s32 $0xFFFFFF80  }
0x1d8: {  	[spmem:s20] =	stream.indirect.scatter.add.f32 [tilespmem:s31], [sflag:$0x18], $0x80, s28, s26, $0xb8;
	[tilespmem:$0x1D300] =	vst v63  }
0x1d9: {  	s5 =	sand.u32 $0xFC00, s17  }
.Ltmp20:
0x1da: {  	s13 =	sand.u32 $0x380, s17;
	s5 =	sadd.s32 s2, s5;
	(pc) =	sbr.rel .LBB2_20-.Ltmp20, $4  }
0x1db: {  	s5 =	sor.u32 s13, s5  }
0x1dc: {  	s5 =	sshrl.u32 s5, $0x3  }
0x1dd: {  	s5 =	sadd.s32 s23, s5  }
0x1de: {  	[tilespmem:s6], [sflag:$0x11] =	stream.linear.gather [hbm4b:s5+s1], $0x80, $0x38;
	[tilespmem:$0x1D300] =	vst v63  }
.LBB2_23:
0x1df: {  	s5 =	simm.s32 $0x5  }
0x1e0: {  	_ =	swait.ge [sflag:s5], $0x1400  }
0x1e1: {  	[sflag:s5] =	ssyncset.done $0x0  }
0x1e2: {  	s13 =	simm.s32 $0x17;
	[sflag:s5] =	ssyncadd.s32 $0xFFFFEC00  }
0x1e3: {  	_ =	swait.ge [sflag:s13], $0x1400  }
0x1e4: {  	p0 =	sgt.u32 s3, $0xF2;
	[sflag:s13] =	ssyncset.done $0x0  }
.Ltmp21:
0x1e5: {  	[sflag:s13] =	ssyncadd.s32 $0xFFFFEC00;
	s13 =	simm.s32 $0xC;
	(pc) =	sbr.rel @p0 .LBB2_25-.Ltmp21, $4  }
0x1e6: {  	_ =	swait.ge [sflag:s13], $0x80  }
0x1e7: {  	[sflag:s13] =	ssyncset.done $0x0  }
0x1e8: {  	s5 =	simm.s32 $0x580;
	[sflag:s13] =	ssyncadd.s32 $0xFFFFFF80;
	s13 =	simm.s32 $0x5700  }
0x1e9: {  	[spmem:s20] =	stream.indirect.scatter.add.f32 [tilespmem:s13], [sflag:$0x1A], $0x80, s5, s26, $0xb8;
	[tilespmem:$0x1D300] =	vst v63  }
0x1ea: {  	s5 =	sand.u32 $0xFC00, s17  }
.Ltmp22:
0x1eb: {  	s13 =	sand.u32 $0x380, s17;
	s5 =	sadd.s32 s2, s5;
	(pc) =	sbr.rel .LBB2_26-.Ltmp22, $4  }
0x1ec: {  	s5 =	sor.u32 s13, s5  }
0x1ed: {  	s5 =	sshrl.u32 s5, $0x3  }
0x1ee: {  	s5 =	sadd.s32 s23, s5  }
0x1ef: {  	[tilespmem:s8], [sflag:$0x13] =	stream.linear.gather [hbm4b:s5+s1], $0x80, $0x38;
	[tilespmem:$0x1D300] =	vst v63  }
.LBB2_32:
0x1f0: {  	s5 =	simm.s32 $0x7  }
0x1f1: {  	_ =	swait.ge [sflag:s5], $0x1400  }
0x1f2: {  	[sflag:s5] =	ssyncset.done $0x0  }
0x1f3: {  	[sflag:s5] =	ssyncadd.s32 $0xFFFFEC00  }
0x1f4: {  	_ =	swait.ge [sflag:s21], $0x1400  }
0x1f5: {  	p0 =	sgt.u32 s3, $0xF2;
	[sflag:s21] =	ssyncset.done $0x0  }
.Ltmp23:
0x1f6: {  	s13 =	simm.s32 $0xE;
	[sflag:s21] =	ssyncadd.s32 $0xFFFFEC00;
	(pc) =	sbr.rel @p0 .LBB2_34-.Ltmp23, $4  }
0x1f7: {  	_ =	swait.ge [sflag:s13], $0x80  }
0x1f8: {  	[sflag:s13] =	ssyncset.done $0x0  }
0x1f9: {  	s5 =	simm.s32 $0x680;
	[sflag:s13] =	ssyncadd.s32 $0xFFFFFF80;
	s13 =	simm.s32 $0x7F00  }
0x1fa: {  	[spmem:s20] =	stream.indirect.scatter.add.f32 [tilespmem:s13], [sflag:$0x1C], $0x80, s5, s26, $0xb8;
	[tilespmem:$0x1D300] =	vst v63  }
0x1fb: {  	s5 =	sand.u32 $0xFC00, s17  }
.Ltmp24:
0x1fc: {  	s13 =	sand.u32 $0x380, s17;
	s5 =	sadd.s32 s2, s5;
	(pc) =	sbr.rel .LBB2_35-.Ltmp24, $4  }
0x1fd: {  	s5 =	sor.u32 s13, s5  }
0x1fe: {  	s5 =	sshrl.u32 s5, $0x3  }
0x1ff: {  	s5 =	sadd.s32 s23, s5  }
0x200: {  	[tilespmem:s11], [sflag:$0x15] =	stream.linear.gather [hbm4b:s5+s1], $0x80, $0x38;
	[tilespmem:$0x1D300] =	vst v63  }
.LBB2_15:
0x201: {  	p0 =	sgt.u32 s3, $0xF5  }
.Ltmp25:
0x202: {  	_ = 	snop;
	(pc) =	sbr.rel @p0 .LBB2_36-.Ltmp25, $1  }
0x203: {  	_ =	sdelay $0x3  }
.LBB2_16:
0x204: {  	s5 =	sadd.s32 $0xFFFFFE80, s17  }
0x205: {  	s13 =	sand.u32 $0xFC00, s5  }
0x206: {  	s5 =	sand.u32 $0x380, s5;
	s13 =	sadd.s32 s2, s13  }
0x207: {  	s5 =	sor.u32 s5, s13  }
0x208: {  	s5 =	sshrl.u32 s5, $0x3  }
0x209: {  	s13 =	simm.s32 $0x600;
	s5 =	sadd.s32 s24, s5  }
0x20a: {  	[tilespmem:s13], [sflag:$0xD] =	stream.linear.gather [hbm4b:s5+s1], $0x80, $0x38;
	[tilespmem:$0x1D300] =	vst v63  }
.Ltmp26:
0x20b: {  	s13 =	simm.s32 $0x14;
	(pc) =	sbr.rel .LBB2_36-.Ltmp26, $4  }
0x20c: {  	_ =	swait.ge [sflag:s13], $0x80  }
0x20d: {  	[sflag:s13] =	ssyncset.done $0x0  }
0x20e: {  	[sflag:s13] =	ssyncadd.s32 $0xFFFFFF80;
	s13 =	simm.s32 $0x6B00  }
0x20f: {  	[tilespmem:s13], [sflag:$0x6] =	stream.indirect.gather [hbm4b:s22+s26], $0x80, s10, s26, $0xb8;
	[tilespmem:$0x1D300] =	vst v63  }
.LBB2_19:
0x210: {  	p0 =	sgt.u32 s3, $0xF5  }
.Ltmp27:
0x211: {  	_ = 	snop;
	(pc) =	sbr.rel @p0 .LBB2_36-.Ltmp27, $1  }
0x212: {  	_ =	sdelay $0x3  }
.LBB2_20:
0x213: {  	s5 =	sadd.s32 $0xFFFFFE80, s17  }
0x214: {  	s13 =	sand.u32 $0xFC00, s5  }
0x215: {  	s5 =	sand.u32 $0x380, s5;
	s13 =	sadd.s32 s2, s13  }
0x216: {  	s5 =	sor.u32 s5, s13  }
0x217: {  	s5 =	sshrl.u32 s5, $0x3  }
0x218: {  	s13 =	simm.s32 $0x680;
	s5 =	sadd.s32 s24, s5  }
0x219: {  	[tilespmem:s13], [sflag:$0xE] =	stream.linear.gather [hbm4b:s5+s1], $0x80, $0x38;
	[tilespmem:$0x1D300] =	vst v63  }
.Ltmp28:
0x21a: {  	s13 =	simm.s32 $0x15;
	(pc) =	sbr.rel .LBB2_36-.Ltmp28, $4  }
0x21b: {  	_ =	swait.ge [sflag:s13], $0x80  }
0x21c: {  	[sflag:s13] =	ssyncset.done $0x0  }
0x21d: {  	[sflag:s13] =	ssyncadd.s32 $0xFFFFFF80;
	s13 =	simm.s32 $0x7F00  }
0x21e: {  	[tilespmem:s13], [sflag:$0x7] =	stream.indirect.gather [hbm4b:s22+s26], $0x80, s11, s26, $0xb8;
	[tilespmem:$0x1D300] =	vst v63  }
.LBB2_21:
0x21f: {  	p0 =	sgt.u32 s3, $0xF5  }
.Ltmp29:
0x220: {  	_ = 	snop;
	(pc) =	sbr.rel @p0 .LBB2_36-.Ltmp29, $1  }
0x221: {  	_ =	sdelay $0x3  }
.LBB2_22:
0x222: {  	s5 =	sadd.s32 $0xFFFFFE80, s17  }
0x223: {  	s13 =	sand.u32 $0xFC00, s5  }
0x224: {  	s5 =	sand.u32 $0x380, s5;
	s13 =	sadd.s32 s2, s13  }
0x225: {  	s5 =	sor.u32 s5, s13  }
0x226: {  	s5 =	sshrl.u32 s5, $0x3  }
0x227: {  	s13 =	simm.s32 $0x380;
	s5 =	sadd.s32 s24, s5  }
0x228: {  	[tilespmem:s13], [sflag:$0x8] =	stream.linear.gather [hbm4b:s5+s1], $0x80, $0x38;
	[tilespmem:$0x1D300] =	vst v63  }
.Ltmp30:
0x229: {  	_ = 	snop;
	(pc) =	sbr.rel .LBB2_36-.Ltmp30, $4  }
0x22a: {  	_ =	swait.ge [sflag:s18], $0x80  }
0x22b: {  	[sflag:s18] =	ssyncset.done $0x0  }
0x22c: {  	[sflag:s18] =	ssyncadd.s32 $0xFFFFFF80  }
0x22d: {  	[tilespmem:s14], [sflag:$0x1] =	stream.indirect.gather [hbm4b:s22+s26], $0x80, s1, s26, $0xb8;
	[tilespmem:$0x1D300] =	vst v63  }
.LBB2_29:
0x22e: {  	p0 =	sgt.u32 s3, $0xF5  }
.Ltmp31:
0x22f: {  	_ = 	snop;
	(pc) =	sbr.rel @p0 .LBB2_36-.Ltmp31, $1  }
0x230: {  	_ =	sdelay $0x3  }
.LBB2_30:
0x231: {  	s5 =	sadd.s32 $0xFFFFFE80, s17  }
0x232: {  	s13 =	sand.u32 $0xFC00, s5  }
0x233: {  	s5 =	sand.u32 $0x380, s5;
	s13 =	sadd.s32 s2, s13  }
0x234: {  	s5 =	sor.u32 s5, s13  }
0x235: {  	s5 =	sshrl.u32 s5, $0x3  }
0x236: {  	s5 =	sadd.s32 s24, s5  }
0x237: {  	[tilespmem:s28], [sflag:$0xA] =	stream.linear.gather [hbm4b:s5+s1], $0x80, $0x38;
	[tilespmem:$0x1D300] =	vst v63  }
.Ltmp32:
0x238: {  	_ = 	snop;
	(pc) =	sbr.rel .LBB2_36-.Ltmp32, $4  }
0x239: {  	_ =	swait.ge [sflag:s29], $0x80  }
0x23a: {  	[sflag:s29] =	ssyncset.done $0x0  }
0x23b: {  	[sflag:s29] =	ssyncadd.s32 $0xFFFFFF80  }
0x23c: {  	[tilespmem:s31], [sflag:$0x3] =	stream.indirect.gather [hbm4b:s22+s26], $0x80, s6, s26, $0xb8;
	[tilespmem:$0x1D300] =	vst v63  }
.LBB2_25:
0x23d: {  	p0 =	sgt.u32 s3, $0xF5  }
.Ltmp33:
0x23e: {  	_ = 	snop;
	(pc) =	sbr.rel @p0 .LBB2_36-.Ltmp33, $1  }
0x23f: {  	_ =	sdelay $0x3  }
.LBB2_26:
0x240: {  	s5 =	sadd.s32 $0xFFFFFE80, s17  }
0x241: {  	s13 =	sand.u32 $0xFC00, s5  }
0x242: {  	s5 =	sand.u32 $0x380, s5;
	s13 =	sadd.s32 s2, s13  }
0x243: {  	s5 =	sor.u32 s5, s13  }
0x244: {  	s5 =	sshrl.u32 s5, $0x3  }
0x245: {  	s5 =	sadd.s32 s24, s5  }
0x246: {  	[tilespmem:s19], [sflag:$0x9] =	stream.linear.gather [hbm4b:s5+s1], $0x80, $0x38;
	[tilespmem:$0x1D300] =	vst v63  }
.Ltmp34:
0x247: {  	_ = 	snop;
	(pc) =	sbr.rel .LBB2_36-.Ltmp34, $4  }
0x248: {  	_ =	swait.ge [sflag:s25], $0x80  }
0x249: {  	[sflag:s25] =	ssyncset.done $0x0  }
0x24a: {  	[sflag:s25] =	ssyncadd.s32 $0xFFFFFF80  }
0x24b: {  	[tilespmem:s30], [sflag:$0x2] =	stream.indirect.gather [hbm4b:s22+s26], $0x80, s4, s26, $0xb8;
	[tilespmem:$0x1D300] =	vst v63  }
.LBB2_34:
0x24c: {  	p0 =	sgt.u32 s3, $0xF5  }
.Ltmp35:
0x24d: {  	_ = 	snop;
	(pc) =	sbr.rel @p0 .LBB2_36-.Ltmp35, $1  }
0x24e: {  	_ =	sdelay $0x3  }
.LBB2_35:
0x24f: {  	s5 =	sadd.s32 $0xFFFFFE80, s17  }
0x250: {  	s13 =	sand.u32 $0xFC00, s5  }
0x251: {  	s5 =	sand.u32 $0x380, s5;
	s13 =	sadd.s32 s2, s13  }
0x252: {  	s5 =	sor.u32 s5, s13  }
0x253: {  	s5 =	sshrl.u32 s5, $0x3  }
0x254: {  	s5 =	sadd.s32 s24, s5  }
0x255: {  	[tilespmem:s0], [sflag:$0xB] =	stream.linear.gather [hbm4b:s5+s1], $0x80, $0x38;
	[tilespmem:$0x1D300] =	vst v63  }
.Ltmp36:
0x256: {  	s13 =	simm.s32 $0x12;
	(pc) =	sbr.rel .LBB2_36-.Ltmp36, $4  }
0x257: {  	_ =	swait.ge [sflag:s13], $0x80  }
0x258: {  	[sflag:s13] =	ssyncset.done $0x0  }
0x259: {  	[sflag:s13] =	ssyncadd.s32 $0xFFFFFF80;
	s13 =	simm.s32 $0x4300  }
0x25a: {  	[tilespmem:s13], [sflag:$0x4] =	stream.indirect.gather [hbm4b:s22+s26], $0x80, s7, s26, $0xb8;
	[tilespmem:$0x1D300] =	vst v63  }
.LBB2_38:
0x25b: {  	_ =	sfence.sel $0x180000  }
0x25c: {  	[bflag:$0x0] =	sbarrier.arrive $0xFFFF  }
0x25d: {  	_ =	strace $0x9000004D  }
0x25e: {  	s0 =	stileid.u32;
	[bflag:$0x2] =	sbarrier.arrive $0xFFFF  }
0x25f: {  	p0 =	sne.s32 s0, $0x0;
	s0 =	rddreg [dreg:$0x3]  }
0x260: {  	s0 =	sadd.s32 @!p0 $0x100000, s0  }
0x261: {  	[sflag:s0] =	ssyncadd.tile.s32 @!p0 $0x1;
	_ =	shalt  }
.Lfunc_end2:
_tile_overlayer_lowered:
.L_overlay_start_2:
0x262: {  	(tag) =	ssettag $0x2  }
0x263: {  	s0 =	rddreg [dreg:$0x0];
	s2 =	stileid.u32  }
0x264: {  	s1 =	rddreg [dreg:$0x1];
	p0 =	sne.s32 s2, $0x0  }
0x265: {  	s3 =	rddreg [dreg:$0x2];
	[bflag:$0x3] =	sbarrier.arrive $0xFFFF;
	s2 =	simm.s32 @!p0 $0x1C1D  }
0x266: {  	[timem:s3], [sflag:s2] =	dma.local @!p0 [hbm:s0], s1  }
0x267: {  	s0 =	simm.s32 @!p0 $0x1D  }
0x268: {  	_ =	swait.ge @!p0 [sflag:s0], s1  }
0x269: {  	s1 =	ssub.s32 @!p0 $0x0, s1;
	[sflag:s0] =	ssyncset.done @!p0 $0x0  }
0x26a: {  	[sflag:s0] =	ssyncadd.s32 @!p0 s1  }
0x26b: {  	[bflag:$0x3] =	sbarrier.arrive $0xFFFF  }
0x26c: {  	_ =	shalt  }

// kernel: kernel.8.cloned.1.call-start
scs
__scs_entry_jumppad:
0x0: {  	(pc) =	sbr.rel $0x88, $3  }
0x1: {  	(tag) =	ssettag $0x0;
	lr =	simm.s32 $0x1  }
0x2: {  	[smem:$0x3F97] =	sst lr;
	_ =	strace $0xD0000000  }
0x3: {  	_ = 	snop  }
0x4: {  	_ = 	snop  }
0x5: {  	_ = 	snop  }
0x6: {  	_ = 	snop  }
0x7: {  	_ = 	snop  }
__scs_overlays_trampoline_lowered:
0x8: {  	[smem:$0x3FA6] =	sst s0  }
0x9: {  	[smem:$0x3FA7] =	sst s1  }
0xa: {  	[smem:$0x3FA8] =	sst s2  }
0xb: {  	[smem:$0x3FA9] =	sst s3  }
0xc: {  	[smem:$0x3FAA] =	sst s4  }
0xd: {  	[smem:$0x3FAB] =	sst s5  }
0xe: {  	[smem:$0x3FAC] =	sst s6  }
0xf: {  	[smem:$0x3FAD] =	sst s7  }
0x10: {  	[smem:$0x3FAE] =	sst s8  }
0x11: {  	[smem:$0x3FAF] =	sst s9;
	s0 =	simm.s32 @!p0 $0x0  }
0x12: {  	s1 =	sld [smem:$0x3F95];
	s0 =	simm.s32 @p0 $0x1  }
0x13: {  	[smem:$0x3FB0] =	sst s0;
	s0 =	simm.s32 @!p1 $0x0  }
0x14: {  	s2 =	sld [smem:$0x3F94];
	s0 =	simm.s32 @p1 $0x1  }
0x15: {  	[smem:$0x3FB1] =	sst s0;
	s0 =	simm.s32 @!p2 $0x0  }
0x16: {  	s3 =	sld [smem:$0x3FDB];
	s0 =	simm.s32 @p2 $0x1  }
0x17: {  	s4 =	simm.s32 $0x1BF5;
	[smem:$0x3FB3] =	sst s0  }
0x18: {  	s0 =	sld [smem:$0x3F96];
	_ =	swait.ge [sflag:s4], $0x0  }
0x19: {  	s7 =	sld [smem:$0x3F97]  }
0x1a: {  	s8 =	sadd.s32 $0xFFFFE003, lr  }
0x1b: {  	s9 =	sadd.s32 $0xFFFFFEF7, lr;
	s5 =	simm.s32 $0xFFFFFFFF;
	p2 =	slt.u32 s8, $0xFFFFF086  }
0x1c: {  	p1 =	slt.u32 s9, $0xF7A;
	s5 =	simm.s32 @!p2 $0x0  }
0x1d: {  	s5 =	simm.s32 @p1 $0x1;
	p0 =	seq.s32 s7, s2  }
0x1e: {  	s7 =	smul.u32 @!p0 $0xF7A, s2;
	p2 =	seq.s32 @!p0 s5, $0x0  }
0x1f: {  	s9 =	smul.u32 $0xF7A, s1;
	s8 =	simm.s32 @!p0 $0x1BF5;
	p2 =	por !p2, p0  }
0x20: {  	[sflag:s8] =	ssyncset.s32 @!p0 $0xFFFFF086;
	s6 =	sadd.s32 @!p0 s3, s7;
	s7 =	simm.s32 @!p0 $0x108  }
0x21: {  	s3 =	sadd.s32 s3, s9;
	s6 =	sadd.s32 @!p0 $0x88, s6;
	s7 =	simm.s32 @p2 $0x1082  }
0x22: {  	[simem:s7], [sflag:s8] =	dma.local @!p0 [hbm:s6], $0xF7A  }
0x23: {  	s9 =	sor.u32 $0xD0000000, s2;
	s6 =	simm.s32 $0x108;
	_ =	swait.ge @!p0 [sflag:s8], $0x0  }
0x24: {  	s3 =	sadd.s32 $0x88, s3;
	s6 =	simm.s32 @!p1 $0x1082;
	[sflag:s4] =	ssyncset.s32 $0xFFFFF086  }
0x25: {  	[simem:s6], [sflag:s4] =	dma.local [hbm:s3], $0xF7A  }
0x26: {  	[smem:$0x3F97] =	sst s1;
	(tag) =	ssettag s2;
	_ =	strace s9  }
0x27: {  	s1 =	sld [smem:$0x3FA7]  }
0x28: {  	s2 =	sld [smem:$0x3FA8]  }
0x29: {  	s4 =	sld [smem:$0x3FAA]  }
0x2a: {  	p0 =	seq.s32 s5, $0x0;
	s5 =	sld [smem:$0x3FAB]  }
0x2b: {  	s6 =	sld [smem:$0x3FAC]  }
0x2c: {  	s7 =	sld [smem:$0x3FAD]  }
0x2d: {  	s3 =	simm.s32 $0x108;
	s8 =	sld [smem:$0x3FAE]  }
0x2e: {  	s3 =	simm.s32 @!p0 $0x1082;
	s9 =	sld [smem:$0x3FAF]  }
0x2f: {  	lr =	sadd.s32 s0, s3;
	s0 =	sld [smem:$0x3FA6]  }
0x30: {  	s3 =	sld [smem:$0x3FA9]  }
0x31: {  	[smem:$0x3FB2] =	sst s10  }
0x32: {  	s10 =	sld [smem:$0x3FB0];
	_ =	sdelay $0x3  }
0x33: {  	p0 =	seq.s32 s10, $0x1;
	s10 =	sld [smem:$0x3FB2];
	_ =	sdelay $0x3  }
0x34: {  	[smem:$0x3FB2] =	sst s10  }
0x35: {  	s10 =	sld [smem:$0x3FB1];
	_ =	sdelay $0x3  }
0x36: {  	p1 =	seq.s32 s10, $0x1;
	s10 =	sld [smem:$0x3FB2];
	_ =	sdelay $0x3  }
0x37: {  	[smem:$0x3FB2] =	sst s10  }
0x38: {  	s10 =	sld [smem:$0x3FB3]  }
0x39: {  	_ = 	snop;
	(pc) =	sbr.ind lr, $3  }
0x3a: {  	_ = 	snop  }
0x3b: {  	_ = 	snop  }
0x3c: {  	p2 =	seq.s32 s10, $0x1;
	s10 =	sld [smem:$0x3FB2]  }
0x3d: {  	_ =	shalt  }
0x3e: {  	_ =	shalt  }
0x3f: {  	_ =	shalt  }
0x40: {  	_ =	shalt  }
0x41: {  	_ =	shalt  }
0x42: {  	_ =	shalt  }
0x43: {  	_ =	shalt  }
0x44: {  	_ =	shalt  }
0x45: {  	_ =	shalt  }
0x46: {  	_ =	shalt  }
0x47: {  	_ =	shalt  }
0x48: {  	_ =	shalt  }
0x49: {  	_ =	shalt  }
0x4a: {  	_ =	shalt  }
0x4b: {  	_ =	shalt  }
0x4c: {  	_ =	shalt  }
0x4d: {  	_ =	shalt  }
0x4e: {  	_ =	shalt  }
0x4f: {  	_ =	shalt  }
0x50: {  	_ =	shalt  }
0x51: {  	_ =	shalt  }
0x52: {  	_ =	shalt  }
0x53: {  	_ =	shalt  }
0x54: {  	_ =	shalt  }
0x55: {  	_ =	shalt  }
0x56: {  	_ =	shalt  }
0x57: {  	_ =	shalt  }
0x58: {  	_ =	shalt  }
0x59: {  	_ =	shalt  }
0x5a: {  	_ =	shalt  }
0x5b: {  	_ =	shalt  }
0x5c: {  	_ =	shalt  }
0x5d: {  	_ =	shalt  }
0x5e: {  	_ =	shalt  }
0x5f: {  	_ =	shalt  }
0x60: {  	_ =	shalt  }
0x61: {  	_ =	shalt  }
0x62: {  	_ =	shalt  }
0x63: {  	_ =	shalt  }
0x64: {  	_ =	shalt  }
0x65: {  	_ =	shalt  }
0x66: {  	_ =	shalt  }
0x67: {  	_ =	shalt  }
0x68: {  	_ =	shalt  }
0x69: {  	_ =	shalt  }
0x6a: {  	_ =	shalt  }
0x6b: {  	_ =	shalt  }
0x6c: {  	_ =	shalt  }
0x6d: {  	_ =	shalt  }
0x6e: {  	_ =	shalt  }
0x6f: {  	_ =	shalt  }
0x70: {  	_ =	shalt  }
0x71: {  	_ =	shalt  }
0x72: {  	_ =	shalt  }
0x73: {  	_ =	shalt  }
0x74: {  	_ =	shalt  }
0x75: {  	_ =	shalt  }
0x76: {  	_ =	shalt  }
0x77: {  	_ =	shalt  }
0x78: {  	_ =	shalt  }
0x79: {  	_ =	shalt  }
0x7a: {  	_ =	shalt  }
0x7b: {  	_ =	shalt  }
0x7c: {  	_ =	shalt  }
0x7d: {  	_ =	shalt  }
0x7e: {  	_ =	shalt  }
0x7f: {  	_ =	shalt  }
0x80: {  	_ =	shalt  }
0x81: {  	_ =	shalt  }
0x82: {  	_ =	shalt  }
0x83: {  	_ =	shalt  }
0x84: {  	_ =	shalt  }
0x85: {  	_ =	shalt  }
0x86: {  	_ =	shalt  }
0x87: {  	_ =	shalt  }
.Lfunc_end0:
.L_simem_size_0:
called_computation_lowered:
.L_overlay_start_0:
0x88: {  	s2 =	sld [smem:$0x3FD9]  }
0x89: {  	s3 =	sld [smem:$0x3FFE];
	_ =	sdelay $0x1  }
0x8a: {  	s1 =	srdreg.scid  }
0x8b: {  	s0 =	sand.u32 $0x1, s1  }
0x8c: {  	s17 =	sshll.u32 s0, $0xA;
	s2 =	sadd.s32 s3, s2  }
0x8d: {  	s2 =	sadd.s32 s2, s17  }
0x8e: {  	[smem:$0x3FBE] =	sst s2  }
0x8f: {  	_ = 	snop  }
0x90: {  	s2 =	sld [smem:$0x3FD0];
	(tm) =	ssettm $0x1  }
0x91: {  	s18 =	sld [smem:$0x3FFB];
	_ =	sdelay $0x3  }
0x92: {  	_ =	strace s18  }
0x93: {  	s3 =	sld [smem:$0x3FFC];
	_ =	sdelay $0x3  }
0x94: {  	_ =	strace s3  }
0x95: {  	s3 =	sld [smem:$0x3FFD];
	_ =	sdelay $0x3  }
0x96: {  	_ =	strace s3  }
0x97: {  	_ =	strace $0x8FFFFFFF  }
0x98: {  	s19 =	sld [smem:$0x3FDB];
	_ =	sdelay $0x1  }
0x99: {  	s4 =	simm.s32 $_scs_section_size  }
0x9a: {  	s5 =	simm.s32 $_size__tile_overlayer_lowered;
	s6 =	simm.s32 $_tile_overlayer_lowered  }
0x9b: {  	s22 =	simm.s32 $0x1BFF;
	s21 =	sshll.u32 s6, $0x1;
	s3 =	sadd.s32 s4, s19  }
0x9c: {  	s7 =	simm.s32 $0x0;
	s20 =	sshll.u32 s5, $0x1;
	s5 =	sadd.s32 s21, s3  }
0x9d: {  	[timem:s7], [sflag:s22] =	dma.local [hbm:s5], s20  }
0x9e: {  	_ =	swait.ge [sflag:s22], s20  }
0x9f: {  	s4 =	ssub.s32 $0x0, s20;
	[sflag:s22] =	ssyncset.done $0x0  }
0xa0: {  	[sflag:s22] =	ssyncadd.s32 s4;
	_ =	sdelay $0x1  }
0xa1: {  	s23 =	simm.s32 $0x1B8B  }
0xa2: {  	_ =	swait.ge [sflag:s23], $0x1  }
0xa3: {  	[sflag:s23] =	ssyncset.done $0x0  }
0xa4: {  	s25 =	simm.s32 $0x1B8E;
	s24 =	sld [smem:$0x3FFE];
	[sflag:s23] =	ssyncadd.s32 $0xFFFFFFFF  }
0xa5: {  	s26 =	simm.s32 $execute0_lowered;
	[smem:$0x3FD2] =	sst s25  }
0xa6: {  	s5 =	sshll.u32 s26, $0x1;
	_ =	strace $0x80000046;
	[dreg:$0x1] =	wrdreg $0xFFFFFFFF  }
0xa7: {  	s28 =	simm.s32 $_size_execute0_lowered;
	s3 =	sadd.s32 s3, s5;
	[dreg:$0x0] =	wrdreg $0x0  }
0xa8: {  	s5 =	sshll.u32 s28, $0x1;
	[dreg:$0x2] =	wrdreg s3  }
0xa9: {  	[dreg:$0x3] =	wrdreg s5  }
0xaa: {  	[dreg:$0x4] =	wrdreg $0xC0  }
0xab: {  	_ =	task [dreg:s7], $0x5FFFF  }
0xac: {  	[dreg:$0x1] =	wrdreg $0xFFFFFFFF  }
0xad: {  	[dreg:$0x0] =	wrdreg $0x60  }
0xae: {  	[dreg:$0x2] =	wrdreg s2  }
0xaf: {  	[dreg:$0x3] =	wrdreg s24  }
0xb0: {  	[dreg:$0x4] =	wrdreg $0x9  }
0xb1: {  	_ =	task.clear_ibuf [dreg:s7], $0x5FFFF;
	_ =	strace $0x90000046  }
0xb2: {  	s29 =	simm.s32 $0x9;
	_ =	strace $0x80000048  }
0xb3: {  	_ =	swait.ge [sflag:s29], $0x1  }
0xb4: {  	[sflag:s29] =	ssyncadd.s32 $0xFFFFFFFF  }
0xb5: {  	_ =	strace $0x90000048  }
0xb6: {  	_ =	sfence  }
0xb7: {  	s30 =	sld [smem:$0x0];
	_ =	sdelay $0x2  }
0xb8: {  	s31 =	sshll.u32 s1, $0xD;
	s1 =	sshrl.u32 s1, $0x2  }
0xb9: {  	s3 =	sand.u32 $0x4000, s31;
	s1 =	sadd.s32 s1, s30  }
0xba: {  	s0 =	sor.u32 s3, s0;
	s1 =	sshll.u32 s1, $0x11  }
0xbb: {  	s0 =	sor.u32 s1, s0  }
0xbc: {  	s0 =	sadd.s32 $0x8F2B, s0  }
0xbd: {  	[sflag:s0] =	ssyncadd.remote.s32 $0x1  }
0xbe: {  	_ =	sfence.sel $0xFFFF  }
0xbf: {  	[dreg:$0x0] =	wrdreg $0xFFFFFFFF;
	(pc) =	sbr.abs _section_cstart, $3  }
0xc0: {  	[dreg:$0x1] =	wrdreg $0xFFFFFFFF  }
0xc1: {  	_ =	task.clear_ibuf [dreg:s7], $0x2FFFF;
	_ =	strace $0x9FFFFFFF  }
0xc2: {  	(tm) =	ssettm $0x7FFFFFFF  }
0xc3: {  	_ =	shalt  }
tec
execute0_lowered:
.L_overlay_start_1:
0x0: {  	(tag) =	ssettag $0x1  }
0x1: {  	s0 =	srdreg.scid  }
0x2: {  	s4 =	rddreg [dreg:$0x0];
	s3 =	sand.u32 $0x1, s0  }
0x3: {  	s5 =	rddreg [dreg:$0x1];
	s0 =	stileid.u32;
	s1 =	sshll.u32 s3, $0x4  }
0x4: {  	s2 =	simm.s32 $0x0;
	s9 =	simm.s32 $0x1;
	s1 =	sor.u32 s0, s1  }
0x5: {  	s10 =	simm.s32 $0x2780;
	s11 =	simm.s32 $0x0;
	s1 =	sshrl.u32 s1, $0x3  }
0x6: {  	[smem:$0x7FF] =	sst s2;
	s7 =	sshll.u32 s0, $0x7;
	s6 =	smul.u32 $0x13C00, s1  }
0x7: {  	s31 =	ssub.s32 $0x2, s3;
	s3 =	sadd.s32 $0x3200, s5;
	s7 =	sand.u32 $0x380, s7  }
0x8: {  	s8 =	sshrl.u32 s31, $0x1;
	s1 =	rddreg [dreg:$0x2];
	s6 =	sor.u32 s7, s6  }
0x9: {  	_ =	strace $0x80000047;
	s7 =	ssub.s32 s31, s8;
	s6 =	sshrl.u32 s6, $0x3  }
0xa: {  	s8 =	simm.s32 $0x400;
	s5 =	sadd.s32 s6, s5;
	s4 =	sadd.s32 s4, s6  }
0xb: {  	v0 =	vimm.f32 $1.000000000e+00;
	s6 =	smax.u32 s7, $0x1;
	s7 =	simm.s32 $0x80;
	s5 =	sadd.s32 $0x3800, s5  }
.LBB2_1:
0xc: {  	[tilespmem:s2], [sflag:$0x1] =	stream.strided.gather [hbm4b:s4+s7], $0x2780, s8, s7, $0x38;
	[tilespmem:$0x4F00] =	vst v63  }
0xd: {  	_ =	swait.ge [sflag:s9], $0x2780  }
0xe: {  	[sflag:s9] =	ssyncset.done $0x0  }
0xf: {  	[sflag:s9] =	ssyncadd.s32 $0xFFFFD880  }
0x10: {  	[tilespmem:s10], [sflag:$0x1] =	stream.linear.gather [hbm4b:s3+s2], $0x2780, $0x38;
	[tilespmem:$0x4F00] =	vst v63  }
0x11: {  	_ =	swait.ge [sflag:s9], $0x2780  }
0x12: {  	[sflag:s9] =	ssyncset.done $0x0  }
0x13: {  	s12 =	simm.s32 $0xFFFFFFFC;
	s13 =	simm.s32 $0x20;
	[sflag:s9] =	ssyncadd.s32 $0xFFFFD880  }
.LBB2_2:
0x14: {  	v1 =	vld [tilespmem:s13+$0xFFFFFFE0];
	_ =	sdelay $0x7  }
0x15: {  	[tilespmem:v1+s10+$0x0] =	vst.idx.add.f32.msk $0xffff, v0  }
0x16: {  	v1 =	vld [tilespmem:s13+$0xFFFFFFF0];
	_ =	sdelay $0x7  }
0x17: {  	[tilespmem:v1+s10+$0x0] =	vst.idx.add.f32.msk $0xffff, v0  }
0x18: {  	v1 =	vld [tilespmem:s13+$0x0];
	_ =	sdelay $0x7  }
0x19: {  	[tilespmem:v1+s10+$0x0] =	vst.idx.add.f32.msk $0xffff, v0  }
0x1a: {  	v1 =	vld [tilespmem:s13+$0x10];
	_ =	sdelay $0x1  }
0x1b: {  	s12 =	sadd.s32 $0x4, s12  }
0x1c: {  	p0 =	slt.u32 s12, $0x26C  }
.Ltmp0:
0x1d: {  	_ = 	snop;
	(pc) =	sbr.rel @p0 .LBB2_2-.Ltmp0, $2  }
0x1e: {  	_ =	sdelay $0x2  }
0x1f: {  	s13 =	sadd.s32 $0x40, s13;
	[tilespmem:v1+s10+$0x0] =	vst.idx.add.f32.msk $0xffff, v0  }
0x20: {  	v1 =	vld [tilespmem:$0x2700];
	_ =	sdelay $0x5  }
0x21: {  	s11 =	sadd.s32 $0x1, s11  }
0x22: {  	p0 =	sne.s32 s11, s6  }
.Ltmp1:
0x23: {  	[tilespmem:v1+s10+$0x0] =	vst.idx.add.f32.msk $0xffff, v0;
	(pc) =	sbr.rel @p0 .LBB2_1-.Ltmp1, $4  }
0x24: {  	[hbm4b:s5+s7] =	stream.strided.scatter [tilespmem:s10], [sflag:$0x1], $0x2780, s8, s7, $0x38;
	[tilespmem:$0x4F00] =	vst v63  }
0x25: {  	_ =	swait.ge [sflag:s9], $0x2780  }
0x26: {  	[sflag:s9] =	ssyncset.done $0x0  }
0x27: {  	[sflag:s9] =	ssyncadd.s32 $0xFFFFD880  }
0x28: {  	_ =	sfence.sel $0x180000  }
0x29: {  	[bflag:$0x0] =	sbarrier.arrive $0xFFFF  }
0x2a: {  	p0 =	sne.s32 s0, $0x0;
	_ =	strace $0x90000047  }
0x2b: {  	s0 =	sadd.s32 @!p0 $0x100000, s1;
	[bflag:$0x2] =	sbarrier.arrive $0xFFFF  }
0x2c: {  	[sflag:s0] =	ssyncadd.tile.s32 @!p0 $0x1;
	_ =	shalt  }
.Lfunc_end2:
_tile_overlayer_lowered:
.L_overlay_start_2:
0x2d: {  	(tag) =	ssettag $0x2  }
0x2e: {  	s0 =	rddreg [dreg:$0x0];
	s2 =	stileid.u32  }
0x2f: {  	s1 =	rddreg [dreg:$0x1];
	p0 =	sne.s32 s2, $0x0  }
0x30: {  	s3 =	rddreg [dreg:$0x2];
	[bflag:$0x3] =	sbarrier.arrive $0xFFFF;
	s2 =	simm.s32 @!p0 $0x1C01  }
0x31: {  	[timem:s3], [sflag:s2] =	dma.local @!p0 [hbm:s0], s1  }
0x32: {  	s0 =	simm.s32 @!p0 $0x1  }
0x33: {  	_ =	swait.ge @!p0 [sflag:s0], s1  }
0x34: {  	s1 =	ssub.s32 @!p0 $0x0, s1;
	[sflag:s0] =	ssyncset.done @!p0 $0x0  }
0x35: {  	[sflag:s0] =	ssyncadd.s32 @!p0 s1  }
0x36: {  	[bflag:$0x3] =	sbarrier.arrive $0xFFFF  }
0x37: {  	_ =	shalt  }

</sc_bundles>
